<compile_context>
chip_gen: v7x
topology: tpu7x:2x2x1
jax: 0.10.2.dev20260603
libtpu: 0.0.44.dev20260713+nightly
codegen_flags: <defaults>
</compile_context>

<pallas_src>
import functools

import numpy as np

import jax
import jax.numpy as jnp
from jax import lax
from jax.experimental import pallas as pl
from jax.experimental.pallas import tpu as pltpu
from jax.experimental.pallas import tpu_sc as plsc

_NROWS = 128
_NCOLS = 8192
_NZEROS = _NCOLS - 4096
_SCALE = 0.8 / (2.0 / 3.0)

_NCHUNK = _NCOLS // 16
_MINT32 = np.int32(-(2**31))


def _sc_body(z_hbm, out_hbm, io_v, key_v, hist_v, csum_v):
    nc = 2
    wid = lax.axis_index("s") * nc + lax.axis_index("c")
    rows_per_w = _NROWS // 32

    zero16 = jnp.zeros((16,), jnp.int32)
    ones16 = jnp.ones((16,), jnp.int32)
    iota16 = lax.iota(jnp.int32, 16)

    @plsc.parallel_loop(0, 128, unroll=8)
    def _zero_hist(j):
        hist_v[pl.ds(j * 16, 16)] = zero16

    def _scan_bins(nbins, kt):
        def grp(g, carry):
            found, bsel, before_c, run = carry
            sv = zero16
            for l in range(16):
                j = g * 16 + l
                h = hist_v[pl.ds(j * 16, 16)]
                cs = plsc.cumsum(h)
                csum_v[pl.ds(j * 16, 16)] = cs
                hist_v[pl.ds(j * 16, 16)] = zero16
                sv = jnp.where(iota16 == l, jnp.sum(h), sv)
            cg = plsc.cumsum(sv)
            tot = run + cg
            crossed = tot >= kt
            ci = jnp.where(crossed, ones16, zero16)
            hit = jnp.sum(ci) > 0
            first = crossed & (plsc.cumsum(ci) == 1)
            jsel = g * 16 + jnp.sum(jnp.where(first, iota16, zero16))
            rbc = run + jnp.sum(jnp.where(first, cg - sv, zero16))
            take = hit & (found == 0)
            bsel = jnp.where(take, jsel, bsel)
            before_c = jnp.where(take, rbc, before_c)
            found = found | jnp.where(hit, jnp.int32(1), jnp.int32(0))
            run = run + jnp.sum(sv)
            return found, bsel, before_c, run

        init = (jnp.int32(0), jnp.int32(0), jnp.int32(0), jnp.int32(0))
        _, bsel, before_c, _ = plsc.parallel_loop(
            0, nbins // 256, carry=init)(grp)

        c = csum_v[pl.ds(bsel * 16, 16)]
        tot = before_c + c
        crossed = tot >= kt
        ci = jnp.where(crossed, ones16, zero16)
        first = crossed & (plsc.cumsum(ci) == 1)
        lane = jnp.sum(jnp.where(first, iota16, zero16))
        b = bsel * 16 + lane
        excl = jnp.sum(jnp.where(iota16 == lane - 1, c, zero16))
        incl = jnp.sum(jnp.where(iota16 == lane, c, zero16))
        return b, before_c + excl, incl - excl

    def _row_body(r, c):
        row = wid * rows_per_w + r
        pltpu.sync_copy(z_hbm.at[row], io_v)

        k = jnp.int32(_NZEROS)

        @plsc.parallel_loop(0, _NCHUNK, unroll=8)
        def h1(i):
            zc = io_v[pl.ds(i * 16, 16)]
            y = lax.bitcast_convert_type(zc, jnp.int32)
            v = y ^ ((y >> 31) | _MINT32)
            u = lax.bitcast_convert_type(v, jnp.uint32)
            key_v[pl.ds(i * 16, 16)] = u
            b = plsc.bitcast(u >> jnp.uint32(21), jnp.int32)
            plsc.addupdate_scatter(hist_v, [b], ones16)
        b1, before1, _ = _scan_bins(2048, k)
        b1u = b1.astype(jnp.uint32)

        @plsc.parallel_loop(0, _NCHUNK, unroll=8)
        def h2(i):
            u = key_v[pl.ds(i * 16, 16)]
            match = (u >> jnp.uint32(21)) == b1u
            b = plsc.bitcast(
                (u >> jnp.uint32(10)) & jnp.uint32(0x7FF), jnp.int32)
            plsc.addupdate_scatter(hist_v, [b], ones16, mask=match)
        b2, before2, _ = _scan_bins(2048, k - before1)
        pref2 = (b1u << jnp.uint32(11)) | b2.astype(jnp.uint32)

        @plsc.parallel_loop(0, _NCHUNK, unroll=8)
        def h3(i):
            u = key_v[pl.ds(i * 16, 16)]
            match = (u >> jnp.uint32(10)) == pref2
            b = plsc.bitcast(u & jnp.uint32(0x3FF), jnp.int32)
            plsc.addupdate_scatter(hist_v, [b], ones16, mask=match)
        b3, before3, cnt_eq = _scan_bins(1024, k - before1 - before2)

        t_u = (pref2 << jnp.uint32(10)) | b3.astype(jnp.uint32)
        need = k - before1 - before2 - before3

        @plsc.parallel_loop(0, _NCHUNK, unroll=8)
        def outp(i):
            u = key_v[pl.ds(i * 16, 16)]
            vi = plsc.bitcast(u, jnp.int32)
            y = vi ^ ((~vi >> 31) | _MINT32)
            zc = lax.bitcast_convert_type(y, jnp.float32)
            zeroed = u <= t_u
            s = 1.0 / (1.0 + jnp.exp(zc * jnp.float32(-_SCALE)))
            io_v[pl.ds(i * 16, 16)] = jnp.where(zeroed, jnp.float32(0.0), s)

        tvec = jnp.zeros((16,), jnp.uint32) | t_u
        tvi = plsc.bitcast(tvec, jnp.int32)
        ty = tvi ^ ((~tvi >> 31) | _MINT32)
        tz = lax.bitcast_convert_type(ty, jnp.float32)
        s_t = 1.0 / (1.0 + jnp.exp(tz * jnp.float32(-_SCALE)))
        fix_m = jnp.where(need < cnt_eq, jnp.int32(_NCHUNK), jnp.int32(0))

        def fixup(t, run_eq):
            u = key_v[pl.ds(t * 16, 16)]
            eq = u == t_u
            eqi = jnp.where(eq, ones16, zero16)
            rank = run_eq + (plsc.cumsum(eqi) - eqi)
            unzero = eq & (rank >= need)
            plsc.store_scatter(io_v, [t * 16 + iota16], s_t, mask=unzero)
            return run_eq + plsc.all_reduce_population_count(eq)

        lax.fori_loop(0, fix_m, fixup, zero16)

        pltpu.sync_copy(io_v, out_hbm.at[row])
        return c

    lax.fori_loop(0, rows_per_w, _row_body, 0)


@jax.jit
def kernel(z_loga):
    mesh = plsc.VectorSubcoreMesh(core_axis_name="c", subcore_axis_name="s")
    f = functools.partial(
        pl.kernel,
        mesh=mesh,
        out_type=jax.ShapeDtypeStruct((_NROWS, _NCOLS), jnp.float32),
        scratch_types=[
            pltpu.VMEM((_NCOLS,), jnp.float32),
            pltpu.VMEM((_NCOLS,), jnp.uint32),
            pltpu.VMEM((2048,), jnp.int32),
            pltpu.VMEM((2048,), jnp.int32),
        ],
        compiler_params=pltpu.CompilerParams(needs_layout_passes=False),
    )(_sc_body)
    return f(z_loga)

# --- scband reference (transcript-rebuilt; emitter-appended) ---
"""Pipeline reference for scband-mask-12756052869361 (READ-ONLY COPY).

The authoritative reference and input builder live on the scoring server;
editing this copy changes nothing except your own understanding.
"""

import jax, jax.numpy as jnp
import numpy as np

# Constants from the torch module / standard L0-reparameterization globals
TEMPERATURE = 2.0 / 3.0
MAGICAL_NUMBER = 0.8
TARGET_MASK_SIZE = 4096
MASK_SHAPE = (128, 8192)
MASK_OUTPUT_SHAPE = (128, 8192)


def setup_inputs(seed: int = 0) -> dict:
    key = jax.random.key(seed)
    # z_loga is the learned mask logit parameter. In the torch module it is
    # initialized to alpha_init = log(p/(1-p)) with p = 4096/8192 = 0.5 -> 0.0,
    # then trained; we use gaussian values to emulate a trained state so the
    # top-k selection is nontrivial.
    z_loga = jax.random.normal(key, MASK_SHAPE, dtype=jnp.float32)
    return {"z_loga": z_loga}


def _deterministic_z_row(z_row):
    # Faithful translation of Mask._deterministic_z for one row.
    # num_zeros = mask_size - target_mask_size
    num_zeros = z_row.shape[-1] - TARGET_MASK_SIZE
    soft_mask = jax.nn.sigmoid(z_row / TEMPERATURE * MAGICAL_NUMBER)
    # torch.topk(z_loga, k=num_zeros, largest=False) -> indices of k smallest
    _, idx = jax.lax.top_k(-z_row, num_zeros)
    soft_mask = soft_mask.at[idx].set(0.0)
    return soft_mask


def reference(z_loga) -> jnp.ndarray:
    # eval-mode forward: deterministic_z(), reshaped to mask_output_shape.
    # z_loga.ndim > 1 -> flatten leading dims, apply per-row, stack, reshape.
    z2 = z_loga.reshape(-1, z_loga.shape[-1])
    z = jax.vmap(_deterministic_z_row)(z2)
    return z.reshape(MASK_OUTPUT_SHAPE)

if __name__ == "__main__":
    import jax
    _d = setup_inputs()
    print(jax.jit(kernel)(*tuple(_d.values())))

</pallas_src>

<mosaic_0001>
#map = affine_map<(d0, d1) -> (0, 0)>
module attributes {stable_mosaic.version = 14 : i64} {
  func.func @_sc_body(%arg0: i32, %arg1: i32, %arg2: memref<128x8192xf32, #tpu.memory_space<hbm>>, %arg3: memref<128x8192xf32, #tpu.memory_space<hbm>>, %arg4: memref<8192xf32, #tpu.memory_space<vmem>>, %arg5: memref<8192xi32, #tpu.memory_space<vmem>>, %arg6: memref<2048xi32, #tpu.memory_space<vmem>>, %arg7: memref<2048xi32, #tpu.memory_space<vmem>>) attributes {dimension_semantics = [#tpu.dimension_semantics<core_parallel>, #tpu.dimension_semantics<subcore_parallel>], iteration_bounds = array<i64: 2, 16>, scalar_prefetch = 0 : i64, scratch_operands = 4 : i64, tpu.core_type = #tpu.core_type<sc_vector_subcore>, window_params = [{transform_indices = #map}, {transform_indices = #map}]} {
    %mul3A = arith.constant 2 : i32
    %mul3A_0 = arith.muli %arg1, %mul3A : i32
    %add3A = arith.addi %mul3A_0, %arg0 : i32
    %broadcast_in_dim3A = arith.constant 0 : i32
    %broadcast_in_dim3A_1 = vector.broadcast %broadcast_in_dim3A : i32 to vector<16xi32>
    %broadcast_in_dim3A_2 = arith.constant 1 : i32
    %broadcast_in_dim3A_3 = vector.broadcast %broadcast_in_dim3A_2 : i32 to vector<16xi32>
    %iota3A = tpu.iota {dimensions = array<i32: 0>} : vector<16xi32>
    %parallel_loop3A = arith.constant 0 : i32
    %parallel_loop3A_4 = arith.constant 128 : i32
    %parallel_loop3A_5 = arith.constant 1 : i32
    scf.for %parallel_loop3A_11 = %parallel_loop3A to %parallel_loop3A_4 step %parallel_loop3A_5  : i32 {
      %parallel_loop3A_12 = arith.constant 16 : i32
      %parallel_loop3A_13 = arith.muli %parallel_loop3A_11, %parallel_loop3A_12 : i32
      %parallel_loop3A_14 = arith.index_cast %parallel_loop3A_13 : i32 to index
      %parallel_loop3A_15 = tpu.vector_load %arg6[%parallel_loop3A_14] {strides = array<i32>} : memref<2048xi32, #tpu.memory_space<vmem>>, vector<16xi32>,
      tpu.vector_store %arg6[%parallel_loop3A_14], %broadcast_in_dim3A_1 {strides = array<i32>} : memref<2048xi32, #tpu.memory_space<vmem>>, vector<16xi32>,
    } {sc.loop_unroll_factor = 8 : i64, sc.parallel_access}
    %scan3A = arith.constant 0 : i32
    %scan3A_6 = arith.constant 0 : i32
    %scan3A_7 = arith.constant 4 : i32
    %scan3A_8 = arith.addi %scan3A_6, %scan3A_7 : i32
    %scan3A_9 = arith.constant 1 : i32
    scf.for %scan3A_11 = %scan3A_6 to %scan3A_8 step %scan3A_9  : i32 {
      %mul3A_12 = arith.constant 4 : i32
      %mul3A_13 = arith.muli %add3A, %mul3A_12 : i32
      %add3A_14 = arith.addi %mul3A_13, %scan3A_11 : i32
      "tpu.region"() ({
        %run_scoped3A = tpu.sem_alloc : memref<!tpu.dma_semaphore, #tpu.memory_space<semaphore_mem>>
        %dma_start3A = arith.constant 0 : i32
        %dma_start3A_214 = tpu.memref_slice %arg2[%add3A_14, %dma_start3A] : memref<128x8192xf32, #tpu.memory_space<hbm>> -> memref<1x8192xf32, #tpu.memory_space<hbm>>
        %dma_start3A_215 = tpu.memref_squeeze %dma_start3A_214 : memref<1x8192xf32, #tpu.memory_space<hbm>> -> memref<8192xf32, #tpu.memory_space<hbm>>
        %dma_start3A_216 = arith.constant 0 : i32
        %dma_start3A_217 = tpu.memref_slice %arg2[%add3A_14, %dma_start3A_216] : memref<128x8192xf32, #tpu.memory_space<hbm>> -> memref<1x8192xf32, #tpu.memory_space<hbm>>
        %dma_start3A_218 = tpu.memref_squeeze %dma_start3A_217 : memref<1x8192xf32, #tpu.memory_space<hbm>> -> memref<8192xf32, #tpu.memory_space<hbm>>
        tpu.enqueue_dma source(%dma_start3A_218 : memref<8192xf32, #tpu.memory_space<hbm>>) target(%arg4 : memref<8192xf32, #tpu.memory_space<vmem>>) target_semaphore(%run_scoped3A : memref<!tpu.dma_semaphore, #tpu.memory_space<semaphore_mem>>)
        %dma_wait3A = arith.constant 0 : i32
        %dma_wait3A_219 = tpu.memref_slice %arg2[%add3A_14, %dma_wait3A] : memref<128x8192xf32, #tpu.memory_space<hbm>> -> memref<1x8192xf32, #tpu.memory_space<hbm>>
        %dma_wait3A_220 = tpu.memref_squeeze %dma_wait3A_219 : memref<1x8192xf32, #tpu.memory_space<hbm>> -> memref<8192xf32, #tpu.memory_space<hbm>>
        %dma_wait3A_221 = arith.constant 0 : i32
        %dma_wait3A_222 = tpu.memref_slice %arg2[%add3A_14, %dma_wait3A_221] : memref<128x8192xf32, #tpu.memory_space<hbm>> -> memref<1x8192xf32, #tpu.memory_space<hbm>>
        %dma_wait3A_223 = tpu.memref_squeeze %dma_wait3A_222 : memref<1x8192xf32, #tpu.memory_space<hbm>> -> memref<8192xf32, #tpu.memory_space<hbm>>
        tpu.wait_dma2 semaphore(%run_scoped3A : memref<!tpu.dma_semaphore, #tpu.memory_space<semaphore_mem>>) src(%dma_wait3A_223 : memref<8192xf32, #tpu.memory_space<hbm>>) dst(%arg4 : memref<8192xf32, #tpu.memory_space<vmem>>)
        tpu.yield
      }) : () -> ()
      %parallel_loop3A_15 = arith.constant 0 : i32
      %parallel_loop3A_16 = arith.constant 512 : i32
      %parallel_loop3A_17 = arith.constant 1 : i32
      scf.for %parallel_loop3A_214 = %parallel_loop3A_15 to %parallel_loop3A_16 step %parallel_loop3A_17  : i32 {
        %parallel_loop3A_215 = arith.constant 16 : i32
        %parallel_loop3A_216 = arith.muli %parallel_loop3A_214, %parallel_loop3A_215 : i32
        %parallel_loop3A_217 = arith.index_cast %parallel_loop3A_216 : i32 to index
        %parallel_loop3A_218 = tpu.vector_load %arg4[%parallel_loop3A_217] {strides = array<i32>} : memref<8192xf32, #tpu.memory_space<vmem>>, vector<16xf32>,
        %parallel_loop3A_219 = tpu.bitcast %parallel_loop3A_218 : vector<16xf32> -> vector<16xi32>
        %parallel_loop3A_220 = arith.constant 31 : i32
        %parallel_loop3A_221 = vector.broadcast %parallel_loop3A_220 : i32 to vector<16xi32>
        %parallel_loop3A_222 = arith.shrsi %parallel_loop3A_219, %parallel_loop3A_221 : vector<16xi32>
        %parallel_loop3A_223 = arith.constant -2147483648 : i32
        %parallel_loop3A_224 = vector.broadcast %parallel_loop3A_223 : i32 to vector<16xi32>
        %parallel_loop3A_225 = arith.ori %parallel_loop3A_222, %parallel_loop3A_224 : vector<16xi32>
        %parallel_loop3A_226 = arith.xori %parallel_loop3A_219, %parallel_loop3A_225 : vector<16xi32>
        %parallel_loop3A_227 = tpu.bitcast %parallel_loop3A_226 : vector<16xi32> -> vector<16xi32>
        %parallel_loop3A_228 = arith.constant 16 : i32
        %parallel_loop3A_229 = arith.muli %parallel_loop3A_214, %parallel_loop3A_228 : i32
        %parallel_loop3A_230 = arith.index_cast %parallel_loop3A_229 : i32 to index
        %parallel_loop3A_231 = tpu.vector_load %arg5[%parallel_loop3A_230] {strides = array<i32>} : memref<8192xi32, #tpu.memory_space<vmem>>, vector<16xi32>,
        tpu.vector_store %arg5[%parallel_loop3A_230], %parallel_loop3A_227 {strides = array<i32>} : memref<8192xi32, #tpu.memory_space<vmem>>, vector<16xi32>,
        %parallel_loop3A_232 = arith.constant 21 : i32
        %parallel_loop3A_233 = vector.broadcast %parallel_loop3A_232 : i32 to vector<16xi32>
        %parallel_loop3A_234 = arith.shrui %parallel_loop3A_227, %parallel_loop3A_233 : vector<16xi32>
        %parallel_loop3A_235 = vector.bitcast %parallel_loop3A_234 : vector<16xi32> to vector<16xi32>
        tpu.vector_store_idx %arg6[%parallel_loop3A_235], %broadcast_in_dim3A_3 {add = true} : memref<2048xi32, #tpu.memory_space<vmem>>[vector<16xi32>], vector<16xi32>,
      } {sc.loop_unroll_factor = 8 : i64, sc.parallel_access}
      %parallel_loop3A_18 = arith.constant 0 : i32
      %parallel_loop3A_19 = arith.constant 8 : i32
      %parallel_loop3A_20 = arith.constant 1 : i32
      %parallel_loop3A_21 = arith.constant 4096 : i32
      %parallel_loop3A_22 = arith.constant 0 : i32
      %parallel_loop3A_23 = arith.constant 0 : i32
      %parallel_loop3A_24 = arith.constant 0 : i32
      %parallel_loop3A_25 = arith.constant 0 : i32
      %parallel_loop3A_26:4 = scf.for %parallel_loop3A_214 = %parallel_loop3A_18 to %parallel_loop3A_19 step %parallel_loop3A_20 iter_args(%parallel_loop3A_215 = %parallel_loop3A_22, %parallel_loop3A_216 = %parallel_loop3A_23, %parallel_loop3A_217 = %parallel_loop3A_24, %parallel_loop3A_218 = %parallel_loop3A_25) -> (i32, i32, i32, i32)  : i32 {
        %parallel_loop3A_219 = arith.constant 16 : i32
        %parallel_loop3A_220 = arith.muli %parallel_loop3A_214, %parallel_loop3A_219 : i32
        %parallel_loop3A_221 = arith.constant 0 : i32
        %parallel_loop3A_222 = arith.addi %parallel_loop3A_220, %parallel_loop3A_221 : i32
        %parallel_loop3A_223 = arith.constant 16 : i32
        %parallel_loop3A_224 = arith.muli %parallel_loop3A_222, %parallel_loop3A_223 : i32
        %parallel_loop3A_225 = arith.index_cast %parallel_loop3A_224 : i32 to index
        %parallel_loop3A_226 = tpu.vector_load %arg6[%parallel_loop3A_225] {strides = array<i32>} : memref<2048xi32, #tpu.memory_space<vmem>>, vector<16xi32>,
        %parallel_loop3A_227 = arith.constant true
        %parallel_loop3A_228 = vector.broadcast %parallel_loop3A_227 : i1 to vector<16xi1>
        %parallel_loop3A_229 = tpu.scan <sum>, %parallel_loop3A_226 masked %parallel_loop3A_228 : vector<16xi32>, vector<16xi1> -> vector<16xi32>
        %parallel_loop3A_230 = arith.constant 16 : i32
        %parallel_loop3A_231 = arith.muli %parallel_loop3A_222, %parallel_loop3A_230 : i32
        %parallel_loop3A_232 = arith.index_cast %parallel_loop3A_231 : i32 to index
        %parallel_loop3A_233 = tpu.vector_load %arg7[%parallel_loop3A_232] {strides = array<i32>} : memref<2048xi32, #tpu.memory_space<vmem>>, vector<16xi32>,
        tpu.vector_store %arg7[%parallel_loop3A_232], %parallel_loop3A_229 {strides = array<i32>} : memref<2048xi32, #tpu.memory_space<vmem>>, vector<16xi32>,
        %parallel_loop3A_234 = arith.constant 16 : i32
        %parallel_loop3A_235 = arith.muli %parallel_loop3A_222, %parallel_loop3A_234 : i32
        %parallel_loop3A_236 = arith.index_cast %parallel_loop3A_235 : i32 to index
        %parallel_loop3A_237 = tpu.vector_load %arg6[%parallel_loop3A_236] {strides = array<i32>} : memref<2048xi32, #tpu.memory_space<vmem>>, vector<16xi32>,
        tpu.vector_store %arg6[%parallel_loop3A_236], %broadcast_in_dim3A_1 {strides = array<i32>} : memref<2048xi32, #tpu.memory_space<vmem>>, vector<16xi32>,
        %parallel_loop3A_238 = arith.constant 0 : i32
        %parallel_loop3A_239 = vector.broadcast %parallel_loop3A_238 : i32 to vector<16xi32>
        %parallel_loop3A_240 = arith.cmpi eq, %iota3A, %parallel_loop3A_239 : vector<16xi32>
        %parallel_loop3A_241 = arith.constant true
        %parallel_loop3A_242 = vector.broadcast %parallel_loop3A_241 : i1 to vector<16xi1>
        %parallel_loop3A_243 = tpu.scan <sum>, %parallel_loop3A_226 masked %parallel_loop3A_242 : vector<16xi32>, vector<16xi1> -> vector<16xi32>
        %parallel_loop3A_244 = vector.extract %parallel_loop3A_243[15] : i32 from vector<16xi32>
        %parallel_loop3A_245 = vector.broadcast %parallel_loop3A_244 : i32 to vector<16xi32>
        %parallel_loop3A_246 = arith.select %parallel_loop3A_240, %parallel_loop3A_245, %broadcast_in_dim3A_1 : vector<16xi1>, vector<16xi32>
        %parallel_loop3A_247 = arith.constant 16 : i32
        %parallel_loop3A_248 = arith.muli %parallel_loop3A_214, %parallel_loop3A_247 : i32
        %parallel_loop3A_249 = arith.constant 1 : i32
        %parallel_loop3A_250 = arith.addi %parallel_loop3A_248, %parallel_loop3A_249 : i32
        %parallel_loop3A_251 = arith.constant 16 : i32
        %parallel_loop3A_252 = arith.muli %parallel_loop3A_250, %parallel_loop3A_251 : i32
        %parallel_loop3A_253 = arith.index_cast %parallel_loop3A_252 : i32 to index
        %parallel_loop3A_254 = tpu.vector_load %arg6[%parallel_loop3A_253] {strides = array<i32>} : memref<2048xi32, #tpu.memory_space<vmem>>, vector<16xi32>,
        %parallel_loop3A_255 = arith.constant true
        %parallel_loop3A_256 = vector.broadcast %parallel_loop3A_255 : i1 to vector<16xi1>
        %parallel_loop3A_257 = tpu.scan <sum>, %parallel_loop3A_254 masked %parallel_loop3A_256 : vector<16xi32>, vector<16xi1> -> vector<16xi32>
        %parallel_loop3A_258 = arith.constant 16 : i32
        %parallel_loop3A_259 = arith.muli %parallel_loop3A_250, %parallel_loop3A_258 : i32
        %parallel_loop3A_260 = arith.index_cast %parallel_loop3A_259 : i32 to index
        %parallel_loop3A_261 = tpu.vector_load %arg7[%parallel_loop3A_260] {strides = array<i32>} : memref<2048xi32, #tpu.memory_space<vmem>>, vector<16xi32>,
        tpu.vector_store %arg7[%parallel_loop3A_260], %parallel_loop3A_257 {strides = array<i32>} : memref<2048xi32, #tpu.memory_space<vmem>>, vector<16xi32>,
        %parallel_loop3A_262 = arith.constant 16 : i32
        %parallel_loop3A_263 = arith.muli %parallel_loop3A_250, %parallel_loop3A_262 : i32
        %parallel_loop3A_264 = arith.index_cast %parallel_loop3A_263 : i32 to index
        %parallel_loop3A_265 = tpu.vector_load %arg6[%parallel_loop3A_264] {strides = array<i32>} : memref<2048xi32, #tpu.memory_space<vmem>>, vector<16xi32>,
        tpu.vector_store %arg6[%parallel_loop3A_264], %broadcast_in_dim3A_1 {strides = array<i32>} : memref<2048xi32, #tpu.memory_space<vmem>>, vector<16xi32>,
        %parallel_loop3A_266 = arith.constant 1 : i32
        %parallel_loop3A_267 = vector.broadcast %parallel_loop3A_266 : i32 to vector<16xi32>
        %parallel_loop3A_268 = arith.cmpi eq, %iota3A, %parallel_loop3A_267 : vector<16xi32>
        %parallel_loop3A_269 = arith.constant true
        %parallel_loop3A_270 = vector.broadcast %parallel_loop3A_269 : i1 to vector<16xi1>
        %parallel_loop3A_271 = tpu.scan <sum>, %parallel_loop3A_254 masked %parallel_loop3A_270 : vector<16xi32>, vector<16xi1> -> vector<16xi32>
        %parallel_loop3A_272 = vector.extract %parallel_loop3A_271[15] : i32 from vector<16xi32>
        %parallel_loop3A_273 = vector.broadcast %parallel_loop3A_272 : i32 to vector<16xi32>
        %parallel_loop3A_274 = arith.select %parallel_loop3A_268, %parallel_loop3A_273, %parallel_loop3A_246 : vector<16xi1>, vector<16xi32>
        %parallel_loop3A_275 = arith.constant 16 : i32
        %parallel_loop3A_276 = arith.muli %parallel_loop3A_214, %parallel_loop3A_275 : i32
        %parallel_loop3A_277 = arith.constant 2 : i32
        %parallel_loop3A_278 = arith.addi %parallel_loop3A_276, %parallel_loop3A_277 : i32
        %parallel_loop3A_279 = arith.constant 16 : i32
        %parallel_loop3A_280 = arith.muli %parallel_loop3A_278, %parallel_loop3A_279 : i32
        %parallel_loop3A_281 = arith.index_cast %parallel_loop3A_280 : i32 to index
        %parallel_loop3A_282 = tpu.vector_load %arg6[%parallel_loop3A_281] {strides = array<i32>} : memref<2048xi32, #tpu.memory_space<vmem>>, vector<16xi32>,
        %parallel_loop3A_283 = arith.constant true
        %parallel_loop3A_284 = vector.broadcast %parallel_loop3A_283 : i1 to vector<16xi1>
        %parallel_loop3A_285 = tpu.scan <sum>, %parallel_loop3A_282 masked %parallel_loop3A_284 : vector<16xi32>, vector<16xi1> -> vector<16xi32>
        %parallel_loop3A_286 = arith.constant 16 : i32
        %parallel_loop3A_287 = arith.muli %parallel_loop3A_278, %parallel_loop3A_286 : i32
        %parallel_loop3A_288 = arith.index_cast %parallel_loop3A_287 : i32 to index
        %parallel_loop3A_289 = tpu.vector_load %arg7[%parallel_loop3A_288] {strides = array<i32>} : memref<2048xi32, #tpu.memory_space<vmem>>, vector<16xi32>,
        tpu.vector_store %arg7[%parallel_loop3A_288], %parallel_loop3A_285 {strides = array<i32>} : memref<2048xi32, #tpu.memory_space<vmem>>, vector<16xi32>,
        %parallel_loop3A_290 = arith.constant 16 : i32
        %parallel_loop3A_291 = arith.muli %parallel_loop3A_278, %parallel_loop3A_290 : i32
        %parallel_loop3A_292 = arith.index_cast %parallel_loop3A_291 : i32 to index
        %parallel_loop3A_293 = tpu.vector_load %arg6[%parallel_loop3A_292] {strides = array<i32>} : memref<2048xi32, #tpu.memory_space<vmem>>, vector<16xi32>,
        tpu.vector_store %arg6[%parallel_loop3A_292], %broadcast_in_dim3A_1 {strides = array<i32>} : memref<2048xi32, #tpu.memory_space<vmem>>, vector<16xi32>,
        %parallel_loop3A_294 = arith.constant 2 : i32
        %parallel_loop3A_295 = vector.broadcast %parallel_loop3A_294 : i32 to vector<16xi32>
        %parallel_loop3A_296 = arith.cmpi eq, %iota3A, %parallel_loop3A_295 : vector<16xi32>
        %parallel_loop3A_297 = arith.constant true
        %parallel_loop3A_298 = vector.broadcast %parallel_loop3A_297 : i1 to vector<16xi1>
        %parallel_loop3A_299 = tpu.scan <sum>, %parallel_loop3A_282 masked %parallel_loop3A_298 : vector<16xi32>, vector<16xi1> -> vector<16xi32>
        %parallel_loop3A_300 = vector.extract %parallel_loop3A_299[15] : i32 from vector<16xi32>
        %parallel_loop3A_301 = vector.broadcast %parallel_loop3A_300 : i32 to vector<16xi32>
        %parallel_loop3A_302 = arith.select %parallel_loop3A_296, %parallel_loop3A_301, %parallel_loop3A_274 : vector<16xi1>, vector<16xi32>
        %parallel_loop3A_303 = arith.constant 16 : i32
        %parallel_loop3A_304 = arith.muli %parallel_loop3A_214, %parallel_loop3A_303 : i32
        %parallel_loop3A_305 = arith.constant 3 : i32
        %parallel_loop3A_306 = arith.addi %parallel_loop3A_304, %parallel_loop3A_305 : i32
        %parallel_loop3A_307 = arith.constant 16 : i32
        %parallel_loop3A_308 = arith.muli %parallel_loop3A_306, %parallel_loop3A_307 : i32
        %parallel_loop3A_309 = arith.index_cast %parallel_loop3A_308 : i32 to index
        %parallel_loop3A_310 = tpu.vector_load %arg6[%parallel_loop3A_309] {strides = array<i32>} : memref<2048xi32, #tpu.memory_space<vmem>>, vector<16xi32>,
        %parallel_loop3A_311 = arith.constant true
        %parallel_loop3A_312 = vector.broadcast %parallel_loop3A_311 : i1 to vector<16xi1>
        %parallel_loop3A_313 = tpu.scan <sum>, %parallel_loop3A_310 masked %parallel_loop3A_312 : vector<16xi32>, vector<16xi1> -> vector<16xi32>
        %parallel_loop3A_314 = arith.constant 16 : i32
        %parallel_loop3A_315 = arith.muli %parallel_loop3A_306, %parallel_loop3A_314 : i32
        %parallel_loop3A_316 = arith.index_cast %parallel_loop3A_315 : i32 to index
        %parallel_loop3A_317 = tpu.vector_load %arg7[%parallel_loop3A_316] {strides = array<i32>} : memref<2048xi32, #tpu.memory_space<vmem>>, vector<16xi32>,
        tpu.vector_store %arg7[%parallel_loop3A_316], %parallel_loop3A_313 {strides = array<i32>} : memref<2048xi32, #tpu.memory_space<vmem>>, vector<16xi32>,
        %parallel_loop3A_318 = arith.constant 16 : i32
        %parallel_loop3A_319 = arith.muli %parallel_loop3A_306, %parallel_loop3A_318 : i32
        %parallel_loop3A_320 = arith.index_cast %parallel_loop3A_319 : i32 to index
        %parallel_loop3A_321 = tpu.vector_load %arg6[%parallel_loop3A_320] {strides = array<i32>} : memref<2048xi32, #tpu.memory_space<vmem>>, vector<16xi32>,
        tpu.vector_store %arg6[%parallel_loop3A_320], %broadcast_in_dim3A_1 {strides = array<i32>} : memref<2048xi32, #tpu.memory_space<vmem>>, vector<16xi32>,
        %parallel_loop3A_322 = arith.constant 3 : i32
        %parallel_loop3A_323 = vector.broadcast %parallel_loop3A_322 : i32 to vector<16xi32>
        %parallel_loop3A_324 = arith.cmpi eq, %iota3A, %parallel_loop3A_323 : vector<16xi32>
        %parallel_loop3A_325 = arith.constant true
        %parallel_loop3A_326 = vector.broadcast %parallel_loop3A_325 : i1 to vector<16xi1>
        %parallel_loop3A_327 = tpu.scan <sum>, %parallel_loop3A_310 masked %parallel_loop3A_326 : vector<16xi32>, vector<16xi1> -> vector<16xi32>
        %parallel_loop3A_328 = vector.extract %parallel_loop3A_327[15] : i32 from vector<16xi32>
        %parallel_loop3A_329 = vector.broadcast %parallel_loop3A_328 : i32 to vector<16xi32>
        %parallel_loop3A_330 = arith.select %parallel_loop3A_324, %parallel_loop3A_329, %parallel_loop3A_302 : vector<16xi1>, vector<16xi32>
        %parallel_loop3A_331 = arith.constant 16 : i32
        %parallel_loop3A_332 = arith.muli %parallel_loop3A_214, %parallel_loop3A_331 : i32
        %parallel_loop3A_333 = arith.constant 4 : i32
        %parallel_loop3A_334 = arith.addi %parallel_loop3A_332, %parallel_loop3A_333 : i32
        %parallel_loop3A_335 = arith.constant 16 : i32
        %parallel_loop3A_336 = arith.muli %parallel_loop3A_334, %parallel_loop3A_335 : i32
        %parallel_loop3A_337 = arith.index_cast %parallel_loop3A_336 : i32 to index
        %parallel_loop3A_338 = tpu.vector_load %arg6[%parallel_loop3A_337] {strides = array<i32>} : memref<2048xi32, #tpu.memory_space<vmem>>, vector<16xi32>,
        %parallel_loop3A_339 = arith.constant true
        %parallel_loop3A_340 = vector.broadcast %parallel_loop3A_339 : i1 to vector<16xi1>
        %parallel_loop3A_341 = tpu.scan <sum>, %parallel_loop3A_338 masked %parallel_loop3A_340 : vector<16xi32>, vector<16xi1> -> vector<16xi32>
        %parallel_loop3A_342 = arith.constant 16 : i32
        %parallel_loop3A_343 = arith.muli %parallel_loop3A_334, %parallel_loop3A_342 : i32
        %parallel_loop3A_344 = arith.index_cast %parallel_loop3A_343 : i32 to index
        %parallel_loop3A_345 = tpu.vector_load %arg7[%parallel_loop3A_344] {strides = array<i32>} : memref<2048xi32, #tpu.memory_space<vmem>>, vector<16xi32>,
        tpu.vector_store %arg7[%parallel_loop3A_344], %parallel_loop3A_341 {strides = array<i32>} : memref<2048xi32, #tpu.memory_space<vmem>>, vector<16xi32>,
        %parallel_loop3A_346 = arith.constant 16 : i32
        %parallel_loop3A_347 = arith.muli %parallel_loop3A_334, %parallel_loop3A_346 : i32
        %parallel_loop3A_348 = arith.index_cast %parallel_loop3A_347 : i32 to index
        %parallel_loop3A_349 = tpu.vector_load %arg6[%parallel_loop3A_348] {strides = array<i32>} : memref<2048xi32, #tpu.memory_space<vmem>>, vector<16xi32>,
        tpu.vector_store %arg6[%parallel_loop3A_348], %broadcast_in_dim3A_1 {strides = array<i32>} : memref<2048xi32, #tpu.memory_space<vmem>>, vector<16xi32>,
        %parallel_loop3A_350 = arith.constant 4 : i32
        %parallel_loop3A_351 = vector.broadcast %parallel_loop3A_350 : i32 to vector<16xi32>
        %parallel_loop3A_352 = arith.cmpi eq, %iota3A, %parallel_loop3A_351 : vector<16xi32>
        %parallel_loop3A_353 = arith.constant true
        %parallel_loop3A_354 = vector.broadcast %parallel_loop3A_353 : i1 to vector<16xi1>
        %parallel_loop3A_355 = tpu.scan <sum>, %parallel_loop3A_338 masked %parallel_loop3A_354 : vector<16xi32>, vector<16xi1> -> vector<16xi32>
        %parallel_loop3A_356 = vector.extract %parallel_loop3A_355[15] : i32 from vector<16xi32>
        %parallel_loop3A_357 = vector.broadcast %parallel_loop3A_356 : i32 to vector<16xi32>
        %parallel_loop3A_358 = arith.select %parallel_loop3A_352, %parallel_loop3A_357, %parallel_loop3A_330 : vector<16xi1>, vector<16xi32>
        %parallel_loop3A_359 = arith.constant 16 : i32
        %parallel_loop3A_360 = arith.muli %parallel_loop3A_214, %parallel_loop3A_359 : i32
        %parallel_loop3A_361 = arith.constant 5 : i32
        %parallel_loop3A_362 = arith.addi %parallel_loop3A_360, %parallel_loop3A_361 : i32
        %parallel_loop3A_363 = arith.constant 16 : i32
        %parallel_loop3A_364 = arith.muli %parallel_loop3A_362, %parallel_loop3A_363 : i32
        %parallel_loop3A_365 = arith.index_cast %parallel_loop3A_364 : i32 to index
        %parallel_loop3A_366 = tpu.vector_load %arg6[%parallel_loop3A_365] {strides = array<i32>} : memref<2048xi32, #tpu.memory_space<vmem>>, vector<16xi32>,
        %parallel_loop3A_367 = arith.constant true
        %parallel_loop3A_368 = vector.broadcast %parallel_loop3A_367 : i1 to vector<16xi1>
        %parallel_loop3A_369 = tpu.scan <sum>, %parallel_loop3A_366 masked %parallel_loop3A_368 : vector<16xi32>, vector<16xi1> -> vector<16xi32>
        %parallel_loop3A_370 = arith.constant 16 : i32
        %parallel_loop3A_371 = arith.muli %parallel_loop3A_362, %parallel_loop3A_370 : i32
        %parallel_loop3A_372 = arith.index_cast %parallel_loop3A_371 : i32 to index
        %parallel_loop3A_373 = tpu.vector_load %arg7[%parallel_loop3A_372] {strides = array<i32>} : memref<2048xi32, #tpu.memory_space<vmem>>, vector<16xi32>,
        tpu.vector_store %arg7[%parallel_loop3A_372], %parallel_loop3A_369 {strides = array<i32>} : memref<2048xi32, #tpu.memory_space<vmem>>, vector<16xi32>,
        %parallel_loop3A_374 = arith.constant 16 : i32
        %parallel_loop3A_375 = arith.muli %parallel_loop3A_362, %parallel_loop3A_374 : i32
        %parallel_loop3A_376 = arith.index_cast %parallel_loop3A_375 : i32 to index
        %parallel_loop3A_377 = tpu.vector_load %arg6[%parallel_loop3A_376] {strides = array<i32>} : memref<2048xi32, #tpu.memory_space<vmem>>, vector<16xi32>,
        tpu.vector_store %arg6[%parallel_loop3A_376], %broadcast_in_dim3A_1 {strides = array<i32>} : memref<2048xi32, #tpu.memory_space<vmem>>, vector<16xi32>,
        %parallel_loop3A_378 = arith.constant 5 : i32
        %parallel_loop3A_379 = vector.broadcast %parallel_loop3A_378 : i32 to vector<16xi32>
        %parallel_loop3A_380 = arith.cmpi eq, %iota3A, %parallel_loop3A_379 : vector<16xi32>
        %parallel_loop3A_381 = arith.constant true
        %parallel_loop3A_382 = vector.broadcast %parallel_loop3A_381 : i1 to vector<16xi1>
        %parallel_loop3A_383 = tpu.scan <sum>, %parallel_loop3A_366 masked %parallel_loop3A_382 : vector<16xi32>, vector<16xi1> -> vector<16xi32>
        %parallel_loop3A_384 = vector.extract %parallel_loop3A_383[15] : i32 from vector<16xi32>
        %parallel_loop3A_385 = vector.broadcast %parallel_loop3A_384 : i32 to vector<16xi32>
        %parallel_loop3A_386 = arith.select %parallel_loop3A_380, %parallel_loop3A_385, %parallel_loop3A_358 : vector<16xi1>, vector<16xi32>
        %parallel_loop3A_387 = arith.constant 16 : i32
        %parallel_loop3A_388 = arith.muli %parallel_loop3A_214, %parallel_loop3A_387 : i32
        %parallel_loop3A_389 = arith.constant 6 : i32
        %parallel_loop3A_390 = arith.addi %parallel_loop3A_388, %parallel_loop3A_389 : i32
        %parallel_loop3A_391 = arith.constant 16 : i32
        %parallel_loop3A_392 = arith.muli %parallel_loop3A_390, %parallel_loop3A_391 : i32
        %parallel_loop3A_393 = arith.index_cast %parallel_loop3A_392 : i32 to index
        %parallel_loop3A_394 = tpu.vector_load %arg6[%parallel_loop3A_393] {strides = array<i32>} : memref<2048xi32, #tpu.memory_space<vmem>>, vector<16xi32>,
        %parallel_loop3A_395 = arith.constant true
        %parallel_loop3A_396 = vector.broadcast %parallel_loop3A_395 : i1 to vector<16xi1>
        %parallel_loop3A_397 = tpu.scan <sum>, %parallel_loop3A_394 masked %parallel_loop3A_396 : vector<16xi32>, vector<16xi1> -> vector<16xi32>
        %parallel_loop3A_398 = arith.constant 16 : i32
        %parallel_loop3A_399 = arith.muli %parallel_loop3A_390, %parallel_loop3A_398 : i32
        %parallel_loop3A_400 = arith.index_cast %parallel_loop3A_399 : i32 to index
        %parallel_loop3A_401 = tpu.vector_load %arg7[%parallel_loop3A_400] {strides = array<i32>} : memref<2048xi32, #tpu.memory_space<vmem>>, vector<16xi32>,
        tpu.vector_store %arg7[%parallel_loop3A_400], %parallel_loop3A_397 {strides = array<i32>} : memref<2048xi32, #tpu.memory_space<vmem>>, vector<16xi32>,
        %parallel_loop3A_402 = arith.constant 16 : i32
        %parallel_loop3A_403 = arith.muli %parallel_loop3A_390, %parallel_loop3A_402 : i32
        %parallel_loop3A_404 = arith.index_cast %parallel_loop3A_403 : i32 to index
        %parallel_loop3A_405 = tpu.vector_load %arg6[%parallel_loop3A_404] {strides = array<i32>} : memref<2048xi32, #tpu.memory_space<vmem>>, vector<16xi32>,
        tpu.vector_store %arg6[%parallel_loop3A_404], %broadcast_in_dim3A_1 {strides = array<i32>} : memref<2048xi32, #tpu.memory_space<vmem>>, vector<16xi32>,
        %parallel_loop3A_406 = arith.constant 6 : i32
        %parallel_loop3A_407 = vector.broadcast %parallel_loop3A_406 : i32 to vector<16xi32>
        %parallel_loop3A_408 = arith.cmpi eq, %iota3A, %parallel_loop3A_407 : vector<16xi32>
        %parallel_loop3A_409 = arith.constant true
        %parallel_loop3A_410 = vector.broadcast %parallel_loop3A_409 : i1 to vector<16xi1>
        %parallel_loop3A_411 = tpu.scan <sum>, %parallel_loop3A_394 masked %parallel_loop3A_410 : vector<16xi32>, vector<16xi1> -> vector<16xi32>
        %parallel_loop3A_412 = vector.extract %parallel_loop3A_411[15] : i32 from vector<16xi32>
        %parallel_loop3A_413 = vector.broadcast %parallel_loop3A_412 : i32 to vector<16xi32>
        %parallel_loop3A_414 = arith.select %parallel_loop3A_408, %parallel_loop3A_413, %parallel_loop3A_386 : vector<16xi1>, vector<16xi32>
        %parallel_loop3A_415 = arith.constant 16 : i32
        %parallel_loop3A_416 = arith.muli %parallel_loop3A_214, %parallel_loop3A_415 : i32
        %parallel_loop3A_417 = arith.constant 7 : i32
        %parallel_loop3A_418 = arith.addi %parallel_loop3A_416, %parallel_loop3A_417 : i32
        %parallel_loop3A_419 = arith.constant 16 : i32
        %parallel_loop3A_420 = arith.muli %parallel_loop3A_418, %parallel_loop3A_419 : i32
        %parallel_loop3A_421 = arith.index_cast %parallel_loop3A_420 : i32 to index
        %parallel_loop3A_422 = tpu.vector_load %arg6[%parallel_loop3A_421] {strides = array<i32>} : memref<2048xi32, #tpu.memory_space<vmem>>, vector<16xi32>,
        %parallel_loop3A_423 = arith.constant true
        %parallel_loop3A_424 = vector.broadcast %parallel_loop3A_423 : i1 to vector<16xi1>
        %parallel_loop3A_425 = tpu.scan <sum>, %parallel_loop3A_422 masked %parallel_loop3A_424 : vector<16xi32>, vector<16xi1> -> vector<16xi32>
        %parallel_loop3A_426 = arith.constant 16 : i32
        %parallel_loop3A_427 = arith.muli %parallel_loop3A_418, %parallel_loop3A_426 : i32
        %parallel_loop3A_428 = arith.index_cast %parallel_loop3A_427 : i32 to index
        %parallel_loop3A_429 = tpu.vector_load %arg7[%parallel_loop3A_428] {strides = array<i32>} : memref<2048xi32, #tpu.memory_space<vmem>>, vector<16xi32>,
        tpu.vector_store %arg7[%parallel_loop3A_428], %parallel_loop3A_425 {strides = array<i32>} : memref<2048xi32, #tpu.memory_space<vmem>>, vector<16xi32>,
        %parallel_loop3A_430 = arith.constant 16 : i32
        %parallel_loop3A_431 = arith.muli %parallel_loop3A_418, %parallel_loop3A_430 : i32
        %parallel_loop3A_432 = arith.index_cast %parallel_loop3A_431 : i32 to index
        %parallel_loop3A_433 = tpu.vector_load %arg6[%parallel_loop3A_432] {strides = array<i32>} : memref<2048xi32, #tpu.memory_space<vmem>>, vector<16xi32>,
        tpu.vector_store %arg6[%parallel_loop3A_432], %broadcast_in_dim3A_1 {strides = array<i32>} : memref<2048xi32, #tpu.memory_space<vmem>>, vector<16xi32>,
        %parallel_loop3A_434 = arith.constant 7 : i32
        %parallel_loop3A_435 = vector.broadcast %parallel_loop3A_434 : i32 to vector<16xi32>
        %parallel_loop3A_436 = arith.cmpi eq, %iota3A, %parallel_loop3A_435 : vector<16xi32>
        %parallel_loop3A_437 = arith.constant true
        %parallel_loop3A_438 = vector.broadcast %parallel_loop3A_437 : i1 to vector<16xi1>
        %parallel_loop3A_439 = tpu.scan <sum>, %parallel_loop3A_422 masked %parallel_loop3A_438 : vector<16xi32>, vector<16xi1> -> vector<16xi32>
        %parallel_loop3A_440 = vector.extract %parallel_loop3A_439[15] : i32 from vector<16xi32>
        %parallel_loop3A_441 = vector.broadcast %parallel_loop3A_440 : i32 to vector<16xi32>
        %parallel_loop3A_442 = arith.select %parallel_loop3A_436, %parallel_loop3A_441, %parallel_loop3A_414 : vector<16xi1>, vector<16xi32>
        %parallel_loop3A_443 = arith.constant 16 : i32
        %parallel_loop3A_444 = arith.muli %parallel_loop3A_214, %parallel_loop3A_443 : i32
        %parallel_loop3A_445 = arith.constant 8 : i32
        %parallel_loop3A_446 = arith.addi %parallel_loop3A_444, %parallel_loop3A_445 : i32
        %parallel_loop3A_447 = arith.constant 16 : i32
        %parallel_loop3A_448 = arith.muli %parallel_loop3A_446, %parallel_loop3A_447 : i32
        %parallel_loop3A_449 = arith.index_cast %parallel_loop3A_448 : i32 to index
        %parallel_loop3A_450 = tpu.vector_load %arg6[%parallel_loop3A_449] {strides = array<i32>} : memref<2048xi32, #tpu.memory_space<vmem>>, vector<16xi32>,
        %parallel_loop3A_451 = arith.constant true
        %parallel_loop3A_452 = vector.broadcast %parallel_loop3A_451 : i1 to vector<16xi1>
        %parallel_loop3A_453 = tpu.scan <sum>, %parallel_loop3A_450 masked %parallel_loop3A_452 : vector<16xi32>, vector<16xi1> -> vector<16xi32>
        %parallel_loop3A_454 = arith.constant 16 : i32
        %parallel_loop3A_455 = arith.muli %parallel_loop3A_446, %parallel_loop3A_454 : i32
        %parallel_loop3A_456 = arith.index_cast %parallel_loop3A_455 : i32 to index
        %parallel_loop3A_457 = tpu.vector_load %arg7[%parallel_loop3A_456] {strides = array<i32>} : memref<2048xi32, #tpu.memory_space<vmem>>, vector<16xi32>,
        tpu.vector_store %arg7[%parallel_loop3A_456], %parallel_loop3A_453 {strides = array<i32>} : memref<2048xi32, #tpu.memory_space<vmem>>, vector<16xi32>,
        %parallel_loop3A_458 = arith.constant 16 : i32
        %parallel_loop3A_459 = arith.muli %parallel_loop3A_446, %parallel_loop3A_458 : i32
        %parallel_loop3A_460 = arith.index_cast %parallel_loop3A_459 : i32 to index
        %parallel_loop3A_461 = tpu.vector_load %arg6[%parallel_loop3A_460] {strides = array<i32>} : memref<2048xi32, #tpu.memory_space<vmem>>, vector<16xi32>,
        tpu.vector_store %arg6[%parallel_loop3A_460], %broadcast_in_dim3A_1 {strides = array<i32>} : memref<2048xi32, #tpu.memory_space<vmem>>, vector<16xi32>,
        %parallel_loop3A_462 = arith.constant 8 : i32
        %parallel_loop3A_463 = vector.broadcast %parallel_loop3A_462 : i32 to vector<16xi32>
        %parallel_loop3A_464 = arith.cmpi eq, %iota3A, %parallel_loop3A_463 : vector<16xi32>
        %parallel_loop3A_465 = arith.constant true
        %parallel_loop3A_466 = vector.broadcast %parallel_loop3A_465 : i1 to vector<16xi1>
        %parallel_loop3A_467 = tpu.scan <sum>, %parallel_loop3A_450 masked %parallel_loop3A_466 : vector<16xi32>, vector<16xi1> -> vector<16xi32>
        %parallel_loop3A_468 = vector.extract %parallel_loop3A_467[15] : i32 from vector<16xi32>
        %parallel_loop3A_469 = vector.broadcast %parallel_loop3A_468 : i32 to vector<16xi32>
        %parallel_loop3A_470 = arith.select %parallel_loop3A_464, %parallel_loop3A_469, %parallel_loop3A_442 : vector<16xi1>, vector<16xi32>
        %parallel_loop3A_471 = arith.constant 16 : i32
        %parallel_loop3A_472 = arith.muli %parallel_loop3A_214, %parallel_loop3A_471 : i32
        %parallel_loop3A_473 = arith.constant 9 : i32
        %parallel_loop3A_474 = arith.addi %parallel_loop3A_472, %parallel_loop3A_473 : i32
        %parallel_loop3A_475 = arith.constant 16 : i32
        %parallel_loop3A_476 = arith.muli %parallel_loop3A_474, %parallel_loop3A_475 : i32
        %parallel_loop3A_477 = arith.index_cast %parallel_loop3A_476 : i32 to index
        %parallel_loop3A_478 = tpu.vector_load %arg6[%parallel_loop3A_477] {strides = array<i32>} : memref<2048xi32, #tpu.memory_space<vmem>>, vector<16xi32>,
        %parallel_loop3A_479 = arith.constant true
        %parallel_loop3A_480 = vector.broadcast %parallel_loop3A_479 : i1 to vector<16xi1>
        %parallel_loop3A_481 = tpu.scan <sum>, %parallel_loop3A_478 masked %parallel_loop3A_480 : vector<16xi32>, vector<16xi1> -> vector<16xi32>
        %parallel_loop3A_482 = arith.constant 16 : i32
        %parallel_loop3A_483 = arith.muli %parallel_loop3A_474, %parallel_loop3A_482 : i32
        %parallel_loop3A_484 = arith.index_cast %parallel_loop3A_483 : i32 to index
        %parallel_loop3A_485 = tpu.vector_load %arg7[%parallel_loop3A_484] {strides = array<i32>} : memref<2048xi32, #tpu.memory_space<vmem>>, vector<16xi32>,
        tpu.vector_store %arg7[%parallel_loop3A_484], %parallel_loop3A_481 {strides = array<i32>} : memref<2048xi32, #tpu.memory_space<vmem>>, vector<16xi32>,
        %parallel_loop3A_486 = arith.constant 16 : i32
        %parallel_loop3A_487 = arith.muli %parallel_loop3A_474, %parallel_loop3A_486 : i32
        %parallel_loop3A_488 = arith.index_cast %parallel_loop3A_487 : i32 to index
        %parallel_loop3A_489 = tpu.vector_load %arg6[%parallel_loop3A_488] {strides = array<i32>} : memref<2048xi32, #tpu.memory_space<vmem>>, vector<16xi32>,
        tpu.vector_store %arg6[%parallel_loop3A_488], %broadcast_in_dim3A_1 {strides = array<i32>} : memref<2048xi32, #tpu.memory_space<vmem>>, vector<16xi32>,
        %parallel_loop3A_490 = arith.constant 9 : i32
        %parallel_loop3A_491 = vector.broadcast %parallel_loop3A_490 : i32 to vector<16xi32>
        %parallel_loop3A_492 = arith.cmpi eq, %iota3A, %parallel_loop3A_491 : vector<16xi32>
        %parallel_loop3A_493 = arith.constant true
        %parallel_loop3A_494 = vector.broadcast %parallel_loop3A_493 : i1 to vector<16xi1>
        %parallel_loop3A_495 = tpu.scan <sum>, %parallel_loop3A_478 masked %parallel_loop3A_494 : vector<16xi32>, vector<16xi1> -> vector<16xi32>
        %parallel_loop3A_496 = vector.extract %parallel_loop3A_495[15] : i32 from vector<16xi32>
        %parallel_loop3A_497 = vector.broadcast %parallel_loop3A_496 : i32 to vector<16xi32>
        %parallel_loop3A_498 = arith.select %parallel_loop3A_492, %parallel_loop3A_497, %parallel_loop3A_470 : vector<16xi1>, vector<16xi32>
        %parallel_loop3A_499 = arith.constant 16 : i32
        %parallel_loop3A_500 = arith.muli %parallel_loop3A_214, %parallel_loop3A_499 : i32
        %parallel_loop3A_501 = arith.constant 10 : i32
        %parallel_loop3A_502 = arith.addi %parallel_loop3A_500, %parallel_loop3A_501 : i32
        %parallel_loop3A_503 = arith.constant 16 : i32
        %parallel_loop3A_504 = arith.muli %parallel_loop3A_502, %parallel_loop3A_503 : i32
        %parallel_loop3A_505 = arith.index_cast %parallel_loop3A_504 : i32 to index
        %parallel_loop3A_506 = tpu.vector_load %arg6[%parallel_loop3A_505] {strides = array<i32>} : memref<2048xi32, #tpu.memory_space<vmem>>, vector<16xi32>,
        %parallel_loop3A_507 = arith.constant true
        %parallel_loop3A_508 = vector.broadcast %parallel_loop3A_507 : i1 to vector<16xi1>
        %parallel_loop3A_509 = tpu.scan <sum>, %parallel_loop3A_506 masked %parallel_loop3A_508 : vector<16xi32>, vector<16xi1> -> vector<16xi32>
        %parallel_loop3A_510 = arith.constant 16 : i32
        %parallel_loop3A_511 = arith.muli %parallel_loop3A_502, %parallel_loop3A_510 : i32
        %parallel_loop3A_512 = arith.index_cast %parallel_loop3A_511 : i32 to index
        %parallel_loop3A_513 = tpu.vector_load %arg7[%parallel_loop3A_512] {strides = array<i32>} : memref<2048xi32, #tpu.memory_space<vmem>>, vector<16xi32>,
        tpu.vector_store %arg7[%parallel_loop3A_512], %parallel_loop3A_509 {strides = array<i32>} : memref<2048xi32, #tpu.memory_space<vmem>>, vector<16xi32>,
        %parallel_loop3A_514 = arith.constant 16 : i32
        %parallel_loop3A_515 = arith.muli %parallel_loop3A_502, %parallel_loop3A_514 : i32
        %parallel_loop3A_516 = arith.index_cast %parallel_loop3A_515 : i32 to index
        %parallel_loop3A_517 = tpu.vector_load %arg6[%parallel_loop3A_516] {strides = array<i32>} : memref<2048xi32, #tpu.memory_space<vmem>>, vector<16xi32>,
        tpu.vector_store %arg6[%parallel_loop3A_516], %broadcast_in_dim3A_1 {strides = array<i32>} : memref<2048xi32, #tpu.memory_space<vmem>>, vector<16xi32>,
        %parallel_loop3A_518 = arith.constant 10 : i32
        %parallel_loop3A_519 = vector.broadcast %parallel_loop3A_518 : i32 to vector<16xi32>
        %parallel_loop3A_520 = arith.cmpi eq, %iota3A, %parallel_loop3A_519 : vector<16xi32>
        %parallel_loop3A_521 = arith.constant true
        %parallel_loop3A_522 = vector.broadcast %parallel_loop3A_521 : i1 to vector<16xi1>
        %parallel_loop3A_523 = tpu.scan <sum>, %parallel_loop3A_506 masked %parallel_loop3A_522 : vector<16xi32>, vector<16xi1> -> vector<16xi32>
        %parallel_loop3A_524 = vector.extract %parallel_loop3A_523[15] : i32 from vector<16xi32>
        %parallel_loop3A_525 = vector.broadcast %parallel_loop3A_524 : i32 to vector<16xi32>
        %parallel_loop3A_526 = arith.select %parallel_loop3A_520, %parallel_loop3A_525, %parallel_loop3A_498 : vector<16xi1>, vector<16xi32>
        %parallel_loop3A_527 = arith.constant 16 : i32
        %parallel_loop3A_528 = arith.muli %parallel_loop3A_214, %parallel_loop3A_527 : i32
        %parallel_loop3A_529 = arith.constant 11 : i32
        %parallel_loop3A_530 = arith.addi %parallel_loop3A_528, %parallel_loop3A_529 : i32
        %parallel_loop3A_531 = arith.constant 16 : i32
        %parallel_loop3A_532 = arith.muli %parallel_loop3A_530, %parallel_loop3A_531 : i32
        %parallel_loop3A_533 = arith.index_cast %parallel_loop3A_532 : i32 to index
        %parallel_loop3A_534 = tpu.vector_load %arg6[%parallel_loop3A_533] {strides = array<i32>} : memref<2048xi32, #tpu.memory_space<vmem>>, vector<16xi32>,
        %parallel_loop3A_535 = arith.constant true
        %parallel_loop3A_536 = vector.broadcast %parallel_loop3A_535 : i1 to vector<16xi1>
        %parallel_loop3A_537 = tpu.scan <sum>, %parallel_loop3A_534 masked %parallel_loop3A_536 : vector<16xi32>, vector<16xi1> -> vector<16xi32>
        %parallel_loop3A_538 = arith.constant 16 : i32
        %parallel_loop3A_539 = arith.muli %parallel_loop3A_530, %parallel_loop3A_538 : i32
        %parallel_loop3A_540 = arith.index_cast %parallel_loop3A_539 : i32 to index
        %parallel_loop3A_541 = tpu.vector_load %arg7[%parallel_loop3A_540] {strides = array<i32>} : memref<2048xi32, #tpu.memory_space<vmem>>, vector<16xi32>,
        tpu.vector_store %arg7[%parallel_loop3A_540], %parallel_loop3A_537 {strides = array<i32>} : memref<2048xi32, #tpu.memory_space<vmem>>, vector<16xi32>,
        %parallel_loop3A_542 = arith.constant 16 : i32
        %parallel_loop3A_543 = arith.muli %parallel_loop3A_530, %parallel_loop3A_542 : i32
        %parallel_loop3A_544 = arith.index_cast %parallel_loop3A_543 : i32 to index
        %parallel_loop3A_545 = tpu.vector_load %arg6[%parallel_loop3A_544] {strides = array<i32>} : memref<2048xi32, #tpu.memory_space<vmem>>, vector<16xi32>,
        tpu.vector_store %arg6[%parallel_loop3A_544], %broadcast_in_dim3A_1 {strides = array<i32>} : memref<2048xi32, #tpu.memory_space<vmem>>, vector<16xi32>,
        %parallel_loop3A_546 = arith.constant 11 : i32
        %parallel_loop3A_547 = vector.broadcast %parallel_loop3A_546 : i32 to vector<16xi32>
        %parallel_loop3A_548 = arith.cmpi eq, %iota3A, %parallel_loop3A_547 : vector<16xi32>
        %parallel_loop3A_549 = arith.constant true
        %parallel_loop3A_550 = vector.broadcast %parallel_loop3A_549 : i1 to vector<16xi1>
        %parallel_loop3A_551 = tpu.scan <sum>, %parallel_loop3A_534 masked %parallel_loop3A_550 : vector<16xi32>, vector<16xi1> -> vector<16xi32>
        %parallel_loop3A_552 = vector.extract %parallel_loop3A_551[15] : i32 from vector<16xi32>
        %parallel_loop3A_553 = vector.broadcast %parallel_loop3A_552 : i32 to vector<16xi32>
        %parallel_loop3A_554 = arith.select %parallel_loop3A_548, %parallel_loop3A_553, %parallel_loop3A_526 : vector<16xi1>, vector<16xi32>
        %parallel_loop3A_555 = arith.constant 16 : i32
        %parallel_loop3A_556 = arith.muli %parallel_loop3A_214, %parallel_loop3A_555 : i32
        %parallel_loop3A_557 = arith.constant 12 : i32
        %parallel_loop3A_558 = arith.addi %parallel_loop3A_556, %parallel_loop3A_557 : i32
        %parallel_loop3A_559 = arith.constant 16 : i32
        %parallel_loop3A_560 = arith.muli %parallel_loop3A_558, %parallel_loop3A_559 : i32
        %parallel_loop3A_561 = arith.index_cast %parallel_loop3A_560 : i32 to index
        %parallel_loop3A_562 = tpu.vector_load %arg6[%parallel_loop3A_561] {strides = array<i32>} : memref<2048xi32, #tpu.memory_space<vmem>>, vector<16xi32>,
        %parallel_loop3A_563 = arith.constant true
        %parallel_loop3A_564 = vector.broadcast %parallel_loop3A_563 : i1 to vector<16xi1>
        %parallel_loop3A_565 = tpu.scan <sum>, %parallel_loop3A_562 masked %parallel_loop3A_564 : vector<16xi32>, vector<16xi1> -> vector<16xi32>
        %parallel_loop3A_566 = arith.constant 16 : i32
        %parallel_loop3A_567 = arith.muli %parallel_loop3A_558, %parallel_loop3A_566 : i32
        %parallel_loop3A_568 = arith.index_cast %parallel_loop3A_567 : i32 to index
        %parallel_loop3A_569 = tpu.vector_load %arg7[%parallel_loop3A_568] {strides = array<i32>} : memref<2048xi32, #tpu.memory_space<vmem>>, vector<16xi32>,
        tpu.vector_store %arg7[%parallel_loop3A_568], %parallel_loop3A_565 {strides = array<i32>} : memref<2048xi32, #tpu.memory_space<vmem>>, vector<16xi32>,
        %parallel_loop3A_570 = arith.constant 16 : i32
        %parallel_loop3A_571 = arith.muli %parallel_loop3A_558, %parallel_loop3A_570 : i32
        %parallel_loop3A_572 = arith.index_cast %parallel_loop3A_571 : i32 to index
        %parallel_loop3A_573 = tpu.vector_load %arg6[%parallel_loop3A_572] {strides = array<i32>} : memref<2048xi32, #tpu.memory_space<vmem>>, vector<16xi32>,
        tpu.vector_store %arg6[%parallel_loop3A_572], %broadcast_in_dim3A_1 {strides = array<i32>} : memref<2048xi32, #tpu.memory_space<vmem>>, vector<16xi32>,
        %parallel_loop3A_574 = arith.constant 12 : i32
        %parallel_loop3A_575 = vector.broadcast %parallel_loop3A_574 : i32 to vector<16xi32>
        %parallel_loop3A_576 = arith.cmpi eq, %iota3A, %parallel_loop3A_575 : vector<16xi32>
        %parallel_loop3A_577 = arith.constant true
        %parallel_loop3A_578 = vector.broadcast %parallel_loop3A_577 : i1 to vector<16xi1>
        %parallel_loop3A_579 = tpu.scan <sum>, %parallel_loop3A_562 masked %parallel_loop3A_578 : vector<16xi32>, vector<16xi1> -> vector<16xi32>
        %parallel_loop3A_580 = vector.extract %parallel_loop3A_579[15] : i32 from vector<16xi32>
        %parallel_loop3A_581 = vector.broadcast %parallel_loop3A_580 : i32 to vector<16xi32>
        %parallel_loop3A_582 = arith.select %parallel_loop3A_576, %parallel_loop3A_581, %parallel_loop3A_554 : vector<16xi1>, vector<16xi32>
        %parallel_loop3A_583 = arith.constant 16 : i32
        %parallel_loop3A_584 = arith.muli %parallel_loop3A_214, %parallel_loop3A_583 : i32
        %parallel_loop3A_585 = arith.constant 13 : i32
        %parallel_loop3A_586 = arith.addi %parallel_loop3A_584, %parallel_loop3A_585 : i32
        %parallel_loop3A_587 = arith.constant 16 : i32
        %parallel_loop3A_588 = arith.muli %parallel_loop3A_586, %parallel_loop3A_587 : i32
        %parallel_loop3A_589 = arith.index_cast %parallel_loop3A_588 : i32 to index
        %parallel_loop3A_590 = tpu.vector_load %arg6[%parallel_loop3A_589] {strides = array<i32>} : memref<2048xi32, #tpu.memory_space<vmem>>, vector<16xi32>,
        %parallel_loop3A_591 = arith.constant true
        %parallel_loop3A_592 = vector.broadcast %parallel_loop3A_591 : i1 to vector<16xi1>
        %parallel_loop3A_593 = tpu.scan <sum>, %parallel_loop3A_590 masked %parallel_loop3A_592 : vector<16xi32>, vector<16xi1> -> vector<16xi32>
        %parallel_loop3A_594 = arith.constant 16 : i32
        %parallel_loop3A_595 = arith.muli %parallel_loop3A_586, %parallel_loop3A_594 : i32
        %parallel_loop3A_596 = arith.index_cast %parallel_loop3A_595 : i32 to index
        %parallel_loop3A_597 = tpu.vector_load %arg7[%parallel_loop3A_596] {strides = array<i32>} : memref<2048xi32, #tpu.memory_space<vmem>>, vector<16xi32>,
        tpu.vector_store %arg7[%parallel_loop3A_596], %parallel_loop3A_593 {strides = array<i32>} : memref<2048xi32, #tpu.memory_space<vmem>>, vector<16xi32>,
        %parallel_loop3A_598 = arith.constant 16 : i32
        %parallel_loop3A_599 = arith.muli %parallel_loop3A_586, %parallel_loop3A_598 : i32
        %parallel_loop3A_600 = arith.index_cast %parallel_loop3A_599 : i32 to index
        %parallel_loop3A_601 = tpu.vector_load %arg6[%parallel_loop3A_600] {strides = array<i32>} : memref<2048xi32, #tpu.memory_space<vmem>>, vector<16xi32>,
        tpu.vector_store %arg6[%parallel_loop3A_600], %broadcast_in_dim3A_1 {strides = array<i32>} : memref<2048xi32, #tpu.memory_space<vmem>>, vector<16xi32>,
        %parallel_loop3A_602 = arith.constant 13 : i32
        %parallel_loop3A_603 = vector.broadcast %parallel_loop3A_602 : i32 to vector<16xi32>
        %parallel_loop3A_604 = arith.cmpi eq, %iota3A, %parallel_loop3A_603 : vector<16xi32>
        %parallel_loop3A_605 = arith.constant true
        %parallel_loop3A_606 = vector.broadcast %parallel_loop3A_605 : i1 to vector<16xi1>
        %parallel_loop3A_607 = tpu.scan <sum>, %parallel_loop3A_590 masked %parallel_loop3A_606 : vector<16xi32>, vector<16xi1> -> vector<16xi32>
        %parallel_loop3A_608 = vector.extract %parallel_loop3A_607[15] : i32 from vector<16xi32>
        %parallel_loop3A_609 = vector.broadcast %parallel_loop3A_608 : i32 to vector<16xi32>
        %parallel_loop3A_610 = arith.select %parallel_loop3A_604, %parallel_loop3A_609, %parallel_loop3A_582 : vector<16xi1>, vector<16xi32>
        %parallel_loop3A_611 = arith.constant 16 : i32
        %parallel_loop3A_612 = arith.muli %parallel_loop3A_214, %parallel_loop3A_611 : i32
        %parallel_loop3A_613 = arith.constant 14 : i32
        %parallel_loop3A_614 = arith.addi %parallel_loop3A_612, %parallel_loop3A_613 : i32
        %parallel_loop3A_615 = arith.constant 16 : i32
        %parallel_loop3A_616 = arith.muli %parallel_loop3A_614, %parallel_loop3A_615 : i32
        %parallel_loop3A_617 = arith.index_cast %parallel_loop3A_616 : i32 to index
        %parallel_loop3A_618 = tpu.vector_load %arg6[%parallel_loop3A_617] {strides = array<i32>} : memref<2048xi32, #tpu.memory_space<vmem>>, vector<16xi32>,
        %parallel_loop3A_619 = arith.constant true
        %parallel_loop3A_620 = vector.broadcast %parallel_loop3A_619 : i1 to vector<16xi1>
        %parallel_loop3A_621 = tpu.scan <sum>, %parallel_loop3A_618 masked %parallel_loop3A_620 : vector<16xi32>, vector<16xi1> -> vector<16xi32>
        %parallel_loop3A_622 = arith.constant 16 : i32
        %parallel_loop3A_623 = arith.muli %parallel_loop3A_614, %parallel_loop3A_622 : i32
        %parallel_loop3A_624 = arith.index_cast %parallel_loop3A_623 : i32 to index
        %parallel_loop3A_625 = tpu.vector_load %arg7[%parallel_loop3A_624] {strides = array<i32>} : memref<2048xi32, #tpu.memory_space<vmem>>, vector<16xi32>,
        tpu.vector_store %arg7[%parallel_loop3A_624], %parallel_loop3A_621 {strides = array<i32>} : memref<2048xi32, #tpu.memory_space<vmem>>, vector<16xi32>,
        %parallel_loop3A_626 = arith.constant 16 : i32
        %parallel_loop3A_627 = arith.muli %parallel_loop3A_614, %parallel_loop3A_626 : i32
        %parallel_loop3A_628 = arith.index_cast %parallel_loop3A_627 : i32 to index
        %parallel_loop3A_629 = tpu.vector_load %arg6[%parallel_loop3A_628] {strides = array<i32>} : memref<2048xi32, #tpu.memory_space<vmem>>, vector<16xi32>,
        tpu.vector_store %arg6[%parallel_loop3A_628], %broadcast_in_dim3A_1 {strides = array<i32>} : memref<2048xi32, #tpu.memory_space<vmem>>, vector<16xi32>,
        %parallel_loop3A_630 = arith.constant 14 : i32
        %parallel_loop3A_631 = vector.broadcast %parallel_loop3A_630 : i32 to vector<16xi32>
        %parallel_loop3A_632 = arith.cmpi eq, %iota3A, %parallel_loop3A_631 : vector<16xi32>
        %parallel_loop3A_633 = arith.constant true
        %parallel_loop3A_634 = vector.broadcast %parallel_loop3A_633 : i1 to vector<16xi1>
        %parallel_loop3A_635 = tpu.scan <sum>, %parallel_loop3A_618 masked %parallel_loop3A_634 : vector<16xi32>, vector<16xi1> -> vector<16xi32>
        %parallel_loop3A_636 = vector.extract %parallel_loop3A_635[15] : i32 from vector<16xi32>
        %parallel_loop3A_637 = vector.broadcast %parallel_loop3A_636 : i32 to vector<16xi32>
        %parallel_loop3A_638 = arith.select %parallel_loop3A_632, %parallel_loop3A_637, %parallel_loop3A_610 : vector<16xi1>, vector<16xi32>
        %parallel_loop3A_639 = arith.constant 16 : i32
        %parallel_loop3A_640 = arith.muli %parallel_loop3A_214, %parallel_loop3A_639 : i32
        %parallel_loop3A_641 = arith.constant 15 : i32
        %parallel_loop3A_642 = arith.addi %parallel_loop3A_640, %parallel_loop3A_641 : i32
        %parallel_loop3A_643 = arith.constant 16 : i32
        %parallel_loop3A_644 = arith.muli %parallel_loop3A_642, %parallel_loop3A_643 : i32
        %parallel_loop3A_645 = arith.index_cast %parallel_loop3A_644 : i32 to index
        %parallel_loop3A_646 = tpu.vector_load %arg6[%parallel_loop3A_645] {strides = array<i32>} : memref<2048xi32, #tpu.memory_space<vmem>>, vector<16xi32>,
        %parallel_loop3A_647 = arith.constant true
        %parallel_loop3A_648 = vector.broadcast %parallel_loop3A_647 : i1 to vector<16xi1>
        %parallel_loop3A_649 = tpu.scan <sum>, %parallel_loop3A_646 masked %parallel_loop3A_648 : vector<16xi32>, vector<16xi1> -> vector<16xi32>
        %parallel_loop3A_650 = arith.constant 16 : i32
        %parallel_loop3A_651 = arith.muli %parallel_loop3A_642, %parallel_loop3A_650 : i32
        %parallel_loop3A_652 = arith.index_cast %parallel_loop3A_651 : i32 to index
        %parallel_loop3A_653 = tpu.vector_load %arg7[%parallel_loop3A_652] {strides = array<i32>} : memref<2048xi32, #tpu.memory_space<vmem>>, vector<16xi32>,
        tpu.vector_store %arg7[%parallel_loop3A_652], %parallel_loop3A_649 {strides = array<i32>} : memref<2048xi32, #tpu.memory_space<vmem>>, vector<16xi32>,
        %parallel_loop3A_654 = arith.constant 16 : i32
        %parallel_loop3A_655 = arith.muli %parallel_loop3A_642, %parallel_loop3A_654 : i32
        %parallel_loop3A_656 = arith.index_cast %parallel_loop3A_655 : i32 to index
        %parallel_loop3A_657 = tpu.vector_load %arg6[%parallel_loop3A_656] {strides = array<i32>} : memref<2048xi32, #tpu.memory_space<vmem>>, vector<16xi32>,
        tpu.vector_store %arg6[%parallel_loop3A_656], %broadcast_in_dim3A_1 {strides = array<i32>} : memref<2048xi32, #tpu.memory_space<vmem>>, vector<16xi32>,
        %parallel_loop3A_658 = arith.constant 15 : i32
        %parallel_loop3A_659 = vector.broadcast %parallel_loop3A_658 : i32 to vector<16xi32>
        %parallel_loop3A_660 = arith.cmpi eq, %iota3A, %parallel_loop3A_659 : vector<16xi32>
        %parallel_loop3A_661 = arith.constant true
        %parallel_loop3A_662 = vector.broadcast %parallel_loop3A_661 : i1 to vector<16xi1>
        %parallel_loop3A_663 = tpu.scan <sum>, %parallel_loop3A_646 masked %parallel_loop3A_662 : vector<16xi32>, vector<16xi1> -> vector<16xi32>
        %parallel_loop3A_664 = vector.extract %parallel_loop3A_663[15] : i32 from vector<16xi32>
        %parallel_loop3A_665 = vector.broadcast %parallel_loop3A_664 : i32 to vector<16xi32>
        %parallel_loop3A_666 = arith.select %parallel_loop3A_660, %parallel_loop3A_665, %parallel_loop3A_638 : vector<16xi1>, vector<16xi32>
        %parallel_loop3A_667 = arith.constant true
        %parallel_loop3A_668 = vector.broadcast %parallel_loop3A_667 : i1 to vector<16xi1>
        %parallel_loop3A_669 = tpu.scan <sum>, %parallel_loop3A_666 masked %parallel_loop3A_668 : vector<16xi32>, vector<16xi1> -> vector<16xi32>
        %parallel_loop3A_670 = vector.broadcast %parallel_loop3A_218 : i32 to vector<16xi32>
        %parallel_loop3A_671 = arith.addi %parallel_loop3A_670, %parallel_loop3A_669 : vector<16xi32>
        %parallel_loop3A_672 = vector.broadcast %parallel_loop3A_21 : i32 to vector<16xi32>
        %parallel_loop3A_673 = arith.cmpi sge, %parallel_loop3A_671, %parallel_loop3A_672 : vector<16xi32>
        %parallel_loop3A_674 = arith.select %parallel_loop3A_673, %broadcast_in_dim3A_3, %broadcast_in_dim3A_1 : vector<16xi1>, vector<16xi32>
        %parallel_loop3A_675 = arith.constant true
        %parallel_loop3A_676 = vector.broadcast %parallel_loop3A_675 : i1 to vector<16xi1>
        %parallel_loop3A_677 = tpu.scan <sum>, %parallel_loop3A_674 masked %parallel_loop3A_676 : vector<16xi32>, vector<16xi1> -> vector<16xi32>
        %parallel_loop3A_678 = vector.extract %parallel_loop3A_677[15] : i32 from vector<16xi32>
        %parallel_loop3A_679 = arith.constant 0 : i32
        %parallel_loop3A_680 = arith.cmpi sgt, %parallel_loop3A_678, %parallel_loop3A_679 : i32
        %parallel_loop3A_681 = arith.constant true
        %parallel_loop3A_682 = vector.broadcast %parallel_loop3A_681 : i1 to vector<16xi1>
        %parallel_loop3A_683 = tpu.scan <sum>, %parallel_loop3A_674 masked %parallel_loop3A_682 : vector<16xi32>, vector<16xi1> -> vector<16xi32>
        %parallel_loop3A_684 = arith.constant 1 : i32
        %parallel_loop3A_685 = vector.broadcast %parallel_loop3A_684 : i32 to vector<16xi32>
        %parallel_loop3A_686 = arith.cmpi eq, %parallel_loop3A_683, %parallel_loop3A_685 : vector<16xi32>
        %parallel_loop3A_687 = arith.andi %parallel_loop3A_673, %parallel_loop3A_686 : vector<16xi1>
        %parallel_loop3A_688 = arith.constant 16 : i32
        %parallel_loop3A_689 = arith.muli %parallel_loop3A_214, %parallel_loop3A_688 : i32
        %parallel_loop3A_690 = arith.select %parallel_loop3A_687, %iota3A, %broadcast_in_dim3A_1 : vector<16xi1>, vector<16xi32>
        %parallel_loop3A_691 = arith.constant true
        %parallel_loop3A_692 = vector.broadcast %parallel_loop3A_691 : i1 to vector<16xi1>
        %parallel_loop3A_693 = tpu.scan <sum>, %parallel_loop3A_690 masked %parallel_loop3A_692 : vector<16xi32>, vector<16xi1> -> vector<16xi32>
        %parallel_loop3A_694 = vector.extract %parallel_loop3A_693[15] : i32 from vector<16xi32>
        %parallel_loop3A_695 = arith.addi %parallel_loop3A_689, %parallel_loop3A_694 : i32
        %parallel_loop3A_696 = arith.subi %parallel_loop3A_669, %parallel_loop3A_666 : vector<16xi32>
        %parallel_loop3A_697 = arith.select %parallel_loop3A_687, %parallel_loop3A_696, %broadcast_in_dim3A_1 : vector<16xi1>, vector<16xi32>
        %parallel_loop3A_698 = arith.constant true
        %parallel_loop3A_699 = vector.broadcast %parallel_loop3A_698 : i1 to vector<16xi1>
        %parallel_loop3A_700 = tpu.scan <sum>, %parallel_loop3A_697 masked %parallel_loop3A_699 : vector<16xi32>, vector<16xi1> -> vector<16xi32>
        %parallel_loop3A_701 = vector.extract %parallel_loop3A_700[15] : i32 from vector<16xi32>
        %parallel_loop3A_702 = arith.addi %parallel_loop3A_218, %parallel_loop3A_701 : i32
        %parallel_loop3A_703 = arith.constant 0 : i32
        %parallel_loop3A_704 = arith.cmpi eq, %parallel_loop3A_215, %parallel_loop3A_703 : i32
        %parallel_loop3A_705 = arith.andi %parallel_loop3A_680, %parallel_loop3A_704 : i1
        %parallel_loop3A_706 = arith.select %parallel_loop3A_705, %parallel_loop3A_695, %parallel_loop3A_216 : i32
        %parallel_loop3A_707 = arith.select %parallel_loop3A_705, %parallel_loop3A_702, %parallel_loop3A_217 : i32
        %parallel_loop3A_708 = arith.constant 1 : i32
        %parallel_loop3A_709 = arith.constant 0 : i32
        %parallel_loop3A_710 = arith.select %parallel_loop3A_680, %parallel_loop3A_708, %parallel_loop3A_709 : i32
        %parallel_loop3A_711 = arith.ori %parallel_loop3A_215, %parallel_loop3A_710 : i32
        %parallel_loop3A_712 = arith.constant true
        %parallel_loop3A_713 = vector.broadcast %parallel_loop3A_712 : i1 to vector<16xi1>
        %parallel_loop3A_714 = tpu.scan <sum>, %parallel_loop3A_666 masked %parallel_loop3A_713 : vector<16xi32>, vector<16xi1> -> vector<16xi32>
        %parallel_loop3A_715 = vector.extract %parallel_loop3A_714[15] : i32 from vector<16xi32>
        %parallel_loop3A_716 = arith.addi %parallel_loop3A_218, %parallel_loop3A_715 : i32
        scf.yield %parallel_loop3A_711, %parallel_loop3A_706, %parallel_loop3A_707, %parallel_loop3A_716 : i32, i32, i32, i32
      } {sc.loop_unroll_factor = 1 : i64, sc.parallel_access}
      %mul3A_27 = arith.constant 16 : i32
      %mul3A_28 = arith.muli %parallel_loop3A_26#1, %mul3A_27 : i32
      %get3A = arith.index_cast %mul3A_28 : i32 to index
      %get3A_29 = tpu.vector_load %arg7[%get3A] {strides = array<i32>} : memref<2048xi32, #tpu.memory_space<vmem>>, vector<16xi32>,
      %add3A_30 = vector.broadcast %parallel_loop3A_26#2 : i32 to vector<16xi32>
      %add3A_31 = arith.addi %add3A_30, %get3A_29 : vector<16xi32>
      %ge3A = arith.constant 4096 : i32
      %ge3A_32 = vector.broadcast %ge3A : i32 to vector<16xi32>
      %ge3A_33 = arith.cmpi sge, %add3A_31, %ge3A_32 : vector<16xi32>
      %select_n3A = arith.select %ge3A_33, %broadcast_in_dim3A_3, %broadcast_in_dim3A_1 : vector<16xi1>, vector<16xi32>
      %broadcast_in_dim3A_34 = arith.constant true
      %broadcast_in_dim3A_35 = vector.broadcast %broadcast_in_dim3A_34 : i1 to vector<16xi1>
      %masked_cumsum3A = tpu.scan <sum>, %select_n3A masked %broadcast_in_dim3A_35 : vector<16xi32>, vector<16xi1> -> vector<16xi32>
      %eq3A = arith.constant 1 : i32
      %eq3A_36 = vector.broadcast %eq3A : i32 to vector<16xi32>
      %eq3A_37 = arith.cmpi eq, %masked_cumsum3A, %eq3A_36 : vector<16xi32>
      %and3A = arith.andi %ge3A_33, %eq3A_37 : vector<16xi1>
      %select_n3A_38 = arith.select %and3A, %iota3A, %broadcast_in_dim3A_1 : vector<16xi1>, vector<16xi32>
      %reduce_sum3A = arith.constant true
      %reduce_sum3A_39 = vector.broadcast %reduce_sum3A : i1 to vector<16xi1>
      %reduce_sum3A_40 = tpu.scan <sum>, %select_n3A_38 masked %reduce_sum3A_39 : vector<16xi32>, vector<16xi1> -> vector<16xi32>
      %reduce_sum3A_41 = vector.extract %reduce_sum3A_40[15] : i32 from vector<16xi32>
      %mul3A_42 = arith.constant 16 : i32
      %mul3A_43 = arith.muli %parallel_loop3A_26#1, %mul3A_42 : i32
      %add3A_44 = arith.addi %mul3A_43, %reduce_sum3A_41 : i32
      %sub3A = arith.constant 1 : i32
      %sub3A_45 = arith.subi %reduce_sum3A_41, %sub3A : i32
      %eq3A_46 = vector.broadcast %sub3A_45 : i32 to vector<16xi32>
      %eq3A_47 = arith.cmpi eq, %iota3A, %eq3A_46 : vector<16xi32>
      %select_n3A_48 = arith.select %eq3A_47, %get3A_29, %broadcast_in_dim3A_1 : vector<16xi1>, vector<16xi32>
      %reduce_sum3A_49 = arith.constant true
      %reduce_sum3A_50 = vector.broadcast %reduce_sum3A_49 : i1 to vector<16xi1>
      %reduce_sum3A_51 = tpu.scan <sum>, %select_n3A_48 masked %reduce_sum3A_50 : vector<16xi32>, vector<16xi1> -> vector<16xi32>
      %reduce_sum3A_52 = vector.extract %reduce_sum3A_51[15] : i32 from vector<16xi32>
      %eq3A_53 = vector.broadcast %reduce_sum3A_41 : i32 to vector<16xi32>
      %eq3A_54 = arith.cmpi eq, %iota3A, %eq3A_53 : vector<16xi32>
      %select_n3A_55 = arith.select %eq3A_54, %get3A_29, %broadcast_in_dim3A_1 : vector<16xi1>, vector<16xi32>
      %reduce_sum3A_56 = arith.constant true
      %reduce_sum3A_57 = vector.broadcast %reduce_sum3A_56 : i1 to vector<16xi1>
      %reduce_sum3A_58 = tpu.scan <sum>, %select_n3A_55 masked %reduce_sum3A_57 : vector<16xi32>, vector<16xi1> -> vector<16xi32>
      %reduce_sum3A_59 = vector.extract %reduce_sum3A_58[15] : i32 from vector<16xi32>
      %add3A_60 = arith.addi %parallel_loop3A_26#2, %reduce_sum3A_52 : i32
      %sub3A_61 = arith.subi %reduce_sum3A_59, %reduce_sum3A_52 : i32
      %parallel_loop3A_62 = arith.constant 0 : i32
      %parallel_loop3A_63 = arith.constant 512 : i32
      %parallel_loop3A_64 = arith.constant 1 : i32
      scf.for %parallel_loop3A_214 = %parallel_loop3A_62 to %parallel_loop3A_63 step %parallel_loop3A_64  : i32 {
        %parallel_loop3A_215 = arith.constant 16 : i32
        %parallel_loop3A_216 = arith.muli %parallel_loop3A_214, %parallel_loop3A_215 : i32
        %parallel_loop3A_217 = arith.index_cast %parallel_loop3A_216 : i32 to index
        %parallel_loop3A_218 = tpu.vector_load %arg5[%parallel_loop3A_217] {strides = array<i32>} : memref<8192xi32, #tpu.memory_space<vmem>>, vector<16xi32>,
        %parallel_loop3A_219 = arith.constant 21 : i32
        %parallel_loop3A_220 = vector.broadcast %parallel_loop3A_219 : i32 to vector<16xi32>
        %parallel_loop3A_221 = arith.shrui %parallel_loop3A_218, %parallel_loop3A_220 : vector<16xi32>
        %parallel_loop3A_222 = vector.broadcast %add3A_44 : i32 to vector<16xi32>
        %parallel_loop3A_223 = arith.cmpi eq, %parallel_loop3A_221, %parallel_loop3A_222 : vector<16xi32>
        %parallel_loop3A_224 = arith.constant 10 : i32
        %parallel_loop3A_225 = vector.broadcast %parallel_loop3A_224 : i32 to vector<16xi32>
        %parallel_loop3A_226 = arith.shrui %parallel_loop3A_218, %parallel_loop3A_225 : vector<16xi32>
        %parallel_loop3A_227 = arith.constant 2047 : i32
        %parallel_loop3A_228 = vector.broadcast %parallel_loop3A_227 : i32 to vector<16xi32>
        %parallel_loop3A_229 = arith.andi %parallel_loop3A_226, %parallel_loop3A_228 : vector<16xi32>
        %parallel_loop3A_230 = vector.bitcast %parallel_loop3A_229 : vector<16xi32> to vector<16xi32>
        tpu.vector_store_idx %arg6[%parallel_loop3A_230], %broadcast_in_dim3A_3 masked %parallel_loop3A_223 {add = true} : memref<2048xi32, #tpu.memory_space<vmem>>[vector<16xi32>], vector<16xi32>, vector<16xi1>
      } {sc.loop_unroll_factor = 8 : i64, sc.parallel_access}
      %sub3A_65 = arith.constant 4096 : i32
      %sub3A_66 = arith.subi %sub3A_65, %add3A_60 : i32
      %parallel_loop3A_67 = arith.constant 0 : i32
      %parallel_loop3A_68 = arith.constant 8 : i32
      %parallel_loop3A_69 = arith.constant 1 : i32
      %parallel_loop3A_70 = arith.constant 0 : i32
      %parallel_loop3A_71 = arith.constant 0 : i32
      %parallel_loop3A_72 = arith.constant 0 : i32
      %parallel_loop3A_73 = arith.constant 0 : i32
      %parallel_loop3A_74:4 = scf.for %parallel_loop3A_214 = %parallel_loop3A_67 to %parallel_loop3A_68 step %parallel_loop3A_69 iter_args(%parallel_loop3A_215 = %parallel_loop3A_70, %parallel_loop3A_216 = %parallel_loop3A_71, %parallel_loop3A_217 = %parallel_loop3A_72, %parallel_loop3A_218 = %parallel_loop3A_73) -> (i32, i32, i32, i32)  : i32 {
        %parallel_loop3A_219 = arith.constant 16 : i32
        %parallel_loop3A_220 = arith.muli %parallel_loop3A_214, %parallel_loop3A_219 : i32
        %parallel_loop3A_221 = arith.constant 0 : i32
        %parallel_loop3A_222 = arith.addi %parallel_loop3A_220, %parallel_loop3A_221 : i32
        %parallel_loop3A_223 = arith.constant 16 : i32
        %parallel_loop3A_224 = arith.muli %parallel_loop3A_222, %parallel_loop3A_223 : i32
        %parallel_loop3A_225 = arith.index_cast %parallel_loop3A_224 : i32 to index
        %parallel_loop3A_226 = tpu.vector_load %arg6[%parallel_loop3A_225] {strides = array<i32>} : memref<2048xi32, #tpu.memory_space<vmem>>, vector<16xi32>,
        %parallel_loop3A_227 = arith.constant true
        %parallel_loop3A_228 = vector.broadcast %parallel_loop3A_227 : i1 to vector<16xi1>
        %parallel_loop3A_229 = tpu.scan <sum>, %parallel_loop3A_226 masked %parallel_loop3A_228 : vector<16xi32>, vector<16xi1> -> vector<16xi32>
        %parallel_loop3A_230 = arith.constant 16 : i32
        %parallel_loop3A_231 = arith.muli %parallel_loop3A_222, %parallel_loop3A_230 : i32
        %parallel_loop3A_232 = arith.index_cast %parallel_loop3A_231 : i32 to index
        %parallel_loop3A_233 = tpu.vector_load %arg7[%parallel_loop3A_232] {strides = array<i32>} : memref<2048xi32, #tpu.memory_space<vmem>>, vector<16xi32>,
        tpu.vector_store %arg7[%parallel_loop3A_232], %parallel_loop3A_229 {strides = array<i32>} : memref<2048xi32, #tpu.memory_space<vmem>>, vector<16xi32>,
        %parallel_loop3A_234 = arith.constant 16 : i32
        %parallel_loop3A_235 = arith.muli %parallel_loop3A_222, %parallel_loop3A_234 : i32
        %parallel_loop3A_236 = arith.index_cast %parallel_loop3A_235 : i32 to index
        %parallel_loop3A_237 = tpu.vector_load %arg6[%parallel_loop3A_236] {strides = array<i32>} : memref<2048xi32, #tpu.memory_space<vmem>>, vector<16xi32>,
        tpu.vector_store %arg6[%parallel_loop3A_236], %broadcast_in_dim3A_1 {strides = array<i32>} : memref<2048xi32, #tpu.memory_space<vmem>>, vector<16xi32>,
        %parallel_loop3A_238 = arith.constant 0 : i32
        %parallel_loop3A_239 = vector.broadcast %parallel_loop3A_238 : i32 to vector<16xi32>
        %parallel_loop3A_240 = arith.cmpi eq, %iota3A, %parallel_loop3A_239 : vector<16xi32>
        %parallel_loop3A_241 = arith.constant true
        %parallel_loop3A_242 = vector.broadcast %parallel_loop3A_241 : i1 to vector<16xi1>
        %parallel_loop3A_243 = tpu.scan <sum>, %parallel_loop3A_226 masked %parallel_loop3A_242 : vector<16xi32>, vector<16xi1> -> vector<16xi32>
        %parallel_loop3A_244 = vector.extract %parallel_loop3A_243[15] : i32 from vector<16xi32>
        %parallel_loop3A_245 = vector.broadcast %parallel_loop3A_244 : i32 to vector<16xi32>
        %parallel_loop3A_246 = arith.select %parallel_loop3A_240, %parallel_loop3A_245, %broadcast_in_dim3A_1 : vector<16xi1>, vector<16xi32>
        %parallel_loop3A_247 = arith.constant 16 : i32
        %parallel_loop3A_248 = arith.muli %parallel_loop3A_214, %parallel_loop3A_247 : i32
        %parallel_loop3A_249 = arith.constant 1 : i32
        %parallel_loop3A_250 = arith.addi %parallel_loop3A_248, %parallel_loop3A_249 : i32
        %parallel_loop3A_251 = arith.constant 16 : i32
        %parallel_loop3A_252 = arith.muli %parallel_loop3A_250, %parallel_loop3A_251 : i32
        %parallel_loop3A_253 = arith.index_cast %parallel_loop3A_252 : i32 to index
        %parallel_loop3A_254 = tpu.vector_load %arg6[%parallel_loop3A_253] {strides = array<i32>} : memref<2048xi32, #tpu.memory_space<vmem>>, vector<16xi32>,
        %parallel_loop3A_255 = arith.constant true
        %parallel_loop3A_256 = vector.broadcast %parallel_loop3A_255 : i1 to vector<16xi1>
        %parallel_loop3A_257 = tpu.scan <sum>, %parallel_loop3A_254 masked %parallel_loop3A_256 : vector<16xi32>, vector<16xi1> -> vector<16xi32>
        %parallel_loop3A_258 = arith.constant 16 : i32
        %parallel_loop3A_259 = arith.muli %parallel_loop3A_250, %parallel_loop3A_258 : i32
        %parallel_loop3A_260 = arith.index_cast %parallel_loop3A_259 : i32 to index
        %parallel_loop3A_261 = tpu.vector_load %arg7[%parallel_loop3A_260] {strides = array<i32>} : memref<2048xi32, #tpu.memory_space<vmem>>, vector<16xi32>,
        tpu.vector_store %arg7[%parallel_loop3A_260], %parallel_loop3A_257 {strides = array<i32>} : memref<2048xi32, #tpu.memory_space<vmem>>, vector<16xi32>,
        %parallel_loop3A_262 = arith.constant 16 : i32
        %parallel_loop3A_263 = arith.muli %parallel_loop3A_250, %parallel_loop3A_262 : i32
        %parallel_loop3A_264 = arith.index_cast %parallel_loop3A_263 : i32 to index
        %parallel_loop3A_265 = tpu.vector_load %arg6[%parallel_loop3A_264] {strides = array<i32>} : memref<2048xi32, #tpu.memory_space<vmem>>, vector<16xi32>,
        tpu.vector_store %arg6[%parallel_loop3A_264], %broadcast_in_dim3A_1 {strides = array<i32>} : memref<2048xi32, #tpu.memory_space<vmem>>, vector<16xi32>,
        %parallel_loop3A_266 = arith.constant 1 : i32
        %parallel_loop3A_267 = vector.broadcast %parallel_loop3A_266 : i32 to vector<16xi32>
        %parallel_loop3A_268 = arith.cmpi eq, %iota3A, %parallel_loop3A_267 : vector<16xi32>
        %parallel_loop3A_269 = arith.constant true
        %parallel_loop3A_270 = vector.broadcast %parallel_loop3A_269 : i1 to vector<16xi1>
        %parallel_loop3A_271 = tpu.scan <sum>, %parallel_loop3A_254 masked %parallel_loop3A_270 : vector<16xi32>, vector<16xi1> -> vector<16xi32>
        %parallel_loop3A_272 = vector.extract %parallel_loop3A_271[15] : i32 from vector<16xi32>
        %parallel_loop3A_273 = vector.broadcast %parallel_loop3A_272 : i32 to vector<16xi32>
        %parallel_loop3A_274 = arith.select %parallel_loop3A_268, %parallel_loop3A_273, %parallel_loop3A_246 : vector<16xi1>, vector<16xi32>
        %parallel_loop3A_275 = arith.constant 16 : i32
        %parallel_loop3A_276 = arith.muli %parallel_loop3A_214, %parallel_loop3A_275 : i32
        %parallel_loop3A_277 = arith.constant 2 : i32
        %parallel_loop3A_278 = arith.addi %parallel_loop3A_276, %parallel_loop3A_277 : i32
        %parallel_loop3A_279 = arith.constant 16 : i32
        %parallel_loop3A_280 = arith.muli %parallel_loop3A_278, %parallel_loop3A_279 : i32
        %parallel_loop3A_281 = arith.index_cast %parallel_loop3A_280 : i32 to index
        %parallel_loop3A_282 = tpu.vector_load %arg6[%parallel_loop3A_281] {strides = array<i32>} : memref<2048xi32, #tpu.memory_space<vmem>>, vector<16xi32>,
        %parallel_loop3A_283 = arith.constant true
        %parallel_loop3A_284 = vector.broadcast %parallel_loop3A_283 : i1 to vector<16xi1>
        %parallel_loop3A_285 = tpu.scan <sum>, %parallel_loop3A_282 masked %parallel_loop3A_284 : vector<16xi32>, vector<16xi1> -> vector<16xi32>
        %parallel_loop3A_286 = arith.constant 16 : i32
        %parallel_loop3A_287 = arith.muli %parallel_loop3A_278, %parallel_loop3A_286 : i32
        %parallel_loop3A_288 = arith.index_cast %parallel_loop3A_287 : i32 to index
        %parallel_loop3A_289 = tpu.vector_load %arg7[%parallel_loop3A_288] {strides = array<i32>} : memref<2048xi32, #tpu.memory_space<vmem>>, vector<16xi32>,
        tpu.vector_store %arg7[%parallel_loop3A_288], %parallel_loop3A_285 {strides = array<i32>} : memref<2048xi32, #tpu.memory_space<vmem>>, vector<16xi32>,
        %parallel_loop3A_290 = arith.constant 16 : i32
        %parallel_loop3A_291 = arith.muli %parallel_loop3A_278, %parallel_loop3A_290 : i32
        %parallel_loop3A_292 = arith.index_cast %parallel_loop3A_291 : i32 to index
        %parallel_loop3A_293 = tpu.vector_load %arg6[%parallel_loop3A_292] {strides = array<i32>} : memref<2048xi32, #tpu.memory_space<vmem>>, vector<16xi32>,
        tpu.vector_store %arg6[%parallel_loop3A_292], %broadcast_in_dim3A_1 {strides = array<i32>} : memref<2048xi32, #tpu.memory_space<vmem>>, vector<16xi32>,
        %parallel_loop3A_294 = arith.constant 2 : i32
        %parallel_loop3A_295 = vector.broadcast %parallel_loop3A_294 : i32 to vector<16xi32>
        %parallel_loop3A_296 = arith.cmpi eq, %iota3A, %parallel_loop3A_295 : vector<16xi32>
        %parallel_loop3A_297 = arith.constant true
        %parallel_loop3A_298 = vector.broadcast %parallel_loop3A_297 : i1 to vector<16xi1>
        %parallel_loop3A_299 = tpu.scan <sum>, %parallel_loop3A_282 masked %parallel_loop3A_298 : vector<16xi32>, vector<16xi1> -> vector<16xi32>
        %parallel_loop3A_300 = vector.extract %parallel_loop3A_299[15] : i32 from vector<16xi32>
        %parallel_loop3A_301 = vector.broadcast %parallel_loop3A_300 : i32 to vector<16xi32>
        %parallel_loop3A_302 = arith.select %parallel_loop3A_296, %parallel_loop3A_301, %parallel_loop3A_274 : vector<16xi1>, vector<16xi32>
        %parallel_loop3A_303 = arith.constant 16 : i32
        %parallel_loop3A_304 = arith.muli %parallel_loop3A_214, %parallel_loop3A_303 : i32
        %parallel_loop3A_305 = arith.constant 3 : i32
        %parallel_loop3A_306 = arith.addi %parallel_loop3A_304, %parallel_loop3A_305 : i32
        %parallel_loop3A_307 = arith.constant 16 : i32
        %parallel_loop3A_308 = arith.muli %parallel_loop3A_306, %parallel_loop3A_307 : i32
        %parallel_loop3A_309 = arith.index_cast %parallel_loop3A_308 : i32 to index
        %parallel_loop3A_310 = tpu.vector_load %arg6[%parallel_loop3A_309] {strides = array<i32>} : memref<2048xi32, #tpu.memory_space<vmem>>, vector<16xi32>,
        %parallel_loop3A_311 = arith.constant true
        %parallel_loop3A_312 = vector.broadcast %parallel_loop3A_311 : i1 to vector<16xi1>
        %parallel_loop3A_313 = tpu.scan <sum>, %parallel_loop3A_310 masked %parallel_loop3A_312 : vector<16xi32>, vector<16xi1> -> vector<16xi32>
        %parallel_loop3A_314 = arith.constant 16 : i32
        %parallel_loop3A_315 = arith.muli %parallel_loop3A_306, %parallel_loop3A_314 : i32
        %parallel_loop3A_316 = arith.index_cast %parallel_loop3A_315 : i32 to index
        %parallel_loop3A_317 = tpu.vector_load %arg7[%parallel_loop3A_316] {strides = array<i32>} : memref<2048xi32, #tpu.memory_space<vmem>>, vector<16xi32>,
        tpu.vector_store %arg7[%parallel_loop3A_316], %parallel_loop3A_313 {strides = array<i32>} : memref<2048xi32, #tpu.memory_space<vmem>>, vector<16xi32>,
        %parallel_loop3A_318 = arith.constant 16 : i32
        %parallel_loop3A_319 = arith.muli %parallel_loop3A_306, %parallel_loop3A_318 : i32
        %parallel_loop3A_320 = arith.index_cast %parallel_loop3A_319 : i32 to index
        %parallel_loop3A_321 = tpu.vector_load %arg6[%parallel_loop3A_320] {strides = array<i32>} : memref<2048xi32, #tpu.memory_space<vmem>>, vector<16xi32>,
        tpu.vector_store %arg6[%parallel_loop3A_320], %broadcast_in_dim3A_1 {strides = array<i32>} : memref<2048xi32, #tpu.memory_space<vmem>>, vector<16xi32>,
        %parallel_loop3A_322 = arith.constant 3 : i32
        %parallel_loop3A_323 = vector.broadcast %parallel_loop3A_322 : i32 to vector<16xi32>
        %parallel_loop3A_324 = arith.cmpi eq, %iota3A, %parallel_loop3A_323 : vector<16xi32>
        %parallel_loop3A_325 = arith.constant true
        %parallel_loop3A_326 = vector.broadcast %parallel_loop3A_325 : i1 to vector<16xi1>
        %parallel_loop3A_327 = tpu.scan <sum>, %parallel_loop3A_310 masked %parallel_loop3A_326 : vector<16xi32>, vector<16xi1> -> vector<16xi32>
        %parallel_loop3A_328 = vector.extract %parallel_loop3A_327[15] : i32 from vector<16xi32>
        %parallel_loop3A_329 = vector.broadcast %parallel_loop3A_328 : i32 to vector<16xi32>
        %parallel_loop3A_330 = arith.select %parallel_loop3A_324, %parallel_loop3A_329, %parallel_loop3A_302 : vector<16xi1>, vector<16xi32>
        %parallel_loop3A_331 = arith.constant 16 : i32
        %parallel_loop3A_332 = arith.muli %parallel_loop3A_214, %parallel_loop3A_331 : i32
        %parallel_loop3A_333 = arith.constant 4 : i32
        %parallel_loop3A_334 = arith.addi %parallel_loop3A_332, %parallel_loop3A_333 : i32
        %parallel_loop3A_335 = arith.constant 16 : i32
        %parallel_loop3A_336 = arith.muli %parallel_loop3A_334, %parallel_loop3A_335 : i32
        %parallel_loop3A_337 = arith.index_cast %parallel_loop3A_336 : i32 to index
        %parallel_loop3A_338 = tpu.vector_load %arg6[%parallel_loop3A_337] {strides = array<i32>} : memref<2048xi32, #tpu.memory_space<vmem>>, vector<16xi32>,
        %parallel_loop3A_339 = arith.constant true
        %parallel_loop3A_340 = vector.broadcast %parallel_loop3A_339 : i1 to vector<16xi1>
        %parallel_loop3A_341 = tpu.scan <sum>, %parallel_loop3A_338 masked %parallel_loop3A_340 : vector<16xi32>, vector<16xi1> -> vector<16xi32>
        %parallel_loop3A_342 = arith.constant 16 : i32
        %parallel_loop3A_343 = arith.muli %parallel_loop3A_334, %parallel_loop3A_342 : i32
        %parallel_loop3A_344 = arith.index_cast %parallel_loop3A_343 : i32 to index
        %parallel_loop3A_345 = tpu.vector_load %arg7[%parallel_loop3A_344] {strides = array<i32>} : memref<2048xi32, #tpu.memory_space<vmem>>, vector<16xi32>,
        tpu.vector_store %arg7[%parallel_loop3A_344], %parallel_loop3A_341 {strides = array<i32>} : memref<2048xi32, #tpu.memory_space<vmem>>, vector<16xi32>,
        %parallel_loop3A_346 = arith.constant 16 : i32
        %parallel_loop3A_347 = arith.muli %parallel_loop3A_334, %parallel_loop3A_346 : i32
        %parallel_loop3A_348 = arith.index_cast %parallel_loop3A_347 : i32 to index
        %parallel_loop3A_349 = tpu.vector_load %arg6[%parallel_loop3A_348] {strides = array<i32>} : memref<2048xi32, #tpu.memory_space<vmem>>, vector<16xi32>,
        tpu.vector_store %arg6[%parallel_loop3A_348], %broadcast_in_dim3A_1 {strides = array<i32>} : memref<2048xi32, #tpu.memory_space<vmem>>, vector<16xi32>,
        %parallel_loop3A_350 = arith.constant 4 : i32
        %parallel_loop3A_351 = vector.broadcast %parallel_loop3A_350 : i32 to vector<16xi32>
        %parallel_loop3A_352 = arith.cmpi eq, %iota3A, %parallel_loop3A_351 : vector<16xi32>
        %parallel_loop3A_353 = arith.constant true
        %parallel_loop3A_354 = vector.broadcast %parallel_loop3A_353 : i1 to vector<16xi1>
        %parallel_loop3A_355 = tpu.scan <sum>, %parallel_loop3A_338 masked %parallel_loop3A_354 : vector<16xi32>, vector<16xi1> -> vector<16xi32>
        %parallel_loop3A_356 = vector.extract %parallel_loop3A_355[15] : i32 from vector<16xi32>
        %parallel_loop3A_357 = vector.broadcast %parallel_loop3A_356 : i32 to vector<16xi32>
        %parallel_loop3A_358 = arith.select %parallel_loop3A_352, %parallel_loop3A_357, %parallel_loop3A_330 : vector<16xi1>, vector<16xi32>
        %parallel_loop3A_359 = arith.constant 16 : i32
        %parallel_loop3A_360 = arith.muli %parallel_loop3A_214, %parallel_loop3A_359 : i32
        %parallel_loop3A_361 = arith.constant 5 : i32
        %parallel_loop3A_362 = arith.addi %parallel_loop3A_360, %parallel_loop3A_361 : i32
        %parallel_loop3A_363 = arith.constant 16 : i32
        %parallel_loop3A_364 = arith.muli %parallel_loop3A_362, %parallel_loop3A_363 : i32
        %parallel_loop3A_365 = arith.index_cast %parallel_loop3A_364 : i32 to index
        %parallel_loop3A_366 = tpu.vector_load %arg6[%parallel_loop3A_365] {strides = array<i32>} : memref<2048xi32, #tpu.memory_space<vmem>>, vector<16xi32>,
        %parallel_loop3A_367 = arith.constant true
        %parallel_loop3A_368 = vector.broadcast %parallel_loop3A_367 : i1 to vector<16xi1>
        %parallel_loop3A_369 = tpu.scan <sum>, %parallel_loop3A_366 masked %parallel_loop3A_368 : vector<16xi32>, vector<16xi1> -> vector<16xi32>
        %parallel_loop3A_370 = arith.constant 16 : i32
        %parallel_loop3A_371 = arith.muli %parallel_loop3A_362, %parallel_loop3A_370 : i32
        %parallel_loop3A_372 = arith.index_cast %parallel_loop3A_371 : i32 to index
        %parallel_loop3A_373 = tpu.vector_load %arg7[%parallel_loop3A_372] {strides = array<i32>} : memref<2048xi32, #tpu.memory_space<vmem>>, vector<16xi32>,
        tpu.vector_store %arg7[%parallel_loop3A_372], %parallel_loop3A_369 {strides = array<i32>} : memref<2048xi32, #tpu.memory_space<vmem>>, vector<16xi32>,
        %parallel_loop3A_374 = arith.constant 16 : i32
        %parallel_loop3A_375 = arith.muli %parallel_loop3A_362, %parallel_loop3A_374 : i32
        %parallel_loop3A_376 = arith.index_cast %parallel_loop3A_375 : i32 to index
        %parallel_loop3A_377 = tpu.vector_load %arg6[%parallel_loop3A_376] {strides = array<i32>} : memref<2048xi32, #tpu.memory_space<vmem>>, vector<16xi32>,
        tpu.vector_store %arg6[%parallel_loop3A_376], %broadcast_in_dim3A_1 {strides = array<i32>} : memref<2048xi32, #tpu.memory_space<vmem>>, vector<16xi32>,
        %parallel_loop3A_378 = arith.constant 5 : i32
        %parallel_loop3A_379 = vector.broadcast %parallel_loop3A_378 : i32 to vector<16xi32>
        %parallel_loop3A_380 = arith.cmpi eq, %iota3A, %parallel_loop3A_379 : vector<16xi32>
        %parallel_loop3A_381 = arith.constant true
        %parallel_loop3A_382 = vector.broadcast %parallel_loop3A_381 : i1 to vector<16xi1>
        %parallel_loop3A_383 = tpu.scan <sum>, %parallel_loop3A_366 masked %parallel_loop3A_382 : vector<16xi32>, vector<16xi1> -> vector<16xi32>
        %parallel_loop3A_384 = vector.extract %parallel_loop3A_383[15] : i32 from vector<16xi32>
        %parallel_loop3A_385 = vector.broadcast %parallel_loop3A_384 : i32 to vector<16xi32>
        %parallel_loop3A_386 = arith.select %parallel_loop3A_380, %parallel_loop3A_385, %parallel_loop3A_358 : vector<16xi1>, vector<16xi32>
        %parallel_loop3A_387 = arith.constant 16 : i32
        %parallel_loop3A_388 = arith.muli %parallel_loop3A_214, %parallel_loop3A_387 : i32
        %parallel_loop3A_389 = arith.constant 6 : i32
        %parallel_loop3A_390 = arith.addi %parallel_loop3A_388, %parallel_loop3A_389 : i32
        %parallel_loop3A_391 = arith.constant 16 : i32
        %parallel_loop3A_392 = arith.muli %parallel_loop3A_390, %parallel_loop3A_391 : i32
        %parallel_loop3A_393 = arith.index_cast %parallel_loop3A_392 : i32 to index
        %parallel_loop3A_394 = tpu.vector_load %arg6[%parallel_loop3A_393] {strides = array<i32>} : memref<2048xi32, #tpu.memory_space<vmem>>, vector<16xi32>,
        %parallel_loop3A_395 = arith.constant true
        %parallel_loop3A_396 = vector.broadcast %parallel_loop3A_395 : i1 to vector<16xi1>
        %parallel_loop3A_397 = tpu.scan <sum>, %parallel_loop3A_394 masked %parallel_loop3A_396 : vector<16xi32>, vector<16xi1> -> vector<16xi32>
        %parallel_loop3A_398 = arith.constant 16 : i32
        %parallel_loop3A_399 = arith.muli %parallel_loop3A_390, %parallel_loop3A_398 : i32
        %parallel_loop3A_400 = arith.index_cast %parallel_loop3A_399 : i32 to index
        %parallel_loop3A_401 = tpu.vector_load %arg7[%parallel_loop3A_400] {strides = array<i32>} : memref<2048xi32, #tpu.memory_space<vmem>>, vector<16xi32>,
        tpu.vector_store %arg7[%parallel_loop3A_400], %parallel_loop3A_397 {strides = array<i32>} : memref<2048xi32, #tpu.memory_space<vmem>>, vector<16xi32>,
        %parallel_loop3A_402 = arith.constant 16 : i32
        %parallel_loop3A_403 = arith.muli %parallel_loop3A_390, %parallel_loop3A_402 : i32
        %parallel_loop3A_404 = arith.index_cast %parallel_loop3A_403 : i32 to index
        %parallel_loop3A_405 = tpu.vector_load %arg6[%parallel_loop3A_404] {strides = array<i32>} : memref<2048xi32, #tpu.memory_space<vmem>>, vector<16xi32>,
        tpu.vector_store %arg6[%parallel_loop3A_404], %broadcast_in_dim3A_1 {strides = array<i32>} : memref<2048xi32, #tpu.memory_space<vmem>>, vector<16xi32>,
        %parallel_loop3A_406 = arith.constant 6 : i32
        %parallel_loop3A_407 = vector.broadcast %parallel_loop3A_406 : i32 to vector<16xi32>
        %parallel_loop3A_408 = arith.cmpi eq, %iota3A, %parallel_loop3A_407 : vector<16xi32>
        %parallel_loop3A_409 = arith.constant true
        %parallel_loop3A_410 = vector.broadcast %parallel_loop3A_409 : i1 to vector<16xi1>
        %parallel_loop3A_411 = tpu.scan <sum>, %parallel_loop3A_394 masked %parallel_loop3A_410 : vector<16xi32>, vector<16xi1> -> vector<16xi32>
        %parallel_loop3A_412 = vector.extract %parallel_loop3A_411[15] : i32 from vector<16xi32>
        %parallel_loop3A_413 = vector.broadcast %parallel_loop3A_412 : i32 to vector<16xi32>
        %parallel_loop3A_414 = arith.select %parallel_loop3A_408, %parallel_loop3A_413, %parallel_loop3A_386 : vector<16xi1>, vector<16xi32>
        %parallel_loop3A_415 = arith.constant 16 : i32
        %parallel_loop3A_416 = arith.muli %parallel_loop3A_214, %parallel_loop3A_415 : i32
        %parallel_loop3A_417 = arith.constant 7 : i32
        %parallel_loop3A_418 = arith.addi %parallel_loop3A_416, %parallel_loop3A_417 : i32
        %parallel_loop3A_419 = arith.constant 16 : i32
        %parallel_loop3A_420 = arith.muli %parallel_loop3A_418, %parallel_loop3A_419 : i32
        %parallel_loop3A_421 = arith.index_cast %parallel_loop3A_420 : i32 to index
        %parallel_loop3A_422 = tpu.vector_load %arg6[%parallel_loop3A_421] {strides = array<i32>} : memref<2048xi32, #tpu.memory_space<vmem>>, vector<16xi32>,
        %parallel_loop3A_423 = arith.constant true
        %parallel_loop3A_424 = vector.broadcast %parallel_loop3A_423 : i1 to vector<16xi1>
        %parallel_loop3A_425 = tpu.scan <sum>, %parallel_loop3A_422 masked %parallel_loop3A_424 : vector<16xi32>, vector<16xi1> -> vector<16xi32>
        %parallel_loop3A_426 = arith.constant 16 : i32
        %parallel_loop3A_427 = arith.muli %parallel_loop3A_418, %parallel_loop3A_426 : i32
        %parallel_loop3A_428 = arith.index_cast %parallel_loop3A_427 : i32 to index
        %parallel_loop3A_429 = tpu.vector_load %arg7[%parallel_loop3A_428] {strides = array<i32>} : memref<2048xi32, #tpu.memory_space<vmem>>, vector<16xi32>,
        tpu.vector_store %arg7[%parallel_loop3A_428], %parallel_loop3A_425 {strides = array<i32>} : memref<2048xi32, #tpu.memory_space<vmem>>, vector<16xi32>,
        %parallel_loop3A_430 = arith.constant 16 : i32
        %parallel_loop3A_431 = arith.muli %parallel_loop3A_418, %parallel_loop3A_430 : i32
        %parallel_loop3A_432 = arith.index_cast %parallel_loop3A_431 : i32 to index
        %parallel_loop3A_433 = tpu.vector_load %arg6[%parallel_loop3A_432] {strides = array<i32>} : memref<2048xi32, #tpu.memory_space<vmem>>, vector<16xi32>,
        tpu.vector_store %arg6[%parallel_loop3A_432], %broadcast_in_dim3A_1 {strides = array<i32>} : memref<2048xi32, #tpu.memory_space<vmem>>, vector<16xi32>,
        %parallel_loop3A_434 = arith.constant 7 : i32
        %parallel_loop3A_435 = vector.broadcast %parallel_loop3A_434 : i32 to vector<16xi32>
        %parallel_loop3A_436 = arith.cmpi eq, %iota3A, %parallel_loop3A_435 : vector<16xi32>
        %parallel_loop3A_437 = arith.constant true
        %parallel_loop3A_438 = vector.broadcast %parallel_loop3A_437 : i1 to vector<16xi1>
        %parallel_loop3A_439 = tpu.scan <sum>, %parallel_loop3A_422 masked %parallel_loop3A_438 : vector<16xi32>, vector<16xi1> -> vector<16xi32>
        %parallel_loop3A_440 = vector.extract %parallel_loop3A_439[15] : i32 from vector<16xi32>
        %parallel_loop3A_441 = vector.broadcast %parallel_loop3A_440 : i32 to vector<16xi32>
        %parallel_loop3A_442 = arith.select %parallel_loop3A_436, %parallel_loop3A_441, %parallel_loop3A_414 : vector<16xi1>, vector<16xi32>
        %parallel_loop3A_443 = arith.constant 16 : i32
        %parallel_loop3A_444 = arith.muli %parallel_loop3A_214, %parallel_loop3A_443 : i32
        %parallel_loop3A_445 = arith.constant 8 : i32
        %parallel_loop3A_446 = arith.addi %parallel_loop3A_444, %parallel_loop3A_445 : i32
        %parallel_loop3A_447 = arith.constant 16 : i32
        %parallel_loop3A_448 = arith.muli %parallel_loop3A_446, %parallel_loop3A_447 : i32
        %parallel_loop3A_449 = arith.index_cast %parallel_loop3A_448 : i32 to index
        %parallel_loop3A_450 = tpu.vector_load %arg6[%parallel_loop3A_449] {strides = array<i32>} : memref<2048xi32, #tpu.memory_space<vmem>>, vector<16xi32>,
        %parallel_loop3A_451 = arith.constant true
        %parallel_loop3A_452 = vector.broadcast %parallel_loop3A_451 : i1 to vector<16xi1>
        %parallel_loop3A_453 = tpu.scan <sum>, %parallel_loop3A_450 masked %parallel_loop3A_452 : vector<16xi32>, vector<16xi1> -> vector<16xi32>
        %parallel_loop3A_454 = arith.constant 16 : i32
        %parallel_loop3A_455 = arith.muli %parallel_loop3A_446, %parallel_loop3A_454 : i32
        %parallel_loop3A_456 = arith.index_cast %parallel_loop3A_455 : i32 to index
        %parallel_loop3A_457 = tpu.vector_load %arg7[%parallel_loop3A_456] {strides = array<i32>} : memref<2048xi32, #tpu.memory_space<vmem>>, vector<16xi32>,
        tpu.vector_store %arg7[%parallel_loop3A_456], %parallel_loop3A_453 {strides = array<i32>} : memref<2048xi32, #tpu.memory_space<vmem>>, vector<16xi32>,
        %parallel_loop3A_458 = arith.constant 16 : i32
        %parallel_loop3A_459 = arith.muli %parallel_loop3A_446, %parallel_loop3A_458 : i32
        %parallel_loop3A_460 = arith.index_cast %parallel_loop3A_459 : i32 to index
        %parallel_loop3A_461 = tpu.vector_load %arg6[%parallel_loop3A_460] {strides = array<i32>} : memref<2048xi32, #tpu.memory_space<vmem>>, vector<16xi32>,
        tpu.vector_store %arg6[%parallel_loop3A_460], %broadcast_in_dim3A_1 {strides = array<i32>} : memref<2048xi32, #tpu.memory_space<vmem>>, vector<16xi32>,
        %parallel_loop3A_462 = arith.constant 8 : i32
        %parallel_loop3A_463 = vector.broadcast %parallel_loop3A_462 : i32 to vector<16xi32>
        %parallel_loop3A_464 = arith.cmpi eq, %iota3A, %parallel_loop3A_463 : vector<16xi32>
        %parallel_loop3A_465 = arith.constant true
        %parallel_loop3A_466 = vector.broadcast %parallel_loop3A_465 : i1 to vector<16xi1>
        %parallel_loop3A_467 = tpu.scan <sum>, %parallel_loop3A_450 masked %parallel_loop3A_466 : vector<16xi32>, vector<16xi1> -> vector<16xi32>
        %parallel_loop3A_468 = vector.extract %parallel_loop3A_467[15] : i32 from vector<16xi32>
        %parallel_loop3A_469 = vector.broadcast %parallel_loop3A_468 : i32 to vector<16xi32>
        %parallel_loop3A_470 = arith.select %parallel_loop3A_464, %parallel_loop3A_469, %parallel_loop3A_442 : vector<16xi1>, vector<16xi32>
        %parallel_loop3A_471 = arith.constant 16 : i32
        %parallel_loop3A_472 = arith.muli %parallel_loop3A_214, %parallel_loop3A_471 : i32
        %parallel_loop3A_473 = arith.constant 9 : i32
        %parallel_loop3A_474 = arith.addi %parallel_loop3A_472, %parallel_loop3A_473 : i32
        %parallel_loop3A_475 = arith.constant 16 : i32
        %parallel_loop3A_476 = arith.muli %parallel_loop3A_474, %parallel_loop3A_475 : i32
        %parallel_loop3A_477 = arith.index_cast %parallel_loop3A_476 : i32 to index
        %parallel_loop3A_478 = tpu.vector_load %arg6[%parallel_loop3A_477] {strides = array<i32>} : memref<2048xi32, #tpu.memory_space<vmem>>, vector<16xi32>,
        %parallel_loop3A_479 = arith.constant true
        %parallel_loop3A_480 = vector.broadcast %parallel_loop3A_479 : i1 to vector<16xi1>
        %parallel_loop3A_481 = tpu.scan <sum>, %parallel_loop3A_478 masked %parallel_loop3A_480 : vector<16xi32>, vector<16xi1> -> vector<16xi32>
        %parallel_loop3A_482 = arith.constant 16 : i32
        %parallel_loop3A_483 = arith.muli %parallel_loop3A_474, %parallel_loop3A_482 : i32
        %parallel_loop3A_484 = arith.index_cast %parallel_loop3A_483 : i32 to index
        %parallel_loop3A_485 = tpu.vector_load %arg7[%parallel_loop3A_484] {strides = array<i32>} : memref<2048xi32, #tpu.memory_space<vmem>>, vector<16xi32>,
        tpu.vector_store %arg7[%parallel_loop3A_484], %parallel_loop3A_481 {strides = array<i32>} : memref<2048xi32, #tpu.memory_space<vmem>>, vector<16xi32>,
        %parallel_loop3A_486 = arith.constant 16 : i32
        %parallel_loop3A_487 = arith.muli %parallel_loop3A_474, %parallel_loop3A_486 : i32
        %parallel_loop3A_488 = arith.index_cast %parallel_loop3A_487 : i32 to index
        %parallel_loop3A_489 = tpu.vector_load %arg6[%parallel_loop3A_488] {strides = array<i32>} : memref<2048xi32, #tpu.memory_space<vmem>>, vector<16xi32>,
        tpu.vector_store %arg6[%parallel_loop3A_488], %broadcast_in_dim3A_1 {strides = array<i32>} : memref<2048xi32, #tpu.memory_space<vmem>>, vector<16xi32>,
        %parallel_loop3A_490 = arith.constant 9 : i32
        %parallel_loop3A_491 = vector.broadcast %parallel_loop3A_490 : i32 to vector<16xi32>
        %parallel_loop3A_492 = arith.cmpi eq, %iota3A, %parallel_loop3A_491 : vector<16xi32>
        %parallel_loop3A_493 = arith.constant true
        %parallel_loop3A_494 = vector.broadcast %parallel_loop3A_493 : i1 to vector<16xi1>
        %parallel_loop3A_495 = tpu.scan <sum>, %parallel_loop3A_478 masked %parallel_loop3A_494 : vector<16xi32>, vector<16xi1> -> vector<16xi32>
        %parallel_loop3A_496 = vector.extract %parallel_loop3A_495[15] : i32 from vector<16xi32>
        %parallel_loop3A_497 = vector.broadcast %parallel_loop3A_496 : i32 to vector<16xi32>
        %parallel_loop3A_498 = arith.select %parallel_loop3A_492, %parallel_loop3A_497, %parallel_loop3A_470 : vector<16xi1>, vector<16xi32>
        %parallel_loop3A_499 = arith.constant 16 : i32
        %parallel_loop3A_500 = arith.muli %parallel_loop3A_214, %parallel_loop3A_499 : i32
        %parallel_loop3A_501 = arith.constant 10 : i32
        %parallel_loop3A_502 = arith.addi %parallel_loop3A_500, %parallel_loop3A_501 : i32
        %parallel_loop3A_503 = arith.constant 16 : i32
        %parallel_loop3A_504 = arith.muli %parallel_loop3A_502, %parallel_loop3A_503 : i32
        %parallel_loop3A_505 = arith.index_cast %parallel_loop3A_504 : i32 to index
        %parallel_loop3A_506 = tpu.vector_load %arg6[%parallel_loop3A_505] {strides = array<i32>} : memref<2048xi32, #tpu.memory_space<vmem>>, vector<16xi32>,
        %parallel_loop3A_507 = arith.constant true
        %parallel_loop3A_508 = vector.broadcast %parallel_loop3A_507 : i1 to vector<16xi1>
        %parallel_loop3A_509 = tpu.scan <sum>, %parallel_loop3A_506 masked %parallel_loop3A_508 : vector<16xi32>, vector<16xi1> -> vector<16xi32>
        %parallel_loop3A_510 = arith.constant 16 : i32
        %parallel_loop3A_511 = arith.muli %parallel_loop3A_502, %parallel_loop3A_510 : i32
        %parallel_loop3A_512 = arith.index_cast %parallel_loop3A_511 : i32 to index
        %parallel_loop3A_513 = tpu.vector_load %arg7[%parallel_loop3A_512] {strides = array<i32>} : memref<2048xi32, #tpu.memory_space<vmem>>, vector<16xi32>,
        tpu.vector_store %arg7[%parallel_loop3A_512], %parallel_loop3A_509 {strides = array<i32>} : memref<2048xi32, #tpu.memory_space<vmem>>, vector<16xi32>,
        %parallel_loop3A_514 = arith.constant 16 : i32
        %parallel_loop3A_515 = arith.muli %parallel_loop3A_502, %parallel_loop3A_514 : i32
        %parallel_loop3A_516 = arith.index_cast %parallel_loop3A_515 : i32 to index
        %parallel_loop3A_517 = tpu.vector_load %arg6[%parallel_loop3A_516] {strides = array<i32>} : memref<2048xi32, #tpu.memory_space<vmem>>, vector<16xi32>,
        tpu.vector_store %arg6[%parallel_loop3A_516], %broadcast_in_dim3A_1 {strides = array<i32>} : memref<2048xi32, #tpu.memory_space<vmem>>, vector<16xi32>,
        %parallel_loop3A_518 = arith.constant 10 : i32
        %parallel_loop3A_519 = vector.broadcast %parallel_loop3A_518 : i32 to vector<16xi32>
        %parallel_loop3A_520 = arith.cmpi eq, %iota3A, %parallel_loop3A_519 : vector<16xi32>
        %parallel_loop3A_521 = arith.constant true
        %parallel_loop3A_522 = vector.broadcast %parallel_loop3A_521 : i1 to vector<16xi1>
        %parallel_loop3A_523 = tpu.scan <sum>, %parallel_loop3A_506 masked %parallel_loop3A_522 : vector<16xi32>, vector<16xi1> -> vector<16xi32>
        %parallel_loop3A_524 = vector.extract %parallel_loop3A_523[15] : i32 from vector<16xi32>
        %parallel_loop3A_525 = vector.broadcast %parallel_loop3A_524 : i32 to vector<16xi32>
        %parallel_loop3A_526 = arith.select %parallel_loop3A_520, %parallel_loop3A_525, %parallel_loop3A_498 : vector<16xi1>, vector<16xi32>
        %parallel_loop3A_527 = arith.constant 16 : i32
        %parallel_loop3A_528 = arith.muli %parallel_loop3A_214, %parallel_loop3A_527 : i32
        %parallel_loop3A_529 = arith.constant 11 : i32
        %parallel_loop3A_530 = arith.addi %parallel_loop3A_528, %parallel_loop3A_529 : i32
        %parallel_loop3A_531 = arith.constant 16 : i32
        %parallel_loop3A_532 = arith.muli %parallel_loop3A_530, %parallel_loop3A_531 : i32
        %parallel_loop3A_533 = arith.index_cast %parallel_loop3A_532 : i32 to index
        %parallel_loop3A_534 = tpu.vector_load %arg6[%parallel_loop3A_533] {strides = array<i32>} : memref<2048xi32, #tpu.memory_space<vmem>>, vector<16xi32>,
        %parallel_loop3A_535 = arith.constant true
        %parallel_loop3A_536 = vector.broadcast %parallel_loop3A_535 : i1 to vector<16xi1>
        %parallel_loop3A_537 = tpu.scan <sum>, %parallel_loop3A_534 masked %parallel_loop3A_536 : vector<16xi32>, vector<16xi1> -> vector<16xi32>
        %parallel_loop3A_538 = arith.constant 16 : i32
        %parallel_loop3A_539 = arith.muli %parallel_loop3A_530, %parallel_loop3A_538 : i32
        %parallel_loop3A_540 = arith.index_cast %parallel_loop3A_539 : i32 to index
        %parallel_loop3A_541 = tpu.vector_load %arg7[%parallel_loop3A_540] {strides = array<i32>} : memref<2048xi32, #tpu.memory_space<vmem>>, vector<16xi32>,
        tpu.vector_store %arg7[%parallel_loop3A_540], %parallel_loop3A_537 {strides = array<i32>} : memref<2048xi32, #tpu.memory_space<vmem>>, vector<16xi32>,
        %parallel_loop3A_542 = arith.constant 16 : i32
        %parallel_loop3A_543 = arith.muli %parallel_loop3A_530, %parallel_loop3A_542 : i32
        %parallel_loop3A_544 = arith.index_cast %parallel_loop3A_543 : i32 to index
        %parallel_loop3A_545 = tpu.vector_load %arg6[%parallel_loop3A_544] {strides = array<i32>} : memref<2048xi32, #tpu.memory_space<vmem>>, vector<16xi32>,
        tpu.vector_store %arg6[%parallel_loop3A_544], %broadcast_in_dim3A_1 {strides = array<i32>} : memref<2048xi32, #tpu.memory_space<vmem>>, vector<16xi32>,
        %parallel_loop3A_546 = arith.constant 11 : i32
        %parallel_loop3A_547 = vector.broadcast %parallel_loop3A_546 : i32 to vector<16xi32>
        %parallel_loop3A_548 = arith.cmpi eq, %iota3A, %parallel_loop3A_547 : vector<16xi32>
        %parallel_loop3A_549 = arith.constant true
        %parallel_loop3A_550 = vector.broadcast %parallel_loop3A_549 : i1 to vector<16xi1>
        %parallel_loop3A_551 = tpu.scan <sum>, %parallel_loop3A_534 masked %parallel_loop3A_550 : vector<16xi32>, vector<16xi1> -> vector<16xi32>
        %parallel_loop3A_552 = vector.extract %parallel_loop3A_551[15] : i32 from vector<16xi32>
        %parallel_loop3A_553 = vector.broadcast %parallel_loop3A_552 : i32 to vector<16xi32>
        %parallel_loop3A_554 = arith.select %parallel_loop3A_548, %parallel_loop3A_553, %parallel_loop3A_526 : vector<16xi1>, vector<16xi32>
        %parallel_loop3A_555 = arith.constant 16 : i32
        %parallel_loop3A_556 = arith.muli %parallel_loop3A_214, %parallel_loop3A_555 : i32
        %parallel_loop3A_557 = arith.constant 12 : i32
        %parallel_loop3A_558 = arith.addi %parallel_loop3A_556, %parallel_loop3A_557 : i32
        %parallel_loop3A_559 = arith.constant 16 : i32
        %parallel_loop3A_560 = arith.muli %parallel_loop3A_558, %parallel_loop3A_559 : i32
        %parallel_loop3A_561 = arith.index_cast %parallel_loop3A_560 : i32 to index
        %parallel_loop3A_562 = tpu.vector_load %arg6[%parallel_loop3A_561] {strides = array<i32>} : memref<2048xi32, #tpu.memory_space<vmem>>, vector<16xi32>,
        %parallel_loop3A_563 = arith.constant true
        %parallel_loop3A_564 = vector.broadcast %parallel_loop3A_563 : i1 to vector<16xi1>
        %parallel_loop3A_565 = tpu.scan <sum>, %parallel_loop3A_562 masked %parallel_loop3A_564 : vector<16xi32>, vector<16xi1> -> vector<16xi32>
        %parallel_loop3A_566 = arith.constant 16 : i32
        %parallel_loop3A_567 = arith.muli %parallel_loop3A_558, %parallel_loop3A_566 : i32
        %parallel_loop3A_568 = arith.index_cast %parallel_loop3A_567 : i32 to index
        %parallel_loop3A_569 = tpu.vector_load %arg7[%parallel_loop3A_568] {strides = array<i32>} : memref<2048xi32, #tpu.memory_space<vmem>>, vector<16xi32>,
        tpu.vector_store %arg7[%parallel_loop3A_568], %parallel_loop3A_565 {strides = array<i32>} : memref<2048xi32, #tpu.memory_space<vmem>>, vector<16xi32>,
        %parallel_loop3A_570 = arith.constant 16 : i32
        %parallel_loop3A_571 = arith.muli %parallel_loop3A_558, %parallel_loop3A_570 : i32
        %parallel_loop3A_572 = arith.index_cast %parallel_loop3A_571 : i32 to index
        %parallel_loop3A_573 = tpu.vector_load %arg6[%parallel_loop3A_572] {strides = array<i32>} : memref<2048xi32, #tpu.memory_space<vmem>>, vector<16xi32>,
        tpu.vector_store %arg6[%parallel_loop3A_572], %broadcast_in_dim3A_1 {strides = array<i32>} : memref<2048xi32, #tpu.memory_space<vmem>>, vector<16xi32>,
        %parallel_loop3A_574 = arith.constant 12 : i32
        %parallel_loop3A_575 = vector.broadcast %parallel_loop3A_574 : i32 to vector<16xi32>
        %parallel_loop3A_576 = arith.cmpi eq, %iota3A, %parallel_loop3A_575 : vector<16xi32>
        %parallel_loop3A_577 = arith.constant true
        %parallel_loop3A_578 = vector.broadcast %parallel_loop3A_577 : i1 to vector<16xi1>
        %parallel_loop3A_579 = tpu.scan <sum>, %parallel_loop3A_562 masked %parallel_loop3A_578 : vector<16xi32>, vector<16xi1> -> vector<16xi32>
        %parallel_loop3A_580 = vector.extract %parallel_loop3A_579[15] : i32 from vector<16xi32>
        %parallel_loop3A_581 = vector.broadcast %parallel_loop3A_580 : i32 to vector<16xi32>
        %parallel_loop3A_582 = arith.select %parallel_loop3A_576, %parallel_loop3A_581, %parallel_loop3A_554 : vector<16xi1>, vector<16xi32>
        %parallel_loop3A_583 = arith.constant 16 : i32
        %parallel_loop3A_584 = arith.muli %parallel_loop3A_214, %parallel_loop3A_583 : i32
        %parallel_loop3A_585 = arith.constant 13 : i32
        %parallel_loop3A_586 = arith.addi %parallel_loop3A_584, %parallel_loop3A_585 : i32
        %parallel_loop3A_587 = arith.constant 16 : i32
        %parallel_loop3A_588 = arith.muli %parallel_loop3A_586, %parallel_loop3A_587 : i32
        %parallel_loop3A_589 = arith.index_cast %parallel_loop3A_588 : i32 to index
        %parallel_loop3A_590 = tpu.vector_load %arg6[%parallel_loop3A_589] {strides = array<i32>} : memref<2048xi32, #tpu.memory_space<vmem>>, vector<16xi32>,
        %parallel_loop3A_591 = arith.constant true
        %parallel_loop3A_592 = vector.broadcast %parallel_loop3A_591 : i1 to vector<16xi1>
        %parallel_loop3A_593 = tpu.scan <sum>, %parallel_loop3A_590 masked %parallel_loop3A_592 : vector<16xi32>, vector<16xi1> -> vector<16xi32>
        %parallel_loop3A_594 = arith.constant 16 : i32
        %parallel_loop3A_595 = arith.muli %parallel_loop3A_586, %parallel_loop3A_594 : i32
        %parallel_loop3A_596 = arith.index_cast %parallel_loop3A_595 : i32 to index
        %parallel_loop3A_597 = tpu.vector_load %arg7[%parallel_loop3A_596] {strides = array<i32>} : memref<2048xi32, #tpu.memory_space<vmem>>, vector<16xi32>,
        tpu.vector_store %arg7[%parallel_loop3A_596], %parallel_loop3A_593 {strides = array<i32>} : memref<2048xi32, #tpu.memory_space<vmem>>, vector<16xi32>,
        %parallel_loop3A_598 = arith.constant 16 : i32
        %parallel_loop3A_599 = arith.muli %parallel_loop3A_586, %parallel_loop3A_598 : i32
        %parallel_loop3A_600 = arith.index_cast %parallel_loop3A_599 : i32 to index
        %parallel_loop3A_601 = tpu.vector_load %arg6[%parallel_loop3A_600] {strides = array<i32>} : memref<2048xi32, #tpu.memory_space<vmem>>, vector<16xi32>,
        tpu.vector_store %arg6[%parallel_loop3A_600], %broadcast_in_dim3A_1 {strides = array<i32>} : memref<2048xi32, #tpu.memory_space<vmem>>, vector<16xi32>,
        %parallel_loop3A_602 = arith.constant 13 : i32
        %parallel_loop3A_603 = vector.broadcast %parallel_loop3A_602 : i32 to vector<16xi32>
        %parallel_loop3A_604 = arith.cmpi eq, %iota3A, %parallel_loop3A_603 : vector<16xi32>
        %parallel_loop3A_605 = arith.constant true
        %parallel_loop3A_606 = vector.broadcast %parallel_loop3A_605 : i1 to vector<16xi1>
        %parallel_loop3A_607 = tpu.scan <sum>, %parallel_loop3A_590 masked %parallel_loop3A_606 : vector<16xi32>, vector<16xi1> -> vector<16xi32>
        %parallel_loop3A_608 = vector.extract %parallel_loop3A_607[15] : i32 from vector<16xi32>
        %parallel_loop3A_609 = vector.broadcast %parallel_loop3A_608 : i32 to vector<16xi32>
        %parallel_loop3A_610 = arith.select %parallel_loop3A_604, %parallel_loop3A_609, %parallel_loop3A_582 : vector<16xi1>, vector<16xi32>
        %parallel_loop3A_611 = arith.constant 16 : i32
        %parallel_loop3A_612 = arith.muli %parallel_loop3A_214, %parallel_loop3A_611 : i32
        %parallel_loop3A_613 = arith.constant 14 : i32
        %parallel_loop3A_614 = arith.addi %parallel_loop3A_612, %parallel_loop3A_613 : i32
        %parallel_loop3A_615 = arith.constant 16 : i32
        %parallel_loop3A_616 = arith.muli %parallel_loop3A_614, %parallel_loop3A_615 : i32
        %parallel_loop3A_617 = arith.index_cast %parallel_loop3A_616 : i32 to index
        %parallel_loop3A_618 = tpu.vector_load %arg6[%parallel_loop3A_617] {strides = array<i32>} : memref<2048xi32, #tpu.memory_space<vmem>>, vector<16xi32>,
        %parallel_loop3A_619 = arith.constant true
        %parallel_loop3A_620 = vector.broadcast %parallel_loop3A_619 : i1 to vector<16xi1>
        %parallel_loop3A_621 = tpu.scan <sum>, %parallel_loop3A_618 masked %parallel_loop3A_620 : vector<16xi32>, vector<16xi1> -> vector<16xi32>
        %parallel_loop3A_622 = arith.constant 16 : i32
        %parallel_loop3A_623 = arith.muli %parallel_loop3A_614, %parallel_loop3A_622 : i32
        %parallel_loop3A_624 = arith.index_cast %parallel_loop3A_623 : i32 to index
        %parallel_loop3A_625 = tpu.vector_load %arg7[%parallel_loop3A_624] {strides = array<i32>} : memref<2048xi32, #tpu.memory_space<vmem>>, vector<16xi32>,
        tpu.vector_store %arg7[%parallel_loop3A_624], %parallel_loop3A_621 {strides = array<i32>} : memref<2048xi32, #tpu.memory_space<vmem>>, vector<16xi32>,
        %parallel_loop3A_626 = arith.constant 16 : i32
        %parallel_loop3A_627 = arith.muli %parallel_loop3A_614, %parallel_loop3A_626 : i32
        %parallel_loop3A_628 = arith.index_cast %parallel_loop3A_627 : i32 to index
        %parallel_loop3A_629 = tpu.vector_load %arg6[%parallel_loop3A_628] {strides = array<i32>} : memref<2048xi32, #tpu.memory_space<vmem>>, vector<16xi32>,
        tpu.vector_store %arg6[%parallel_loop3A_628], %broadcast_in_dim3A_1 {strides = array<i32>} : memref<2048xi32, #tpu.memory_space<vmem>>, vector<16xi32>,
        %parallel_loop3A_630 = arith.constant 14 : i32
        %parallel_loop3A_631 = vector.broadcast %parallel_loop3A_630 : i32 to vector<16xi32>
        %parallel_loop3A_632 = arith.cmpi eq, %iota3A, %parallel_loop3A_631 : vector<16xi32>
        %parallel_loop3A_633 = arith.constant true
        %parallel_loop3A_634 = vector.broadcast %parallel_loop3A_633 : i1 to vector<16xi1>
        %parallel_loop3A_635 = tpu.scan <sum>, %parallel_loop3A_618 masked %parallel_loop3A_634 : vector<16xi32>, vector<16xi1> -> vector<16xi32>
        %parallel_loop3A_636 = vector.extract %parallel_loop3A_635[15] : i32 from vector<16xi32>
        %parallel_loop3A_637 = vector.broadcast %parallel_loop3A_636 : i32 to vector<16xi32>
        %parallel_loop3A_638 = arith.select %parallel_loop3A_632, %parallel_loop3A_637, %parallel_loop3A_610 : vector<16xi1>, vector<16xi32>
        %parallel_loop3A_639 = arith.constant 16 : i32
        %parallel_loop3A_640 = arith.muli %parallel_loop3A_214, %parallel_loop3A_639 : i32
        %parallel_loop3A_641 = arith.constant 15 : i32
        %parallel_loop3A_642 = arith.addi %parallel_loop3A_640, %parallel_loop3A_641 : i32
        %parallel_loop3A_643 = arith.constant 16 : i32
        %parallel_loop3A_644 = arith.muli %parallel_loop3A_642, %parallel_loop3A_643 : i32
        %parallel_loop3A_645 = arith.index_cast %parallel_loop3A_644 : i32 to index
        %parallel_loop3A_646 = tpu.vector_load %arg6[%parallel_loop3A_645] {strides = array<i32>} : memref<2048xi32, #tpu.memory_space<vmem>>, vector<16xi32>,
        %parallel_loop3A_647 = arith.constant true
        %parallel_loop3A_648 = vector.broadcast %parallel_loop3A_647 : i1 to vector<16xi1>
        %parallel_loop3A_649 = tpu.scan <sum>, %parallel_loop3A_646 masked %parallel_loop3A_648 : vector<16xi32>, vector<16xi1> -> vector<16xi32>
        %parallel_loop3A_650 = arith.constant 16 : i32
        %parallel_loop3A_651 = arith.muli %parallel_loop3A_642, %parallel_loop3A_650 : i32
        %parallel_loop3A_652 = arith.index_cast %parallel_loop3A_651 : i32 to index
        %parallel_loop3A_653 = tpu.vector_load %arg7[%parallel_loop3A_652] {strides = array<i32>} : memref<2048xi32, #tpu.memory_space<vmem>>, vector<16xi32>,
        tpu.vector_store %arg7[%parallel_loop3A_652], %parallel_loop3A_649 {strides = array<i32>} : memref<2048xi32, #tpu.memory_space<vmem>>, vector<16xi32>,
        %parallel_loop3A_654 = arith.constant 16 : i32
        %parallel_loop3A_655 = arith.muli %parallel_loop3A_642, %parallel_loop3A_654 : i32
        %parallel_loop3A_656 = arith.index_cast %parallel_loop3A_655 : i32 to index
        %parallel_loop3A_657 = tpu.vector_load %arg6[%parallel_loop3A_656] {strides = array<i32>} : memref<2048xi32, #tpu.memory_space<vmem>>, vector<16xi32>,
        tpu.vector_store %arg6[%parallel_loop3A_656], %broadcast_in_dim3A_1 {strides = array<i32>} : memref<2048xi32, #tpu.memory_space<vmem>>, vector<16xi32>,
        %parallel_loop3A_658 = arith.constant 15 : i32
        %parallel_loop3A_659 = vector.broadcast %parallel_loop3A_658 : i32 to vector<16xi32>
        %parallel_loop3A_660 = arith.cmpi eq, %iota3A, %parallel_loop3A_659 : vector<16xi32>
        %parallel_loop3A_661 = arith.constant true
        %parallel_loop3A_662 = vector.broadcast %parallel_loop3A_661 : i1 to vector<16xi1>
        %parallel_loop3A_663 = tpu.scan <sum>, %parallel_loop3A_646 masked %parallel_loop3A_662 : vector<16xi32>, vector<16xi1> -> vector<16xi32>
        %parallel_loop3A_664 = vector.extract %parallel_loop3A_663[15] : i32 from vector<16xi32>
        %parallel_loop3A_665 = vector.broadcast %parallel_loop3A_664 : i32 to vector<16xi32>
        %parallel_loop3A_666 = arith.select %parallel_loop3A_660, %parallel_loop3A_665, %parallel_loop3A_638 : vector<16xi1>, vector<16xi32>
        %parallel_loop3A_667 = arith.constant true
        %parallel_loop3A_668 = vector.broadcast %parallel_loop3A_667 : i1 to vector<16xi1>
        %parallel_loop3A_669 = tpu.scan <sum>, %parallel_loop3A_666 masked %parallel_loop3A_668 : vector<16xi32>, vector<16xi1> -> vector<16xi32>
        %parallel_loop3A_670 = vector.broadcast %parallel_loop3A_218 : i32 to vector<16xi32>
        %parallel_loop3A_671 = arith.addi %parallel_loop3A_670, %parallel_loop3A_669 : vector<16xi32>
        %parallel_loop3A_672 = vector.broadcast %sub3A_66 : i32 to vector<16xi32>
        %parallel_loop3A_673 = arith.cmpi sge, %parallel_loop3A_671, %parallel_loop3A_672 : vector<16xi32>
        %parallel_loop3A_674 = arith.select %parallel_loop3A_673, %broadcast_in_dim3A_3, %broadcast_in_dim3A_1 : vector<16xi1>, vector<16xi32>
        %parallel_loop3A_675 = arith.constant true
        %parallel_loop3A_676 = vector.broadcast %parallel_loop3A_675 : i1 to vector<16xi1>
        %parallel_loop3A_677 = tpu.scan <sum>, %parallel_loop3A_674 masked %parallel_loop3A_676 : vector<16xi32>, vector<16xi1> -> vector<16xi32>
        %parallel_loop3A_678 = vector.extract %parallel_loop3A_677[15] : i32 from vector<16xi32>
        %parallel_loop3A_679 = arith.constant 0 : i32
        %parallel_loop3A_680 = arith.cmpi sgt, %parallel_loop3A_678, %parallel_loop3A_679 : i32
        %parallel_loop3A_681 = arith.constant true
        %parallel_loop3A_682 = vector.broadcast %parallel_loop3A_681 : i1 to vector<16xi1>
        %parallel_loop3A_683 = tpu.scan <sum>, %parallel_loop3A_674 masked %parallel_loop3A_682 : vector<16xi32>, vector<16xi1> -> vector<16xi32>
        %parallel_loop3A_684 = arith.constant 1 : i32
        %parallel_loop3A_685 = vector.broadcast %parallel_loop3A_684 : i32 to vector<16xi32>
        %parallel_loop3A_686 = arith.cmpi eq, %parallel_loop3A_683, %parallel_loop3A_685 : vector<16xi32>
        %parallel_loop3A_687 = arith.andi %parallel_loop3A_673, %parallel_loop3A_686 : vector<16xi1>
        %parallel_loop3A_688 = arith.constant 16 : i32
        %parallel_loop3A_689 = arith.muli %parallel_loop3A_214, %parallel_loop3A_688 : i32
        %parallel_loop3A_690 = arith.select %parallel_loop3A_687, %iota3A, %broadcast_in_dim3A_1 : vector<16xi1>, vector<16xi32>
        %parallel_loop3A_691 = arith.constant true
        %parallel_loop3A_692 = vector.broadcast %parallel_loop3A_691 : i1 to vector<16xi1>
        %parallel_loop3A_693 = tpu.scan <sum>, %parallel_loop3A_690 masked %parallel_loop3A_692 : vector<16xi32>, vector<16xi1> -> vector<16xi32>
        %parallel_loop3A_694 = vector.extract %parallel_loop3A_693[15] : i32 from vector<16xi32>
        %parallel_loop3A_695 = arith.addi %parallel_loop3A_689, %parallel_loop3A_694 : i32
        %parallel_loop3A_696 = arith.subi %parallel_loop3A_669, %parallel_loop3A_666 : vector<16xi32>
        %parallel_loop3A_697 = arith.select %parallel_loop3A_687, %parallel_loop3A_696, %broadcast_in_dim3A_1 : vector<16xi1>, vector<16xi32>
        %parallel_loop3A_698 = arith.constant true
        %parallel_loop3A_699 = vector.broadcast %parallel_loop3A_698 : i1 to vector<16xi1>
        %parallel_loop3A_700 = tpu.scan <sum>, %parallel_loop3A_697 masked %parallel_loop3A_699 : vector<16xi32>, vector<16xi1> -> vector<16xi32>
        %parallel_loop3A_701 = vector.extract %parallel_loop3A_700[15] : i32 from vector<16xi32>
        %parallel_loop3A_702 = arith.addi %parallel_loop3A_218, %parallel_loop3A_701 : i32
        %parallel_loop3A_703 = arith.constant 0 : i32
        %parallel_loop3A_704 = arith.cmpi eq, %parallel_loop3A_215, %parallel_loop3A_703 : i32
        %parallel_loop3A_705 = arith.andi %parallel_loop3A_680, %parallel_loop3A_704 : i1
        %parallel_loop3A_706 = arith.select %parallel_loop3A_705, %parallel_loop3A_695, %parallel_loop3A_216 : i32
        %parallel_loop3A_707 = arith.select %parallel_loop3A_705, %parallel_loop3A_702, %parallel_loop3A_217 : i32
        %parallel_loop3A_708 = arith.constant 1 : i32
        %parallel_loop3A_709 = arith.constant 0 : i32
        %parallel_loop3A_710 = arith.select %parallel_loop3A_680, %parallel_loop3A_708, %parallel_loop3A_709 : i32
        %parallel_loop3A_711 = arith.ori %parallel_loop3A_215, %parallel_loop3A_710 : i32
        %parallel_loop3A_712 = arith.constant true
        %parallel_loop3A_713 = vector.broadcast %parallel_loop3A_712 : i1 to vector<16xi1>
        %parallel_loop3A_714 = tpu.scan <sum>, %parallel_loop3A_666 masked %parallel_loop3A_713 : vector<16xi32>, vector<16xi1> -> vector<16xi32>
        %parallel_loop3A_715 = vector.extract %parallel_loop3A_714[15] : i32 from vector<16xi32>
        %parallel_loop3A_716 = arith.addi %parallel_loop3A_218, %parallel_loop3A_715 : i32
        scf.yield %parallel_loop3A_711, %parallel_loop3A_706, %parallel_loop3A_707, %parallel_loop3A_716 : i32, i32, i32, i32
      } {sc.loop_unroll_factor = 1 : i64, sc.parallel_access}
      %mul3A_75 = arith.constant 16 : i32
      %mul3A_76 = arith.muli %parallel_loop3A_74#1, %mul3A_75 : i32
      %get3A_77 = arith.index_cast %mul3A_76 : i32 to index
      %get3A_78 = tpu.vector_load %arg7[%get3A_77] {strides = array<i32>} : memref<2048xi32, #tpu.memory_space<vmem>>, vector<16xi32>,
      %add3A_79 = vector.broadcast %parallel_loop3A_74#2 : i32 to vector<16xi32>
      %add3A_80 = arith.addi %add3A_79, %get3A_78 : vector<16xi32>
      %ge3A_81 = vector.broadcast %sub3A_66 : i32 to vector<16xi32>
      %ge3A_82 = arith.cmpi sge, %add3A_80, %ge3A_81 : vector<16xi32>
      %select_n3A_83 = arith.select %ge3A_82, %broadcast_in_dim3A_3, %broadcast_in_dim3A_1 : vector<16xi1>, vector<16xi32>
      %broadcast_in_dim3A_84 = arith.constant true
      %broadcast_in_dim3A_85 = vector.broadcast %broadcast_in_dim3A_84 : i1 to vector<16xi1>
      %masked_cumsum3A_86 = tpu.scan <sum>, %select_n3A_83 masked %broadcast_in_dim3A_85 : vector<16xi32>, vector<16xi1> -> vector<16xi32>
      %eq3A_87 = arith.constant 1 : i32
      %eq3A_88 = vector.broadcast %eq3A_87 : i32 to vector<16xi32>
      %eq3A_89 = arith.cmpi eq, %masked_cumsum3A_86, %eq3A_88 : vector<16xi32>
      %and3A_90 = arith.andi %ge3A_82, %eq3A_89 : vector<16xi1>
      %select_n3A_91 = arith.select %and3A_90, %iota3A, %broadcast_in_dim3A_1 : vector<16xi1>, vector<16xi32>
      %reduce_sum3A_92 = arith.constant true
      %reduce_sum3A_93 = vector.broadcast %reduce_sum3A_92 : i1 to vector<16xi1>
      %reduce_sum3A_94 = tpu.scan <sum>, %select_n3A_91 masked %reduce_sum3A_93 : vector<16xi32>, vector<16xi1> -> vector<16xi32>
      %reduce_sum3A_95 = vector.extract %reduce_sum3A_94[15] : i32 from vector<16xi32>
      %mul3A_96 = arith.constant 16 : i32
      %mul3A_97 = arith.muli %parallel_loop3A_74#1, %mul3A_96 : i32
      %add3A_98 = arith.addi %mul3A_97, %reduce_sum3A_95 : i32
      %sub3A_99 = arith.constant 1 : i32
      %sub3A_100 = arith.subi %reduce_sum3A_95, %sub3A_99 : i32
      %eq3A_101 = vector.broadcast %sub3A_100 : i32 to vector<16xi32>
      %eq3A_102 = arith.cmpi eq, %iota3A, %eq3A_101 : vector<16xi32>
      %select_n3A_103 = arith.select %eq3A_102, %get3A_78, %broadcast_in_dim3A_1 : vector<16xi1>, vector<16xi32>
      %reduce_sum3A_104 = arith.constant true
      %reduce_sum3A_105 = vector.broadcast %reduce_sum3A_104 : i1 to vector<16xi1>
      %reduce_sum3A_106 = tpu.scan <sum>, %select_n3A_103 masked %reduce_sum3A_105 : vector<16xi32>, vector<16xi1> -> vector<16xi32>
      %reduce_sum3A_107 = vector.extract %reduce_sum3A_106[15] : i32 from vector<16xi32>
      %eq3A_108 = vector.broadcast %reduce_sum3A_95 : i32 to vector<16xi32>
      %eq3A_109 = arith.cmpi eq, %iota3A, %eq3A_108 : vector<16xi32>
      %select_n3A_110 = arith.select %eq3A_109, %get3A_78, %broadcast_in_dim3A_1 : vector<16xi1>, vector<16xi32>
      %reduce_sum3A_111 = arith.constant true
      %reduce_sum3A_112 = vector.broadcast %reduce_sum3A_111 : i1 to vector<16xi1>
      %reduce_sum3A_113 = tpu.scan <sum>, %select_n3A_110 masked %reduce_sum3A_112 : vector<16xi32>, vector<16xi1> -> vector<16xi32>
      %reduce_sum3A_114 = vector.extract %reduce_sum3A_113[15] : i32 from vector<16xi32>
      %add3A_115 = arith.addi %parallel_loop3A_74#2, %reduce_sum3A_107 : i32
      %sub3A_116 = arith.subi %reduce_sum3A_114, %reduce_sum3A_107 : i32
      %shift_left3A = arith.constant 11 : i32
      %shift_left3A_117 = arith.shli %add3A_44, %shift_left3A : i32
      %or3A = arith.ori %shift_left3A_117, %add3A_98 : i32
      %parallel_loop3A_118 = arith.constant 0 : i32
      %parallel_loop3A_119 = arith.constant 512 : i32
      %parallel_loop3A_120 = arith.constant 1 : i32
      scf.for %parallel_loop3A_214 = %parallel_loop3A_118 to %parallel_loop3A_119 step %parallel_loop3A_120  : i32 {
        %parallel_loop3A_215 = arith.constant 16 : i32
        %parallel_loop3A_216 = arith.muli %parallel_loop3A_214, %parallel_loop3A_215 : i32
        %parallel_loop3A_217 = arith.index_cast %parallel_loop3A_216 : i32 to index
        %parallel_loop3A_218 = tpu.vector_load %arg5[%parallel_loop3A_217] {strides = array<i32>} : memref<8192xi32, #tpu.memory_space<vmem>>, vector<16xi32>,
        %parallel_loop3A_219 = arith.constant 10 : i32
        %parallel_loop3A_220 = vector.broadcast %parallel_loop3A_219 : i32 to vector<16xi32>
        %parallel_loop3A_221 = arith.shrui %parallel_loop3A_218, %parallel_loop3A_220 : vector<16xi32>
        %parallel_loop3A_222 = vector.broadcast %or3A : i32 to vector<16xi32>
        %parallel_loop3A_223 = arith.cmpi eq, %parallel_loop3A_221, %parallel_loop3A_222 : vector<16xi32>
        %parallel_loop3A_224 = arith.constant 1023 : i32
        %parallel_loop3A_225 = vector.broadcast %parallel_loop3A_224 : i32 to vector<16xi32>
        %parallel_loop3A_226 = arith.andi %parallel_loop3A_218, %parallel_loop3A_225 : vector<16xi32>
        %parallel_loop3A_227 = vector.bitcast %parallel_loop3A_226 : vector<16xi32> to vector<16xi32>
        tpu.vector_store_idx %arg6[%parallel_loop3A_227], %broadcast_in_dim3A_3 masked %parallel_loop3A_223 {add = true} : memref<2048xi32, #tpu.memory_space<vmem>>[vector<16xi32>], vector<16xi32>, vector<16xi1>
      } {sc.loop_unroll_factor = 8 : i64, sc.parallel_access}
      %sub3A_121 = arith.constant 4096 : i32
      %sub3A_122 = arith.subi %sub3A_121, %add3A_60 : i32
      %sub3A_123 = arith.subi %sub3A_122, %add3A_115 : i32
      %parallel_loop3A_124 = arith.constant 0 : i32
      %parallel_loop3A_125 = arith.constant 4 : i32
      %parallel_loop3A_126 = arith.constant 1 : i32
      %parallel_loop3A_127 = arith.constant 0 : i32
      %parallel_loop3A_128 = arith.constant 0 : i32
      %parallel_loop3A_129 = arith.constant 0 : i32
      %parallel_loop3A_130 = arith.constant 0 : i32
      %parallel_loop3A_131:4 = scf.for %parallel_loop3A_214 = %parallel_loop3A_124 to %parallel_loop3A_125 step %parallel_loop3A_126 iter_args(%parallel_loop3A_215 = %parallel_loop3A_127, %parallel_loop3A_216 = %parallel_loop3A_128, %parallel_loop3A_217 = %parallel_loop3A_129, %parallel_loop3A_218 = %parallel_loop3A_130) -> (i32, i32, i32, i32)  : i32 {
        %parallel_loop3A_219 = arith.constant 16 : i32
        %parallel_loop3A_220 = arith.muli %parallel_loop3A_214, %parallel_loop3A_219 : i32
        %parallel_loop3A_221 = arith.constant 0 : i32
        %parallel_loop3A_222 = arith.addi %parallel_loop3A_220, %parallel_loop3A_221 : i32
        %parallel_loop3A_223 = arith.constant 16 : i32
        %parallel_loop3A_224 = arith.muli %parallel_loop3A_222, %parallel_loop3A_223 : i32
        %parallel_loop3A_225 = arith.index_cast %parallel_loop3A_224 : i32 to index
        %parallel_loop3A_226 = tpu.vector_load %arg6[%parallel_loop3A_225] {strides = array<i32>} : memref<2048xi32, #tpu.memory_space<vmem>>, vector<16xi32>,
        %parallel_loop3A_227 = arith.constant true
        %parallel_loop3A_228 = vector.broadcast %parallel_loop3A_227 : i1 to vector<16xi1>
        %parallel_loop3A_229 = tpu.scan <sum>, %parallel_loop3A_226 masked %parallel_loop3A_228 : vector<16xi32>, vector<16xi1> -> vector<16xi32>
        %parallel_loop3A_230 = arith.constant 16 : i32
        %parallel_loop3A_231 = arith.muli %parallel_loop3A_222, %parallel_loop3A_230 : i32
        %parallel_loop3A_232 = arith.index_cast %parallel_loop3A_231 : i32 to index
        %parallel_loop3A_233 = tpu.vector_load %arg7[%parallel_loop3A_232] {strides = array<i32>} : memref<2048xi32, #tpu.memory_space<vmem>>, vector<16xi32>,
        tpu.vector_store %arg7[%parallel_loop3A_232], %parallel_loop3A_229 {strides = array<i32>} : memref<2048xi32, #tpu.memory_space<vmem>>, vector<16xi32>,
        %parallel_loop3A_234 = arith.constant 16 : i32
        %parallel_loop3A_235 = arith.muli %parallel_loop3A_222, %parallel_loop3A_234 : i32
        %parallel_loop3A_236 = arith.index_cast %parallel_loop3A_235 : i32 to index
        %parallel_loop3A_237 = tpu.vector_load %arg6[%parallel_loop3A_236] {strides = array<i32>} : memref<2048xi32, #tpu.memory_space<vmem>>, vector<16xi32>,
        tpu.vector_store %arg6[%parallel_loop3A_236], %broadcast_in_dim3A_1 {strides = array<i32>} : memref<2048xi32, #tpu.memory_space<vmem>>, vector<16xi32>,
        %parallel_loop3A_238 = arith.constant 0 : i32
        %parallel_loop3A_239 = vector.broadcast %parallel_loop3A_238 : i32 to vector<16xi32>
        %parallel_loop3A_240 = arith.cmpi eq, %iota3A, %parallel_loop3A_239 : vector<16xi32>
        %parallel_loop3A_241 = arith.constant true
        %parallel_loop3A_242 = vector.broadcast %parallel_loop3A_241 : i1 to vector<16xi1>
        %parallel_loop3A_243 = tpu.scan <sum>, %parallel_loop3A_226 masked %parallel_loop3A_242 : vector<16xi32>, vector<16xi1> -> vector<16xi32>
        %parallel_loop3A_244 = vector.extract %parallel_loop3A_243[15] : i32 from vector<16xi32>
        %parallel_loop3A_245 = vector.broadcast %parallel_loop3A_244 : i32 to vector<16xi32>
        %parallel_loop3A_246 = arith.select %parallel_loop3A_240, %parallel_loop3A_245, %broadcast_in_dim3A_1 : vector<16xi1>, vector<16xi32>
        %parallel_loop3A_247 = arith.constant 16 : i32
        %parallel_loop3A_248 = arith.muli %parallel_loop3A_214, %parallel_loop3A_247 : i32
        %parallel_loop3A_249 = arith.constant 1 : i32
        %parallel_loop3A_250 = arith.addi %parallel_loop3A_248, %parallel_loop3A_249 : i32
        %parallel_loop3A_251 = arith.constant 16 : i32
        %parallel_loop3A_252 = arith.muli %parallel_loop3A_250, %parallel_loop3A_251 : i32
        %parallel_loop3A_253 = arith.index_cast %parallel_loop3A_252 : i32 to index
        %parallel_loop3A_254 = tpu.vector_load %arg6[%parallel_loop3A_253] {strides = array<i32>} : memref<2048xi32, #tpu.memory_space<vmem>>, vector<16xi32>,
        %parallel_loop3A_255 = arith.constant true
        %parallel_loop3A_256 = vector.broadcast %parallel_loop3A_255 : i1 to vector<16xi1>
        %parallel_loop3A_257 = tpu.scan <sum>, %parallel_loop3A_254 masked %parallel_loop3A_256 : vector<16xi32>, vector<16xi1> -> vector<16xi32>
        %parallel_loop3A_258 = arith.constant 16 : i32
        %parallel_loop3A_259 = arith.muli %parallel_loop3A_250, %parallel_loop3A_258 : i32
        %parallel_loop3A_260 = arith.index_cast %parallel_loop3A_259 : i32 to index
        %parallel_loop3A_261 = tpu.vector_load %arg7[%parallel_loop3A_260] {strides = array<i32>} : memref<2048xi32, #tpu.memory_space<vmem>>, vector<16xi32>,
        tpu.vector_store %arg7[%parallel_loop3A_260], %parallel_loop3A_257 {strides = array<i32>} : memref<2048xi32, #tpu.memory_space<vmem>>, vector<16xi32>,
        %parallel_loop3A_262 = arith.constant 16 : i32
        %parallel_loop3A_263 = arith.muli %parallel_loop3A_250, %parallel_loop3A_262 : i32
        %parallel_loop3A_264 = arith.index_cast %parallel_loop3A_263 : i32 to index
        %parallel_loop3A_265 = tpu.vector_load %arg6[%parallel_loop3A_264] {strides = array<i32>} : memref<2048xi32, #tpu.memory_space<vmem>>, vector<16xi32>,
        tpu.vector_store %arg6[%parallel_loop3A_264], %broadcast_in_dim3A_1 {strides = array<i32>} : memref<2048xi32, #tpu.memory_space<vmem>>, vector<16xi32>,
        %parallel_loop3A_266 = arith.constant 1 : i32
        %parallel_loop3A_267 = vector.broadcast %parallel_loop3A_266 : i32 to vector<16xi32>
        %parallel_loop3A_268 = arith.cmpi eq, %iota3A, %parallel_loop3A_267 : vector<16xi32>
        %parallel_loop3A_269 = arith.constant true
        %parallel_loop3A_270 = vector.broadcast %parallel_loop3A_269 : i1 to vector<16xi1>
        %parallel_loop3A_271 = tpu.scan <sum>, %parallel_loop3A_254 masked %parallel_loop3A_270 : vector<16xi32>, vector<16xi1> -> vector<16xi32>
        %parallel_loop3A_272 = vector.extract %parallel_loop3A_271[15] : i32 from vector<16xi32>
        %parallel_loop3A_273 = vector.broadcast %parallel_loop3A_272 : i32 to vector<16xi32>
        %parallel_loop3A_274 = arith.select %parallel_loop3A_268, %parallel_loop3A_273, %parallel_loop3A_246 : vector<16xi1>, vector<16xi32>
        %parallel_loop3A_275 = arith.constant 16 : i32
        %parallel_loop3A_276 = arith.muli %parallel_loop3A_214, %parallel_loop3A_275 : i32
        %parallel_loop3A_277 = arith.constant 2 : i32
        %parallel_loop3A_278 = arith.addi %parallel_loop3A_276, %parallel_loop3A_277 : i32
        %parallel_loop3A_279 = arith.constant 16 : i32
        %parallel_loop3A_280 = arith.muli %parallel_loop3A_278, %parallel_loop3A_279 : i32
        %parallel_loop3A_281 = arith.index_cast %parallel_loop3A_280 : i32 to index
        %parallel_loop3A_282 = tpu.vector_load %arg6[%parallel_loop3A_281] {strides = array<i32>} : memref<2048xi32, #tpu.memory_space<vmem>>, vector<16xi32>,
        %parallel_loop3A_283 = arith.constant true
        %parallel_loop3A_284 = vector.broadcast %parallel_loop3A_283 : i1 to vector<16xi1>
        %parallel_loop3A_285 = tpu.scan <sum>, %parallel_loop3A_282 masked %parallel_loop3A_284 : vector<16xi32>, vector<16xi1> -> vector<16xi32>
        %parallel_loop3A_286 = arith.constant 16 : i32
        %parallel_loop3A_287 = arith.muli %parallel_loop3A_278, %parallel_loop3A_286 : i32
        %parallel_loop3A_288 = arith.index_cast %parallel_loop3A_287 : i32 to index
        %parallel_loop3A_289 = tpu.vector_load %arg7[%parallel_loop3A_288] {strides = array<i32>} : memref<2048xi32, #tpu.memory_space<vmem>>, vector<16xi32>,
        tpu.vector_store %arg7[%parallel_loop3A_288], %parallel_loop3A_285 {strides = array<i32>} : memref<2048xi32, #tpu.memory_space<vmem>>, vector<16xi32>,
        %parallel_loop3A_290 = arith.constant 16 : i32
        %parallel_loop3A_291 = arith.muli %parallel_loop3A_278, %parallel_loop3A_290 : i32
        %parallel_loop3A_292 = arith.index_cast %parallel_loop3A_291 : i32 to index
        %parallel_loop3A_293 = tpu.vector_load %arg6[%parallel_loop3A_292] {strides = array<i32>} : memref<2048xi32, #tpu.memory_space<vmem>>, vector<16xi32>,
        tpu.vector_store %arg6[%parallel_loop3A_292], %broadcast_in_dim3A_1 {strides = array<i32>} : memref<2048xi32, #tpu.memory_space<vmem>>, vector<16xi32>,
        %parallel_loop3A_294 = arith.constant 2 : i32
        %parallel_loop3A_295 = vector.broadcast %parallel_loop3A_294 : i32 to vector<16xi32>
        %parallel_loop3A_296 = arith.cmpi eq, %iota3A, %parallel_loop3A_295 : vector<16xi32>
        %parallel_loop3A_297 = arith.constant true
        %parallel_loop3A_298 = vector.broadcast %parallel_loop3A_297 : i1 to vector<16xi1>
        %parallel_loop3A_299 = tpu.scan <sum>, %parallel_loop3A_282 masked %parallel_loop3A_298 : vector<16xi32>, vector<16xi1> -> vector<16xi32>
        %parallel_loop3A_300 = vector.extract %parallel_loop3A_299[15] : i32 from vector<16xi32>
        %parallel_loop3A_301 = vector.broadcast %parallel_loop3A_300 : i32 to vector<16xi32>
        %parallel_loop3A_302 = arith.select %parallel_loop3A_296, %parallel_loop3A_301, %parallel_loop3A_274 : vector<16xi1>, vector<16xi32>
        %parallel_loop3A_303 = arith.constant 16 : i32
        %parallel_loop3A_304 = arith.muli %parallel_loop3A_214, %parallel_loop3A_303 : i32
        %parallel_loop3A_305 = arith.constant 3 : i32
        %parallel_loop3A_306 = arith.addi %parallel_loop3A_304, %parallel_loop3A_305 : i32
        %parallel_loop3A_307 = arith.constant 16 : i32
        %parallel_loop3A_308 = arith.muli %parallel_loop3A_306, %parallel_loop3A_307 : i32
        %parallel_loop3A_309 = arith.index_cast %parallel_loop3A_308 : i32 to index
        %parallel_loop3A_310 = tpu.vector_load %arg6[%parallel_loop3A_309] {strides = array<i32>} : memref<2048xi32, #tpu.memory_space<vmem>>, vector<16xi32>,
        %parallel_loop3A_311 = arith.constant true
        %parallel_loop3A_312 = vector.broadcast %parallel_loop3A_311 : i1 to vector<16xi1>
        %parallel_loop3A_313 = tpu.scan <sum>, %parallel_loop3A_310 masked %parallel_loop3A_312 : vector<16xi32>, vector<16xi1> -> vector<16xi32>
        %parallel_loop3A_314 = arith.constant 16 : i32
        %parallel_loop3A_315 = arith.muli %parallel_loop3A_306, %parallel_loop3A_314 : i32
        %parallel_loop3A_316 = arith.index_cast %parallel_loop3A_315 : i32 to index
        %parallel_loop3A_317 = tpu.vector_load %arg7[%parallel_loop3A_316] {strides = array<i32>} : memref<2048xi32, #tpu.memory_space<vmem>>, vector<16xi32>,
        tpu.vector_store %arg7[%parallel_loop3A_316], %parallel_loop3A_313 {strides = array<i32>} : memref<2048xi32, #tpu.memory_space<vmem>>, vector<16xi32>,
        %parallel_loop3A_318 = arith.constant 16 : i32
        %parallel_loop3A_319 = arith.muli %parallel_loop3A_306, %parallel_loop3A_318 : i32
        %parallel_loop3A_320 = arith.index_cast %parallel_loop3A_319 : i32 to index
        %parallel_loop3A_321 = tpu.vector_load %arg6[%parallel_loop3A_320] {strides = array<i32>} : memref<2048xi32, #tpu.memory_space<vmem>>, vector<16xi32>,
        tpu.vector_store %arg6[%parallel_loop3A_320], %broadcast_in_dim3A_1 {strides = array<i32>} : memref<2048xi32, #tpu.memory_space<vmem>>, vector<16xi32>,
        %parallel_loop3A_322 = arith.constant 3 : i32
        %parallel_loop3A_323 = vector.broadcast %parallel_loop3A_322 : i32 to vector<16xi32>
        %parallel_loop3A_324 = arith.cmpi eq, %iota3A, %parallel_loop3A_323 : vector<16xi32>
        %parallel_loop3A_325 = arith.constant true
        %parallel_loop3A_326 = vector.broadcast %parallel_loop3A_325 : i1 to vector<16xi1>
        %parallel_loop3A_327 = tpu.scan <sum>, %parallel_loop3A_310 masked %parallel_loop3A_326 : vector<16xi32>, vector<16xi1> -> vector<16xi32>
        %parallel_loop3A_328 = vector.extract %parallel_loop3A_327[15] : i32 from vector<16xi32>
        %parallel_loop3A_329 = vector.broadcast %parallel_loop3A_328 : i32 to vector<16xi32>
        %parallel_loop3A_330 = arith.select %parallel_loop3A_324, %parallel_loop3A_329, %parallel_loop3A_302 : vector<16xi1>, vector<16xi32>
        %parallel_loop3A_331 = arith.constant 16 : i32
        %parallel_loop3A_332 = arith.muli %parallel_loop3A_214, %parallel_loop3A_331 : i32
        %parallel_loop3A_333 = arith.constant 4 : i32
        %parallel_loop3A_334 = arith.addi %parallel_loop3A_332, %parallel_loop3A_333 : i32
        %parallel_loop3A_335 = arith.constant 16 : i32
        %parallel_loop3A_336 = arith.muli %parallel_loop3A_334, %parallel_loop3A_335 : i32
        %parallel_loop3A_337 = arith.index_cast %parallel_loop3A_336 : i32 to index
        %parallel_loop3A_338 = tpu.vector_load %arg6[%parallel_loop3A_337] {strides = array<i32>} : memref<2048xi32, #tpu.memory_space<vmem>>, vector<16xi32>,
        %parallel_loop3A_339 = arith.constant true
        %parallel_loop3A_340 = vector.broadcast %parallel_loop3A_339 : i1 to vector<16xi1>
        %parallel_loop3A_341 = tpu.scan <sum>, %parallel_loop3A_338 masked %parallel_loop3A_340 : vector<16xi32>, vector<16xi1> -> vector<16xi32>
        %parallel_loop3A_342 = arith.constant 16 : i32
        %parallel_loop3A_343 = arith.muli %parallel_loop3A_334, %parallel_loop3A_342 : i32
        %parallel_loop3A_344 = arith.index_cast %parallel_loop3A_343 : i32 to index
        %parallel_loop3A_345 = tpu.vector_load %arg7[%parallel_loop3A_344] {strides = array<i32>} : memref<2048xi32, #tpu.memory_space<vmem>>, vector<16xi32>,
        tpu.vector_store %arg7[%parallel_loop3A_344], %parallel_loop3A_341 {strides = array<i32>} : memref<2048xi32, #tpu.memory_space<vmem>>, vector<16xi32>,
        %parallel_loop3A_346 = arith.constant 16 : i32
        %parallel_loop3A_347 = arith.muli %parallel_loop3A_334, %parallel_loop3A_346 : i32
        %parallel_loop3A_348 = arith.index_cast %parallel_loop3A_347 : i32 to index
        %parallel_loop3A_349 = tpu.vector_load %arg6[%parallel_loop3A_348] {strides = array<i32>} : memref<2048xi32, #tpu.memory_space<vmem>>, vector<16xi32>,
        tpu.vector_store %arg6[%parallel_loop3A_348], %broadcast_in_dim3A_1 {strides = array<i32>} : memref<2048xi32, #tpu.memory_space<vmem>>, vector<16xi32>,
        %parallel_loop3A_350 = arith.constant 4 : i32
        %parallel_loop3A_351 = vector.broadcast %parallel_loop3A_350 : i32 to vector<16xi32>
        %parallel_loop3A_352 = arith.cmpi eq, %iota3A, %parallel_loop3A_351 : vector<16xi32>
        %parallel_loop3A_353 = arith.constant true
        %parallel_loop3A_354 = vector.broadcast %parallel_loop3A_353 : i1 to vector<16xi1>
        %parallel_loop3A_355 = tpu.scan <sum>, %parallel_loop3A_338 masked %parallel_loop3A_354 : vector<16xi32>, vector<16xi1> -> vector<16xi32>
        %parallel_loop3A_356 = vector.extract %parallel_loop3A_355[15] : i32 from vector<16xi32>
        %parallel_loop3A_357 = vector.broadcast %parallel_loop3A_356 : i32 to vector<16xi32>
        %parallel_loop3A_358 = arith.select %parallel_loop3A_352, %parallel_loop3A_357, %parallel_loop3A_330 : vector<16xi1>, vector<16xi32>
        %parallel_loop3A_359 = arith.constant 16 : i32
        %parallel_loop3A_360 = arith.muli %parallel_loop3A_214, %parallel_loop3A_359 : i32
        %parallel_loop3A_361 = arith.constant 5 : i32
        %parallel_loop3A_362 = arith.addi %parallel_loop3A_360, %parallel_loop3A_361 : i32
        %parallel_loop3A_363 = arith.constant 16 : i32
        %parallel_loop3A_364 = arith.muli %parallel_loop3A_362, %parallel_loop3A_363 : i32
        %parallel_loop3A_365 = arith.index_cast %parallel_loop3A_364 : i32 to index
        %parallel_loop3A_366 = tpu.vector_load %arg6[%parallel_loop3A_365] {strides = array<i32>} : memref<2048xi32, #tpu.memory_space<vmem>>, vector<16xi32>,
        %parallel_loop3A_367 = arith.constant true
        %parallel_loop3A_368 = vector.broadcast %parallel_loop3A_367 : i1 to vector<16xi1>
        %parallel_loop3A_369 = tpu.scan <sum>, %parallel_loop3A_366 masked %parallel_loop3A_368 : vector<16xi32>, vector<16xi1> -> vector<16xi32>
        %parallel_loop3A_370 = arith.constant 16 : i32
        %parallel_loop3A_371 = arith.muli %parallel_loop3A_362, %parallel_loop3A_370 : i32
        %parallel_loop3A_372 = arith.index_cast %parallel_loop3A_371 : i32 to index
        %parallel_loop3A_373 = tpu.vector_load %arg7[%parallel_loop3A_372] {strides = array<i32>} : memref<2048xi32, #tpu.memory_space<vmem>>, vector<16xi32>,
        tpu.vector_store %arg7[%parallel_loop3A_372], %parallel_loop3A_369 {strides = array<i32>} : memref<2048xi32, #tpu.memory_space<vmem>>, vector<16xi32>,
        %parallel_loop3A_374 = arith.constant 16 : i32
        %parallel_loop3A_375 = arith.muli %parallel_loop3A_362, %parallel_loop3A_374 : i32
        %parallel_loop3A_376 = arith.index_cast %parallel_loop3A_375 : i32 to index
        %parallel_loop3A_377 = tpu.vector_load %arg6[%parallel_loop3A_376] {strides = array<i32>} : memref<2048xi32, #tpu.memory_space<vmem>>, vector<16xi32>,
        tpu.vector_store %arg6[%parallel_loop3A_376], %broadcast_in_dim3A_1 {strides = array<i32>} : memref<2048xi32, #tpu.memory_space<vmem>>, vector<16xi32>,
        %parallel_loop3A_378 = arith.constant 5 : i32
        %parallel_loop3A_379 = vector.broadcast %parallel_loop3A_378 : i32 to vector<16xi32>
        %parallel_loop3A_380 = arith.cmpi eq, %iota3A, %parallel_loop3A_379 : vector<16xi32>
        %parallel_loop3A_381 = arith.constant true
        %parallel_loop3A_382 = vector.broadcast %parallel_loop3A_381 : i1 to vector<16xi1>
        %parallel_loop3A_383 = tpu.scan <sum>, %parallel_loop3A_366 masked %parallel_loop3A_382 : vector<16xi32>, vector<16xi1> -> vector<16xi32>
        %parallel_loop3A_384 = vector.extract %parallel_loop3A_383[15] : i32 from vector<16xi32>
        %parallel_loop3A_385 = vector.broadcast %parallel_loop3A_384 : i32 to vector<16xi32>
        %parallel_loop3A_386 = arith.select %parallel_loop3A_380, %parallel_loop3A_385, %parallel_loop3A_358 : vector<16xi1>, vector<16xi32>
        %parallel_loop3A_387 = arith.constant 16 : i32
        %parallel_loop3A_388 = arith.muli %parallel_loop3A_214, %parallel_loop3A_387 : i32
        %parallel_loop3A_389 = arith.constant 6 : i32
        %parallel_loop3A_390 = arith.addi %parallel_loop3A_388, %parallel_loop3A_389 : i32
        %parallel_loop3A_391 = arith.constant 16 : i32
        %parallel_loop3A_392 = arith.muli %parallel_loop3A_390, %parallel_loop3A_391 : i32
        %parallel_loop3A_393 = arith.index_cast %parallel_loop3A_392 : i32 to index
        %parallel_loop3A_394 = tpu.vector_load %arg6[%parallel_loop3A_393] {strides = array<i32>} : memref<2048xi32, #tpu.memory_space<vmem>>, vector<16xi32>,
        %parallel_loop3A_395 = arith.constant true
        %parallel_loop3A_396 = vector.broadcast %parallel_loop3A_395 : i1 to vector<16xi1>
        %parallel_loop3A_397 = tpu.scan <sum>, %parallel_loop3A_394 masked %parallel_loop3A_396 : vector<16xi32>, vector<16xi1> -> vector<16xi32>
        %parallel_loop3A_398 = arith.constant 16 : i32
        %parallel_loop3A_399 = arith.muli %parallel_loop3A_390, %parallel_loop3A_398 : i32
        %parallel_loop3A_400 = arith.index_cast %parallel_loop3A_399 : i32 to index
        %parallel_loop3A_401 = tpu.vector_load %arg7[%parallel_loop3A_400] {strides = array<i32>} : memref<2048xi32, #tpu.memory_space<vmem>>, vector<16xi32>,
        tpu.vector_store %arg7[%parallel_loop3A_400], %parallel_loop3A_397 {strides = array<i32>} : memref<2048xi32, #tpu.memory_space<vmem>>, vector<16xi32>,
        %parallel_loop3A_402 = arith.constant 16 : i32
        %parallel_loop3A_403 = arith.muli %parallel_loop3A_390, %parallel_loop3A_402 : i32
        %parallel_loop3A_404 = arith.index_cast %parallel_loop3A_403 : i32 to index
        %parallel_loop3A_405 = tpu.vector_load %arg6[%parallel_loop3A_404] {strides = array<i32>} : memref<2048xi32, #tpu.memory_space<vmem>>, vector<16xi32>,
        tpu.vector_store %arg6[%parallel_loop3A_404], %broadcast_in_dim3A_1 {strides = array<i32>} : memref<2048xi32, #tpu.memory_space<vmem>>, vector<16xi32>,
        %parallel_loop3A_406 = arith.constant 6 : i32
        %parallel_loop3A_407 = vector.broadcast %parallel_loop3A_406 : i32 to vector<16xi32>
        %parallel_loop3A_408 = arith.cmpi eq, %iota3A, %parallel_loop3A_407 : vector<16xi32>
        %parallel_loop3A_409 = arith.constant true
        %parallel_loop3A_410 = vector.broadcast %parallel_loop3A_409 : i1 to vector<16xi1>
        %parallel_loop3A_411 = tpu.scan <sum>, %parallel_loop3A_394 masked %parallel_loop3A_410 : vector<16xi32>, vector<16xi1> -> vector<16xi32>
        %parallel_loop3A_412 = vector.extract %parallel_loop3A_411[15] : i32 from vector<16xi32>
        %parallel_loop3A_413 = vector.broadcast %parallel_loop3A_412 : i32 to vector<16xi32>
        %parallel_loop3A_414 = arith.select %parallel_loop3A_408, %parallel_loop3A_413, %parallel_loop3A_386 : vector<16xi1>, vector<16xi32>
        %parallel_loop3A_415 = arith.constant 16 : i32
        %parallel_loop3A_416 = arith.muli %parallel_loop3A_214, %parallel_loop3A_415 : i32
        %parallel_loop3A_417 = arith.constant 7 : i32
        %parallel_loop3A_418 = arith.addi %parallel_loop3A_416, %parallel_loop3A_417 : i32
        %parallel_loop3A_419 = arith.constant 16 : i32
        %parallel_loop3A_420 = arith.muli %parallel_loop3A_418, %parallel_loop3A_419 : i32
        %parallel_loop3A_421 = arith.index_cast %parallel_loop3A_420 : i32 to index
        %parallel_loop3A_422 = tpu.vector_load %arg6[%parallel_loop3A_421] {strides = array<i32>} : memref<2048xi32, #tpu.memory_space<vmem>>, vector<16xi32>,
        %parallel_loop3A_423 = arith.constant true
        %parallel_loop3A_424 = vector.broadcast %parallel_loop3A_423 : i1 to vector<16xi1>
        %parallel_loop3A_425 = tpu.scan <sum>, %parallel_loop3A_422 masked %parallel_loop3A_424 : vector<16xi32>, vector<16xi1> -> vector<16xi32>
        %parallel_loop3A_426 = arith.constant 16 : i32
        %parallel_loop3A_427 = arith.muli %parallel_loop3A_418, %parallel_loop3A_426 : i32
        %parallel_loop3A_428 = arith.index_cast %parallel_loop3A_427 : i32 to index
        %parallel_loop3A_429 = tpu.vector_load %arg7[%parallel_loop3A_428] {strides = array<i32>} : memref<2048xi32, #tpu.memory_space<vmem>>, vector<16xi32>,
        tpu.vector_store %arg7[%parallel_loop3A_428], %parallel_loop3A_425 {strides = array<i32>} : memref<2048xi32, #tpu.memory_space<vmem>>, vector<16xi32>,
        %parallel_loop3A_430 = arith.constant 16 : i32
        %parallel_loop3A_431 = arith.muli %parallel_loop3A_418, %parallel_loop3A_430 : i32
        %parallel_loop3A_432 = arith.index_cast %parallel_loop3A_431 : i32 to index
        %parallel_loop3A_433 = tpu.vector_load %arg6[%parallel_loop3A_432] {strides = array<i32>} : memref<2048xi32, #tpu.memory_space<vmem>>, vector<16xi32>,
        tpu.vector_store %arg6[%parallel_loop3A_432], %broadcast_in_dim3A_1 {strides = array<i32>} : memref<2048xi32, #tpu.memory_space<vmem>>, vector<16xi32>,
        %parallel_loop3A_434 = arith.constant 7 : i32
        %parallel_loop3A_435 = vector.broadcast %parallel_loop3A_434 : i32 to vector<16xi32>
        %parallel_loop3A_436 = arith.cmpi eq, %iota3A, %parallel_loop3A_435 : vector<16xi32>
        %parallel_loop3A_437 = arith.constant true
        %parallel_loop3A_438 = vector.broadcast %parallel_loop3A_437 : i1 to vector<16xi1>
        %parallel_loop3A_439 = tpu.scan <sum>, %parallel_loop3A_422 masked %parallel_loop3A_438 : vector<16xi32>, vector<16xi1> -> vector<16xi32>
        %parallel_loop3A_440 = vector.extract %parallel_loop3A_439[15] : i32 from vector<16xi32>
        %parallel_loop3A_441 = vector.broadcast %parallel_loop3A_440 : i32 to vector<16xi32>
        %parallel_loop3A_442 = arith.select %parallel_loop3A_436, %parallel_loop3A_441, %parallel_loop3A_414 : vector<16xi1>, vector<16xi32>
        %parallel_loop3A_443 = arith.constant 16 : i32
        %parallel_loop3A_444 = arith.muli %parallel_loop3A_214, %parallel_loop3A_443 : i32
        %parallel_loop3A_445 = arith.constant 8 : i32
        %parallel_loop3A_446 = arith.addi %parallel_loop3A_444, %parallel_loop3A_445 : i32
        %parallel_loop3A_447 = arith.constant 16 : i32
        %parallel_loop3A_448 = arith.muli %parallel_loop3A_446, %parallel_loop3A_447 : i32
        %parallel_loop3A_449 = arith.index_cast %parallel_loop3A_448 : i32 to index
        %parallel_loop3A_450 = tpu.vector_load %arg6[%parallel_loop3A_449] {strides = array<i32>} : memref<2048xi32, #tpu.memory_space<vmem>>, vector<16xi32>,
        %parallel_loop3A_451 = arith.constant true
        %parallel_loop3A_452 = vector.broadcast %parallel_loop3A_451 : i1 to vector<16xi1>
        %parallel_loop3A_453 = tpu.scan <sum>, %parallel_loop3A_450 masked %parallel_loop3A_452 : vector<16xi32>, vector<16xi1> -> vector<16xi32>
        %parallel_loop3A_454 = arith.constant 16 : i32
        %parallel_loop3A_455 = arith.muli %parallel_loop3A_446, %parallel_loop3A_454 : i32
        %parallel_loop3A_456 = arith.index_cast %parallel_loop3A_455 : i32 to index
        %parallel_loop3A_457 = tpu.vector_load %arg7[%parallel_loop3A_456] {strides = array<i32>} : memref<2048xi32, #tpu.memory_space<vmem>>, vector<16xi32>,
        tpu.vector_store %arg7[%parallel_loop3A_456], %parallel_loop3A_453 {strides = array<i32>} : memref<2048xi32, #tpu.memory_space<vmem>>, vector<16xi32>,
        %parallel_loop3A_458 = arith.constant 16 : i32
        %parallel_loop3A_459 = arith.muli %parallel_loop3A_446, %parallel_loop3A_458 : i32
        %parallel_loop3A_460 = arith.index_cast %parallel_loop3A_459 : i32 to index
        %parallel_loop3A_461 = tpu.vector_load %arg6[%parallel_loop3A_460] {strides = array<i32>} : memref<2048xi32, #tpu.memory_space<vmem>>, vector<16xi32>,
        tpu.vector_store %arg6[%parallel_loop3A_460], %broadcast_in_dim3A_1 {strides = array<i32>} : memref<2048xi32, #tpu.memory_space<vmem>>, vector<16xi32>,
        %parallel_loop3A_462 = arith.constant 8 : i32
        %parallel_loop3A_463 = vector.broadcast %parallel_loop3A_462 : i32 to vector<16xi32>
        %parallel_loop3A_464 = arith.cmpi eq, %iota3A, %parallel_loop3A_463 : vector<16xi32>
        %parallel_loop3A_465 = arith.constant true
        %parallel_loop3A_466 = vector.broadcast %parallel_loop3A_465 : i1 to vector<16xi1>
        %parallel_loop3A_467 = tpu.scan <sum>, %parallel_loop3A_450 masked %parallel_loop3A_466 : vector<16xi32>, vector<16xi1> -> vector<16xi32>
        %parallel_loop3A_468 = vector.extract %parallel_loop3A_467[15] : i32 from vector<16xi32>
        %parallel_loop3A_469 = vector.broadcast %parallel_loop3A_468 : i32 to vector<16xi32>
        %parallel_loop3A_470 = arith.select %parallel_loop3A_464, %parallel_loop3A_469, %parallel_loop3A_442 : vector<16xi1>, vector<16xi32>
        %parallel_loop3A_471 = arith.constant 16 : i32
        %parallel_loop3A_472 = arith.muli %parallel_loop3A_214, %parallel_loop3A_471 : i32
        %parallel_loop3A_473 = arith.constant 9 : i32
        %parallel_loop3A_474 = arith.addi %parallel_loop3A_472, %parallel_loop3A_473 : i32
        %parallel_loop3A_475 = arith.constant 16 : i32
        %parallel_loop3A_476 = arith.muli %parallel_loop3A_474, %parallel_loop3A_475 : i32
        %parallel_loop3A_477 = arith.index_cast %parallel_loop3A_476 : i32 to index
        %parallel_loop3A_478 = tpu.vector_load %arg6[%parallel_loop3A_477] {strides = array<i32>} : memref<2048xi32, #tpu.memory_space<vmem>>, vector<16xi32>,
        %parallel_loop3A_479 = arith.constant true
        %parallel_loop3A_480 = vector.broadcast %parallel_loop3A_479 : i1 to vector<16xi1>
        %parallel_loop3A_481 = tpu.scan <sum>, %parallel_loop3A_478 masked %parallel_loop3A_480 : vector<16xi32>, vector<16xi1> -> vector<16xi32>
        %parallel_loop3A_482 = arith.constant 16 : i32
        %parallel_loop3A_483 = arith.muli %parallel_loop3A_474, %parallel_loop3A_482 : i32
        %parallel_loop3A_484 = arith.index_cast %parallel_loop3A_483 : i32 to index
        %parallel_loop3A_485 = tpu.vector_load %arg7[%parallel_loop3A_484] {strides = array<i32>} : memref<2048xi32, #tpu.memory_space<vmem>>, vector<16xi32>,
        tpu.vector_store %arg7[%parallel_loop3A_484], %parallel_loop3A_481 {strides = array<i32>} : memref<2048xi32, #tpu.memory_space<vmem>>, vector<16xi32>,
        %parallel_loop3A_486 = arith.constant 16 : i32
        %parallel_loop3A_487 = arith.muli %parallel_loop3A_474, %parallel_loop3A_486 : i32
        %parallel_loop3A_488 = arith.index_cast %parallel_loop3A_487 : i32 to index
        %parallel_loop3A_489 = tpu.vector_load %arg6[%parallel_loop3A_488] {strides = array<i32>} : memref<2048xi32, #tpu.memory_space<vmem>>, vector<16xi32>,
        tpu.vector_store %arg6[%parallel_loop3A_488], %broadcast_in_dim3A_1 {strides = array<i32>} : memref<2048xi32, #tpu.memory_space<vmem>>, vector<16xi32>,
        %parallel_loop3A_490 = arith.constant 9 : i32
        %parallel_loop3A_491 = vector.broadcast %parallel_loop3A_490 : i32 to vector<16xi32>
        %parallel_loop3A_492 = arith.cmpi eq, %iota3A, %parallel_loop3A_491 : vector<16xi32>
        %parallel_loop3A_493 = arith.constant true
        %parallel_loop3A_494 = vector.broadcast %parallel_loop3A_493 : i1 to vector<16xi1>
        %parallel_loop3A_495 = tpu.scan <sum>, %parallel_loop3A_478 masked %parallel_loop3A_494 : vector<16xi32>, vector<16xi1> -> vector<16xi32>
        %parallel_loop3A_496 = vector.extract %parallel_loop3A_495[15] : i32 from vector<16xi32>
        %parallel_loop3A_497 = vector.broadcast %parallel_loop3A_496 : i32 to vector<16xi32>
        %parallel_loop3A_498 = arith.select %parallel_loop3A_492, %parallel_loop3A_497, %parallel_loop3A_470 : vector<16xi1>, vector<16xi32>
        %parallel_loop3A_499 = arith.constant 16 : i32
        %parallel_loop3A_500 = arith.muli %parallel_loop3A_214, %parallel_loop3A_499 : i32
        %parallel_loop3A_501 = arith.constant 10 : i32
        %parallel_loop3A_502 = arith.addi %parallel_loop3A_500, %parallel_loop3A_501 : i32
        %parallel_loop3A_503 = arith.constant 16 : i32
        %parallel_loop3A_504 = arith.muli %parallel_loop3A_502, %parallel_loop3A_503 : i32
        %parallel_loop3A_505 = arith.index_cast %parallel_loop3A_504 : i32 to index
        %parallel_loop3A_506 = tpu.vector_load %arg6[%parallel_loop3A_505] {strides = array<i32>} : memref<2048xi32, #tpu.memory_space<vmem>>, vector<16xi32>,
        %parallel_loop3A_507 = arith.constant true
        %parallel_loop3A_508 = vector.broadcast %parallel_loop3A_507 : i1 to vector<16xi1>
        %parallel_loop3A_509 = tpu.scan <sum>, %parallel_loop3A_506 masked %parallel_loop3A_508 : vector<16xi32>, vector<16xi1> -> vector<16xi32>
        %parallel_loop3A_510 = arith.constant 16 : i32
        %parallel_loop3A_511 = arith.muli %parallel_loop3A_502, %parallel_loop3A_510 : i32
        %parallel_loop3A_512 = arith.index_cast %parallel_loop3A_511 : i32 to index
        %parallel_loop3A_513 = tpu.vector_load %arg7[%parallel_loop3A_512] {strides = array<i32>} : memref<2048xi32, #tpu.memory_space<vmem>>, vector<16xi32>,
        tpu.vector_store %arg7[%parallel_loop3A_512], %parallel_loop3A_509 {strides = array<i32>} : memref<2048xi32, #tpu.memory_space<vmem>>, vector<16xi32>,
        %parallel_loop3A_514 = arith.constant 16 : i32
        %parallel_loop3A_515 = arith.muli %parallel_loop3A_502, %parallel_loop3A_514 : i32
        %parallel_loop3A_516 = arith.index_cast %parallel_loop3A_515 : i32 to index
        %parallel_loop3A_517 = tpu.vector_load %arg6[%parallel_loop3A_516] {strides = array<i32>} : memref<2048xi32, #tpu.memory_space<vmem>>, vector<16xi32>,
        tpu.vector_store %arg6[%parallel_loop3A_516], %broadcast_in_dim3A_1 {strides = array<i32>} : memref<2048xi32, #tpu.memory_space<vmem>>, vector<16xi32>,
        %parallel_loop3A_518 = arith.constant 10 : i32
        %parallel_loop3A_519 = vector.broadcast %parallel_loop3A_518 : i32 to vector<16xi32>
        %parallel_loop3A_520 = arith.cmpi eq, %iota3A, %parallel_loop3A_519 : vector<16xi32>
        %parallel_loop3A_521 = arith.constant true
        %parallel_loop3A_522 = vector.broadcast %parallel_loop3A_521 : i1 to vector<16xi1>
        %parallel_loop3A_523 = tpu.scan <sum>, %parallel_loop3A_506 masked %parallel_loop3A_522 : vector<16xi32>, vector<16xi1> -> vector<16xi32>
        %parallel_loop3A_524 = vector.extract %parallel_loop3A_523[15] : i32 from vector<16xi32>
        %parallel_loop3A_525 = vector.broadcast %parallel_loop3A_524 : i32 to vector<16xi32>
        %parallel_loop3A_526 = arith.select %parallel_loop3A_520, %parallel_loop3A_525, %parallel_loop3A_498 : vector<16xi1>, vector<16xi32>
        %parallel_loop3A_527 = arith.constant 16 : i32
        %parallel_loop3A_528 = arith.muli %parallel_loop3A_214, %parallel_loop3A_527 : i32
        %parallel_loop3A_529 = arith.constant 11 : i32
        %parallel_loop3A_530 = arith.addi %parallel_loop3A_528, %parallel_loop3A_529 : i32
        %parallel_loop3A_531 = arith.constant 16 : i32
        %parallel_loop3A_532 = arith.muli %parallel_loop3A_530, %parallel_loop3A_531 : i32
        %parallel_loop3A_533 = arith.index_cast %parallel_loop3A_532 : i32 to index
        %parallel_loop3A_534 = tpu.vector_load %arg6[%parallel_loop3A_533] {strides = array<i32>} : memref<2048xi32, #tpu.memory_space<vmem>>, vector<16xi32>,
        %parallel_loop3A_535 = arith.constant true
        %parallel_loop3A_536 = vector.broadcast %parallel_loop3A_535 : i1 to vector<16xi1>
        %parallel_loop3A_537 = tpu.scan <sum>, %parallel_loop3A_534 masked %parallel_loop3A_536 : vector<16xi32>, vector<16xi1> -> vector<16xi32>
        %parallel_loop3A_538 = arith.constant 16 : i32
        %parallel_loop3A_539 = arith.muli %parallel_loop3A_530, %parallel_loop3A_538 : i32
        %parallel_loop3A_540 = arith.index_cast %parallel_loop3A_539 : i32 to index
        %parallel_loop3A_541 = tpu.vector_load %arg7[%parallel_loop3A_540] {strides = array<i32>} : memref<2048xi32, #tpu.memory_space<vmem>>, vector<16xi32>,
        tpu.vector_store %arg7[%parallel_loop3A_540], %parallel_loop3A_537 {strides = array<i32>} : memref<2048xi32, #tpu.memory_space<vmem>>, vector<16xi32>,
        %parallel_loop3A_542 = arith.constant 16 : i32
        %parallel_loop3A_543 = arith.muli %parallel_loop3A_530, %parallel_loop3A_542 : i32
        %parallel_loop3A_544 = arith.index_cast %parallel_loop3A_543 : i32 to index
        %parallel_loop3A_545 = tpu.vector_load %arg6[%parallel_loop3A_544] {strides = array<i32>} : memref<2048xi32, #tpu.memory_space<vmem>>, vector<16xi32>,
        tpu.vector_store %arg6[%parallel_loop3A_544], %broadcast_in_dim3A_1 {strides = array<i32>} : memref<2048xi32, #tpu.memory_space<vmem>>, vector<16xi32>,
        %parallel_loop3A_546 = arith.constant 11 : i32
        %parallel_loop3A_547 = vector.broadcast %parallel_loop3A_546 : i32 to vector<16xi32>
        %parallel_loop3A_548 = arith.cmpi eq, %iota3A, %parallel_loop3A_547 : vector<16xi32>
        %parallel_loop3A_549 = arith.constant true
        %parallel_loop3A_550 = vector.broadcast %parallel_loop3A_549 : i1 to vector<16xi1>
        %parallel_loop3A_551 = tpu.scan <sum>, %parallel_loop3A_534 masked %parallel_loop3A_550 : vector<16xi32>, vector<16xi1> -> vector<16xi32>
        %parallel_loop3A_552 = vector.extract %parallel_loop3A_551[15] : i32 from vector<16xi32>
        %parallel_loop3A_553 = vector.broadcast %parallel_loop3A_552 : i32 to vector<16xi32>
        %parallel_loop3A_554 = arith.select %parallel_loop3A_548, %parallel_loop3A_553, %parallel_loop3A_526 : vector<16xi1>, vector<16xi32>
        %parallel_loop3A_555 = arith.constant 16 : i32
        %parallel_loop3A_556 = arith.muli %parallel_loop3A_214, %parallel_loop3A_555 : i32
        %parallel_loop3A_557 = arith.constant 12 : i32
        %parallel_loop3A_558 = arith.addi %parallel_loop3A_556, %parallel_loop3A_557 : i32
        %parallel_loop3A_559 = arith.constant 16 : i32
        %parallel_loop3A_560 = arith.muli %parallel_loop3A_558, %parallel_loop3A_559 : i32
        %parallel_loop3A_561 = arith.index_cast %parallel_loop3A_560 : i32 to index
        %parallel_loop3A_562 = tpu.vector_load %arg6[%parallel_loop3A_561] {strides = array<i32>} : memref<2048xi32, #tpu.memory_space<vmem>>, vector<16xi32>,
        %parallel_loop3A_563 = arith.constant true
        %parallel_loop3A_564 = vector.broadcast %parallel_loop3A_563 : i1 to vector<16xi1>
        %parallel_loop3A_565 = tpu.scan <sum>, %parallel_loop3A_562 masked %parallel_loop3A_564 : vector<16xi32>, vector<16xi1> -> vector<16xi32>
        %parallel_loop3A_566 = arith.constant 16 : i32
        %parallel_loop3A_567 = arith.muli %parallel_loop3A_558, %parallel_loop3A_566 : i32
        %parallel_loop3A_568 = arith.index_cast %parallel_loop3A_567 : i32 to index
        %parallel_loop3A_569 = tpu.vector_load %arg7[%parallel_loop3A_568] {strides = array<i32>} : memref<2048xi32, #tpu.memory_space<vmem>>, vector<16xi32>,
        tpu.vector_store %arg7[%parallel_loop3A_568], %parallel_loop3A_565 {strides = array<i32>} : memref<2048xi32, #tpu.memory_space<vmem>>, vector<16xi32>,
        %parallel_loop3A_570 = arith.constant 16 : i32
        %parallel_loop3A_571 = arith.muli %parallel_loop3A_558, %parallel_loop3A_570 : i32
        %parallel_loop3A_572 = arith.index_cast %parallel_loop3A_571 : i32 to index
        %parallel_loop3A_573 = tpu.vector_load %arg6[%parallel_loop3A_572] {strides = array<i32>} : memref<2048xi32, #tpu.memory_space<vmem>>, vector<16xi32>,
        tpu.vector_store %arg6[%parallel_loop3A_572], %broadcast_in_dim3A_1 {strides = array<i32>} : memref<2048xi32, #tpu.memory_space<vmem>>, vector<16xi32>,
        %parallel_loop3A_574 = arith.constant 12 : i32
        %parallel_loop3A_575 = vector.broadcast %parallel_loop3A_574 : i32 to vector<16xi32>
        %parallel_loop3A_576 = arith.cmpi eq, %iota3A, %parallel_loop3A_575 : vector<16xi32>
        %parallel_loop3A_577 = arith.constant true
        %parallel_loop3A_578 = vector.broadcast %parallel_loop3A_577 : i1 to vector<16xi1>
        %parallel_loop3A_579 = tpu.scan <sum>, %parallel_loop3A_562 masked %parallel_loop3A_578 : vector<16xi32>, vector<16xi1> -> vector<16xi32>
        %parallel_loop3A_580 = vector.extract %parallel_loop3A_579[15] : i32 from vector<16xi32>
        %parallel_loop3A_581 = vector.broadcast %parallel_loop3A_580 : i32 to vector<16xi32>
        %parallel_loop3A_582 = arith.select %parallel_loop3A_576, %parallel_loop3A_581, %parallel_loop3A_554 : vector<16xi1>, vector<16xi32>
        %parallel_loop3A_583 = arith.constant 16 : i32
        %parallel_loop3A_584 = arith.muli %parallel_loop3A_214, %parallel_loop3A_583 : i32
        %parallel_loop3A_585 = arith.constant 13 : i32
        %parallel_loop3A_586 = arith.addi %parallel_loop3A_584, %parallel_loop3A_585 : i32
        %parallel_loop3A_587 = arith.constant 16 : i32
        %parallel_loop3A_588 = arith.muli %parallel_loop3A_586, %parallel_loop3A_587 : i32
        %parallel_loop3A_589 = arith.index_cast %parallel_loop3A_588 : i32 to index
        %parallel_loop3A_590 = tpu.vector_load %arg6[%parallel_loop3A_589] {strides = array<i32>} : memref<2048xi32, #tpu.memory_space<vmem>>, vector<16xi32>,
        %parallel_loop3A_591 = arith.constant true
        %parallel_loop3A_592 = vector.broadcast %parallel_loop3A_591 : i1 to vector<16xi1>
        %parallel_loop3A_593 = tpu.scan <sum>, %parallel_loop3A_590 masked %parallel_loop3A_592 : vector<16xi32>, vector<16xi1> -> vector<16xi32>
        %parallel_loop3A_594 = arith.constant 16 : i32
        %parallel_loop3A_595 = arith.muli %parallel_loop3A_586, %parallel_loop3A_594 : i32
        %parallel_loop3A_596 = arith.index_cast %parallel_loop3A_595 : i32 to index
        %parallel_loop3A_597 = tpu.vector_load %arg7[%parallel_loop3A_596] {strides = array<i32>} : memref<2048xi32, #tpu.memory_space<vmem>>, vector<16xi32>,
        tpu.vector_store %arg7[%parallel_loop3A_596], %parallel_loop3A_593 {strides = array<i32>} : memref<2048xi32, #tpu.memory_space<vmem>>, vector<16xi32>,
        %parallel_loop3A_598 = arith.constant 16 : i32
        %parallel_loop3A_599 = arith.muli %parallel_loop3A_586, %parallel_loop3A_598 : i32
        %parallel_loop3A_600 = arith.index_cast %parallel_loop3A_599 : i32 to index
        %parallel_loop3A_601 = tpu.vector_load %arg6[%parallel_loop3A_600] {strides = array<i32>} : memref<2048xi32, #tpu.memory_space<vmem>>, vector<16xi32>,
        tpu.vector_store %arg6[%parallel_loop3A_600], %broadcast_in_dim3A_1 {strides = array<i32>} : memref<2048xi32, #tpu.memory_space<vmem>>, vector<16xi32>,
        %parallel_loop3A_602 = arith.constant 13 : i32
        %parallel_loop3A_603 = vector.broadcast %parallel_loop3A_602 : i32 to vector<16xi32>
        %parallel_loop3A_604 = arith.cmpi eq, %iota3A, %parallel_loop3A_603 : vector<16xi32>
        %parallel_loop3A_605 = arith.constant true
        %parallel_loop3A_606 = vector.broadcast %parallel_loop3A_605 : i1 to vector<16xi1>
        %parallel_loop3A_607 = tpu.scan <sum>, %parallel_loop3A_590 masked %parallel_loop3A_606 : vector<16xi32>, vector<16xi1> -> vector<16xi32>
        %parallel_loop3A_608 = vector.extract %parallel_loop3A_607[15] : i32 from vector<16xi32>
        %parallel_loop3A_609 = vector.broadcast %parallel_loop3A_608 : i32 to vector<16xi32>
        %parallel_loop3A_610 = arith.select %parallel_loop3A_604, %parallel_loop3A_609, %parallel_loop3A_582 : vector<16xi1>, vector<16xi32>
        %parallel_loop3A_611 = arith.constant 16 : i32
        %parallel_loop3A_612 = arith.muli %parallel_loop3A_214, %parallel_loop3A_611 : i32
        %parallel_loop3A_613 = arith.constant 14 : i32
        %parallel_loop3A_614 = arith.addi %parallel_loop3A_612, %parallel_loop3A_613 : i32
        %parallel_loop3A_615 = arith.constant 16 : i32
        %parallel_loop3A_616 = arith.muli %parallel_loop3A_614, %parallel_loop3A_615 : i32
        %parallel_loop3A_617 = arith.index_cast %parallel_loop3A_616 : i32 to index
        %parallel_loop3A_618 = tpu.vector_load %arg6[%parallel_loop3A_617] {strides = array<i32>} : memref<2048xi32, #tpu.memory_space<vmem>>, vector<16xi32>,
        %parallel_loop3A_619 = arith.constant true
        %parallel_loop3A_620 = vector.broadcast %parallel_loop3A_619 : i1 to vector<16xi1>
        %parallel_loop3A_621 = tpu.scan <sum>, %parallel_loop3A_618 masked %parallel_loop3A_620 : vector<16xi32>, vector<16xi1> -> vector<16xi32>
        %parallel_loop3A_622 = arith.constant 16 : i32
        %parallel_loop3A_623 = arith.muli %parallel_loop3A_614, %parallel_loop3A_622 : i32
        %parallel_loop3A_624 = arith.index_cast %parallel_loop3A_623 : i32 to index
        %parallel_loop3A_625 = tpu.vector_load %arg7[%parallel_loop3A_624] {strides = array<i32>} : memref<2048xi32, #tpu.memory_space<vmem>>, vector<16xi32>,
        tpu.vector_store %arg7[%parallel_loop3A_624], %parallel_loop3A_621 {strides = array<i32>} : memref<2048xi32, #tpu.memory_space<vmem>>, vector<16xi32>,
        %parallel_loop3A_626 = arith.constant 16 : i32
        %parallel_loop3A_627 = arith.muli %parallel_loop3A_614, %parallel_loop3A_626 : i32
        %parallel_loop3A_628 = arith.index_cast %parallel_loop3A_627 : i32 to index
        %parallel_loop3A_629 = tpu.vector_load %arg6[%parallel_loop3A_628] {strides = array<i32>} : memref<2048xi32, #tpu.memory_space<vmem>>, vector<16xi32>,
        tpu.vector_store %arg6[%parallel_loop3A_628], %broadcast_in_dim3A_1 {strides = array<i32>} : memref<2048xi32, #tpu.memory_space<vmem>>, vector<16xi32>,
        %parallel_loop3A_630 = arith.constant 14 : i32
        %parallel_loop3A_631 = vector.broadcast %parallel_loop3A_630 : i32 to vector<16xi32>
        %parallel_loop3A_632 = arith.cmpi eq, %iota3A, %parallel_loop3A_631 : vector<16xi32>
        %parallel_loop3A_633 = arith.constant true
        %parallel_loop3A_634 = vector.broadcast %parallel_loop3A_633 : i1 to vector<16xi1>
        %parallel_loop3A_635 = tpu.scan <sum>, %parallel_loop3A_618 masked %parallel_loop3A_634 : vector<16xi32>, vector<16xi1> -> vector<16xi32>
        %parallel_loop3A_636 = vector.extract %parallel_loop3A_635[15] : i32 from vector<16xi32>
        %parallel_loop3A_637 = vector.broadcast %parallel_loop3A_636 : i32 to vector<16xi32>
        %parallel_loop3A_638 = arith.select %parallel_loop3A_632, %parallel_loop3A_637, %parallel_loop3A_610 : vector<16xi1>, vector<16xi32>
        %parallel_loop3A_639 = arith.constant 16 : i32
        %parallel_loop3A_640 = arith.muli %parallel_loop3A_214, %parallel_loop3A_639 : i32
        %parallel_loop3A_641 = arith.constant 15 : i32
        %parallel_loop3A_642 = arith.addi %parallel_loop3A_640, %parallel_loop3A_641 : i32
        %parallel_loop3A_643 = arith.constant 16 : i32
        %parallel_loop3A_644 = arith.muli %parallel_loop3A_642, %parallel_loop3A_643 : i32
        %parallel_loop3A_645 = arith.index_cast %parallel_loop3A_644 : i32 to index
        %parallel_loop3A_646 = tpu.vector_load %arg6[%parallel_loop3A_645] {strides = array<i32>} : memref<2048xi32, #tpu.memory_space<vmem>>, vector<16xi32>,
        %parallel_loop3A_647 = arith.constant true
        %parallel_loop3A_648 = vector.broadcast %parallel_loop3A_647 : i1 to vector<16xi1>
        %parallel_loop3A_649 = tpu.scan <sum>, %parallel_loop3A_646 masked %parallel_loop3A_648 : vector<16xi32>, vector<16xi1> -> vector<16xi32>
        %parallel_loop3A_650 = arith.constant 16 : i32
        %parallel_loop3A_651 = arith.muli %parallel_loop3A_642, %parallel_loop3A_650 : i32
        %parallel_loop3A_652 = arith.index_cast %parallel_loop3A_651 : i32 to index
        %parallel_loop3A_653 = tpu.vector_load %arg7[%parallel_loop3A_652] {strides = array<i32>} : memref<2048xi32, #tpu.memory_space<vmem>>, vector<16xi32>,
        tpu.vector_store %arg7[%parallel_loop3A_652], %parallel_loop3A_649 {strides = array<i32>} : memref<2048xi32, #tpu.memory_space<vmem>>, vector<16xi32>,
        %parallel_loop3A_654 = arith.constant 16 : i32
        %parallel_loop3A_655 = arith.muli %parallel_loop3A_642, %parallel_loop3A_654 : i32
        %parallel_loop3A_656 = arith.index_cast %parallel_loop3A_655 : i32 to index
        %parallel_loop3A_657 = tpu.vector_load %arg6[%parallel_loop3A_656] {strides = array<i32>} : memref<2048xi32, #tpu.memory_space<vmem>>, vector<16xi32>,
        tpu.vector_store %arg6[%parallel_loop3A_656], %broadcast_in_dim3A_1 {strides = array<i32>} : memref<2048xi32, #tpu.memory_space<vmem>>, vector<16xi32>,
        %parallel_loop3A_658 = arith.constant 15 : i32
        %parallel_loop3A_659 = vector.broadcast %parallel_loop3A_658 : i32 to vector<16xi32>
        %parallel_loop3A_660 = arith.cmpi eq, %iota3A, %parallel_loop3A_659 : vector<16xi32>
        %parallel_loop3A_661 = arith.constant true
        %parallel_loop3A_662 = vector.broadcast %parallel_loop3A_661 : i1 to vector<16xi1>
        %parallel_loop3A_663 = tpu.scan <sum>, %parallel_loop3A_646 masked %parallel_loop3A_662 : vector<16xi32>, vector<16xi1> -> vector<16xi32>
        %parallel_loop3A_664 = vector.extract %parallel_loop3A_663[15] : i32 from vector<16xi32>
        %parallel_loop3A_665 = vector.broadcast %parallel_loop3A_664 : i32 to vector<16xi32>
        %parallel_loop3A_666 = arith.select %parallel_loop3A_660, %parallel_loop3A_665, %parallel_loop3A_638 : vector<16xi1>, vector<16xi32>
        %parallel_loop3A_667 = arith.constant true
        %parallel_loop3A_668 = vector.broadcast %parallel_loop3A_667 : i1 to vector<16xi1>
        %parallel_loop3A_669 = tpu.scan <sum>, %parallel_loop3A_666 masked %parallel_loop3A_668 : vector<16xi32>, vector<16xi1> -> vector<16xi32>
        %parallel_loop3A_670 = vector.broadcast %parallel_loop3A_218 : i32 to vector<16xi32>
        %parallel_loop3A_671 = arith.addi %parallel_loop3A_670, %parallel_loop3A_669 : vector<16xi32>
        %parallel_loop3A_672 = vector.broadcast %sub3A_123 : i32 to vector<16xi32>
        %parallel_loop3A_673 = arith.cmpi sge, %parallel_loop3A_671, %parallel_loop3A_672 : vector<16xi32>
        %parallel_loop3A_674 = arith.select %parallel_loop3A_673, %broadcast_in_dim3A_3, %broadcast_in_dim3A_1 : vector<16xi1>, vector<16xi32>
        %parallel_loop3A_675 = arith.constant true
        %parallel_loop3A_676 = vector.broadcast %parallel_loop3A_675 : i1 to vector<16xi1>
        %parallel_loop3A_677 = tpu.scan <sum>, %parallel_loop3A_674 masked %parallel_loop3A_676 : vector<16xi32>, vector<16xi1> -> vector<16xi32>
        %parallel_loop3A_678 = vector.extract %parallel_loop3A_677[15] : i32 from vector<16xi32>
        %parallel_loop3A_679 = arith.constant 0 : i32
        %parallel_loop3A_680 = arith.cmpi sgt, %parallel_loop3A_678, %parallel_loop3A_679 : i32
        %parallel_loop3A_681 = arith.constant true
        %parallel_loop3A_682 = vector.broadcast %parallel_loop3A_681 : i1 to vector<16xi1>
        %parallel_loop3A_683 = tpu.scan <sum>, %parallel_loop3A_674 masked %parallel_loop3A_682 : vector<16xi32>, vector<16xi1> -> vector<16xi32>
        %parallel_loop3A_684 = arith.constant 1 : i32
        %parallel_loop3A_685 = vector.broadcast %parallel_loop3A_684 : i32 to vector<16xi32>
        %parallel_loop3A_686 = arith.cmpi eq, %parallel_loop3A_683, %parallel_loop3A_685 : vector<16xi32>
        %parallel_loop3A_687 = arith.andi %parallel_loop3A_673, %parallel_loop3A_686 : vector<16xi1>
        %parallel_loop3A_688 = arith.constant 16 : i32
        %parallel_loop3A_689 = arith.muli %parallel_loop3A_214, %parallel_loop3A_688 : i32
        %parallel_loop3A_690 = arith.select %parallel_loop3A_687, %iota3A, %broadcast_in_dim3A_1 : vector<16xi1>, vector<16xi32>
        %parallel_loop3A_691 = arith.constant true
        %parallel_loop3A_692 = vector.broadcast %parallel_loop3A_691 : i1 to vector<16xi1>
        %parallel_loop3A_693 = tpu.scan <sum>, %parallel_loop3A_690 masked %parallel_loop3A_692 : vector<16xi32>, vector<16xi1> -> vector<16xi32>
        %parallel_loop3A_694 = vector.extract %parallel_loop3A_693[15] : i32 from vector<16xi32>
        %parallel_loop3A_695 = arith.addi %parallel_loop3A_689, %parallel_loop3A_694 : i32
        %parallel_loop3A_696 = arith.subi %parallel_loop3A_669, %parallel_loop3A_666 : vector<16xi32>
        %parallel_loop3A_697 = arith.select %parallel_loop3A_687, %parallel_loop3A_696, %broadcast_in_dim3A_1 : vector<16xi1>, vector<16xi32>
        %parallel_loop3A_698 = arith.constant true
        %parallel_loop3A_699 = vector.broadcast %parallel_loop3A_698 : i1 to vector<16xi1>
        %parallel_loop3A_700 = tpu.scan <sum>, %parallel_loop3A_697 masked %parallel_loop3A_699 : vector<16xi32>, vector<16xi1> -> vector<16xi32>
        %parallel_loop3A_701 = vector.extract %parallel_loop3A_700[15] : i32 from vector<16xi32>
        %parallel_loop3A_702 = arith.addi %parallel_loop3A_218, %parallel_loop3A_701 : i32
        %parallel_loop3A_703 = arith.constant 0 : i32
        %parallel_loop3A_704 = arith.cmpi eq, %parallel_loop3A_215, %parallel_loop3A_703 : i32
        %parallel_loop3A_705 = arith.andi %parallel_loop3A_680, %parallel_loop3A_704 : i1
        %parallel_loop3A_706 = arith.select %parallel_loop3A_705, %parallel_loop3A_695, %parallel_loop3A_216 : i32
        %parallel_loop3A_707 = arith.select %parallel_loop3A_705, %parallel_loop3A_702, %parallel_loop3A_217 : i32
        %parallel_loop3A_708 = arith.constant 1 : i32
        %parallel_loop3A_709 = arith.constant 0 : i32
        %parallel_loop3A_710 = arith.select %parallel_loop3A_680, %parallel_loop3A_708, %parallel_loop3A_709 : i32
        %parallel_loop3A_711 = arith.ori %parallel_loop3A_215, %parallel_loop3A_710 : i32
        %parallel_loop3A_712 = arith.constant true
        %parallel_loop3A_713 = vector.broadcast %parallel_loop3A_712 : i1 to vector<16xi1>
        %parallel_loop3A_714 = tpu.scan <sum>, %parallel_loop3A_666 masked %parallel_loop3A_713 : vector<16xi32>, vector<16xi1> -> vector<16xi32>
        %parallel_loop3A_715 = vector.extract %parallel_loop3A_714[15] : i32 from vector<16xi32>
        %parallel_loop3A_716 = arith.addi %parallel_loop3A_218, %parallel_loop3A_715 : i32
        scf.yield %parallel_loop3A_711, %parallel_loop3A_706, %parallel_loop3A_707, %parallel_loop3A_716 : i32, i32, i32, i32
      } {sc.loop_unroll_factor = 1 : i64, sc.parallel_access}
      %mul3A_132 = arith.constant 16 : i32
      %mul3A_133 = arith.muli %parallel_loop3A_131#1, %mul3A_132 : i32
      %get3A_134 = arith.index_cast %mul3A_133 : i32 to index
      %get3A_135 = tpu.vector_load %arg7[%get3A_134] {strides = array<i32>} : memref<2048xi32, #tpu.memory_space<vmem>>, vector<16xi32>,
      %add3A_136 = vector.broadcast %parallel_loop3A_131#2 : i32 to vector<16xi32>
      %add3A_137 = arith.addi %add3A_136, %get3A_135 : vector<16xi32>
      %ge3A_138 = vector.broadcast %sub3A_123 : i32 to vector<16xi32>
      %ge3A_139 = arith.cmpi sge, %add3A_137, %ge3A_138 : vector<16xi32>
      %select_n3A_140 = arith.select %ge3A_139, %broadcast_in_dim3A_3, %broadcast_in_dim3A_1 : vector<16xi1>, vector<16xi32>
      %broadcast_in_dim3A_141 = arith.constant true
      %broadcast_in_dim3A_142 = vector.broadcast %broadcast_in_dim3A_141 : i1 to vector<16xi1>
      %masked_cumsum3A_143 = tpu.scan <sum>, %select_n3A_140 masked %broadcast_in_dim3A_142 : vector<16xi32>, vector<16xi1> -> vector<16xi32>
      %eq3A_144 = arith.constant 1 : i32
      %eq3A_145 = vector.broadcast %eq3A_144 : i32 to vector<16xi32>
      %eq3A_146 = arith.cmpi eq, %masked_cumsum3A_143, %eq3A_145 : vector<16xi32>
      %and3A_147 = arith.andi %ge3A_139, %eq3A_146 : vector<16xi1>
      %select_n3A_148 = arith.select %and3A_147, %iota3A, %broadcast_in_dim3A_1 : vector<16xi1>, vector<16xi32>
      %reduce_sum3A_149 = arith.constant true
      %reduce_sum3A_150 = vector.broadcast %reduce_sum3A_149 : i1 to vector<16xi1>
      %reduce_sum3A_151 = tpu.scan <sum>, %select_n3A_148 masked %reduce_sum3A_150 : vector<16xi32>, vector<16xi1> -> vector<16xi32>
      %reduce_sum3A_152 = vector.extract %reduce_sum3A_151[15] : i32 from vector<16xi32>
      %mul3A_153 = arith.constant 16 : i32
      %mul3A_154 = arith.muli %parallel_loop3A_131#1, %mul3A_153 : i32
      %add3A_155 = arith.addi %mul3A_154, %reduce_sum3A_152 : i32
      %sub3A_156 = arith.constant 1 : i32
      %sub3A_157 = arith.subi %reduce_sum3A_152, %sub3A_156 : i32
      %eq3A_158 = vector.broadcast %sub3A_157 : i32 to vector<16xi32>
      %eq3A_159 = arith.cmpi eq, %iota3A, %eq3A_158 : vector<16xi32>
      %select_n3A_160 = arith.select %eq3A_159, %get3A_135, %broadcast_in_dim3A_1 : vector<16xi1>, vector<16xi32>
      %reduce_sum3A_161 = arith.constant true
      %reduce_sum3A_162 = vector.broadcast %reduce_sum3A_161 : i1 to vector<16xi1>
      %reduce_sum3A_163 = tpu.scan <sum>, %select_n3A_160 masked %reduce_sum3A_162 : vector<16xi32>, vector<16xi1> -> vector<16xi32>
      %reduce_sum3A_164 = vector.extract %reduce_sum3A_163[15] : i32 from vector<16xi32>
      %eq3A_165 = vector.broadcast %reduce_sum3A_152 : i32 to vector<16xi32>
      %eq3A_166 = arith.cmpi eq, %iota3A, %eq3A_165 : vector<16xi32>
      %select_n3A_167 = arith.select %eq3A_166, %get3A_135, %broadcast_in_dim3A_1 : vector<16xi1>, vector<16xi32>
      %reduce_sum3A_168 = arith.constant true
      %reduce_sum3A_169 = vector.broadcast %reduce_sum3A_168 : i1 to vector<16xi1>
      %reduce_sum3A_170 = tpu.scan <sum>, %select_n3A_167 masked %reduce_sum3A_169 : vector<16xi32>, vector<16xi1> -> vector<16xi32>
      %reduce_sum3A_171 = vector.extract %reduce_sum3A_170[15] : i32 from vector<16xi32>
      %add3A_172 = arith.addi %parallel_loop3A_131#2, %reduce_sum3A_164 : i32
      %sub3A_173 = arith.subi %reduce_sum3A_171, %reduce_sum3A_164 : i32
      %shift_left3A_174 = arith.constant 10 : i32
      %shift_left3A_175 = arith.shli %or3A, %shift_left3A_174 : i32
      %or3A_176 = arith.ori %shift_left3A_175, %add3A_155 : i32
      %sub3A_177 = arith.constant 4096 : i32
      %sub3A_178 = arith.subi %sub3A_177, %add3A_60 : i32
      %sub3A_179 = arith.subi %sub3A_178, %add3A_115 : i32
      %sub3A_180 = arith.subi %sub3A_179, %add3A_172 : i32
      %parallel_loop3A_181 = arith.constant 0 : i32
      %parallel_loop3A_182 = arith.constant 512 : i32
      %parallel_loop3A_183 = arith.constant 1 : i32
      scf.for %parallel_loop3A_214 = %parallel_loop3A_181 to %parallel_loop3A_182 step %parallel_loop3A_183  : i32 {
        %parallel_loop3A_215 = arith.constant 16 : i32
        %parallel_loop3A_216 = arith.muli %parallel_loop3A_214, %parallel_loop3A_215 : i32
        %parallel_loop3A_217 = arith.index_cast %parallel_loop3A_216 : i32 to index
        %parallel_loop3A_218 = tpu.vector_load %arg5[%parallel_loop3A_217] {strides = array<i32>} : memref<8192xi32, #tpu.memory_space<vmem>>, vector<16xi32>,
        %parallel_loop3A_219 = vector.bitcast %parallel_loop3A_218 : vector<16xi32> to vector<16xi32>
        %parallel_loop3A_220 = arith.constant dense<-1> : vector<16xi32>
        %parallel_loop3A_221 = arith.xori %parallel_loop3A_219, %parallel_loop3A_220 : vector<16xi32>
        %parallel_loop3A_222 = arith.constant 31 : i32
        %parallel_loop3A_223 = vector.broadcast %parallel_loop3A_222 : i32 to vector<16xi32>
        %parallel_loop3A_224 = arith.shrsi %parallel_loop3A_221, %parallel_loop3A_223 : vector<16xi32>
        %parallel_loop3A_225 = arith.constant -2147483648 : i32
        %parallel_loop3A_226 = vector.broadcast %parallel_loop3A_225 : i32 to vector<16xi32>
        %parallel_loop3A_227 = arith.ori %parallel_loop3A_224, %parallel_loop3A_226 : vector<16xi32>
        %parallel_loop3A_228 = arith.xori %parallel_loop3A_219, %parallel_loop3A_227 : vector<16xi32>
        %parallel_loop3A_229 = tpu.bitcast %parallel_loop3A_228 : vector<16xi32> -> vector<16xf32>
        %parallel_loop3A_230 = vector.broadcast %or3A_176 : i32 to vector<16xi32>
        %parallel_loop3A_231 = arith.cmpi ule, %parallel_loop3A_218, %parallel_loop3A_230 : vector<16xi32>
        %parallel_loop3A_232 = arith.constant -1.200000e+00 : f32
        %parallel_loop3A_233 = vector.broadcast %parallel_loop3A_232 : f32 to vector<16xf32>
        %parallel_loop3A_234 = arith.mulf %parallel_loop3A_229, %parallel_loop3A_233 : vector<16xf32>
        %parallel_loop3A_235 = math.exp %parallel_loop3A_234 : vector<16xf32>
        %parallel_loop3A_236 = arith.constant 1.000000e+00 : f32
        %parallel_loop3A_237 = vector.broadcast %parallel_loop3A_236 : f32 to vector<16xf32>
        %parallel_loop3A_238 = arith.addf %parallel_loop3A_237, %parallel_loop3A_235 : vector<16xf32>
        %parallel_loop3A_239 = arith.constant 1.000000e+00 : f32
        %parallel_loop3A_240 = vector.broadcast %parallel_loop3A_239 : f32 to vector<16xf32>
        %parallel_loop3A_241 = arith.divf %parallel_loop3A_240, %parallel_loop3A_238 : vector<16xf32>
        %parallel_loop3A_242 = arith.constant 0.000000e+00 : f32
        %parallel_loop3A_243 = vector.broadcast %parallel_loop3A_242 : f32 to vector<16xf32>
        %parallel_loop3A_244 = arith.select %parallel_loop3A_231, %parallel_loop3A_243, %parallel_loop3A_241 : vector<16xi1>, vector<16xf32>
        %parallel_loop3A_245 = arith.constant 16 : i32
        %parallel_loop3A_246 = arith.muli %parallel_loop3A_214, %parallel_loop3A_245 : i32
        %parallel_loop3A_247 = arith.index_cast %parallel_loop3A_246 : i32 to index
        %parallel_loop3A_248 = tpu.vector_load %arg4[%parallel_loop3A_247] {strides = array<i32>} : memref<8192xf32, #tpu.memory_space<vmem>>, vector<16xf32>,
        tpu.vector_store %arg4[%parallel_loop3A_247], %parallel_loop3A_244 {strides = array<i32>} : memref<8192xf32, #tpu.memory_space<vmem>>, vector<16xf32>,
      } {sc.loop_unroll_factor = 8 : i64, sc.parallel_access}
      %broadcast_in_dim3A_184 = arith.constant 0 : i32
      %broadcast_in_dim3A_185 = vector.broadcast %broadcast_in_dim3A_184 : i32 to vector<16xi32>
      %or3A_186 = vector.broadcast %or3A_176 : i32 to vector<16xi32>
      %or3A_187 = arith.ori %broadcast_in_dim3A_185, %or3A_186 : vector<16xi32>
      %bitcast3A = vector.bitcast %or3A_187 : vector<16xi32> to vector<16xi32>
      %not3A = arith.constant dense<-1> : vector<16xi32>
      %not3A_188 = arith.xori %bitcast3A, %not3A : vector<16xi32>
      %shift_right_arithmetic3A = arith.constant 31 : i32
      %shift_right_arithmetic3A_189 = vector.broadcast %shift_right_arithmetic3A : i32 to vector<16xi32>
      %shift_right_arithmetic3A_190 = arith.shrsi %not3A_188, %shift_right_arithmetic3A_189 : vector<16xi32>
      %or3A_191 = arith.constant -2147483648 : i32
      %or3A_192 = vector.broadcast %or3A_191 : i32 to vector<16xi32>
      %or3A_193 = arith.ori %shift_right_arithmetic3A_190, %or3A_192 : vector<16xi32>
      %xor3A = arith.xori %bitcast3A, %or3A_193 : vector<16xi32>
      %bitcast_convert_type3A = tpu.bitcast %xor3A : vector<16xi32> -> vector<16xf32>
      %mul3A_194 = arith.constant -1.200000e+00 : f32
      %mul3A_195 = vector.broadcast %mul3A_194 : f32 to vector<16xf32>
      %mul3A_196 = arith.mulf %bitcast_convert_type3A, %mul3A_195 : vector<16xf32>
      %exp3A = math.exp %mul3A_196 : vector<16xf32>
      %add3A_197 = arith.constant 1.000000e+00 : f32
      %add3A_198 = vector.broadcast %add3A_197 : f32 to vector<16xf32>
      %add3A_199 = arith.addf %add3A_198, %exp3A : vector<16xf32>
      %div3A = arith.constant 1.000000e+00 : f32
      %div3A_200 = vector.broadcast %div3A : f32 to vector<16xf32>
      %div3A_201 = arith.divf %div3A_200, %add3A_199 : vector<16xf32>
      %lt3A = arith.cmpi slt, %sub3A_180, %sub3A_173 : i32
      %jit3A = arith.constant 512 : i32
      %jit3A_202 = arith.constant 0 : i32
      %select_n3A_203 = arith.select %lt3A, %jit3A, %jit3A_202 : i32
      %while3A = arith.constant 0 : i32
      %while3A_204 = arith.subi %select_n3A_203, %while3A : i32
      %while3A_205 = arith.addi %while3A, %while3A_204 : i32
      %while3A_206 = arith.constant 1 : i32
      %while3A_207 = arith.divsi %while3A_204, %while3A_206 : i32
      %while3A_208 = arith.muli %while3A_207, %while3A_206 : i32
      %while3A_209 = arith.addi %while3A, %while3A_208 : i32
      %while3A_210 = arith.constant 1 : i32
      %while3A_211 = scf.for %while3A_214 = %while3A to %while3A_209 step %while3A_210 iter_args(%while3A_215 = %broadcast_in_dim3A_1) -> (vector<16xi32>)  : i32 {
        %mul3A_216 = arith.constant 16 : i32
        %mul3A_217 = arith.muli %while3A_214, %mul3A_216 : i32
        %get3A_218 = arith.index_cast %mul3A_217 : i32 to index
        %get3A_219 = tpu.vector_load %arg5[%get3A_218] {strides = array<i32>} : memref<8192xi32, #tpu.memory_space<vmem>>, vector<16xi32>,
        %eq3A_220 = vector.broadcast %or3A_176 : i32 to vector<16xi32>
        %eq3A_221 = arith.cmpi eq, %get3A_219, %eq3A_220 : vector<16xi32>
        %select_n3A_222 = arith.select %eq3A_221, %broadcast_in_dim3A_3, %broadcast_in_dim3A_1 : vector<16xi1>, vector<16xi32>
        %broadcast_in_dim3A_223 = arith.constant true
        %broadcast_in_dim3A_224 = vector.broadcast %broadcast_in_dim3A_223 : i1 to vector<16xi1>
        %masked_cumsum3A_225 = tpu.scan <sum>, %select_n3A_222 masked %broadcast_in_dim3A_224 : vector<16xi32>, vector<16xi1> -> vector<16xi32>
        %sub3A_226 = arith.subi %masked_cumsum3A_225, %select_n3A_222 : vector<16xi32>
        %add3A_227 = arith.addi %while3A_215, %sub3A_226 : vector<16xi32>
        %ge3A_228 = vector.broadcast %sub3A_180 : i32 to vector<16xi32>
        %ge3A_229 = arith.cmpi sge, %add3A_227, %ge3A_228 : vector<16xi32>
        %and3A_230 = arith.andi %eq3A_221, %ge3A_229 : vector<16xi1>
        %mul3A_231 = arith.constant 16 : i32
        %mul3A_232 = arith.muli %while3A_214, %mul3A_231 : i32
        %add3A_233 = vector.broadcast %mul3A_232 : i32 to vector<16xi32>
        %add3A_234 = arith.addi %add3A_233, %iota3A : vector<16xi32>
        tpu.vector_store_idx %arg4[%add3A_234], %div3A_201 masked %and3A_230 : memref<8192xf32, #tpu.memory_space<vmem>>[vector<16xi32>], vector<16xf32>, vector<16xi1>
        %all_reduce_population_count3A = tpu.all_reduce %eq3A_221 {dim = 0 : i64, kind = #tpu.reduction_kind<sum>} : vector<16xi1> -> vector<16xi32>
        %add3A_235 = arith.addi %while3A_215, %all_reduce_population_count3A : vector<16xi32>
        scf.yield %add3A_235 : vector<16xi32>
      }
      %while3A_212 = arith.constant 1 : i32
      %while3A_213 = scf.for %while3A_214 = %while3A_209 to %while3A_205 step %while3A_212 iter_args(%while3A_215 = %while3A_211) -> (vector<16xi32>)  : i32 {
        %mul3A_216 = arith.constant 16 : i32
        %mul3A_217 = arith.muli %while3A_214, %mul3A_216 : i32
        %get3A_218 = arith.index_cast %mul3A_217 : i32 to index
        %get3A_219 = tpu.vector_load %arg5[%get3A_218] {strides = array<i32>} : memref<8192xi32, #tpu.memory_space<vmem>>, vector<16xi32>,
        %eq3A_220 = vector.broadcast %or3A_176 : i32 to vector<16xi32>
        %eq3A_221 = arith.cmpi eq, %get3A_219, %eq3A_220 : vector<16xi32>
        %select_n3A_222 = arith.select %eq3A_221, %broadcast_in_dim3A_3, %broadcast_in_dim3A_1 : vector<16xi1>, vector<16xi32>
        %broadcast_in_dim3A_223 = arith.constant true
        %broadcast_in_dim3A_224 = vector.broadcast %broadcast_in_dim3A_223 : i1 to vector<16xi1>
        %masked_cumsum3A_225 = tpu.scan <sum>, %select_n3A_222 masked %broadcast_in_dim3A_224 : vector<16xi32>, vector<16xi1> -> vector<16xi32>
        %sub3A_226 = arith.subi %masked_cumsum3A_225, %select_n3A_222 : vector<16xi32>
        %add3A_227 = arith.addi %while3A_215, %sub3A_226 : vector<16xi32>
        %ge3A_228 = vector.broadcast %sub3A_180 : i32 to vector<16xi32>
        %ge3A_229 = arith.cmpi sge, %add3A_227, %ge3A_228 : vector<16xi32>
        %and3A_230 = arith.andi %eq3A_221, %ge3A_229 : vector<16xi1>
        %mul3A_231 = arith.constant 16 : i32
        %mul3A_232 = arith.muli %while3A_214, %mul3A_231 : i32
        %add3A_233 = vector.broadcast %mul3A_232 : i32 to vector<16xi32>
        %add3A_234 = arith.addi %add3A_233, %iota3A : vector<16xi32>
        tpu.vector_store_idx %arg4[%add3A_234], %div3A_201 masked %and3A_230 : memref<8192xf32, #tpu.memory_space<vmem>>[vector<16xi32>], vector<16xf32>, vector<16xi1>
        %all_reduce_population_count3A = tpu.all_reduce %eq3A_221 {dim = 0 : i64, kind = #tpu.reduction_kind<sum>} : vector<16xi1> -> vector<16xi32>
        %add3A_235 = arith.addi %while3A_215, %all_reduce_population_count3A : vector<16xi32>
        scf.yield %add3A_235 : vector<16xi32>
      }
      "tpu.region"() ({
        %run_scoped3A = tpu.sem_alloc : memref<!tpu.dma_semaphore, #tpu.memory_space<semaphore_mem>>
        %dma_start3A = arith.constant 0 : i32
        %dma_start3A_214 = tpu.memref_slice %arg3[%add3A_14, %dma_start3A] : memref<128x8192xf32, #tpu.memory_space<hbm>> -> memref<1x8192xf32, #tpu.memory_space<hbm>>
        %dma_start3A_215 = tpu.memref_squeeze %dma_start3A_214 : memref<1x8192xf32, #tpu.memory_space<hbm>> -> memref<8192xf32, #tpu.memory_space<hbm>>
        %dma_start3A_216 = arith.constant 0 : i32
        %dma_start3A_217 = tpu.memref_slice %arg3[%add3A_14, %dma_start3A_216] : memref<128x8192xf32, #tpu.memory_space<hbm>> -> memref<1x8192xf32, #tpu.memory_space<hbm>>
        %dma_start3A_218 = tpu.memref_squeeze %dma_start3A_217 : memref<1x8192xf32, #tpu.memory_space<hbm>> -> memref<8192xf32, #tpu.memory_space<hbm>>
        tpu.enqueue_dma source(%arg4 : memref<8192xf32, #tpu.memory_space<vmem>>) target(%dma_start3A_218 : memref<8192xf32, #tpu.memory_space<hbm>>) target_semaphore(%run_scoped3A : memref<!tpu.dma_semaphore, #tpu.memory_space<semaphore_mem>>)
        %dma_wait3A = arith.constant 0 : i32
        %dma_wait3A_219 = tpu.memref_slice %arg3[%add3A_14, %dma_wait3A] : memref<128x8192xf32, #tpu.memory_space<hbm>> -> memref<1x8192xf32, #tpu.memory_space<hbm>>
        %dma_wait3A_220 = tpu.memref_squeeze %dma_wait3A_219 : memref<1x8192xf32, #tpu.memory_space<hbm>> -> memref<8192xf32, #tpu.memory_space<hbm>>
        %dma_wait3A_221 = arith.constant 0 : i32
        %dma_wait3A_222 = tpu.memref_slice %arg3[%add3A_14, %dma_wait3A_221] : memref<128x8192xf32, #tpu.memory_space<hbm>> -> memref<1x8192xf32, #tpu.memory_space<hbm>>
        %dma_wait3A_223 = tpu.memref_squeeze %dma_wait3A_222 : memref<1x8192xf32, #tpu.memory_space<hbm>> -> memref<8192xf32, #tpu.memory_space<hbm>>
        tpu.wait_dma2 semaphore(%run_scoped3A : memref<!tpu.dma_semaphore, #tpu.memory_space<semaphore_mem>>) src(%arg4 : memref<8192xf32, #tpu.memory_space<vmem>>) dst(%dma_wait3A_223 : memref<8192xf32, #tpu.memory_space<hbm>>)
        tpu.yield
      }) : () -> ()
    }
    %scan3A_10 = arith.constant 4 : i32
    return
  }
}

</mosaic_0001>

<sc_bundles>
// kernel: kernel.3.cloned.1.call-start
scs
__scs_entry_jumppad:
0x0: {  	(pc) =	sbr.rel $0x88, $3  }
0x1: {  	(tag) =	ssettag $0x0;
	lr =	simm.s32 $0x1  }
0x2: {  	[smem:$0x3FA0] =	sst lr;
	_ =	strace $0xD0000000  }
0x3: {  	_ = 	snop  }
0x4: {  	_ = 	snop  }
0x5: {  	_ = 	snop  }
0x6: {  	_ = 	snop  }
0x7: {  	_ = 	snop  }
__scs_overlays_trampoline_lowered:
0x8: {  	[smem:$0x3FAF] =	sst s0  }
0x9: {  	[smem:$0x3FB0] =	sst s1  }
0xa: {  	[smem:$0x3FB1] =	sst s2  }
0xb: {  	[smem:$0x3FB2] =	sst s3  }
0xc: {  	[smem:$0x3FB3] =	sst s4  }
0xd: {  	[smem:$0x3FB4] =	sst s5  }
0xe: {  	[smem:$0x3FB5] =	sst s6  }
0xf: {  	[smem:$0x3FB6] =	sst s7  }
0x10: {  	[smem:$0x3FB7] =	sst s8  }
0x11: {  	[smem:$0x3FB8] =	sst s9;
	s0 =	simm.s32 @!p0 $0x0  }
0x12: {  	s1 =	sld [smem:$0x3F9E];
	s0 =	simm.s32 @p0 $0x1  }
0x13: {  	[smem:$0x3FB9] =	sst s0;
	s0 =	simm.s32 @!p1 $0x0  }
0x14: {  	s2 =	sld [smem:$0x3F9D];
	s0 =	simm.s32 @p1 $0x1  }
0x15: {  	[smem:$0x3FBA] =	sst s0;
	s0 =	simm.s32 @!p2 $0x0  }
0x16: {  	s3 =	sld [smem:$0x3FDB];
	s0 =	simm.s32 @p2 $0x1  }
0x17: {  	s4 =	simm.s32 $0x1BF5;
	[smem:$0x3FBC] =	sst s0  }
0x18: {  	s0 =	sld [smem:$0x3F9F];
	_ =	swait.ge [sflag:s4], $0x0  }
0x19: {  	s7 =	sld [smem:$0x3FA0]  }
0x1a: {  	s8 =	sadd.s32 $0xFFFFE003, lr  }
0x1b: {  	s9 =	sadd.s32 $0xFFFFFEF7, lr;
	s5 =	simm.s32 $0xFFFFFFFF;
	p2 =	slt.u32 s8, $0xFFFFF086  }
0x1c: {  	p1 =	slt.u32 s9, $0xF7A;
	s5 =	simm.s32 @!p2 $0x0  }
0x1d: {  	s5 =	simm.s32 @p1 $0x1;
	p0 =	seq.s32 s7, s2  }
0x1e: {  	s7 =	smul.u32 @!p0 $0xF7A, s2;
	p2 =	seq.s32 @!p0 s5, $0x0  }
0x1f: {  	s9 =	smul.u32 $0xF7A, s1;
	s8 =	simm.s32 @!p0 $0x1BF5;
	p2 =	por !p2, p0  }
0x20: {  	[sflag:s8] =	ssyncset.s32 @!p0 $0xFFFFF086;
	s6 =	sadd.s32 @!p0 s3, s7;
	s7 =	simm.s32 @!p0 $0x108  }
0x21: {  	s3 =	sadd.s32 s3, s9;
	s6 =	sadd.s32 @!p0 $0x88, s6;
	s7 =	simm.s32 @p2 $0x1082  }
0x22: {  	[simem:s7], [sflag:s8] =	dma.local @!p0 [hbm:s6], $0xF7A  }
0x23: {  	s9 =	sor.u32 $0xD0000000, s2;
	s6 =	simm.s32 $0x108;
	_ =	swait.ge @!p0 [sflag:s8], $0x0  }
0x24: {  	s3 =	sadd.s32 $0x88, s3;
	s6 =	simm.s32 @!p1 $0x1082;
	[sflag:s4] =	ssyncset.s32 $0xFFFFF086  }
0x25: {  	[simem:s6], [sflag:s4] =	dma.local [hbm:s3], $0xF7A  }
0x26: {  	[smem:$0x3FA0] =	sst s1;
	(tag) =	ssettag s2;
	_ =	strace s9  }
0x27: {  	s1 =	sld [smem:$0x3FB0]  }
0x28: {  	s2 =	sld [smem:$0x3FB1]  }
0x29: {  	s4 =	sld [smem:$0x3FB3]  }
0x2a: {  	p0 =	seq.s32 s5, $0x0;
	s5 =	sld [smem:$0x3FB4]  }
0x2b: {  	s6 =	sld [smem:$0x3FB5]  }
0x2c: {  	s7 =	sld [smem:$0x3FB6]  }
0x2d: {  	s3 =	simm.s32 $0x108;
	s8 =	sld [smem:$0x3FB7]  }
0x2e: {  	s3 =	simm.s32 @!p0 $0x1082;
	s9 =	sld [smem:$0x3FB8]  }
0x2f: {  	lr =	sadd.s32 s0, s3;
	s0 =	sld [smem:$0x3FAF]  }
0x30: {  	s3 =	sld [smem:$0x3FB2]  }
0x31: {  	[smem:$0x3FBB] =	sst s10  }
0x32: {  	s10 =	sld [smem:$0x3FB9];
	_ =	sdelay $0x3  }
0x33: {  	p0 =	seq.s32 s10, $0x1;
	s10 =	sld [smem:$0x3FBB];
	_ =	sdelay $0x3  }
0x34: {  	[smem:$0x3FBB] =	sst s10  }
0x35: {  	s10 =	sld [smem:$0x3FBA];
	_ =	sdelay $0x3  }
0x36: {  	p1 =	seq.s32 s10, $0x1;
	s10 =	sld [smem:$0x3FBB];
	_ =	sdelay $0x3  }
0x37: {  	[smem:$0x3FBB] =	sst s10  }
0x38: {  	s10 =	sld [smem:$0x3FBC]  }
0x39: {  	_ = 	snop;
	(pc) =	sbr.ind lr, $3  }
0x3a: {  	_ = 	snop  }
0x3b: {  	_ = 	snop  }
0x3c: {  	p2 =	seq.s32 s10, $0x1;
	s10 =	sld [smem:$0x3FBB]  }
0x3d: {  	_ =	shalt  }
0x3e: {  	_ =	shalt  }
0x3f: {  	_ =	shalt  }
0x40: {  	_ =	shalt  }
0x41: {  	_ =	shalt  }
0x42: {  	_ =	shalt  }
0x43: {  	_ =	shalt  }
0x44: {  	_ =	shalt  }
0x45: {  	_ =	shalt  }
0x46: {  	_ =	shalt  }
0x47: {  	_ =	shalt  }
0x48: {  	_ =	shalt  }
0x49: {  	_ =	shalt  }
0x4a: {  	_ =	shalt  }
0x4b: {  	_ =	shalt  }
0x4c: {  	_ =	shalt  }
0x4d: {  	_ =	shalt  }
0x4e: {  	_ =	shalt  }
0x4f: {  	_ =	shalt  }
0x50: {  	_ =	shalt  }
0x51: {  	_ =	shalt  }
0x52: {  	_ =	shalt  }
0x53: {  	_ =	shalt  }
0x54: {  	_ =	shalt  }
0x55: {  	_ =	shalt  }
0x56: {  	_ =	shalt  }
0x57: {  	_ =	shalt  }
0x58: {  	_ =	shalt  }
0x59: {  	_ =	shalt  }
0x5a: {  	_ =	shalt  }
0x5b: {  	_ =	shalt  }
0x5c: {  	_ =	shalt  }
0x5d: {  	_ =	shalt  }
0x5e: {  	_ =	shalt  }
0x5f: {  	_ =	shalt  }
0x60: {  	_ =	shalt  }
0x61: {  	_ =	shalt  }
0x62: {  	_ =	shalt  }
0x63: {  	_ =	shalt  }
0x64: {  	_ =	shalt  }
0x65: {  	_ =	shalt  }
0x66: {  	_ =	shalt  }
0x67: {  	_ =	shalt  }
0x68: {  	_ =	shalt  }
0x69: {  	_ =	shalt  }
0x6a: {  	_ =	shalt  }
0x6b: {  	_ =	shalt  }
0x6c: {  	_ =	shalt  }
0x6d: {  	_ =	shalt  }
0x6e: {  	_ =	shalt  }
0x6f: {  	_ =	shalt  }
0x70: {  	_ =	shalt  }
0x71: {  	_ =	shalt  }
0x72: {  	_ =	shalt  }
0x73: {  	_ =	shalt  }
0x74: {  	_ =	shalt  }
0x75: {  	_ =	shalt  }
0x76: {  	_ =	shalt  }
0x77: {  	_ =	shalt  }
0x78: {  	_ =	shalt  }
0x79: {  	_ =	shalt  }
0x7a: {  	_ =	shalt  }
0x7b: {  	_ =	shalt  }
0x7c: {  	_ =	shalt  }
0x7d: {  	_ =	shalt  }
0x7e: {  	_ =	shalt  }
0x7f: {  	_ =	shalt  }
0x80: {  	_ =	shalt  }
0x81: {  	_ =	shalt  }
0x82: {  	_ =	shalt  }
0x83: {  	_ =	shalt  }
0x84: {  	_ =	shalt  }
0x85: {  	_ =	shalt  }
0x86: {  	_ =	shalt  }
0x87: {  	_ =	shalt  }
.Lfunc_end0:
.L_simem_size_0:
called_computation_lowered:
.L_overlay_start_0:
0x88: {  	s2 =	sld [smem:$0x3FD9]  }
0x89: {  	s3 =	sld [smem:$0x3FFE];
	_ =	sdelay $0x1  }
0x8a: {  	s1 =	srdreg.scid  }
0x8b: {  	s0 =	sand.u32 $0x1, s1  }
0x8c: {  	s18 =	sshll.u32 s0, $0xA;
	s2 =	sadd.s32 s3, s2  }
0x8d: {  	s2 =	sadd.s32 s2, s18  }
0x8e: {  	[smem:$0x3FC7] =	sst s2  }
0x8f: {  	_ = 	snop  }
0x90: {  	s2 =	sld [smem:$0x3FC9]  }
0x91: {  	s19 =	sld [smem:$0x3FD0];
	(tm) =	ssettm $0x1  }
0x92: {  	s4 =	sld [smem:$0x3FFB];
	_ =	sdelay $0x3  }
0x93: {  	_ =	strace s4  }
0x94: {  	s4 =	sld [smem:$0x3FFC];
	_ =	sdelay $0x3  }
0x95: {  	_ =	strace s4  }
0x96: {  	s4 =	sld [smem:$0x3FFD];
	_ =	sdelay $0x3  }
0x97: {  	_ =	strace s4  }
0x98: {  	_ =	strace $0x8FFFFFFF  }
0x99: {  	s20 =	sld [smem:$0x3FDB];
	_ =	sdelay $0x1  }
0x9a: {  	s5 =	simm.s32 $_scs_section_size  }
0x9b: {  	s6 =	simm.s32 $_size__tile_overlayer_lowered;
	s7 =	simm.s32 $_tile_overlayer_lowered  }
0x9c: {  	s23 =	simm.s32 $0x1BFF;
	s22 =	sshll.u32 s7, $0x1;
	s4 =	sadd.s32 s5, s20  }
0x9d: {  	s8 =	simm.s32 $0x0;
	s21 =	sshll.u32 s6, $0x1;
	s6 =	sadd.s32 s22, s4  }
0x9e: {  	[timem:s8], [sflag:s23] =	dma.local [hbm:s6], s21  }
0x9f: {  	_ =	swait.ge [sflag:s23], s21  }
0xa0: {  	s5 =	ssub.s32 $0x0, s21;
	[sflag:s23] =	ssyncset.done $0x0  }
0xa1: {  	[sflag:s23] =	ssyncadd.s32 s5;
	_ =	sdelay $0x1  }
0xa2: {  	s24 =	simm.s32 $0x1B8B  }
0xa3: {  	_ =	swait.ge [sflag:s24], $0x1  }
0xa4: {  	[sflag:s24] =	ssyncset.done $0x0  }
0xa5: {  	s25 =	simm.s32 $0x1B8E;
	[sflag:s24] =	ssyncadd.s32 $0xFFFFFFFF  }
0xa6: {  	s26 =	simm.s32 $execute0_lowered;
	[smem:$0x3FD2] =	sst s25  }
0xa7: {  	s5 =	sshll.u32 s26, $0x1;
	_ =	strace $0x80000046;
	[dreg:$0x1] =	wrdreg $0xFFFFFFFF  }
0xa8: {  	s28 =	simm.s32 $_size_execute0_lowered;
	s4 =	sadd.s32 s4, s5;
	[dreg:$0x0] =	wrdreg $0x0  }
0xa9: {  	s5 =	sshll.u32 s28, $0x1;
	[dreg:$0x2] =	wrdreg s4  }
0xaa: {  	[dreg:$0x3] =	wrdreg s5  }
0xab: {  	[dreg:$0x4] =	wrdreg $0xC0  }
0xac: {  	_ =	task [dreg:s8], $0x5FFFF  }
0xad: {  	[dreg:$0x1] =	wrdreg $0xFFFFFFFF  }
0xae: {  	[dreg:$0x0] =	wrdreg $0x60  }
0xaf: {  	[dreg:$0x2] =	wrdreg s2  }
0xb0: {  	[dreg:$0x3] =	wrdreg s19  }
0xb1: {  	[dreg:$0x4] =	wrdreg $0x9  }
0xb2: {  	_ =	task.clear_ibuf [dreg:s8], $0x5FFFF;
	_ =	strace $0x90000046  }
0xb3: {  	s29 =	simm.s32 $0x9;
	_ =	strace $0x80000048  }
0xb4: {  	_ =	swait.ge [sflag:s29], $0x1  }
0xb5: {  	[sflag:s29] =	ssyncadd.s32 $0xFFFFFFFF  }
0xb6: {  	_ =	strace $0x90000048  }
0xb7: {  	_ =	sfence  }
0xb8: {  	s30 =	sld [smem:$0x0];
	_ =	sdelay $0x2  }
0xb9: {  	s31 =	sshll.u32 s1, $0xD;
	s1 =	sshrl.u32 s1, $0x2  }
0xba: {  	s3 =	sand.u32 $0x4000, s31;
	s1 =	sadd.s32 s1, s30  }
0xbb: {  	s0 =	sor.u32 s3, s0;
	s1 =	sshll.u32 s1, $0x11  }
0xbc: {  	s0 =	sor.u32 s1, s0  }
0xbd: {  	s0 =	sadd.s32 $0x8F2B, s0  }
0xbe: {  	[sflag:s0] =	ssyncadd.remote.s32 $0x1  }
0xbf: {  	_ =	sfence.sel $0xFFFF  }
0xc0: {  	[dreg:$0x0] =	wrdreg $0xFFFFFFFF;
	(pc) =	sbr.abs _section_cstart, $3  }
0xc1: {  	[dreg:$0x1] =	wrdreg $0xFFFFFFFF  }
0xc2: {  	_ =	task.clear_ibuf [dreg:s8], $0x2FFFF;
	_ =	strace $0x9FFFFFFF  }
0xc3: {  	(tm) =	ssettm $0x7FFFFFFF  }
tec
execute0_lowered:
.L_overlay_start_1:
0x0: {  	(tag) =	ssettag $0x1  }
0x1: {  	s3 =	simm.s32 $0x0;
	vm15 =	vmmov $0x1;
	v4 =	vimm.s32 $0x0  }
0x2: {  	[smem:$0x7FF] =	sst s3;
	v4 =	vsel vm15, $0xFFFFFFFF, v4  }
0x3: {  	vm6 =	vmmov $0x3;
	_ =	strace $0x80000047;
	[tilespmem:$0x1FF20] =	vst v4;
	v4 =	vimm.s32 $0x0  }
0x4: {  	v4 =	vsel vm6, $0xFFFFFFFF, v4  }
0x5: {  	vm1 =	vmmov $0x7;
	[tilespmem:$0x1FF30] =	vst v4;
	v4 =	vimm.s32 $0x0  }
0x6: {  	v4 =	vsel vm1, $0xFFFFFFFF, v4  }
0x7: {  	vm3 =	vmmov $0xf;
	[tilespmem:$0x1FF40] =	vst v4;
	v4 =	vimm.s32 $0x0  }
0x8: {  	v4 =	vsel vm3, $0xFFFFFFFF, v4  }
0x9: {  	vm7 =	vmmov $0x1f;
	[tilespmem:$0x1FF50] =	vst v4;
	v4 =	vimm.s32 $0x0  }
0xa: {  	v4 =	vsel vm7, $0xFFFFFFFF, v4  }
0xb: {  	vm9 =	vmmov $0x3f;
	[tilespmem:$0x1FF60] =	vst v4;
	v4 =	vimm.s32 $0x0  }
0xc: {  	v4 =	vsel vm9, $0xFFFFFFFF, v4  }
0xd: {  	vm5 =	vmmov $0x7f;
	[tilespmem:$0x1FF70] =	vst v4;
	v4 =	vimm.s32 $0x0  }
0xe: {  	v4 =	vsel vm5, $0xFFFFFFFF, v4  }
0xf: {  	vm12 =	vmmov $0xff;
	[tilespmem:$0x1FF80] =	vst v4;
	v4 =	vimm.s32 $0x0  }
0x10: {  	v4 =	vsel vm12, $0xFFFFFFFF, v4  }
0x11: {  	vm10 =	vmmov $0x3ff;
	[tilespmem:$0x1FF90] =	vst v4;
	v4 =	vimm.s32 $0x0  }
0x12: {  	v4 =	vsel vm10, $0xFFFFFFFF, v4  }
0x13: {  	vm11 =	vmmov $0x7ff;
	[tilespmem:$0x1FFA0] =	vst v4;
	v4 =	vimm.s32 $0x0  }
0x14: {  	v4 =	vsel vm11, $0xFFFFFFFF, v4  }
0x15: {  	vm8 =	vmmov $0xfff;
	[tilespmem:$0x1FFB0] =	vst v4;
	v4 =	vimm.s32 $0x0  }
0x16: {  	v4 =	vsel vm8, $0xFFFFFFFF, v4  }
0x17: {  	s0 =	srdreg.scid;
	vm13 =	vmmov $0x1fff;
	[tilespmem:$0x1FFC0] =	vst v4;
	v4 =	vimm.s32 $0x0  }
0x18: {  	s4 =	stileid.u32;
	s0 =	sand.u32 $0x1, s0;
	v4 =	vsel vm13, $0xFFFFFFFF, v4  }
.Ltmp0:
0x19: {  	vm14 =	vmmov $0x3fff;
	s5 =	simm.s32 $0x1;
	s1 =	ssub.s32 $0x2, s0;
	[tilespmem:$0x1FFD0] =	vst v4;
	v4 =	vimm.s32 $0x0;
	(pc) =	sbr.rel .LBB2_1-.Ltmp0, $4  }
0x1a: {  	vm0 =	vmmov $0x1ff;
	v2 =	vimm.s32 $0x0;
	s4 =	sshll.u32 s4, $0xD;
	s0 =	sshll.u32 s0, $0x6;
	s2 =	sshrl.u32 s1, $0x1;
	v4 =	vsel vm14, $0xFFFFFFFF, v4  }
0x1b: {  	s10 =	simm.s32 $0x4000;
	v2 =	vsel vm0, $0xFFFFFFFF, v2;
	vm0 =	vmmov $0x7fff;
	s0 =	sor.u32 s4, s0;
	s1 =	ssub.s32 s1, s2;
	[tilespmem:$0x1FFE0] =	vst v4;
	v4 =	vimm.s32 $0x0  }
0x1c: {  	v0 =	vimm.s32 $0x0;
	[tilespmem:$0x1FF10] =	vst v2;
	s4 =	simm.s32 $0x400;
	[dreg:$0x3] =	wrdreg s0;
	s31 =	smax.u32 s1, $0x1;
	v4 =	vsel vm0, $0xFFFFFFFF, v4  }
0x1d: {  	v1 =	vimm.s32 $0x1;
	v3 =	vimm.s32 $0x80000000;
	v2 =	vlaneseq.u32;
	s2 =	simm.s32 $0x80;
	s1 =	simm.s32 $0x0;
	[dreg:$0x4] =	wrdreg s31;
	[tilespmem:$0x1FFF0] =	vst v4  }
.LBB2_23:
0x1e: {  	s1 =	rddreg [dreg:$0x5]  }
0x1f: {  	s0 =	rddreg [dreg:$0x4];
	s1 =	sadd.s32 $0x1, s1  }
0x20: {  	p0 =	sne.s32 s1, s0  }
.Ltmp1:
0x21: {  	_ = 	snop;
	(pc) =	sbr.rel @!p0 .LBB2_24-.Ltmp1, $1  }
0x22: {  	_ =	sdelay $0x3  }
.LBB2_1:
0x23: {  	[dreg:$0x5] =	wrdreg s1;
	s0 =	simm.s32 $0x4040  }
0x24: {  	[tilespmem:s0+$0xFFFFFFC0] =	vst v0  }
0x25: {  	[tilespmem:s0+$0x30] =	vst v0  }
0x26: {  	[tilespmem:s0+$0x20] =	vst v0  }
0x27: {  	[tilespmem:s0+$0x10] =	vst v0  }
0x28: {  	[tilespmem:s0+$0x0] =	vst v0  }
0x29: {  	[tilespmem:s0+$0xFFFFFFF0] =	vst v0  }
0x2a: {  	s1 =	simm.s32 $0x0;
	[tilespmem:s0+$0xFFFFFFE0] =	vst v0  }
.LBB2_2:
0x2b: {  	s1 =	sadd.s32 $0x8, s1;
	[tilespmem:s0+$0xFFFFFFD0] =	vst v0;
	s0 =	sadd.s32 $0x80, s0  }
0x2c: {  	[tilespmem:s0+$0xFFFFFFC0] =	vst v0;
	p0 =	slt.u32 s1, $0x78  }
0x2d: {  	[tilespmem:s0+$0x30] =	vst v0  }
.Ltmp2:
0x2e: {  	[tilespmem:s0+$0x20] =	vst v0;
	(pc) =	sbr.rel @p0 .LBB2_2-.Ltmp2, $4  }
0x2f: {  	[tilespmem:s0+$0x10] =	vst v0  }
0x30: {  	[tilespmem:s0+$0x0] =	vst v0  }
0x31: {  	[tilespmem:s0+$0xFFFFFFF0] =	vst v0  }
0x32: {  	[tilespmem:s0+$0xFFFFFFE0] =	vst v0  }
.Ltmp3:
0x33: {  	(pc) =	sbr.rel .LBB2_4-.Ltmp3, $2  }
0x34: {  	_ =	sdelay $0x2  }
0x35: {  	[tilespmem:s0+$0xFFFFFFD0] =	vst v0;
	s0 =	simm.s32 $0x0  }
.LBB2_22:
0x36: {  	s0 =	rddreg [dreg:$0x1]  }
0x37: {  	s1 =	rddreg [dreg:$0x7]  }
0x38: {  	s2 =	simm.s32 $0x80;
	s0 =	sadd.s32 s0, s1  }
0x39: {  	[hbm4b:s0+s2] =	stream.strided.scatter [tilespmem:s3], [sflag:$0x1], $0x2000, s4, s2, $0x38;
	[tilespmem:$0x5000] =	vst v63  }
0x3a: {  	_ =	swait.ge [sflag:s5], $0x2000  }
0x3b: {  	v4 =	vld [tilespmem:$0x1FF20];
	_ =	sdelay $0x4  }
0x3c: {  	vm15 =	vnez.u8 v4;
	v4 =	vld [tilespmem:$0x1FF30];
	_ =	sdelay $0x4  }
0x3d: {  	vm6 =	vnez.u8 v4;
	v4 =	vld [tilespmem:$0x1FF40];
	_ =	sdelay $0x4  }
0x3e: {  	vm1 =	vnez.u8 v4;
	v4 =	vld [tilespmem:$0x1FF50];
	_ =	sdelay $0x4  }
0x3f: {  	vm3 =	vnez.u8 v4;
	v4 =	vld [tilespmem:$0x1FF60];
	_ =	sdelay $0x4  }
0x40: {  	vm7 =	vnez.u8 v4;
	v4 =	vld [tilespmem:$0x1FF70];
	_ =	sdelay $0x4  }
0x41: {  	vm9 =	vnez.u8 v4;
	v4 =	vld [tilespmem:$0x1FF90];
	_ =	sdelay $0x4  }
0x42: {  	vm12 =	vnez.u8 v4;
	v4 =	vld [tilespmem:$0x1FFD0];
	_ =	sdelay $0x4  }
0x43: {  	vm13 =	vnez.u8 v4;
	v4 =	vld [tilespmem:$0x1FFE0];
	_ =	sdelay $0x2  }
0x44: {  	s31 =	rddreg [dreg:$0x6]  }
0x45: {  	s0 =	sadd.s32 $0x1, s31  }
0x46: {  	p0 =	sne.s32 s0, $0x4;
	vm14 =	vnez.u8 v4;
	v4 =	vld [tilespmem:$0x1FFF0]  }
.Ltmp4:
0x47: {  	_ = 	snop;
	(pc) =	sbr.rel @!p0 .LBB2_23-.Ltmp4, $3  }
0x48: {  	_ =	sdelay $0x1  }
0x49: {  	[sflag:s5] =	ssyncset.done $0x0  }
0x4a: {  	[sflag:s5] =	ssyncadd.s32 $0xFFFFE000;
	vm0 =	vnez.u8 v4  }
.LBB2_4:
0x4b: {  	[dreg:$0x6] =	wrdreg s0  }
0x4c: {  	s29 =	sshll.u32 s0, $0x4;
	s1 =	rddreg [dreg:$0x3]  }
0x4d: {  	s30 =	rddreg [dreg:$0x0];
	s1 =	sadd.s32 s1, s29  }
0x4e: {  	[dreg:$0x7] =	wrdreg s1;
	s0 =	sadd.s32 s30, s1  }
0x4f: {  	[tilespmem:s3], [sflag:$0x1] =	stream.strided.gather [hbm4b:s0+s2], $0x2000, s4, s2, $0x38;
	[tilespmem:$0x5000] =	vst v63  }
0x50: {  	_ =	swait.ge [sflag:s5], $0x2000  }
0x51: {  	[sflag:s5] =	ssyncset.done $0x0  }
0x52: {  	s31 =	simm.s32 $0x40;
	[sflag:s5] =	ssyncadd.s32 $0xFFFFE000  }
0x53: {  	v4 =	vld [tilespmem:s31+$0xFFFFFFE0]  }
0x54: {  	v7 =	vld [tilespmem:s31+$0x20]  }
0x55: {  	v10 =	vld [tilespmem:s31+$0xFFFFFFC0]  }
0x56: {  	v8 =	vld [tilespmem:s31+$0x10]  }
0x57: {  	v12 =	vld [tilespmem:s31+$0x30]  }
0x58: {  	v6 =	vld [tilespmem:s31+$0xFFFFFFF0]  }
0x59: {  	v5 =	vld [tilespmem:s31+$0xFFFFFFD0]  }
0x5a: {  	v9 =	vshra.s32 v7, $0x1F  }
0x5b: {  	v11 =	vshra.s32 v4, $0x1F;
	v13 =	vshra.s32 v10, $0x1F;
	v18 =	vshra.s32 v8, $0x1F  }
0x5c: {  	v15 =	vor.u32 $0x80000000, v9;
	v14 =	vor.u32 $0x80000000, v13;
	v9 =	vor.u32 $0x80000000, v11  }
0x5d: {  	v11 =	vshra.s32 v12, $0x1F;
	v13 =	vshra.s32 v6, $0x1F;
	v16 =	vxor.u32 v4, v9  }
0x5e: {  	v17 =	vor.u32 $0x80000000, v11;
	v9 =	vshra.s32 v5, $0x1F;
	v13 =	vor.u32 $0x80000000, v13  }
0x5f: {  	s6 =	simm.s32 $0x2040;
	s1 =	simm.s32 $0x4080;
	s2 =	simm.s32 $0x2040;
	v14 =	vxor.u32 v10, v14;
	v11 =	vxor.u32 v7, v15;
	v15 =	vor.u32 $0x80000000, v18  }
0x60: {  	s4 =	simm.s32 $0x0;
	s0 =	simm.s32 $0x4880;
	s5 =	simm.s32 $0xC0;
	v10 =	vld [tilespmem:s31+$0x0];
	v4 =	vshrl.u32 v16, $0x15;
	v7 =	vshrl.u32 v14, $0x15;
	[tilespmem:s2+$0xFFFFFFE0] =	vst v16;
	v12 =	vxor.u32 v12, v17  }
.LBB2_5:
0x61: {  	v16 =	vld [tilespmem:s5+$0xFFFFFFE0];
	s4 =	sadd.s32 $0x8, s4;
	[tilespmem:s2+$0xFFFFFFC0] =	vst v14;
	v6 =	vxor.u32 v6, v13;
	v8 =	vxor.u32 v8, v15;
	v13 =	vshrl.u32 v12, $0x15;
	s6 =	sadd.s32 $0x80, s6  }
0x62: {  	v18 =	vshrl.u32 v11, $0x15;
	v14 =	vld [tilespmem:s5+$0xFFFFFFC0];
	p0 =	slt.u32 s4, $0x1F8;
	[tilespmem:s2+$0xFFFFFFF0] =	vst v6;
	v15 =	vshrl.u32 v6, $0x15;
	v17 =	vshrl.u32 v8, $0x15  }
0x63: {  	v9 =	vor.u32 $0x80000000, v9;
	v6 =	vld [tilespmem:s5+$0xFFFFFFF0];
	[tilespmem:s2+$0x20] =	vst v11  }
0x64: {  	v9 =	vxor.u32 v5, v9;
	v11 =	vld [tilespmem:s5+$0x20];
	[tilespmem:s2+$0x30] =	vst v12  }
0x65: {  	v12 =	vld [tilespmem:s5+$0x30];
	v5 =	vshra.s32 v10, $0x1F;
	[tilespmem:s2+$0x10] =	vst v8  }
0x66: {  	v19 =	vshrl.u32 v9, $0x15;
	v5 =	vor.u32 $0x80000000, v5;
	[tilespmem:v13+s10+$0x0] =	vst.idx.add.s32.msk $0xffff, v1  }
0x67: {  	v8 =	vxor.u32 v10, v5;
	[tilespmem:v17+s10+$0x0] =	vst.idx.add.s32.msk $0xffff, v1  }
0x68: {  	v5 =	vld [tilespmem:s5+$0xFFFFFFD0];
	[tilespmem:s2+$0x0] =	vst v8;
	v10 =	vshrl.u32 v8, $0x15  }
0x69: {  	[tilespmem:v18+s10+$0x0] =	vst.idx.add.s32.msk $0xffff, v1  }
0x6a: {  	v13 =	vshra.s32 v16, $0x1F;
	v17 =	vshra.s32 v11, $0x1F;
	v8 =	vld [tilespmem:s5+$0x10];
	[tilespmem:s2+$0xFFFFFFD0] =	vst v9;
	s2 =	smov.u32 s6  }
0x6b: {  	v9 =	vshra.s32 v14, $0x1F;
	v17 =	vor.u32 $0x80000000, v17;
	[tilespmem:v19+s10+$0x0] =	vst.idx.add.s32.msk $0xffff, v1  }
.Ltmp5:
0x6c: {  	v18 =	vor.u32 $0x80000000, v9;
	v9 =	vor.u32 $0x80000000, v13;
	v13 =	vshra.s32 v12, $0x1F;
	[tilespmem:v7+s10+$0x0] =	vst.idx.add.s32.msk $0xffff, v1;
	(pc) =	sbr.rel @p0 .LBB2_5-.Ltmp5, $4  }
0x6d: {  	v16 =	vxor.u32 v16, v9;
	v7 =	vshra.s32 v6, $0x1F;
	v19 =	vor.u32 $0x80000000, v13;
	[tilespmem:v15+s10+$0x0] =	vst.idx.add.s32.msk $0xffff, v1  }
0x6e: {  	v9 =	vshra.s32 v5, $0x1F;
	v20 =	vshrl.u32 v16, $0x15;
	v13 =	vor.u32 $0x80000000, v7;
	[tilespmem:v10+s10+$0x0] =	vst.idx.add.s32.msk $0xffff, v1  }
0x6f: {  	v11 =	vxor.u32 v11, v17;
	v14 =	vxor.u32 v14, v18;
	v15 =	vshra.s32 v8, $0x1F;
	[tilespmem:v4+s10+$0x0] =	vst.idx.add.s32.msk $0xffff, v1  }
0x70: {  	v7 =	vshrl.u32 v14, $0x15;
	v12 =	vxor.u32 v12, v19;
	v4 =	vmovc v20;
	[tilespmem:s6+$0xFFFFFFE0] =	vst v16;
	v10 =	vld [tilespmem:s5+$0x0];
	v15 =	vor.u32 $0x80000000, v15;
	s5 =	sadd.s32 $0x80, s5  }
0x71: {  	_ = 	snop  }
0x72: {  	[tilespmem:s2+$0xFFFFFFC0] =	vst v14  }
0x73: {  	[tilespmem:s2+$0x20] =	vst v11  }
0x74: {  	[tilespmem:s2+$0x30] =	vst v12  }
0x75: {  	v6 =	vxor.u32 v6, v13;
	v13 =	vshrl.u32 v12, $0x15;
	[tilespmem:v4+s10+$0x0] =	vst.idx.add.s32.msk $0xffff, v1  }
0x76: {  	v8 =	vxor.u32 v8, v15;
	[tilespmem:s2+$0xFFFFFFF0] =	vst v6  }
0x77: {  	v11 =	vshrl.u32 v11, $0x15;
	v9 =	vor.u32 $0x80000000, v9;
	[tilespmem:s2+$0x10] =	vst v8  }
0x78: {  	v14 =	vshrl.u32 v8, $0x15;
	v5 =	vxor.u32 v5, v9;
	[tilespmem:v7+s10+$0x0] =	vst.idx.add.s32.msk $0xffff, v1;
	v9 =	vshra.s32 v10, $0x1F  }
0x79: {  	v6 =	vshrl.u32 v6, $0x15;
	[tilespmem:s2+$0xFFFFFFD0] =	vst v5;
	v9 =	vor.u32 $0x80000000, v9  }
0x7a: {  	v8 =	vshrl.u32 v5, $0x15;
	[tilespmem:v13+s10+$0x0] =	vst.idx.add.s32.msk $0xffff, v1;
	v9 =	vxor.u32 v10, v9  }
0x7b: {  	[tilespmem:s2+$0x0] =	vst v9;
	v9 =	vshrl.u32 v9, $0x15  }
0x7c: {  	[tilespmem:v11+s10+$0x0] =	vst.idx.add.s32.msk $0xffff, v1  }
0x7d: {  	[tilespmem:v14+s10+$0x0] =	vst.idx.add.s32.msk $0xffff, v1  }
0x7e: {  	[tilespmem:v6+s10+$0x0] =	vst.idx.add.s32.msk $0xffff, v1  }
0x7f: {  	[tilespmem:v8+s10+$0x0] =	vst.idx.add.s32.msk $0xffff, v1  }
0x80: {  	[tilespmem:v9+s10+$0x0] =	vst.idx.add.s32.msk $0xffff, v1  }
0x81: {  	v4 =	vld [tilespmem:s1+$0xFFFFFF80];
	_ =	sdelay $0x4  }
0x82: {  	(xrf0) =	vadd.scan.msk.s32 $0xffff, v4;
	_ =	sdelay $0x5  }
0x83: {  	v18, _, _ =	vpop (xrf0)  }
0x84: {  	[tilespmem:s0+$0xFFFFFF80] =	vst v18  }
0x85: {  	v4 =	vld [tilespmem:s1+$0xFFFFFF90];
	_ =	sdelay $0x4  }
0x86: {  	(xrf0) =	vadd.scan.msk.s32 $0xffff, v4;
	_ =	sdelay $0x5  }
0x87: {  	[tilespmem:s1+$0xFFFFFF80] =	vst v0;
	v21, _, _ =	vpop (xrf0)  }
0x88: {  	[tilespmem:s0+$0xFFFFFF90] =	vst v21  }
0x89: {  	v4 =	vld [tilespmem:s1+$0xFFFFFFA0];
	_ =	sdelay $0x4  }
0x8a: {  	(xrf0) =	vadd.scan.msk.s32 $0xffff, v4;
	_ =	sdelay $0x5  }
0x8b: {  	[tilespmem:s1+$0xFFFFFF90] =	vst v0;
	v23, _, _ =	vpop (xrf0)  }
0x8c: {  	[tilespmem:s0+$0xFFFFFFA0] =	vst v23  }
0x8d: {  	s14 =	simm.s32 $0x4180;
	v4 =	vld [tilespmem:s1+$0xFFFFFFB0]  }
0x8e: {  	v5 =	vld [tilespmem:s14+$0xFFFFFF80];
	_ =	sdelay $0x3  }
0x8f: {  	(xrf0) =	vadd.scan.msk.s32 $0xffff, v4  }
0x90: {  	(xrf0) =	vadd.scan.msk.s32 $0xffff, v5;
	_ =	sdelay $0x4  }
0x91: {  	[tilespmem:s1+$0xFFFFFFA0] =	vst v0;
	v24, _, _ =	vpop (xrf0)  }
0x92: {  	s16 =	simm.s32 $0x4980;
	[tilespmem:s0+$0xFFFFFFB0] =	vst v24;
	v5, _, _ =	vpop (xrf0)  }
0x93: {  	v4 =	vld [tilespmem:s1+$0xFFFFFFC0];
	[tilespmem:s16+$0xFFFFFF80] =	vst v5  }
0x94: {  	v6 =	vld [tilespmem:s14+$0xFFFFFF90];
	_ =	sdelay $0x3  }
0x95: {  	(xrf0) =	vadd.scan.msk.s32 $0xffff, v4  }
0x96: {  	(xrf0) =	vadd.scan.msk.s32 $0xffff, v6;
	_ =	sdelay $0x3  }
0x97: {  	[tilespmem:s1+$0xFFFFFFB0] =	vst v0  }
0x98: {  	[tilespmem:s14+$0xFFFFFF80] =	vst v0;
	v27, _, _ =	vpop (xrf0)  }
0x99: {  	[tilespmem:s0+$0xFFFFFFC0] =	vst v27;
	v8, _, _ =	vpop (xrf0)  }
0x9a: {  	v4 =	vld [tilespmem:s1+$0xFFFFFFD0];
	[tilespmem:s16+$0xFFFFFF90] =	vst v8  }
0x9b: {  	v6 =	vld [tilespmem:s14+$0xFFFFFFA0];
	_ =	sdelay $0x3  }
0x9c: {  	(xrf0) =	vadd.scan.msk.s32 $0xffff, v4  }
0x9d: {  	(xrf0) =	vadd.scan.msk.s32 $0xffff, v6;
	_ =	sdelay $0x3  }
0x9e: {  	[tilespmem:s1+$0xFFFFFFC0] =	vst v0  }
0x9f: {  	[tilespmem:s14+$0xFFFFFF90] =	vst v0;
	v28, _, _ =	vpop (xrf0)  }
0xa0: {  	[tilespmem:s0+$0xFFFFFFD0] =	vst v28;
	v9, _, _ =	vpop (xrf0)  }
0xa1: {  	v4 =	vld [tilespmem:s1+$0xFFFFFFE0];
	[tilespmem:s16+$0xFFFFFFA0] =	vst v9  }
0xa2: {  	v6 =	vld [tilespmem:s14+$0xFFFFFFB0];
	_ =	sdelay $0x3  }
0xa3: {  	s17 =	simm.s32 $0x4280;
	(xrf0) =	vadd.scan.msk.s32 $0xffff, v4  }
0xa4: {  	v4 =	vld [tilespmem:s17+$0xFFFFFF80];
	(xrf0) =	vadd.scan.msk.s32 $0xffff, v6;
	_ =	sdelay $0x3  }
0xa5: {  	[tilespmem:s1+$0xFFFFFFD0] =	vst v0  }
0xa6: {  	[tilespmem:s14+$0xFFFFFFA0] =	vst v0;
	(xrf0) =	vadd.scan.msk.s32 $0xffff, v4;
	v33, _, _ =	vpop (xrf0)  }
0xa7: {  	[tilespmem:s0+$0xFFFFFFE0] =	vst v33;
	v11, _, _ =	vpop (xrf0)  }
0xa8: {  	v4 =	vld [tilespmem:s1+$0xFFFFFFF0];
	[tilespmem:s16+$0xFFFFFFB0] =	vst v11  }
0xa9: {  	v7 =	vld [tilespmem:s14+$0xFFFFFFC0];
	_ =	sdelay $0x2  }
0xaa: {  	s18 =	simm.s32 $0x4A80;
	v6, _, _ =	vpop (xrf0)  }
0xab: {  	[tilespmem:s18+$0xFFFFFF80] =	vst v6;
	(xrf0) =	vadd.scan.msk.s32 $0xffff, v4  }
0xac: {  	v4 =	vld [tilespmem:s17+$0xFFFFFF90];
	(xrf0) =	vadd.scan.msk.s32 $0xffff, v7;
	_ =	sdelay $0x3  }
0xad: {  	[tilespmem:s1+$0xFFFFFFE0] =	vst v0  }
0xae: {  	[tilespmem:s14+$0xFFFFFFB0] =	vst v0;
	(xrf0) =	vadd.scan.msk.s32 $0xffff, v4;
	v36, _, _ =	vpop (xrf0)  }
0xaf: {  	[tilespmem:s0+$0xFFFFFFF0] =	vst v36;
	v13, _, _ =	vpop (xrf0)  }
0xb0: {  	v4 =	vld [tilespmem:s1+$0x0];
	[tilespmem:s16+$0xFFFFFFC0] =	vst v13  }
0xb1: {  	v7 =	vld [tilespmem:s14+$0xFFFFFFD0];
	_ =	sdelay $0x2  }
0xb2: {  	[tilespmem:s17+$0xFFFFFF80] =	vst v0;
	v10, _, _ =	vpop (xrf0)  }
0xb3: {  	[tilespmem:s18+$0xFFFFFF90] =	vst v10;
	(xrf0) =	vadd.scan.msk.s32 $0xffff, v4  }
0xb4: {  	v4 =	vld [tilespmem:s17+$0xFFFFFFA0];
	(xrf0) =	vadd.scan.msk.s32 $0xffff, v7;
	_ =	sdelay $0x3  }
0xb5: {  	[tilespmem:s1+$0xFFFFFFF0] =	vst v0  }
0xb6: {  	[tilespmem:s14+$0xFFFFFFC0] =	vst v0;
	(xrf0) =	vadd.scan.msk.s32 $0xffff, v4;
	v37, _, _ =	vpop (xrf0)  }
0xb7: {  	[tilespmem:s0+$0x0] =	vst v37;
	v17, _, _ =	vpop (xrf0)  }
0xb8: {  	v4 =	vld [tilespmem:s1+$0x10];
	[tilespmem:s16+$0xFFFFFFD0] =	vst v17  }
0xb9: {  	v7 =	vld [tilespmem:s14+$0xFFFFFFE0];
	_ =	sdelay $0x2  }
0xba: {  	[tilespmem:s17+$0xFFFFFF90] =	vst v0;
	v12, _, _ =	vpop (xrf0)  }
0xbb: {  	[tilespmem:s18+$0xFFFFFFA0] =	vst v12;
	(xrf0) =	vadd.scan.msk.s32 $0xffff, v4  }
0xbc: {  	s19 =	simm.s32 $0x4380;
	v14 =	vld [tilespmem:s17+$0xFFFFFFB0];
	(xrf0) =	vadd.scan.msk.s32 $0xffff, v7  }
0xbd: {  	v4 =	vld [tilespmem:s19+$0xFFFFFF80];
	_ =	sdelay $0x2  }
0xbe: {  	[tilespmem:s1+$0x0] =	vst v0  }
0xbf: {  	[tilespmem:s14+$0xFFFFFFD0] =	vst v0;
	(xrf0) =	vadd.scan.msk.s32 $0xffff, v14;
	v38, _, _ =	vpop (xrf0)  }
0xc0: {  	(xrf0) =	vadd.scan.msk.s32 $0xffff, v4;
	v19, _, _ =	vpop (xrf0);
	[tilespmem:s0+$0x10] =	vst v38  }
0xc1: {  	[tilespmem:s16+$0xFFFFFFE0] =	vst v19;
	v4 =	vld [tilespmem:s1+$0x20]  }
0xc2: {  	v14 =	vld [tilespmem:s14+$0xFFFFFFF0];
	_ =	sdelay $0x2  }
0xc3: {  	[tilespmem:s17+$0xFFFFFFA0] =	vst v0;
	v16, _, _ =	vpop (xrf0)  }
0xc4: {  	s20 =	simm.s32 $0x4B80;
	[tilespmem:s18+$0xFFFFFFB0] =	vst v16;
	v7, _, _ =	vpop (xrf0);
	(xrf0) =	vadd.scan.msk.s32 $0xffff, v4  }
0xc5: {  	v15 =	vld [tilespmem:s17+$0xFFFFFFC0];
	[tilespmem:s20+$0xFFFFFF80] =	vst v7;
	(xrf0) =	vadd.scan.msk.s32 $0xffff, v14  }
0xc6: {  	v4 =	vld [tilespmem:s19+$0xFFFFFF90];
	_ =	sdelay $0x3  }
0xc7: {  	(xrf0) =	vadd.scan.msk.s32 $0xffff, v15;
	v39, _, _ =	vpop (xrf0)  }
0xc8: {  	[tilespmem:s1+$0x10] =	vst v0;
	v26, _, _ =	vpop (xrf0);
	(xrf0) =	vadd.scan.msk.s32 $0xffff, v4  }
0xc9: {  	[tilespmem:s0+$0x20] =	vst v39  }
0xca: {  	[tilespmem:s14+$0xFFFFFFE0] =	vst v0;
	v4 =	vld [tilespmem:s1+$0x30]  }
0xcb: {  	[tilespmem:s17+$0xFFFFFFB0] =	vst v0  }
0xcc: {  	[tilespmem:s19+$0xFFFFFF80] =	vst v0  }
0xcd: {  	[tilespmem:s16+$0xFFFFFFF0] =	vst v26;
	v22, _, _ =	vpop (xrf0)  }
0xce: {  	v15 =	vld [tilespmem:s14+$0x0];
	[tilespmem:s18+$0xFFFFFFC0] =	vst v22;
	v14, _, _ =	vpop (xrf0)  }
0xcf: {  	v20 =	vld [tilespmem:s17+$0xFFFFFFD0];
	(xrf0) =	vadd.scan.msk.s32 $0xffff, v4;
	[tilespmem:s20+$0xFFFFFF90] =	vst v14  }
0xd0: {  	v4 =	vld [tilespmem:s19+$0xFFFFFFA0];
	_ =	sdelay $0x2  }
0xd1: {  	(xrf0) =	vadd.scan.msk.s32 $0xffff, v15  }
0xd2: {  	(xrf0) =	vadd.scan.msk.s32 $0xffff, v20  }
0xd3: {  	[tilespmem:s1+$0x20] =	vst v0;
	v40, _, _ =	vpop (xrf0);
	(xrf0) =	vadd.scan.msk.s32 $0xffff, v4  }
0xd4: {  	[tilespmem:s0+$0x30] =	vst v40  }
0xd5: {  	[tilespmem:s14+$0xFFFFFFF0] =	vst v0;
	v4 =	vld [tilespmem:s1+$0x40]  }
0xd6: {  	[tilespmem:s17+$0xFFFFFFC0] =	vst v0  }
0xd7: {  	[tilespmem:s19+$0xFFFFFF90] =	vst v0;
	v29, _, _ =	vpop (xrf0)  }
0xd8: {  	[tilespmem:s16+$0x0] =	vst v29;
	v25, _, _ =	vpop (xrf0)  }
0xd9: {  	v20 =	vld [tilespmem:s14+$0x10];
	[tilespmem:s18+$0xFFFFFFD0] =	vst v25;
	v15, _, _ =	vpop (xrf0)  }
0xda: {  	v30 =	vld [tilespmem:s17+$0xFFFFFFE0];
	(xrf0) =	vadd.scan.msk.s32 $0xffff, v4;
	[tilespmem:s20+$0xFFFFFFA0] =	vst v15  }
0xdb: {  	v4 =	vld [tilespmem:s19+$0xFFFFFFB0];
	_ =	sdelay $0x2  }
0xdc: {  	(xrf0) =	vadd.scan.msk.s32 $0xffff, v20  }
0xdd: {  	(xrf0) =	vadd.scan.msk.s32 $0xffff, v30  }
0xde: {  	s21 =	simm.s32 $0x4480;
	[tilespmem:s1+$0x30] =	vst v0;
	v41, _, _ =	vpop (xrf0);
	(xrf0) =	vadd.scan.msk.s32 $0xffff, v4  }
0xdf: {  	v20 =	vld [tilespmem:s21+$0xFFFFFF80];
	[tilespmem:s0+$0x40] =	vst v41  }
0xe0: {  	[tilespmem:s14+$0x0] =	vst v0;
	v4 =	vld [tilespmem:s1+$0x50]  }
0xe1: {  	[tilespmem:s17+$0xFFFFFFD0] =	vst v0  }
0xe2: {  	[tilespmem:s19+$0xFFFFFFA0] =	vst v0;
	v31, _, _ =	vpop (xrf0)  }
0xe3: {  	[tilespmem:s16+$0x10] =	vst v31;
	v32, _, _ =	vpop (xrf0)  }
0xe4: {  	(xrf0) =	vadd.scan.msk.s32 $0xffff, v20;
	v47 =	vld [tilespmem:s14+$0x20];
	[tilespmem:s18+$0xFFFFFFE0] =	vst v32;
	v20, _, _ =	vpop (xrf0)  }
0xe5: {  	v34 =	vld [tilespmem:s17+$0xFFFFFFF0];
	(xrf0) =	vadd.scan.msk.s32 $0xffff, v4;
	[tilespmem:s20+$0xFFFFFFB0] =	vst v20  }
0xe6: {  	v35 =	vld [tilespmem:s19+$0xFFFFFFC0];
	_ =	sdelay $0x2  }
0xe7: {  	(xrf0) =	vadd.scan.msk.s32 $0xffff, v47  }
0xe8: {  	s22 =	simm.s32 $0x4C80;
	[tilespmem:s1+$0x40] =	vst v0;
	v4, _, _ =	vpop (xrf0);
	(xrf0) =	vadd.scan.msk.s32 $0xffff, v34  }
0xe9: {  	[tilespmem:s22+$0xFFFFFF80] =	vst v4;
	v42, _, _ =	vpop (xrf0);
	(xrf0) =	vadd.scan.msk.s32 $0xffff, v35  }
0xea: {  	v48 =	vld [tilespmem:s21+$0xFFFFFF90];
	[tilespmem:s0+$0x50] =	vst v42  }
0xeb: {  	[tilespmem:s14+$0x10] =	vst v0;
	v43 =	vld [tilespmem:s1+$0x60]  }
0xec: {  	[tilespmem:s17+$0xFFFFFFE0] =	vst v0  }
0xed: {  	[tilespmem:s19+$0xFFFFFFB0] =	vst v0;
	v34, _, _ =	vpop (xrf0)  }
0xee: {  	[tilespmem:s16+$0x20] =	vst v34;
	v35, _, _ =	vpop (xrf0)  }
0xef: {  	(xrf0) =	vadd.scan.msk.s32 $0xffff, v48;
	v44 =	vld [tilespmem:s14+$0x30];
	[tilespmem:s18+$0xFFFFFFF0] =	vst v35;
	v30, _, _ =	vpop (xrf0)  }
0xf0: {  	v45 =	vld [tilespmem:s17+$0x0];
	(xrf0) =	vadd.scan.msk.s32 $0xffff, v43;
	[tilespmem:s20+$0xFFFFFFC0] =	vst v30  }
0xf1: {  	v49 =	vld [tilespmem:s19+$0xFFFFFFD0]  }
0xf2: {  	v50 =	vbroadcast v18, $0xF;
	v21 =	vbroadcast v21, $0xF  }
0xf3: {  	v23 =	vbroadcast v23, $0xF  }
0xf4: {  	v21 =	vsel vm15, v50, v21;
	v24 =	vbroadcast v24, $0xF;
	[tilespmem:s21+$0xFFFFFF80] =	vst v0;
	(xrf0) =	vadd.scan.msk.s32 $0xffff, v44  }
0xf5: {  	v21 =	vsel vm6, v21, v23;
	v23 =	vbroadcast v27, $0xF;
	[tilespmem:s1+$0x50] =	vst v0;
	v18, _, _ =	vpop (xrf0);
	(xrf0) =	vadd.scan.msk.s32 $0xffff, v45  }
0xf6: {  	v21 =	vsel vm1, v21, v24;
	[tilespmem:s14+$0x20] =	vst v0;
	v51, _, _ =	vpop (xrf0);
	(xrf0) =	vadd.scan.msk.s32 $0xffff, v49  }
0xf7: {  	v21 =	vsel vm3, v21, v23;
	v23 =	vbroadcast v33, $0xF;
	[tilespmem:s17+$0xFFFFFFF0] =	vst v0  }
0xf8: {  	v28 =	vbroadcast v28, $0xF;
	[tilespmem:s22+$0xFFFFFF90] =	vst v18  }
0xf9: {  	[tilespmem:s19+$0xFFFFFFC0] =	vst v0  }
0xfa: {  	v21 =	vsel vm7, v21, v28;
	[tilespmem:s0+$0x60] =	vst v51;
	v27, _, _ =	vpop (xrf0)  }
0xfb: {  	v21 =	vsel vm9, v21, v23;
	v52 =	vld [tilespmem:s21+$0xFFFFFFA0];
	[tilespmem:s16+$0x30] =	vst v27;
	v23, _, _ =	vpop (xrf0)  }
0xfc: {  	v53 =	vld [tilespmem:s1+$0x70];
	[tilespmem:s18+$0x0] =	vst v23;
	v24, _, _ =	vpop (xrf0)  }
0xfd: {  	v59 =	vld [tilespmem:$0x1FF10];
	[tilespmem:s20+$0xFFFFFFD0] =	vst v24  }
0xfe: {  	v62 =	vld [tilespmem:$0x1FFA0]  }
0xff: {  	v54 =	vbroadcast v36, $0xF;
	v45 =	vld [tilespmem:$0x1FFB0]  }
0x100: {  	v55 =	vbroadcast v37, $0xF  }
0x101: {  	vm2 =	vmmov vm3;
	v21 =	vsel vm5, v21, v54;
	v57 =	vbroadcast v38, $0xF;
	v56 =	vld [tilespmem:s14+$0x40]  }
0x102: {  	v21 =	vsel vm12, v21, v55;
	v58 =	vbroadcast v39, $0xF;
	(xrf0) =	vadd.scan.msk.s32 $0xffff, v52;
	v47 =	vld [tilespmem:$0x1FFC0];
	vm8 =	vnez.u8 v59  }
0x103: {  	v60 =	vbroadcast v40, $0xF;
	v21 =	vsel vm8, v21, v57;
	vm10 =	vnez.u8 v62  }
0x104: {  	vm3 =	vmmov vm1;
	(xrf0) =	vadd.scan.msk.s32 $0xffff, v53;
	vm1 =	vnez.u8 v45;
	v21 =	vsel vm10, v21, v58  }
0x105: {  	v61 =	vld [tilespmem:s17+$0x10];
	v21 =	vsel vm1, v21, v60  }
0x106: {  	vm11 =	vmmov vm5;
	v63 =	vbroadcast v41, $0xF;
	v43 =	vld [tilespmem:s19+$0xFFFFFFE0]  }
0x107: {  	vm5 =	vmmov vm9;
	v46 =	vbroadcast v42, $0xF;
	(xrf0) =	vadd.scan.msk.s32 $0xffff, v56;
	vm9 =	vnez.u8 v47  }
0x108: {  	v48 =	vbroadcast v51, $0xF;
	[tilespmem:s21+$0xFFFFFF90] =	vst v0;
	v33 =	vsel vm9, v21, v63;
	v21, _, _ =	vpop (xrf0)  }
0x109: {  	v28 =	vsel vm13, v33, v46;
	[tilespmem:s22+$0xFFFFFFA0] =	vst v21  }
0x10a: {  	(xrf0) =	vadd.scan.msk.s32 $0xffff, v61;
	v28 =	vsel vm14, v28, v48;
	v49, _, _ =	vpop (xrf0);
	v51 =	vld [tilespmem:s21+$0xFFFFFFB0]  }
0x10b: {  	(xrf0) =	vadd.scan.msk.s32 $0xffff, v43;
	v28 =	vsel vm0, v28, v49  }
0x10c: {  	s23 =	simm.s32 $0x4580;
	(xrf0) =	vadd.scan.msk.s32 $0xffff, v28  }
0x10d: {  	v52 =	vld [tilespmem:s23+$0xFFFFFF80];
	[tilespmem:s14+$0x30] =	vst v0;
	v50, _, _ =	vpop (xrf0)  }
0x10e: {  	[tilespmem:s16+$0x40] =	vst v50  }
0x10f: {  	v5 =	vbroadcast v5, $0xF;
	v8 =	vbroadcast v8, $0xF;
	v53 =	vld [tilespmem:s14+$0x50];
	(xrf0) =	vadd.scan.msk.s32 $0xffff, v51  }
0x110: {  	vm4 =	vmmov vm15;
	v9 =	vbroadcast v9, $0xF;
	v54, _, _ =	vpop (xrf0)  }
0x111: {  	v5 =	vsel vm4, v5, v8;
	v11 =	vbroadcast v11, $0xF;
	[tilespmem:s17+$0x0] =	vst v0;
	v55, _, _ =	vpop (xrf0)  }
0x112: {  	s15 =	simm.s32 $0x0;
	vm15 =	vmmov vm0;
	v5 =	vsel vm6, v5, v9;
	[tilespmem:s19+$0xFFFFFFD0] =	vst v0;
	(xrf0) =	vadd.scan.msk.s32 $0xffff, v52;
	v56, _, _ =	vpop (xrf0)  }
0x113: {  	v5 =	vsel vm3, v5, v11;
	v9 =	vbroadcast v13, $0xF;
	[tilespmem:s18+$0x10] =	vst v54;
	v57 =	vadd.s32 s15, v56  }
0x114: {  	v13 =	vbroadcast v17, $0xF;
	v58 =	vld [tilespmem:s17+$0x20];
	[tilespmem:s20+$0xFFFFFFE0] =	vst v55;
	(xrf0) =	vadd.scan.msk.s32 $0xffff, v53;
	vm0 =	vgt.s32 v57, $0xFFF  }
0x115: {  	v9 =	vsel vm2, v5, v9;
	v11 =	vbroadcast v19, $0xF;
	[tilespmem:s21+$0xFFFFFFA0] =	vst v0;
	v8 =	vld [tilespmem:s19+$0xFFFFFFF0];
	v37 =	vsel vm0, $0x1, v0;
	v17, _, _ =	vpop (xrf0)  }
0x116: {  	v9 =	vsel vm7, v9, v13;
	(xrf0) =	vadd.scan.msk.s32 $0xffff, v37;
	[tilespmem:s22+$0xFFFFFFB0] =	vst v17  }
0x117: {  	v9 =	vsel vm5, v9, v11;
	v11 =	vbroadcast v26, $0xF;
	[tilespmem:s1+$0x60] =	vst v0;
	v13 =	vld [tilespmem:s21+$0xFFFFFFC0]  }
0x118: {  	s24 =	simm.s32 $0x4D80;
	v6 =	vbroadcast v6, $0xF;
	v10 =	vbroadcast v10, $0xF;
	[tilespmem:s0+$0x70] =	vst v49;
	v5, _, _ =	vpop (xrf0)  }
0x119: {  	v9 =	vsel vm11, v9, v11;
	v11 =	vbroadcast v12, $0xF;
	(xrf0) =	vadd.scan.msk.s32 $0xffff, v58;
	[tilespmem:s24+$0xFFFFFF80] =	vst v5  }
0x11a: {  	v6 =	vsel vm4, v6, v10;
	v12 =	vbroadcast v16, $0xF;
	[tilespmem:s14+$0x40] =	vst v0;
	v19, _, _ =	vpop (xrf0);
	(xrf0) =	vadd.scan.msk.s32 $0xffff, v8;
	v10 =	vld [tilespmem:s23+$0xFFFFFF90]  }
0x11b: {  	v6 =	vsel vm6, v6, v11;
	v11 =	vbroadcast v22, $0xF;
	[tilespmem:s16+$0x50] =	vst v19  }
0x11c: {  	v6 =	vsel vm3, v6, v12;
	[tilespmem:s17+$0x10] =	vst v0;
	v22 =	vld [tilespmem:s14+$0x60];
	v8, _, _ =	vpop (xrf0);
	(xrf0) =	vadd.scan.msk.s32 $0xffff, v13  }
0x11d: {  	v7 =	vbroadcast v7, $0xF;
	v6 =	vsel vm2, v6, v11;
	[tilespmem:s19+$0xFFFFFFE0] =	vst v0;
	vm1 =	veq.s32 v8, $0x1  }
0x11e: {  	v16 =	vbroadcast v29, $0xF;
	v59 =	vsub.s32 v56, v28;
	[tilespmem:s21+$0xFFFFFFB0] =	vst v0;
	vm0 =	vmand vm0, vm1  }
0x11f: {  	(v2sf) =	vpush v56, $0xF;
	[tilespmem:s14+$0x50] =	vst v0;
	v13, _, _ =	vpop (xrf0);
	(xrf0) =	vadd.scan.msk.s32 $0xffff, v10;
	v10 =	vnsel vm0, $0x0, v59  }
0x120: {  	v9 =	vsel vm12, v9, v16;
	v11 =	vbroadcast v25, $0xF;
	(v2sf) =	vpush v8, $0xF;
	v8, _, _ =	vpop (xrf0);
	[tilespmem:s18+$0x20] =	vst v13  }
0x121: {  	v12 =	vbroadcast v31, $0xF;
	v16 =	vbroadcast v32, $0xF;
	[tilespmem:s20+$0xFFFFFFF0] =	vst v8;
	(xrf0) =	vadd.scan.msk.s32 $0xffff, v22  }
0x122: {  	v14 =	vbroadcast v14, $0xF;
	v6 =	vsel vm7, v6, v11;
	v60 =	vld [tilespmem:s17+$0x30];
	[tilespmem:s19+$0xFFFFFFF0] =	vst v0;
	(xrf0) =	vadd.scan.msk.s32 $0xffff, v10;
	v10, _, _ =	vpop (xrf0)  }
0x123: {  	v6 =	vsel vm5, v6, v16;
	v16 =	vbroadcast v35, $0xF;
	v9 =	vsel vm8, v9, v12;
	v12 =	vld [tilespmem:s19+$0x0];
	[tilespmem:s22+$0xFFFFFFC0] =	vst v10  }
0x124: {  	v7 =	vsel vm4, v7, v14;
	v11 =	vnsel vm0, $0x0, v2;
	v14 =	vld [tilespmem:$0x1FFB0]  }
0x125: {  	v6 =	vsel vm11, v6, v16;
	(xrf0) =	vadd.scan.msk.s32 $0xffff, v11;
	v11 =	vbroadcast v34, $0xF  }
0x126: {  	v16 =	vbroadcast v27, $0xF;
	vm1 =	vmmov vm12;
	vm0 =	vmmov vm11  }
0x127: {  	vm11 =	vmmov vm10;
	v8 =	vbroadcast v8, $0xF;
	v9 =	vsel vm10, v9, v11  }
0x128: {  	v11 =	vbroadcast v15, $0xF;
	v15 =	vbroadcast v30, $0xF;
	vm10 =	vmmov vm8;
	(xrf0) =	vadd.scan.msk.s32 $0xffff, v60  }
0x129: {  	v10 =	vbroadcast v10, $0xF;
	v22 =	vld [tilespmem:s21+$0xFFFFFFD0];
	vm4 =	vnez.u8 v14;
	v14, _, _ =	vpop (xrf0);
	(xrf0) =	vadd.scan.msk.s32 $0xffff, v12;
	v12 =	vbroadcast v20, $0xF  }
0x12a: {  	[tilespmem:s17+$0x20] =	vst v0;
	v7 =	vsel vm6, v7, v11;
	v11 =	vbroadcast v24, $0xF;
	vm12 =	vmmov vm4  }
0x12b: {  	[tilespmem:s23+$0xFFFFFF80] =	vst v0;
	v9 =	vsel vm4, v9, v16;
	v16 =	vbroadcast v23, $0xF;
	vm4 =	vmmov vm6  }
0x12c: {  	v20, _, _ =	vpop (xrf0);
	v23 =	vbroadcast v50, $0xF;
	vm6 =	vmmov vm3;
	[tilespmem:s24+$0xFFFFFF90] =	vst v14;
	v7 =	vsel vm3, v7, v12  }
0x12d: {  	vm3 =	vmmov vm2;
	[tilespmem:s16+$0x60] =	vst v20;
	v7 =	vsel vm2, v7, v15;
	v15 =	vbroadcast v55, $0xF;
	v12, _, _ =	vpop (xrf0)  }
0x12e: {  	v62 =	vld [tilespmem:s23+$0xFFFFFFA0];
	vm2 =	vmmov vm7;
	v16 =	vsel vm1, v6, v16;
	v6 =	vbroadcast v18, $0xF;
	v61, _, _ =	vpop (xrf0);
	(xrf0) =	vadd.scan.msk.s32 $0xffff, v22  }
0x12f: {  	[tilespmem:s1+$0x70] =	vst v0;
	v7 =	vsel vm7, v7, v11;
	vm7 =	vmmov vm9;
	v11 =	vsel vm9, v9, v23;
	v23 =	vld [tilespmem:s14+$0x70];
	v26, _, _ =	vpop (xrf0)  }
0x130: {  	vm9 =	vmmov vm5;
	v9 =	vbroadcast v14, $0xF;
	v22 =	vbroadcast v54, $0xF;
	[tilespmem:s18+$0x30] =	vst v26  }
0x131: {  	s30 =	simm.s32 $0x20;
	s31 =	simm.s32 $0x30;
	s12 =	spop (v2sf);
	[tilespmem:s21+$0xFFFFFFC0] =	vst v0;
	v7 =	vsel vm5, v7, v15;
	vm5 =	vmmov vm0;
	(v2sf) =	vpush v12, $0xF;
	v63 =	vld [tilespmem:s17+$0x40]  }
0x132: {  	s25 =	simm.s32 $0x40;
	s26 =	simm.s32 $0x50;
	s13 =	spop (v2sf);
	[tilespmem:s14+$0x60] =	vst v0;
	(v2sf) =	vpush v61, $0xF;
	v15 =	vsel vm8, v16, v22;
	v16 =	vsel vm0, v7, v8;
	v18, _, _ =	vpop (xrf0)  }
0x133: {  	s4 =	simm.s32 $0x1;
	p1 =	por $0x1, $0x1;
	s29 =	simm.s32 $0x0;
	v7 =	vbroadcast v21, $0xF;
	v8 =	vbroadcast v17, $0xF;
	(xrf0) =	vadd.scan.msk.s32 $0xffff, v62;
	[tilespmem:s20+$0x0] =	vst v18  }
0x134: {  	s2 =	simm.s32 $0x60;
	s0 =	simm.s32 $0x10;
	p0 =	sgt.s32 s13, $0x0;
	v17 =	vbroadcast v19, $0xF;
	[tilespmem:s17+$0x30] =	vst v0;
	v12 =	vbroadcast v18, $0xF;
	(xrf0) =	vadd.scan.msk.s32 $0xffff, v23;
	v21, _, _ =	vpop (xrf0)  }
0x135: {  	s28 =	sadd.s32 $0x0, s12;
	s1 =	simm.s32 $0x0;
	s4 =	simm.s32 @!p0 $0x0;
	v22 =	vbroadcast v26, $0xF;
	vm8 =	vmmov vm1;
	v18 =	vbroadcast v20, $0xF;
	v19 =	vld [tilespmem:s19+$0x10];
	[tilespmem:s22+$0xFFFFFFD0] =	vst v21  }
0x136: {  	p0 =	por !p1, !p0;
	s6 =	sor.u32 s4, s15;
	s4 =	simm.s32 $0x0;
	[tilespmem:s19+$0x0] =	vst v0;
	v14 =	vsel vm1, v16, v12;
	v12 =	vbroadcast v21, $0xF;
	v20 =	vld [tilespmem:s21+$0xFFFFFFE0];
	(xrf0) =	vadd.scan.msk.s32 $0xffff, v63  }
.LBB2_7:
0x137: {  	_ =	sdelay $0x1  }
0x138: {  	[tilespmem:s23+$0xFFFFFF90] =	vst v0;
	v16, _, _ =	vpop (xrf0)  }
0x139: {  	v11 =	vsel vm13, v11, v17;
	[tilespmem:s24+$0xFFFFFFA0] =	vst v16;
	v17, _, _ =	vpop (xrf0)  }
0x13a: {  	v11 =	vsel vm14, v11, v18;
	v18 =	vld [tilespmem:s23+$0xFFFFFFB0];
	[tilespmem:s16+$0x70] =	vst v17  }
0x13b: {  	[tilespmem:s14+$0x70] =	vst v0;
	s14 =	smov.u32 s17;
	s17 =	smov.u32 s19  }
0x13c: {  	v17 =	vsel vm15, v11, v17;
	v11 =	vbroadcast v13, $0xF;
	s19 =	smov.u32 s21;
	s21 =	smov.u32 s23;
	s23 =	sadd.s32 $0x100, s23  }
0x13d: {  	(xrf0) =	vadd.scan.msk.s32 $0xffff, v19;
	s16 =	smov.u32 s18;
	v13 =	vbroadcast v4, $0xF;
	v4 =	vmov v5;
	v19, _, _ =	vpop (xrf0);
	v5 =	vld [tilespmem:s23+$0xFFFFFF80]  }
0x13e: {  	v11 =	vsel vm11, v15, v11;
	[tilespmem:s16+$0x40] =	vst v19;
	v15 =	vbroadcast v19, $0xF;
	v19 =	vld [tilespmem:$0x1FF20];
	_ =	sdelay $0x2  }
0x13f: {  	(xrf0) =	vadd.scan.msk.s32 $0xffff, v20;
	_ =	sdelay $0x1  }
0x140: {  	(xrf0) =	vadd.scan.msk.s32 $0xffff, v17;
	vm0 =	vnez.u8 v19  }
0x141: {  	v13 =	vsel vm0, v13, v6  }
0x142: {  	[tilespmem:s14+$0x40] =	vst v0;
	v13 =	vsel vm4, v13, v7  }
0x143: {  	s18 =	smov.u32 s20;
	[tilespmem:s19+$0xFFFFFFD0] =	vst v0;
	(xrf0) =	vadd.scan.msk.s32 $0xffff, v18;
	v19 =	vld [tilespmem:s14+$0x50];
	v6 =	vmov v9;
	v9, _, _ =	vpop (xrf0);
	v8 =	vsel vm6, v13, v8  }
0x144: {  	s20 =	smov.u32 s22;
	[tilespmem:s18+$0x10] =	vst v9;
	v8 =	vsel vm3, v8, v10;
	v10, _, _ =	vpop (xrf0)  }
0x145: {  	[tilespmem:s20+$0xFFFFFFE0] =	vst v10  }
0x146: {  	v11 =	vsel vm12, v11, v22;
	(xrf0) =	vadd.scan.msk.s32 $0xffff, v5;
	v5 =	vsel vm2, v8, v12;
	v8 =	vbroadcast v10, $0xF;
	v12, _, _ =	vpop (xrf0);
	v10 =	vld [tilespmem:s17+$0x20]  }
0x147: {  	v11 =	vsel vm7, v11, v15;
	v9 =	vbroadcast v9, $0xF;
	v13 =	vld [tilespmem:s19+$0xFFFFFFF0];
	v15 =	vadd.s32 s28, v12  }
0x148: {  	(xrf0) =	vadd.scan.msk.s32 $0xffff, v19;
	[tilespmem:s17+$0x10] =	vst v0;
	vm0 =	vgt.s32 v15, $0xFFF  }
0x149: {  	[tilespmem:s21+$0xFFFFFFA0] =	vst v0;
	v18 =	vsel vm9, v5, v8;
	v15 =	vsel vm10, v14, v9;
	v5, _, _ =	vpop (xrf0);
	v9 =	vsel vm0, $0x1, v0  }
0x14a: {  	[tilespmem:s24+$0xFFFFFFB0] =	vst v5;
	(xrf0) =	vadd.scan.msk.s32 $0xffff, v9  }
0x14b: {  	v9 =	vld [tilespmem:s21+$0xFFFFFFC0];
	(xrf0) =	vadd.scan.msk.s32 $0xffff, v10  }
0x14c: {  	v8 =	vbroadcast v5, $0xF;
	v5, _, _ =	vpop (xrf0);
	(xrf0) =	vadd.scan.msk.s32 $0xffff, v13  }
0x14d: {  	v16 =	vbroadcast v16, $0xF;
	s22 =	smov.u32 s24;
	s24 =	sadd.s32 $0x100, s24  }
0x14e: {  	s7 =	spop (v2sf);
	[tilespmem:s24+$0xFFFFFF80] =	vst v5;
	v10, _, _ =	vpop (xrf0)  }
0x14f: {  	s11 =	spop (v2sf);
	v7 =	vmov v16;
	v16 =	vsub.s32 v12, v17;
	(v2sf) =	vpush v12, $0xF;
	v12 =	vld [tilespmem:s23+$0xFFFFFF90];
	[tilespmem:s16+$0x50] =	vst v10  }
0x150: {  	[tilespmem:s14+$0x50] =	vst v0;
	(xrf0) =	vadd.scan.msk.s32 $0xffff, v9;
	v9, _, _ =	vpop (xrf0)  }
0x151: {  	v17 =	vbroadcast v10, $0xF;
	v10 =	vld [tilespmem:s14+$0x60];
	[tilespmem:s19+$0xFFFFFFE0] =	vst v0;
	v13, _, _ =	vpop (xrf0)  }
0x152: {  	vm1 =	veq.s32 v9, $0x1;
	(v2sf) =	vpush v9, $0xF;
	v9, _, _ =	vpop (xrf0);
	[tilespmem:s18+$0x20] =	vst v13  }
0x153: {  	[tilespmem:s20+$0xFFFFFFF0] =	vst v9  }
0x154: {  	(xrf0) =	vadd.scan.msk.s32 $0xffff, v12;
	v12 =	vld [tilespmem:s17+$0x30]  }
0x155: {  	vm0 =	vmand vm0, vm1;
	v19 =	vld [tilespmem:s19+$0x0]  }
0x156: {  	v16 =	vnsel vm0, $0x0, v16;
	(xrf0) =	vadd.scan.msk.s32 $0xffff, v10;
	[tilespmem:s19+$0xFFFFFFF0] =	vst v0  }
0x157: {  	v14 =	vnsel vm0, $0x0, v2;
	(xrf0) =	vadd.scan.msk.s32 $0xffff, v16;
	[tilespmem:s21+$0xFFFFFFB0] =	vst v0  }
0x158: {  	[tilespmem:s17+$0x20] =	vst v0;
	v10, _, _ =	vpop (xrf0);
	(xrf0) =	vadd.scan.msk.s32 $0xffff, v14  }
0x159: {  	[tilespmem:s22+$0xFFFFFFC0] =	vst v10;
	(xrf0) =	vadd.scan.msk.s32 $0xffff, v12  }
0x15a: {  	v14 =	vld [tilespmem:s21+$0xFFFFFFD0];
	v12, _, _ =	vpop (xrf0);
	(xrf0) =	vadd.scan.msk.s32 $0xffff, v19  }
0x15b: {  	v9 =	vbroadcast v9, $0xF  }
0x15c: {  	[tilespmem:s23+$0xFFFFFF80] =	vst v0;
	v19, _, _ =	vpop (xrf0)  }
0x15d: {  	v16 =	vsel vm5, v18, v9;
	v9 =	vbroadcast v12, $0xF;
	[tilespmem:s24+$0xFFFFFF90] =	vst v12;
	v12, _, _ =	vpop (xrf0)  }
0x15e: {  	v18 =	vbroadcast v19, $0xF;
	v20 =	vld [tilespmem:s23+$0xFFFFFFA0];
	[tilespmem:s16+$0x60] =	vst v19;
	v19, _, _ =	vpop (xrf0)  }
0x15f: {  	s12 =	spop (v2sf);
	(v2sf) =	vpush v12, $0xF;
	(xrf0) =	vadd.scan.msk.s32 $0xffff, v14;
	[tilespmem:s14+$0x60] =	vst v0;
	v14, _, _ =	vpop (xrf0)  }
0x160: {  	p1 =	sne.s32 s2, $0x70;
	s5 =	smov.u32 s2;
	s2 =	sadd.s32 $0x10, s2;
	v12 =	vld [tilespmem:s14+$0x70];
	(v2sf) =	vpush v19, $0xF;
	v19, _, _ =	vpop (xrf0);
	[tilespmem:s18+$0x30] =	vst v14  }
0x161: {  	p0 =	por !p0, !p0;
	p6 =	seq.s32 s6, $0x0;
	s4 =	sadd.s32 s4, s7;
	[tilespmem:s20+$0x0] =	vst v19  }
0x162: {  	s7 =	sadd.s32 s1, s11;
	s15 =	smov.u32 @p0 s4;
	s1 =	smov.u32 s0;
	v21 =	vld [tilespmem:s17+$0x40]  }
.Ltmp6:
0x163: {  	s0 =	smov.u32 s30;
	s30 =	smov.u32 s31;
	v22 =	vbroadcast v14, $0xF;
	v14 =	vbroadcast v19, $0xF;
	v19 =	vld [tilespmem:s19+$0x10];
	[tilespmem:s17+$0x30] =	vst v0;
	(pc) =	sbr.rel @p1 .LBB2_7-.Ltmp6, $4  }
0x164: {  	s31 =	smov.u32 s25;
	s25 =	smov.u32 s26;
	s13 =	spop (v2sf);
	(xrf0) =	vadd.scan.msk.s32 $0xffff, v20;
	[tilespmem:s21+$0xFFFFFFC0] =	vst v0  }
0x165: {  	s26 =	smov.u32 s5;
	s5 =	simm.s32 $0x1;
	p2 =	sgt.s32 s13, $0x0;
	(xrf0) =	vadd.scan.msk.s32 $0xffff, v12;
	v12, _, _ =	vpop (xrf0);
	[tilespmem:s19+$0x0] =	vst v0  }
0x166: {  	s4 =	smov.u32 s28;
	s29 =	smov.u32 @p0 s7;
	s5 =	simm.s32 @!p2 $0x0;
	[tilespmem:s22+$0xFFFFFFD0] =	vst v12  }
0x167: {  	v10 =	vbroadcast v10, $0xF;
	s28 =	sadd.s32 s28, s12;
	p0 =	por !p6, !p2;
	s6 =	sor.u32 s5, s6;
	v14 =	vsel vm8, v16, v14;
	v12 =	vbroadcast v12, $0xF;
	v20 =	vld [tilespmem:s21+$0xFFFFFFE0];
	(xrf0) =	vadd.scan.msk.s32 $0xffff, v21  }
0x168: {  	_ = 	snop  }
0x169: {  	v11 =	vsel vm13, v11, v17  }
0x16a: {  	[tilespmem:s23+$0xFFFFFF90] =	vst v0;
	v16, _, _ =	vpop (xrf0)  }
0x16b: {  	[tilespmem:s24+$0xFFFFFFA0] =	vst v16  }
0x16c: {  	v17 =	vsel vm14, v11, v18;
	(xrf0) =	vadd.scan.msk.s32 $0xffff, v19;
	v11, _, _ =	vpop (xrf0);
	v51 =	vld [tilespmem:s23+$0xFFFFFFB0]  }
0x16d: {  	v21 =	vsel vm15, v17, v11;
	(xrf0) =	vadd.scan.msk.s32 $0xffff, v20  }
0x16e: {  	v25, _, _ =	vpop (xrf0);
	(xrf0) =	vadd.scan.msk.s32 $0xffff, v21;
	_ =	sdelay $0x1  }
0x16f: {  	[tilespmem:s18+$0x40] =	vst v25  }
0x170: {  	v52 =	vld [tilespmem:s17+$0x50];
	(xrf0) =	vadd.scan.msk.s32 $0xffff, v51  }
0x171: {  	v24, _, _ =	vpop (xrf0)  }
0x172: {  	v19, _, _ =	vpop (xrf0)  }
0x173: {  	[tilespmem:s20+$0x10] =	vst v24;
	v54, _, _ =	vpop (xrf0)  }
0x174: {  	[tilespmem:s21+$0xFFFFFFD0] =	vst v0;
	v53 =	vld [tilespmem:s19+$0x20];
	v55 =	vadd.s32 s28, v54  }
0x175: {  	[tilespmem:s23+$0xFFFFFFA0] =	vst v0;
	(xrf0) =	vadd.scan.msk.s32 $0xffff, v52;
	vm0 =	vgt.s32 v55, $0xFFF  }
0x176: {  	[tilespmem:s22+$0xFFFFFFE0] =	vst v19;
	v26 =	vsel vm0, $0x1, v0;
	v17, _, _ =	vpop (xrf0)  }
0x177: {  	v23 =	vld [tilespmem:s21+$0xFFFFFFF0];
	(xrf0) =	vadd.scan.msk.s32 $0xffff, v26;
	[tilespmem:s24+$0xFFFFFFB0] =	vst v17  }
0x178: {  	v56 =	vld [tilespmem:s23+$0xFFFFFFC0]  }
0x179: {  	(xrf0) =	vadd.scan.msk.s32 $0xffff, v53;
	_ =	sdelay $0x1  }
0x17a: {  	[tilespmem:s17+$0x40] =	vst v0;
	v57, _, _ =	vpop (xrf0)  }
0x17b: {  	(xrf0) =	vadd.scan.msk.s32 $0xffff, v23;
	[tilespmem:s18+$0x50] =	vst v57  }
0x17c: {  	v58 =	vld [tilespmem:s17+$0x60];
	v27, _, _ =	vpop (xrf0);
	(xrf0) =	vadd.scan.msk.s32 $0xffff, v56  }
0x17d: {  	vm1 =	veq.s32 v27, $0x1  }
0x17e: {  	[tilespmem:s19+$0x10] =	vst v0;
	v59 =	vsub.s32 v54, v21;
	v28, _, _ =	vpop (xrf0);
	vm0 =	vmand vm0, vm1  }
0x17f: {  	[tilespmem:s20+$0x20] =	vst v28;
	v18 =	vnsel vm0, $0x0, v59  }
0x180: {  	[tilespmem:s21+$0xFFFFFFE0] =	vst v0;
	v29 =	vld [tilespmem:s19+$0x30]  }
0x181: {  	[tilespmem:s23+$0xFFFFFFB0] =	vst v0;
	v21, _, _ =	vpop (xrf0);
	(xrf0) =	vadd.scan.msk.s32 $0xffff, v58  }
0x182: {  	[tilespmem:s22+$0xFFFFFFF0] =	vst v21;
	v60 =	vnsel vm0, $0x0, v2;
	(xrf0) =	vadd.scan.msk.s32 $0xffff, v18;
	v18, _, _ =	vpop (xrf0)  }
0x183: {  	v30 =	vld [tilespmem:s21+$0x0];
	(xrf0) =	vadd.scan.msk.s32 $0xffff, v60;
	[tilespmem:s24+$0xFFFFFFC0] =	vst v18  }
0x184: {  	v61 =	vld [tilespmem:s23+$0xFFFFFFD0]  }
0x185: {  	(xrf0) =	vadd.scan.msk.s32 $0xffff, v29;
	_ =	sdelay $0x1  }
0x186: {  	v62, _, _ =	vpop (xrf0)  }
0x187: {  	[tilespmem:s17+$0x50] =	vst v0;
	(xrf0) =	vadd.scan.msk.s32 $0xffff, v30;
	v63, _, _ =	vpop (xrf0)  }
0x188: {  	[tilespmem:s19+$0x20] =	vst v0;
	v31, _, _ =	vpop (xrf0);
	(xrf0) =	vadd.scan.msk.s32 $0xffff, v61  }
0x189: {  	[tilespmem:s21+$0xFFFFFFF0] =	vst v0  }
0x18a: {  	[tilespmem:s18+$0x60] =	vst v62;
	v32, _, _ =	vpop (xrf0)  }
0x18b: {  	v33 =	vld [tilespmem:s17+$0x70];
	[tilespmem:s20+$0x30] =	vst v32  }
0x18c: {  	[tilespmem:s23+$0xFFFFFFC0] =	vst v0;
	v34 =	vld [tilespmem:s19+$0x40]  }
0x18d: {  	[tilespmem:s17+$0x60] =	vst v0;
	v23, _, _ =	vpop (xrf0)  }
0x18e: {  	v13 =	vbroadcast v13, $0xF;
	(v2sf) =	vpush v54, $0xF;
	[tilespmem:s22+$0x0] =	vst v23;
	v20, _, _ =	vpop (xrf0)  }
0x18f: {  	[tilespmem:s24+$0xFFFFFFD0] =	vst v20  }
0x190: {  	v13 =	vsel vm11, v15, v13;
	v15 =	vbroadcast v25, $0xF;
	(xrf0) =	vadd.scan.msk.s32 $0xffff, v33;
	v44 =	vld [tilespmem:$0x1FFE0]  }
0x191: {  	v13 =	vsel vm12, v13, v22;
	v43 =	vbroadcast v57, $0xF;
	v41 =	vld [tilespmem:s21+$0x10];
	(xrf0) =	vadd.scan.msk.s32 $0xffff, v34  }
0x192: {  	v13 =	vsel vm7, v13, v15;
	v42 =	vld [tilespmem:s23+$0xFFFFFFE0]  }
0x193: {  	v13 =	vsel vm13, v13, v43  }
0x194: {  	v15 =	vbroadcast v62, $0xF  }
0x195: {  	vm14 =	vmmov vm15;
	vm15 =	vnez.u8 v44  }
0x196: {  	(xrf0) =	vadd.scan.msk.s32 $0xffff, v41;
	v15 =	vsel vm15, v13, v15;
	v13, _, _ =	vpop (xrf0)  }
0x197: {  	[tilespmem:s19+$0x30] =	vst v0;
	(xrf0) =	vadd.scan.msk.s32 $0xffff, v42;
	v45 =	vsel vm14, v15, v13;
	v46, _, _ =	vpop (xrf0)  }
0x198: {  	(xrf0) =	vadd.scan.msk.s32 $0xffff, v45;
	[tilespmem:s20+$0x40] =	vst v46  }
0x199: {  	s2 =	spop (v2sf);
	[tilespmem:s19+$0x40] =	vst v0  }
0x19a: {  	s9 =	spop (v2sf);
	v47 =	vld [tilespmem:s19+$0x50];
	[dreg:$0xa] =	wrdreg s2  }
0x19b: {  	[dreg:$0xc] =	wrdreg s9  }
0x19c: {  	v25, _, _ =	vpop (xrf0);
	[tilespmem:s21+$0x0] =	vst v0  }
0x19d: {  	s11 =	spop (v2sf);
	v15, _, _ =	vpop (xrf0);
	[tilespmem:s22+$0x10] =	vst v25  }
0x19e: {  	s5 =	sadd.s32 s28, s11;
	v48 =	vld [tilespmem:s21+$0x20];
	v49, _, _ =	vpop (xrf0)  }
0x19f: {  	v50 =	vadd.s32 s5, v49  }
0x1a0: {  	[dreg:$0x10] =	wrdreg s5;
	(xrf0) =	vadd.scan.msk.s32 $0xffff, v47;
	vm0 =	vgt.s32 v50, $0xFFF  }
0x1a1: {  	[tilespmem:s23+$0xFFFFFFD0] =	vst v0;
	v29 =	vsel vm0, $0x1, v0  }
0x1a2: {  	[tilespmem:s24+$0xFFFFFFE0] =	vst v15;
	(xrf0) =	vadd.scan.msk.s32 $0xffff, v29  }
0x1a3: {  	v35 =	vld [tilespmem:s23+$0xFFFFFFF0];
	(xrf0) =	vadd.scan.msk.s32 $0xffff, v48;
	_ =	sdelay $0x2  }
0x1a4: {  	v51, _, _ =	vpop (xrf0)  }
0x1a5: {  	[tilespmem:s20+$0x50] =	vst v51  }
0x1a6: {  	(xrf0) =	vadd.scan.msk.s32 $0xffff, v35;
	v52 =	vld [tilespmem:s19+$0x60];
	v35, _, _ =	vpop (xrf0)  }
0x1a7: {  	[tilespmem:s21+$0x10] =	vst v0;
	v36, _, _ =	vpop (xrf0)  }
0x1a8: {  	[tilespmem:s22+$0x20] =	vst v36  }
0x1a9: {  	vm1 =	veq.s32 v35, $0x1;
	v37 =	vld [tilespmem:s21+$0x30]  }
0x1aa: {  	v38 =	vsub.s32 v49, v45;
	vm0 =	vmand vm0, vm1  }
0x1ab: {  	v38 =	vnsel vm0, $0x0, v38;
	(xrf0) =	vadd.scan.msk.s32 $0xffff, v52  }
0x1ac: {  	v53 =	vnsel vm0, $0x0, v2;
	(xrf0) =	vadd.scan.msk.s32 $0xffff, v38  }
0x1ad: {  	[tilespmem:s23+$0xFFFFFFE0] =	vst v0;
	v22, _, _ =	vpop (xrf0);
	(xrf0) =	vadd.scan.msk.s32 $0xffff, v53  }
0x1ae: {  	[tilespmem:s24+$0xFFFFFFF0] =	vst v22;
	(xrf0) =	vadd.scan.msk.s32 $0xffff, v37  }
0x1af: {  	v54 =	vld [tilespmem:s23+$0x0];
	_ =	sdelay $0x1  }
0x1b0: {  	v55, _, _ =	vpop (xrf0)  }
0x1b1: {  	[tilespmem:s19+$0x50] =	vst v0;
	v38, _, _ =	vpop (xrf0)  }
0x1b2: {  	[tilespmem:s21+$0x20] =	vst v0;
	v33, _, _ =	vpop (xrf0)  }
0x1b3: {  	(v2sf) =	vpush v27, $0xF;
	(xrf0) =	vadd.scan.msk.s32 $0xffff, v54;
	[tilespmem:s20+$0x60] =	vst v55;
	v39, _, _ =	vpop (xrf0)  }
0x1b4: {  	(v2sf) =	vpush v63, $0xF;
	v56 =	vld [tilespmem:s19+$0x70];
	[tilespmem:s22+$0x30] =	vst v39  }
0x1b5: {  	(v2sf) =	vpush v31, $0xF;
	v57 =	vld [tilespmem:s21+$0x40]  }
0x1b6: {  	v58 =	vbroadcast v24, $0xF  }
0x1b7: {  	v28 =	vbroadcast v28, $0xF  }
0x1b8: {  	v14 =	vsel vm10, v14, v58;
	v59 =	vbroadcast v32, $0xF;
	(v2sf) =	vpush v49, $0xF  }
0x1b9: {  	v14 =	vsel vm11, v14, v28;
	v26 =	vbroadcast v46, $0xF;
	[tilespmem:s23+$0xFFFFFFF0] =	vst v0;
	v24, _, _ =	vpop (xrf0);
	(xrf0) =	vadd.scan.msk.s32 $0xffff, v56  }
0x1ba: {  	v14 =	vsel vm12, v14, v59;
	v61 =	vbroadcast v51, $0xF;
	[tilespmem:s24+$0x0] =	vst v24;
	(xrf0) =	vadd.scan.msk.s32 $0xffff, v57  }
0x1bb: {  	v14 =	vsel vm7, v14, v26;
	v60 =	vld [tilespmem:s23+$0x10]  }
0x1bc: {  	v14 =	vsel vm13, v14, v61  }
0x1bd: {  	v62 =	vbroadcast v55, $0xF;
	_ =	sdelay $0x1  }
0x1be: {  	[tilespmem:s19+$0x60] =	vst v0;
	v26 =	vsel vm15, v14, v62;
	v14, _, _ =	vpop (xrf0)  }
0x1bf: {  	[tilespmem:s21+$0x30] =	vst v0;
	(xrf0) =	vadd.scan.msk.s32 $0xffff, v60;
	v63, _, _ =	vpop (xrf0)  }
0x1c0: {  	v26 =	vsel vm14, v26, v14;
	[tilespmem:s22+$0x40] =	vst v63  }
0x1c1: {  	s12 =	spop (v2sf);
	(xrf0) =	vadd.scan.msk.s32 $0xffff, v26;
	[tilespmem:s21+$0x40] =	vst v0  }
0x1c2: {  	s13 =	spop (v2sf);
	[dreg:$0x14] =	wrdreg s12  }
0x1c3: {  	s7 =	spop (v2sf);
	v45 =	vld [tilespmem:s21+$0x50];
	[dreg:$0xe] =	wrdreg s13  }
0x1c4: {  	[dreg:$0x12] =	wrdreg s7  }
0x1c5: {  	v46, _, _ =	vpop (xrf0);
	[tilespmem:s23+$0x0] =	vst v0  }
0x1c6: {  	s8 =	spop (v2sf);
	[tilespmem:s24+$0x10] =	vst v46  }
0x1c7: {  	s5 =	sadd.s32 s5, s8;
	v48, _, _ =	vpop (xrf0);
	v47 =	vld [tilespmem:s23+$0x20]  }
0x1c8: {  	v49 =	vadd.s32 s5, v48  }
0x1c9: {  	vm0 =	vgt.s32 v49, $0xFFF;
	(xrf0) =	vadd.scan.msk.s32 $0xffff, v45  }
0x1ca: {  	v28 =	vsel vm0, $0x1, v0  }
0x1cb: {  	(xrf0) =	vadd.scan.msk.s32 $0xffff, v28  }
0x1cc: {  	(xrf0) =	vadd.scan.msk.s32 $0xffff, v47;
	_ =	sdelay $0x2  }
0x1cd: {  	[dreg:$0x18] =	wrdreg s5;
	v50, _, _ =	vpop (xrf0)  }
0x1ce: {  	[tilespmem:s22+$0x50] =	vst v50  }
0x1cf: {  	v52, _, _ =	vpop (xrf0);
	v51 =	vld [tilespmem:s21+$0x60]  }
0x1d0: {  	[tilespmem:s23+$0x10] =	vst v0;
	v53, _, _ =	vpop (xrf0)  }
0x1d1: {  	[tilespmem:s24+$0x20] =	vst v53  }
0x1d2: {  	vm1 =	veq.s32 v52, $0x1;
	v54 =	vld [tilespmem:s23+$0x30]  }
0x1d3: {  	v26 =	vsub.s32 v48, v26;
	vm0 =	vmand vm0, vm1  }
0x1d4: {  	v26 =	vnsel vm0, $0x0, v26;
	(xrf0) =	vadd.scan.msk.s32 $0xffff, v51  }
0x1d5: {  	v55 =	vnsel vm0, $0x0, v2;
	(xrf0) =	vadd.scan.msk.s32 $0xffff, v26  }
0x1d6: {  	(xrf0) =	vadd.scan.msk.s32 $0xffff, v55  }
0x1d7: {  	(xrf0) =	vadd.scan.msk.s32 $0xffff, v54;
	_ =	sdelay $0x2  }
0x1d8: {  	[tilespmem:s21+$0x50] =	vst v0;
	v56, _, _ =	vpop (xrf0)  }
0x1d9: {  	[tilespmem:s23+$0x20] =	vst v0;
	v57, _, _ =	vpop (xrf0)  }
0x1da: {  	[tilespmem:s22+$0x60] =	vst v56;
	v58, _, _ =	vpop (xrf0)  }
0x1db: {  	[tilespmem:s21+$0x60] =	vst v0;
	v40, _, _ =	vpop (xrf0)  }
0x1dc: {  	[tilespmem:s24+$0x30] =	vst v40  }
0x1dd: {  	v43 =	vld [tilespmem:$0x1FF20];
	_ =	sdelay $0x3  }
0x1de: {  	v4 =	vbroadcast v4, $0xF;
	v41 =	vld [tilespmem:s21+$0x70]  }
0x1df: {  	v42 =	vld [tilespmem:s23+$0x40];
	vm1 =	vnez.u8 v43  }
0x1e0: {  	v4 =	vsel vm1, v4, v6  }
0x1e1: {  	v4 =	vsel vm4, v4, v7  }
0x1e2: {  	v4 =	vsel vm6, v4, v8  }
0x1e3: {  	(xrf0) =	vadd.scan.msk.s32 $0xffff, v41;
	v6 =	vbroadcast v19, $0xF;
	v4 =	vsel vm3, v4, v10  }
0x1e4: {  	(xrf0) =	vadd.scan.msk.s32 $0xffff, v42;
	v7 =	vbroadcast v21, $0xF;
	v4 =	vsel vm2, v4, v12  }
0x1e5: {  	v4 =	vsel vm9, v4, v6  }
0x1e6: {  	(v2sf) =	vpush v35, $0xF;
	v6 =	vbroadcast v23, $0xF;
	v4 =	vsel vm5, v4, v7  }
0x1e7: {  	(v2sf) =	vpush v38, $0xF;
	v7 =	vbroadcast v25, $0xF  }
0x1e8: {  	(v2sf) =	vpush v33, $0xF;
	v8 =	vbroadcast v36, $0xF;
	v6 =	vsel vm8, v4, v6  }
0x1e9: {  	(v2sf) =	vpush v48, $0xF;
	v6 =	vsel vm10, v6, v7;
	v7 =	vbroadcast v39, $0xF;
	v4, _, _ =	vpop (xrf0)  }
0x1ea: {  	[tilespmem:s23+$0x30] =	vst v0;
	v6 =	vsel vm11, v6, v8;
	v8 =	vbroadcast v63, $0xF;
	v10, _, _ =	vpop (xrf0)  }
0x1eb: {  	v6 =	vsel vm12, v6, v7;
	v7 =	vbroadcast v50, $0xF;
	[tilespmem:s24+$0x40] =	vst v10  }
0x1ec: {  	v6 =	vsel vm7, v6, v8;
	v8 =	vbroadcast v56, $0xF;
	v12 =	vld [tilespmem:s23+$0x50]  }
0x1ed: {  	v6 =	vsel vm13, v6, v7  }
0x1ee: {  	v6 =	vsel vm15, v6, v8  }
0x1ef: {  	v6 =	vsel vm14, v6, v4  }
0x1f0: {  	(xrf0) =	vadd.scan.msk.s32 $0xffff, v6  }
0x1f1: {  	(xrf0) =	vadd.scan.msk.s32 $0xffff, v12;
	_ =	sdelay $0x3  }
0x1f2: {  	s12 =	spop (v2sf)  }
0x1f3: {  	s9 =	spop (v2sf);
	[tilespmem:s23+$0x40] =	vst v0;
	v7, _, _ =	vpop (xrf0)  }
0x1f4: {  	s13 =	spop (v2sf);
	[dreg:$0x16] =	wrdreg s9;
	v8, _, _ =	vpop (xrf0)  }
0x1f5: {  	s11 =	spop (v2sf);
	[tilespmem:s24+$0x50] =	vst v8  }
0x1f6: {  	s9 =	sadd.s32 s5, s11;
	v12 =	vld [tilespmem:s23+$0x60]  }
0x1f7: {  	v59 =	vadd.s32 s9, v7  }
0x1f8: {  	vm0 =	vgt.s32 v59, $0xFFF  }
0x1f9: {  	v19 =	vsel vm0, $0x1, v0  }
0x1fa: {  	(xrf0) =	vadd.scan.msk.s32 $0xffff, v19  }
0x1fb: {  	v5 =	vbroadcast v5, $0xF;
	(xrf0) =	vadd.scan.msk.s32 $0xffff, v12  }
0x1fc: {  	v12 =	vbroadcast v16, $0xF  }
0x1fd: {  	v5 =	vsel vm1, v5, v9;
	v9 =	vbroadcast v17, $0xF;
	_ =	sdelay $0x1  }
0x1fe: {  	v60 =	vbroadcast v18, $0xF;
	v5 =	vsel vm4, v5, v12  }
0x1ff: {  	v61 =	vbroadcast v20, $0xF;
	v5 =	vsel vm6, v5, v9;
	v12, _, _ =	vpop (xrf0)  }
0x200: {  	v15 =	vbroadcast v15, $0xF;
	[tilespmem:s23+$0x50] =	vst v0;
	v5 =	vsel vm3, v5, v60;
	v9, _, _ =	vpop (xrf0)  }
0x201: {  	v62 =	vbroadcast v22, $0xF;
	(v2sf) =	vpush v52, $0xF;
	v5 =	vsel vm2, v5, v61;
	[tilespmem:s24+$0x60] =	vst v9  }
0x202: {  	(v2sf) =	vpush v57, $0xF;
	vm1 =	veq.s32 v12, $0x1;
	v5 =	vsel vm9, v5, v15;
	v15 =	vld [tilespmem:s23+$0x70]  }
0x203: {  	(v2sf) =	vpush v58, $0xF;
	v6 =	vsub.s32 v7, v6;
	vm0 =	vmand vm0, vm1  }
0x204: {  	v63 =	vbroadcast v24, $0xF;
	(v2sf) =	vpush v7, $0xF;
	v6 =	vnsel vm0, $0x0, v6  }
0x205: {  	v7 =	vnsel vm0, $0x0, v2;
	v5 =	vsel vm5, v5, v62;
	(xrf0) =	vadd.scan.msk.s32 $0xffff, v6;
	v6 =	vbroadcast v46, $0xF  }
0x206: {  	v5 =	vsel vm8, v5, v63;
	(xrf0) =	vadd.scan.msk.s32 $0xffff, v7;
	v7 =	vbroadcast v53, $0xF  }
0x207: {  	v5 =	vsel vm10, v5, v6;
	v6 =	vbroadcast v40, $0xF;
	(xrf0) =	vadd.scan.msk.s32 $0xffff, v15  }
0x208: {  	v5 =	vsel vm11, v5, v7  }
0x209: {  	v7 =	vbroadcast v10, $0xF;
	v5 =	vsel vm12, v5, v6;
	v6 =	vbroadcast v8, $0xF;
	_ =	sdelay $0x1  }
0x20a: {  	v5 =	vsel vm7, v5, v7;
	v7 =	vbroadcast v9, $0xF;
	v8, _, _ =	vpop (xrf0)  }
0x20b: {  	v5 =	vsel vm13, v5, v6;
	v9, _, _ =	vpop (xrf0)  }
0x20c: {  	v5 =	vsel vm15, v5, v7;
	v6, _, _ =	vpop (xrf0)  }
0x20d: {  	v5 =	vsel vm14, v5, v6  }
0x20e: {  	(xrf0) =	vadd.scan.msk.s32 $0xffff, v5;
	_ =	sdelay $0x1  }
0x20f: {  	s5 =	spop (v2sf)  }
0x210: {  	s11 =	spop (v2sf)  }
0x211: {  	s8 =	spop (v2sf)  }
0x212: {  	s7 =	spop (v2sf)  }
0x213: {  	s7 =	sadd.s32 s9, s7;
	v7, _, _ =	vpop (xrf0)  }
0x214: {  	v10 =	vadd.s32 s7, v7  }
0x215: {  	vm0 =	vgt.s32 v10, $0xFFF  }
0x216: {  	v10 =	vsel vm0, $0x1, v0  }
0x217: {  	(xrf0) =	vadd.scan.msk.s32 $0xffff, v10;
	_ =	sdelay $0x5  }
0x218: {  	v10, _, _ =	vpop (xrf0)  }
0x219: {  	vm1 =	veq.s32 v10, $0x1  }
0x21a: {  	v5 =	vsub.s32 v7, v5;
	vm0 =	vmand vm0, vm1  }
0x21b: {  	[tilespmem:s23+$0x60] =	vst v0;
	v5 =	vnsel vm0, $0x0, v5  }
0x21c: {  	(v2sf) =	vpush v12, $0xF;
	s2 =	rddreg [dreg:$0xc];
	v12 =	vnsel vm0, $0x0, v2;
	(xrf0) =	vadd.scan.msk.s32 $0xffff, v5  }
0x21d: {  	s2 =	sadd.s32 s1, s2;
	s1 =	rddreg [dreg:$0x14];
	(xrf0) =	vadd.scan.msk.s32 $0xffff, v12  }
0x21e: {  	p1 =	sgt.s32 s1, $0x0;
	s1 =	simm.s32 $0x1  }
0x21f: {  	s1 =	simm.s32 @!p1 $0x0;
	(v2sf) =	vpush v8, $0xF  }
0x220: {  	p2 =	seq.s32 s6, $0x0;
	s1 =	sor.u32 s1, s6;
	s6 =	rddreg [dreg:$0x12];
	[tilespmem:s16+$0x70] =	vst v11;
	(v2sf) =	vpush v9, $0xF  }
0x221: {  	[tilespmem:s18+$0x70] =	vst v13;
	(v2sf) =	vpush v7, $0xF  }
0x222: {  	[tilespmem:s20+$0x70] =	vst v14;
	(v2sf) =	vpush v10, $0xF;
	v5, _, _ =	vpop (xrf0)  }
0x223: {  	[tilespmem:s22+$0x70] =	vst v4;
	v7, _, _ =	vpop (xrf0);
	(v2sf) =	vpush v5, $0xF  }
0x224: {  	p0 =	por !p0, !p0;
	[tilespmem:s14+$0x70] =	vst v0;
	(v2sf) =	vpush v7, $0xF  }
0x225: {  	s29 =	smov.u32 @p0 s2;
	p1 =	por !p2, !p1;
	[tilespmem:s17+$0x70] =	vst v0  }
0x226: {  	s2 =	sadd.s32 s30, s13;
	p1 =	por !p1, !p1;
	s0 =	sadd.s32 s0, s6;
	[tilespmem:s19+$0x70] =	vst v0  }
0x227: {  	p2 =	sgt.s32 s12, $0x0;
	p3 =	seq.s32 s1, $0x0;
	[tilespmem:s21+$0x70] =	vst v0;
	s29 =	smov.u32 @p1 s0  }
0x228: {  	p3 =	por !p3, !p2;
	s0 =	simm.s32 $0x1;
	s22 =	rddreg [dreg:$0xa]  }
0x229: {  	s0 =	simm.s32 @!p2 $0x0;
	p2 =	por !p3, !p3;
	p3 =	sgt.s32 s5, $0x0  }
0x22a: {  	s0 =	sor.u32 s0, s1;
	s29 =	smov.u32 @p2 s2;
	s2 =	simm.s32 $0x1  }
0x22b: {  	s1 =	simm.s32 $0x1;
	p4 =	seq.s32 s0, $0x0;
	s2 =	simm.s32 @!p3 $0x0  }
0x22c: {  	s0 =	sor.u32 s2, s0;
	s2 =	sadd.s32 s31, s8;
	p3 =	por !p4, !p3  }
0x22d: {  	s6 =	spop (v2sf);
	p6 =	seq.s32 s0, $0x0;
	p3 =	por !p3, !p3  }
0x22e: {  	p5 =	sgt.s32 s6, $0x0;
	s29 =	smov.u32 @p3 s2;
	s12 =	spop (v2sf)  }
0x22f: {  	[tilespmem:s24+$0x70] =	vst v6;
	s2 =	sadd.s32 s4, s22;
	s1 =	simm.s32 @!p5 $0x0;
	s13 =	spop (v2sf)  }
0x230: {  	s24 =	rddreg [dreg:$0xe];
	s0 =	sor.u32 s1, s0;
	s16 =	spop (v2sf)  }
0x231: {  	p5 =	por !p6, !p5;
	p6 =	seq.s32 s0, $0x0;
	s8 =	spop (v2sf)  }
0x232: {  	s1 =	sadd.s32 s25, s13;
	p4 =	sgt.s32 s8, $0x0;
	s19 =	spop (v2sf)  }
0x233: {  	p6 =	por !p6, !p4;
	p4 =	por !p5, !p5;
	s20 =	spop (v2sf)  }
0x234: {  	[tilespmem:s23+$0x70] =	vst v0;
	s29 =	smov.u32 @p4 s1;
	p5 =	por !p6, !p6;
	s1 =	sadd.s32 s26, s20  }
0x235: {  	s15 =	smov.u32 @p0 s2;
	s26 =	rddreg [dreg:$0x10];
	s29 =	smov.u32 @p5 s1  }
0x236: {  	s1 =	sadd.s32 s28, s24;
	s28 =	rddreg [dreg:$0x16];
	s25 =	sshll.u32 s29, $0x4  }
0x237: {  	s15 =	smov.u32 @p1 s1;
	s1 =	sadd.s32 s26, s28;
	s29 =	rddreg [dreg:$0x18];
	v4 =	vld [tilespmem:s25+$0x4800]  }
0x238: {  	s15 =	smov.u32 @p2 s1;
	s1 =	sadd.s32 s29, s11  }
0x239: {  	s15 =	smov.u32 @p3 s1;
	s1 =	sadd.s32 s9, s12  }
0x23a: {  	s0 =	sadd.s32 s7, s19;
	s15 =	smov.u32 @p4 s1  }
0x23b: {  	s15 =	smov.u32 @p5 s0  }
0x23c: {  	v5 =	vadd.s32 s15, v4  }
0x23d: {  	vm0 =	vgt.s32 v5, $0xFFF  }
0x23e: {  	v5 =	vsel vm0, $0x1, v0  }
0x23f: {  	(xrf0) =	vadd.scan.msk.s32 $0xffff, v5;
	_ =	sdelay $0x5  }
0x240: {  	v5, _, _ =	vpop (xrf0)  }
0x241: {  	vm1 =	veq.s32 v5, $0x1  }
0x242: {  	vm0 =	vmand vm0, vm1  }
0x243: {  	v5 =	vnsel vm0, $0x0, v2  }
0x244: {  	(xrf0) =	vadd.scan.msk.s32 $0xffff, v5;
	_ =	sdelay $0x5  }
0x245: {  	v5, _, _ =	vpop (xrf0)  }
0x246: {  	(v2sf) =	vpush v5, $0xF;
	_ =	sdelay $0xa  }
0x247: {  	s30 =	simm.s32 $0x2040  }
0x248: {  	v6 =	vld [tilespmem:s30+$0xFFFFFFC0];
	_ =	sdelay $0x2  }
0x249: {  	v8 =	vld [tilespmem:s30+$0xFFFFFFE0];
	s0 =	spop (v2sf)  }
0x24a: {  	s31 =	sadd.s32 s25, s0  }
0x24b: {  	v7 =	vshrl.u32 v6, $0x15;
	[dreg:$0x8] =	wrdreg s31;
	v5 =	vmov s31  }
0x24c: {  	v6 =	vshrl.u32 v6, $0xA;
	v10 =	vld [tilespmem:s30+$0xFFFFFFF0];
	vm1 =	veq.s32 v7, v5  }
0x24d: {  	v12 =	vand.u32 $0x7FF, v6;
	v11 =	vld [tilespmem:s30+$0x20]  }
0x24e: {  	v9 =	vshrl.u32 v8, $0x15  }
0x24f: {  	v8 =	vshrl.u32 v8, $0xA;
	v14 =	vld [tilespmem:s30+$0x30];
	vm2 =	veq.s32 v9, v5  }
0x250: {  	v6 =	vld [tilespmem:s30+$0xFFFFFFD0];
	v9 =	vand.u32 $0x7FF, v8  }
0x251: {  	v7 =	vshrl.u32 v10, $0xA;
	v8 =	vshrl.u32 v10, $0x15;
	v10 =	vld [tilespmem:s30+$0x10]  }
0x252: {  	v13 =	vshrl.u32 v11, $0x15;
	[tilespmem:v12+s10+$0x0] =	vst.idx.add.s32.msk vm1, v1  }
0x253: {  	vm0 =	veq.s32 v8, v5;
	vm1 =	veq.s32 v13, v5;
	v8 =	vshrl.u32 v11, $0xA;
	v11 =	vld [tilespmem:s30+$0x0]  }
0x254: {  	s2 =	simm.s32 $0x20C0;
	s1 =	simm.s32 $0x0;
	v13 =	vshrl.u32 v14, $0x15;
	v12 =	vshrl.u32 v14, $0xA;
	v8 =	vand.u32 $0x7FF, v8  }
.LBB2_9:
0x255: {  	s1 =	sadd.s32 $0x8, s1;
	v14 =	vshrl.u32 v6, $0x15;
	[tilespmem:v9+s10+$0x0] =	vst.idx.add.s32.msk vm2, v1;
	vm3 =	veq.s32 v13, v5  }
0x256: {  	v6 =	vshrl.u32 v6, $0xA;
	v9 =	vand.u32 $0x7FF, v7;
	v13 =	vld [tilespmem:s2+$0xFFFFFFF0];
	p0 =	slt.u32 s1, $0x1F8;
	vm4 =	veq.s32 v14, v5  }
0x257: {  	v12 =	vand.u32 $0x7FF, v12;
	v15 =	vand.u32 $0x7FF, v6;
	v14 =	vld [tilespmem:s2+$0xFFFFFFE0];
	v6 =	vshrl.u32 v10, $0x15  }
0x258: {  	v16 =	vld [tilespmem:s2+$0xFFFFFFC0];
	v7 =	vshrl.u32 v11, $0x15;
	vm15 =	veq.s32 v6, v5;
	v6 =	vshrl.u32 v10, $0xA  }
0x259: {  	v17 =	vld [tilespmem:s2+$0x30];
	vm5 =	veq.s32 v7, v5;
	v7 =	vshrl.u32 v11, $0xA;
	v10 =	vand.u32 $0x7FF, v6  }
0x25a: {  	v18 =	vld [tilespmem:s2+$0x20];
	v11 =	vand.u32 $0x7FF, v7  }
0x25b: {  	v6 =	vld [tilespmem:s2+$0xFFFFFFD0];
	v7 =	vshrl.u32 v13, $0xA  }
0x25c: {  	[tilespmem:v9+s10+$0x0] =	vst.idx.add.s32.msk vm0, v1  }
0x25d: {  	v19 =	vshrl.u32 v14, $0x15;
	v14 =	vshrl.u32 v14, $0xA;
	v9 =	vshrl.u32 v16, $0x15;
	[tilespmem:v8+s10+$0x0] =	vst.idx.add.s32.msk vm1, v1  }
0x25e: {  	v8 =	vshrl.u32 v16, $0xA;
	vm2 =	veq.s32 v19, v5;
	vm6 =	veq.s32 v9, v5;
	[tilespmem:v10+s10+$0x0] =	vst.idx.add.s32.msk vm15, v1  }
0x25f: {  	v8 =	vand.u32 $0x7FF, v8;
	v9 =	vand.u32 $0x7FF, v14;
	[tilespmem:v11+s10+$0x0] =	vst.idx.add.s32.msk vm5, v1  }
.Ltmp7:
0x260: {  	v10 =	vshrl.u32 v13, $0x15;
	[tilespmem:v12+s10+$0x0] =	vst.idx.add.s32.msk vm3, v1;
	(pc) =	sbr.rel @p0 .LBB2_9-.Ltmp7, $4  }
0x261: {  	vm0 =	veq.s32 v10, v5;
	[tilespmem:v15+s10+$0x0] =	vst.idx.add.s32.msk vm4, v1  }
0x262: {  	v12 =	vshrl.u32 v18, $0x15;
	v10 =	vld [tilespmem:s2+$0x10]  }
0x263: {  	vm1 =	veq.s32 v12, v5;
	v12 =	vshrl.u32 v18, $0xA;
	v11 =	vld [tilespmem:s2+$0x0]  }
0x264: {  	v13 =	vshrl.u32 v17, $0x15;
	s2 =	sadd.s32 $0x80, s2;
	[tilespmem:v8+s10+$0x0] =	vst.idx.add.s32.msk vm6, v1;
	v8 =	vand.u32 $0x7FF, v12;
	v12 =	vshrl.u32 v17, $0xA  }
0x265: {  	_ = 	snop  }
0x266: {  	v7 =	vand.u32 $0x7FF, v7  }
0x267: {  	vm5 =	veq.s32 v13, v5;
	v14 =	vshrl.u32 v10, $0x15;
	v10 =	vshrl.u32 v10, $0xA  }
0x268: {  	v15 =	vshrl.u32 v11, $0x15;
	vm3 =	veq.s32 v14, v5;
	v11 =	vshrl.u32 v11, $0xA  }
0x269: {  	v10 =	vand.u32 $0x7FF, v10;
	v14 =	vshrl.u32 v6, $0x15;
	vm4 =	veq.s32 v15, v5  }
0x26a: {  	[tilespmem:v9+s10+$0x0] =	vst.idx.add.s32.msk vm2, v1;
	vm2 =	veq.s32 v14, v5;
	v5 =	vshrl.u32 v6, $0xA;
	v6 =	vand.u32 $0x7FF, v12  }
0x26b: {  	v11 =	vand.u32 $0x7FF, v11  }
0x26c: {  	[tilespmem:v8+s10+$0x0] =	vst.idx.add.s32.msk vm1, v1;
	v5 =	vand.u32 $0x7FF, v5  }
0x26d: {  	[tilespmem:v7+s10+$0x0] =	vst.idx.add.s32.msk vm0, v1  }
0x26e: {  	[tilespmem:v10+s10+$0x0] =	vst.idx.add.s32.msk vm3, v1  }
0x26f: {  	[tilespmem:v6+s10+$0x0] =	vst.idx.add.s32.msk vm5, v1  }
0x270: {  	[tilespmem:v11+s10+$0x0] =	vst.idx.add.s32.msk vm4, v1  }
0x271: {  	s1 =	simm.s32 $0x4080;
	[tilespmem:v5+s10+$0x0] =	vst.idx.add.s32.msk vm2, v1  }
0x272: {  	s0 =	sadd.s32 $0xFFFFFFFF, s0;
	v5 =	vld [tilespmem:s1+$0xFFFFFF80]  }
0x273: {  	v6 =	vmov s0  }
0x274: {  	vm0 =	veq.s32 v6, v2  }
0x275: {  	v4 =	vnsel vm0, $0x0, v4  }
0x276: {  	(xrf0) =	vadd.scan.msk.s32 $0xffff, v4  }
0x277: {  	(xrf0) =	vadd.scan.msk.s32 $0xffff, v5;
	_ =	sdelay $0x4  }
0x278: {  	v4, _, _ =	vpop (xrf0)  }
0x279: {  	s13 =	simm.s32 $0x4880;
	v21, _, _ =	vpop (xrf0)  }
0x27a: {  	[tilespmem:s13+$0xFFFFFF80] =	vst v21  }
0x27b: {  	v5 =	vld [tilespmem:s1+$0xFFFFFF90];
	_ =	sdelay $0x4  }
0x27c: {  	(xrf0) =	vadd.scan.msk.s32 $0xffff, v5;
	_ =	sdelay $0x5  }
0x27d: {  	[tilespmem:s1+$0xFFFFFF80] =	vst v0;
	v23, _, _ =	vpop (xrf0)  }
0x27e: {  	[tilespmem:s13+$0xFFFFFF90] =	vst v23  }
0x27f: {  	v5 =	vld [tilespmem:s1+$0xFFFFFFA0];
	_ =	sdelay $0x4  }
0x280: {  	(xrf0) =	vadd.scan.msk.s32 $0xffff, v5;
	_ =	sdelay $0x5  }
0x281: {  	[tilespmem:s1+$0xFFFFFF90] =	vst v0;
	v24, _, _ =	vpop (xrf0)  }
0x282: {  	[tilespmem:s13+$0xFFFFFFA0] =	vst v24  }
0x283: {  	v5 =	vld [tilespmem:s1+$0xFFFFFFB0]  }
0x284: {  	s17 =	simm.s32 $0x4180  }
0x285: {  	v6 =	vld [tilespmem:s17+$0xFFFFFF80];
	_ =	sdelay $0x2  }
0x286: {  	(xrf0) =	vadd.scan.msk.s32 $0xffff, v5;
	_ =	sdelay $0x1  }
0x287: {  	(xrf0) =	vadd.scan.msk.s32 $0xffff, v6;
	_ =	sdelay $0x3  }
0x288: {  	[tilespmem:s1+$0xFFFFFFA0] =	vst v0;
	v27, _, _ =	vpop (xrf0)  }
0x289: {  	[tilespmem:s13+$0xFFFFFFB0] =	vst v27  }
0x28a: {  	s18 =	simm.s32 $0x4980;
	v6, _, _ =	vpop (xrf0);
	v5 =	vld [tilespmem:s1+$0xFFFFFFC0]  }
0x28b: {  	[tilespmem:s18+$0xFFFFFF80] =	vst v6  }
0x28c: {  	v7 =	vld [tilespmem:s17+$0xFFFFFF90];
	_ =	sdelay $0x2  }
0x28d: {  	(xrf0) =	vadd.scan.msk.s32 $0xffff, v5;
	_ =	sdelay $0x1  }
0x28e: {  	(xrf0) =	vadd.scan.msk.s32 $0xffff, v7;
	_ =	sdelay $0x3  }
0x28f: {  	[tilespmem:s1+$0xFFFFFFB0] =	vst v0;
	v28, _, _ =	vpop (xrf0)  }
0x290: {  	[tilespmem:s13+$0xFFFFFFC0] =	vst v28  }
0x291: {  	[tilespmem:s17+$0xFFFFFF80] =	vst v0;
	v9, _, _ =	vpop (xrf0);
	v5 =	vld [tilespmem:s1+$0xFFFFFFD0]  }
0x292: {  	[tilespmem:s18+$0xFFFFFF90] =	vst v9  }
0x293: {  	v7 =	vld [tilespmem:s17+$0xFFFFFFA0];
	_ =	sdelay $0x2  }
0x294: {  	(xrf0) =	vadd.scan.msk.s32 $0xffff, v5;
	_ =	sdelay $0x1  }
0x295: {  	(xrf0) =	vadd.scan.msk.s32 $0xffff, v7;
	_ =	sdelay $0x3  }
0x296: {  	[tilespmem:s1+$0xFFFFFFC0] =	vst v0;
	v31, _, _ =	vpop (xrf0)  }
0x297: {  	[tilespmem:s13+$0xFFFFFFD0] =	vst v31  }
0x298: {  	[tilespmem:s17+$0xFFFFFF90] =	vst v0;
	v10, _, _ =	vpop (xrf0);
	v5 =	vld [tilespmem:s1+$0xFFFFFFE0]  }
0x299: {  	[tilespmem:s18+$0xFFFFFFA0] =	vst v10  }
0x29a: {  	v7 =	vld [tilespmem:s17+$0xFFFFFFB0];
	_ =	sdelay $0x2  }
0x29b: {  	(xrf0) =	vadd.scan.msk.s32 $0xffff, v5  }
0x29c: {  	s19 =	simm.s32 $0x4280  }
0x29d: {  	v5 =	vld [tilespmem:s19+$0xFFFFFF80];
	(xrf0) =	vadd.scan.msk.s32 $0xffff, v7;
	_ =	sdelay $0x3  }
0x29e: {  	[tilespmem:s1+$0xFFFFFFD0] =	vst v0;
	v35, _, _ =	vpop (xrf0)  }
0x29f: {  	(xrf0) =	vadd.scan.msk.s32 $0xffff, v5;
	[tilespmem:s13+$0xFFFFFFE0] =	vst v35  }
0x2a0: {  	[tilespmem:s17+$0xFFFFFFA0] =	vst v0;
	v12, _, _ =	vpop (xrf0);
	v5 =	vld [tilespmem:s1+$0xFFFFFFF0]  }
0x2a1: {  	[tilespmem:s18+$0xFFFFFFB0] =	vst v12  }
0x2a2: {  	v8 =	vld [tilespmem:s17+$0xFFFFFFC0];
	_ =	sdelay $0x2  }
0x2a3: {  	s20 =	simm.s32 $0x4A80;
	v7, _, _ =	vpop (xrf0);
	(xrf0) =	vadd.scan.msk.s32 $0xffff, v5  }
0x2a4: {  	[tilespmem:s20+$0xFFFFFF80] =	vst v7  }
0x2a5: {  	v5 =	vld [tilespmem:s19+$0xFFFFFF90];
	(xrf0) =	vadd.scan.msk.s32 $0xffff, v8;
	_ =	sdelay $0x3  }
0x2a6: {  	[tilespmem:s1+$0xFFFFFFE0] =	vst v0;
	v37, _, _ =	vpop (xrf0)  }
0x2a7: {  	(xrf0) =	vadd.scan.msk.s32 $0xffff, v5;
	[tilespmem:s13+$0xFFFFFFF0] =	vst v37  }
0x2a8: {  	[tilespmem:s17+$0xFFFFFFB0] =	vst v0;
	v14, _, _ =	vpop (xrf0);
	v5 =	vld [tilespmem:s1+$0x0]  }
0x2a9: {  	[tilespmem:s18+$0xFFFFFFC0] =	vst v14  }
0x2aa: {  	v8 =	vld [tilespmem:s17+$0xFFFFFFD0];
	_ =	sdelay $0x2  }
0x2ab: {  	[tilespmem:s19+$0xFFFFFF80] =	vst v0;
	v11, _, _ =	vpop (xrf0);
	(xrf0) =	vadd.scan.msk.s32 $0xffff, v5  }
0x2ac: {  	[tilespmem:s20+$0xFFFFFF90] =	vst v11  }
0x2ad: {  	v5 =	vld [tilespmem:s19+$0xFFFFFFA0];
	(xrf0) =	vadd.scan.msk.s32 $0xffff, v8;
	_ =	sdelay $0x3  }
0x2ae: {  	[tilespmem:s1+$0xFFFFFFF0] =	vst v0;
	v38, _, _ =	vpop (xrf0)  }
0x2af: {  	(xrf0) =	vadd.scan.msk.s32 $0xffff, v5;
	[tilespmem:s13+$0x0] =	vst v38  }
0x2b0: {  	[tilespmem:s17+$0xFFFFFFC0] =	vst v0;
	v18, _, _ =	vpop (xrf0);
	v5 =	vld [tilespmem:s1+$0x10]  }
0x2b1: {  	[tilespmem:s18+$0xFFFFFFD0] =	vst v18  }
0x2b2: {  	v8 =	vld [tilespmem:s17+$0xFFFFFFE0];
	_ =	sdelay $0x2  }
0x2b3: {  	[tilespmem:s19+$0xFFFFFF90] =	vst v0;
	v13, _, _ =	vpop (xrf0);
	(xrf0) =	vadd.scan.msk.s32 $0xffff, v5  }
0x2b4: {  	[tilespmem:s20+$0xFFFFFFA0] =	vst v13  }
0x2b5: {  	s21 =	simm.s32 $0x4380;
	v15 =	vld [tilespmem:s19+$0xFFFFFFB0];
	(xrf0) =	vadd.scan.msk.s32 $0xffff, v8  }
0x2b6: {  	v5 =	vld [tilespmem:s21+$0xFFFFFF80];
	_ =	sdelay $0x2  }
0x2b7: {  	[tilespmem:s1+$0x0] =	vst v0;
	v39, _, _ =	vpop (xrf0)  }
0x2b8: {  	(xrf0) =	vadd.scan.msk.s32 $0xffff, v15;
	[tilespmem:s13+$0x10] =	vst v39  }
0x2b9: {  	[tilespmem:s17+$0xFFFFFFD0] =	vst v0;
	(xrf0) =	vadd.scan.msk.s32 $0xffff, v5;
	v19, _, _ =	vpop (xrf0);
	v5 =	vld [tilespmem:s1+$0x20]  }
0x2ba: {  	[tilespmem:s18+$0xFFFFFFE0] =	vst v19  }
0x2bb: {  	v15 =	vld [tilespmem:s17+$0xFFFFFFF0];
	_ =	sdelay $0x2  }
0x2bc: {  	[tilespmem:s19+$0xFFFFFFA0] =	vst v0;
	v17, _, _ =	vpop (xrf0);
	(xrf0) =	vadd.scan.msk.s32 $0xffff, v5  }
0x2bd: {  	s22 =	simm.s32 $0x4B80;
	[tilespmem:s20+$0xFFFFFFB0] =	vst v17;
	v8, _, _ =	vpop (xrf0)  }
0x2be: {  	v16 =	vld [tilespmem:s19+$0xFFFFFFC0];
	[tilespmem:s22+$0xFFFFFF80] =	vst v8;
	(xrf0) =	vadd.scan.msk.s32 $0xffff, v15  }
0x2bf: {  	v5 =	vld [tilespmem:s21+$0xFFFFFF90];
	_ =	sdelay $0x2  }
0x2c0: {  	[tilespmem:s1+$0x10] =	vst v0;
	v40, _, _ =	vpop (xrf0)  }
0x2c1: {  	(xrf0) =	vadd.scan.msk.s32 $0xffff, v16;
	[tilespmem:s13+$0x20] =	vst v40  }
0x2c2: {  	v26, _, _ =	vpop (xrf0);
	(xrf0) =	vadd.scan.msk.s32 $0xffff, v5;
	v5 =	vld [tilespmem:s1+$0x30];
	_ =	sdelay $0x1  }
0x2c3: {  	[tilespmem:s17+$0xFFFFFFE0] =	vst v0  }
0x2c4: {  	[tilespmem:s19+$0xFFFFFFB0] =	vst v0  }
0x2c5: {  	[tilespmem:s21+$0xFFFFFF80] =	vst v0  }
0x2c6: {  	[tilespmem:s18+$0xFFFFFFF0] =	vst v26;
	v22, _, _ =	vpop (xrf0);
	(xrf0) =	vadd.scan.msk.s32 $0xffff, v5  }
0x2c7: {  	v16 =	vld [tilespmem:s17+$0x0];
	[tilespmem:s20+$0xFFFFFFC0] =	vst v22;
	v15, _, _ =	vpop (xrf0)  }
0x2c8: {  	v20 =	vld [tilespmem:s19+$0xFFFFFFD0];
	[tilespmem:s22+$0xFFFFFF90] =	vst v15  }
0x2c9: {  	v5 =	vld [tilespmem:s21+$0xFFFFFFA0];
	_ =	sdelay $0x2  }
0x2ca: {  	[tilespmem:s1+$0x20] =	vst v0;
	(xrf0) =	vadd.scan.msk.s32 $0xffff, v16;
	v41, _, _ =	vpop (xrf0)  }
0x2cb: {  	(xrf0) =	vadd.scan.msk.s32 $0xffff, v20;
	[tilespmem:s13+$0x30] =	vst v41  }
0x2cc: {  	(xrf0) =	vadd.scan.msk.s32 $0xffff, v5;
	v5 =	vld [tilespmem:s1+$0x40];
	_ =	sdelay $0x1  }
0x2cd: {  	[tilespmem:s17+$0xFFFFFFF0] =	vst v0  }
0x2ce: {  	[tilespmem:s19+$0xFFFFFFC0] =	vst v0  }
0x2cf: {  	[tilespmem:s21+$0xFFFFFF90] =	vst v0;
	v29, _, _ =	vpop (xrf0)  }
0x2d0: {  	[tilespmem:s18+$0x0] =	vst v29;
	v25, _, _ =	vpop (xrf0);
	(xrf0) =	vadd.scan.msk.s32 $0xffff, v5  }
0x2d1: {  	v20 =	vld [tilespmem:s17+$0x10];
	[tilespmem:s20+$0xFFFFFFD0] =	vst v25;
	v16, _, _ =	vpop (xrf0)  }
0x2d2: {  	v30 =	vld [tilespmem:s19+$0xFFFFFFE0];
	[tilespmem:s22+$0xFFFFFFA0] =	vst v16  }
0x2d3: {  	v5 =	vld [tilespmem:s21+$0xFFFFFFB0];
	_ =	sdelay $0x2  }
0x2d4: {  	s23 =	simm.s32 $0x4480;
	[tilespmem:s1+$0x30] =	vst v0;
	(xrf0) =	vadd.scan.msk.s32 $0xffff, v20;
	v42, _, _ =	vpop (xrf0)  }
0x2d5: {  	v20 =	vld [tilespmem:s23+$0xFFFFFF80];
	(xrf0) =	vadd.scan.msk.s32 $0xffff, v30;
	[tilespmem:s13+$0x40] =	vst v42  }
0x2d6: {  	(xrf0) =	vadd.scan.msk.s32 $0xffff, v5;
	v5 =	vld [tilespmem:s1+$0x50];
	_ =	sdelay $0x3  }
0x2d7: {  	[tilespmem:s17+$0x0] =	vst v0;
	v32, _, _ =	vpop (xrf0);
	(xrf0) =	vadd.scan.msk.s32 $0xffff, v20  }
0x2d8: {  	[tilespmem:s18+$0x10] =	vst v32;
	v33, _, _ =	vpop (xrf0);
	(xrf0) =	vadd.scan.msk.s32 $0xffff, v5  }
0x2d9: {  	[tilespmem:s19+$0xFFFFFFD0] =	vst v0;
	v56 =	vld [tilespmem:s17+$0x20]  }
0x2da: {  	[tilespmem:s21+$0xFFFFFFA0] =	vst v0  }
0x2db: {  	[tilespmem:s20+$0xFFFFFFE0] =	vst v33;
	v20, _, _ =	vpop (xrf0)  }
0x2dc: {  	v34 =	vld [tilespmem:s19+$0xFFFFFFF0];
	[tilespmem:s22+$0xFFFFFFB0] =	vst v20  }
0x2dd: {  	s24 =	simm.s32 $0x4C80;
	[tilespmem:s1+$0x40] =	vst v0;
	v5, _, _ =	vpop (xrf0);
	v36 =	vld [tilespmem:s21+$0xFFFFFFC0]  }
0x2de: {  	(xrf0) =	vadd.scan.msk.s32 $0xffff, v56;
	[tilespmem:s24+$0xFFFFFF80] =	vst v5;
	v43, _, _ =	vpop (xrf0)  }
0x2df: {  	v57 =	vld [tilespmem:s23+$0xFFFFFF90];
	[tilespmem:s13+$0x50] =	vst v43  }
0x2e0: {  	v44 =	vld [tilespmem:s1+$0x60]  }
0x2e1: {  	(xrf0) =	vadd.scan.msk.s32 $0xffff, v34  }
0x2e2: {  	[tilespmem:s17+$0x10] =	vst v0;
	(xrf0) =	vadd.scan.msk.s32 $0xffff, v36  }
0x2e3: {  	[tilespmem:s19+$0xFFFFFFE0] =	vst v0  }
0x2e4: {  	[tilespmem:s21+$0xFFFFFFB0] =	vst v0;
	v34, _, _ =	vpop (xrf0);
	(xrf0) =	vadd.scan.msk.s32 $0xffff, v57  }
0x2e5: {  	[tilespmem:s18+$0x20] =	vst v34;
	(xrf0) =	vadd.scan.msk.s32 $0xffff, v44  }
0x2e6: {  	[tilespmem:s23+$0xFFFFFF80] =	vst v0;
	v45 =	vld [tilespmem:s17+$0x30]  }
0x2e7: {  	[tilespmem:s1+$0x50] =	vst v0;
	v36, _, _ =	vpop (xrf0)  }
0x2e8: {  	[tilespmem:s20+$0xFFFFFFF0] =	vst v36;
	v30, _, _ =	vpop (xrf0)  }
0x2e9: {  	v46 =	vld [tilespmem:s19+$0x0];
	[tilespmem:s22+$0xFFFFFFC0] =	vst v30  }
0x2ea: {  	v59 =	vbroadcast v21, $0xF;
	[tilespmem:s19+$0xFFFFFFF0] =	vst v0;
	v21, _, _ =	vpop (xrf0);
	v58 =	vld [tilespmem:s21+$0xFFFFFFD0]  }
0x2eb: {  	(xrf0) =	vadd.scan.msk.s32 $0xffff, v45;
	v60 =	vld [tilespmem:$0x1FF20];
	[tilespmem:s24+$0xFFFFFF90] =	vst v21;
	v45, _, _ =	vpop (xrf0)  }
0x2ec: {  	v61 =	vld [tilespmem:$0x1FF30];
	[tilespmem:s13+$0x60] =	vst v45  }
0x2ed: {  	v48 =	vld [tilespmem:$0x1FF40];
	_ =	sdelay $0x1  }
0x2ee: {  	v23 =	vbroadcast v23, $0xF;
	v27 =	vbroadcast v27, $0xF;
	(xrf0) =	vadd.scan.msk.s32 $0xffff, v46  }
0x2ef: {  	v24 =	vbroadcast v24, $0xF;
	vm9 =	vnez.u8 v60  }
0x2f0: {  	(xrf0) =	vadd.scan.msk.s32 $0xffff, v58;
	v23 =	vsel vm9, v59, v23;
	vm4 =	vnez.u8 v61  }
0x2f1: {  	v63 =	vld [tilespmem:s23+$0xFFFFFFA0];
	v23 =	vsel vm4, v23, v24;
	vm2 =	vnez.u8 v48  }
0x2f2: {  	v50 =	vld [tilespmem:$0x1FF50];
	[tilespmem:s17+$0x20] =	vst v0;
	v23 =	vsel vm2, v23, v27;
	v27, _, _ =	vpop (xrf0)  }
0x2f3: {  	(v2sf) =	vpush v4, $0xF;
	v4 =	vld [tilespmem:$0x1FF60];
	[tilespmem:s18+$0x30] =	vst v27  }
0x2f4: {  	v24, _, _ =	vpop (xrf0);
	v52 =	vld [tilespmem:$0x1FF70]  }
0x2f5: {  	v55 =	vld [tilespmem:$0x1FF80];
	[tilespmem:s20+$0x0] =	vst v24  }
0x2f6: {  	v62 =	vbroadcast v28, $0xF;
	v28, _, _ =	vpop (xrf0);
	v56 =	vld [tilespmem:$0x1FF90];
	[tilespmem:s21+$0xFFFFFFC0] =	vst v0  }
0x2f7: {  	v31 =	vbroadcast v31, $0xF;
	vm8 =	vnez.u8 v50;
	v58 =	vld [tilespmem:$0x1FF10];
	[tilespmem:s22+$0xFFFFFFD0] =	vst v28  }
0x2f8: {  	v51 =	vbroadcast v35, $0xF;
	vm7 =	vnez.u8 v4;
	v23 =	vsel vm8, v23, v62;
	v60 =	vld [tilespmem:$0x1FFA0]  }
0x2f9: {  	(xrf0) =	vadd.scan.msk.s32 $0xffff, v63;
	v4 =	vsel vm7, v23, v31;
	v23 =	vbroadcast v37, $0xF;
	v63 =	vld [tilespmem:$0x1FFB0];
	vm10 =	vnez.u8 v52  }
0x2fa: {  	v53 =	vbroadcast v38, $0xF;
	vm6 =	vnez.u8 v55;
	v4 =	vsel vm10, v4, v51  }
0x2fb: {  	vm13 =	vnez.u8 v56;
	v4 =	vsel vm6, v4, v23;
	v23 =	vbroadcast v39, $0xF  }
0x2fc: {  	v57 =	vbroadcast v40, $0xF;
	v49 =	vld [tilespmem:s1+$0x70];
	vm11 =	vnez.u8 v58;
	v4 =	vsel vm13, v4, v53  }
0x2fd: {  	v54 =	vld [tilespmem:s17+$0x40];
	vm12 =	vnez.u8 v60;
	v4 =	vsel vm11, v4, v23;
	v23 =	vbroadcast v41, $0xF  }
0x2fe: {  	v59 =	vld [tilespmem:s19+$0x10];
	vm15 =	vnez.u8 v63;
	v4 =	vsel vm12, v4, v57  }
0x2ff: {  	v4 =	vsel vm15, v4, v23;
	v23 =	vld [tilespmem:$0x1FFC0]  }
0x300: {  	v61 =	vbroadcast v42, $0xF;
	v44 =	vld [tilespmem:$0x1FFD0]  }
0x301: {  	v42 =	vbroadcast v43, $0xF;
	v43 =	vbroadcast v45, $0xF;
	(xrf0) =	vadd.scan.msk.s32 $0xffff, v49;
	v45 =	vld [tilespmem:$0x1FFE0];
	[tilespmem:s17+$0x30] =	vst v0  }
0x302: {  	(xrf0) =	vadd.scan.msk.s32 $0xffff, v54;
	v47 =	vld [tilespmem:$0x1FFF0]  }
0x303: {  	v62 =	vld [tilespmem:s21+$0xFFFFFFE0]  }
0x304: {  	vm0 =	vnez.u8 v23  }
0x305: {  	(xrf0) =	vadd.scan.msk.s32 $0xffff, v59;
	v4 =	vsel vm0, v4, v61;
	vm0 =	vnez.u8 v44  }
0x306: {  	[tilespmem:s23+$0xFFFFFF90] =	vst v0;
	v23, _, _ =	vpop (xrf0);
	vm14 =	vmmov vm0;
	v4 =	vsel vm0, v4, v42;
	vm0 =	vnez.u8 v45  }
0x307: {  	v46, _, _ =	vpop (xrf0);
	[tilespmem:s24+$0xFFFFFFA0] =	vst v23;
	vm3 =	vmmov vm0;
	v4 =	vsel vm0, v4, v43;
	vm0 =	vnez.u8 v47  }
0x308: {  	s2 =	spop (v2sf);
	(xrf0) =	vadd.scan.msk.s32 $0xffff, v62;
	v48, _, _ =	vpop (xrf0);
	v49 =	vld [tilespmem:s23+$0xFFFFFFB0];
	v35 =	vsel vm0, v4, v46  }
0x309: {  	s25 =	simm.s32 $0x4580;
	s2 =	sadd.s32 s2, s15;
	[tilespmem:s18+$0x40] =	vst v48;
	(xrf0) =	vadd.scan.msk.s32 $0xffff, v35  }
0x30a: {  	s2 =	ssub.s32 $0x1000, s2;
	v50 =	vld [tilespmem:s25+$0xFFFFFF80];
	[tilespmem:s17+$0x40] =	vst v0  }
0x30b: {  	v51 =	vld [tilespmem:s17+$0x50];
	[dreg:$0x9] =	wrdreg s2  }
0x30c: {  	v6 =	vbroadcast v6, $0xF;
	v9 =	vbroadcast v9, $0xF;
	[tilespmem:s19+$0x0] =	vst v0  }
0x30d: {  	v10 =	vbroadcast v10, $0xF;
	v52, _, _ =	vpop (xrf0);
	[tilespmem:s21+$0xFFFFFFD0] =	vst v0;
	(xrf0) =	vadd.scan.msk.s32 $0xffff, v49  }
0x30e: {  	v12 =	vbroadcast v12, $0xF;
	v6 =	vsel vm9, v6, v9;
	v53, _, _ =	vpop (xrf0);
	[tilespmem:s20+$0x10] =	vst v52  }
0x30f: {  	s16 =	simm.s32 $0x0;
	v6 =	vsel vm4, v6, v10;
	v10 =	vbroadcast v14, $0xF;
	[tilespmem:s22+$0xFFFFFFE0] =	vst v53;
	(xrf0) =	vadd.scan.msk.s32 $0xffff, v50;
	v56 =	vld [tilespmem:s19+$0x20];
	v54, _, _ =	vpop (xrf0)  }
0x310: {  	v14 =	vbroadcast v18, $0xF;
	v4 =	vmov s2;
	v9 =	vld [tilespmem:s21+$0xFFFFFFF0];
	(xrf0) =	vadd.scan.msk.s32 $0xffff, v51;
	v55 =	vadd.s32 s16, v54  }
0x311: {  	v6 =	vsel vm2, v6, v12;
	vm5 =	vmmov vm0;
	vm0 =	vge.s32 v55, v4  }
0x312: {  	v12 =	vbroadcast v19, $0xF;
	v10 =	vsel vm8, v6, v10;
	v38 =	vsel vm0, $0x1, v0  }
0x313: {  	v10 =	vsel vm7, v10, v14;
	[tilespmem:s23+$0xFFFFFFA0] =	vst v0;
	v18, _, _ =	vpop (xrf0);
	(xrf0) =	vadd.scan.msk.s32 $0xffff, v38  }
0x314: {  	v10 =	vsel vm10, v10, v12;
	v12 =	vbroadcast v26, $0xF;
	[tilespmem:s24+$0xFFFFFFB0] =	vst v18;
	(xrf0) =	vadd.scan.msk.s32 $0xffff, v56  }
0x315: {  	s26 =	simm.s32 $0x4D80;
	v7 =	vbroadcast v7, $0xF;
	v11 =	vbroadcast v11, $0xF;
	[tilespmem:s1+$0x60] =	vst v0;
	v6, _, _ =	vpop (xrf0);
	v14 =	vld [tilespmem:s23+$0xFFFFFFC0];
	(xrf0) =	vadd.scan.msk.s32 $0xffff, v9  }
0x316: {  	v10 =	vsel vm6, v10, v12;
	v12 =	vbroadcast v13, $0xF;
	v19, _, _ =	vpop (xrf0);
	[tilespmem:s26+$0xFFFFFF80] =	vst v6  }
0x317: {  	v7 =	vsel vm9, v7, v11;
	v13 =	vbroadcast v17, $0xF;
	v17 =	vbroadcast v29, $0xF;
	[tilespmem:s18+$0x50] =	vst v19;
	v11 =	vld [tilespmem:s25+$0xFFFFFF90]  }
0x318: {  	v15 =	vbroadcast v15, $0xF;
	v7 =	vsel vm4, v7, v12;
	v12 =	vbroadcast v22, $0xF;
	[tilespmem:s13+$0x70] =	vst v46;
	v22 =	vld [tilespmem:s17+$0x60]  }
0x319: {  	v10 =	vsel vm13, v10, v17;
	v7 =	vsel vm2, v7, v13;
	v13 =	vbroadcast v32, $0xF;
	[tilespmem:s19+$0x10] =	vst v0;
	v9, _, _ =	vpop (xrf0)  }
0x31a: {  	v7 =	vsel vm8, v7, v12;
	[tilespmem:s21+$0xFFFFFFE0] =	vst v0;
	(v2sf) =	vpush v54, $0xF;
	(xrf0) =	vadd.scan.msk.s32 $0xffff, v14;
	v14, _, _ =	vpop (xrf0)  }
0x31b: {  	v12 =	vbroadcast v25, $0xF;
	vm1 =	veq.s32 v9, $0x1;
	(v2sf) =	vpush v9, $0xF;
	v9, _, _ =	vpop (xrf0);
	[tilespmem:s20+$0x20] =	vst v14  }
0x31c: {  	v57 =	vsub.s32 v54, v35;
	(xrf0) =	vadd.scan.msk.s32 $0xffff, v11;
	vm0 =	vmand vm0, vm1;
	[tilespmem:s22+$0xFFFFFFF0] =	vst v9;
	v58 =	vld [tilespmem:s19+$0x30]  }
0x31d: {  	v10 =	vsel vm11, v10, v13;
	[tilespmem:s23+$0xFFFFFFB0] =	vst v0;
	(xrf0) =	vadd.scan.msk.s32 $0xffff, v22;
	v11 =	vnsel vm0, $0x0, v57;
	v13 =	vld [tilespmem:s21+$0x0]  }
0x31e: {  	v7 =	vsel vm7, v7, v12;
	[tilespmem:s25+$0xFFFFFF80] =	vst v0;
	v12 =	vnsel vm0, $0x0, v2;
	(xrf0) =	vadd.scan.msk.s32 $0xffff, v11  }
0x31f: {  	[tilespmem:s17+$0x50] =	vst v0;
	(xrf0) =	vadd.scan.msk.s32 $0xffff, v12;
	v12 =	vbroadcast v34, $0xF  }
0x320: {  	v8 =	vbroadcast v8, $0xF;
	[tilespmem:s19+$0x20] =	vst v0  }
0x321: {  	[tilespmem:s21+$0xFFFFFFF0] =	vst v0;
	v11, _, _ =	vpop (xrf0);
	v10 =	vsel vm12, v10, v12;
	v12 =	vbroadcast v16, $0xF;
	(xrf0) =	vadd.scan.msk.s32 $0xffff, v58  }
0x322: {  	v8 =	vsel vm9, v8, v15;
	[tilespmem:s24+$0xFFFFFFC0] =	vst v11;
	v15, _, _ =	vpop (xrf0);
	(xrf0) =	vadd.scan.msk.s32 $0xffff, v13;
	v13 =	vbroadcast v20, $0xF  }
0x323: {  	v16 =	vbroadcast v30, $0xF;
	[tilespmem:s26+$0xFFFFFF90] =	vst v15;
	v8 =	vsel vm4, v8, v12;
	v20, _, _ =	vpop (xrf0)  }
0x324: {  	v17 =	vbroadcast v33, $0xF;
	v12 =	vbroadcast v28, $0xF;
	[tilespmem:s18+$0x60] =	vst v20;
	v8 =	vsel vm2, v8, v13  }
0x325: {  	[tilespmem:s17+$0x60] =	vst v0;
	v8 =	vsel vm8, v8, v16  }
0x326: {  	v7 =	vsel vm10, v7, v17;
	v17 =	vbroadcast v36, $0xF;
	v8 =	vsel vm7, v8, v12;
	v12 =	vld [tilespmem:$0x1FF90];
	_ =	sdelay $0x1  }
0x327: {  	v7 =	vsel vm6, v7, v17;
	v17 =	vbroadcast v27, $0xF;
	_ =	sdelay $0x1  }
0x328: {  	v10 =	vsel vm15, v10, v17;
	v17 =	vbroadcast v24, $0xF  }
0x329: {  	vm0 =	vnez.u8 v12  }
0x32a: {  	v17 =	vsel vm0, v7, v17;
	v7 =	vld [tilespmem:$0x1FFC0]  }
0x32b: {  	v13, _, _ =	vpop (xrf0)  }
0x32c: {  	v60, _, _ =	vpop (xrf0)  }
0x32d: {  	v22 =	vld [tilespmem:s23+$0xFFFFFFD0];
	v62, _, _ =	vpop (xrf0)  }
0x32e: {  	vm13 =	vmmov vm15;
	v59 =	vbroadcast v48, $0xF;
	[tilespmem:s20+$0x30] =	vst v62  }
0x32f: {  	vm15 =	vmmov vm4;
	vm4 =	vmmov vm2;
	[tilespmem:s1+$0x70] =	vst v0;
	vm2 =	vnez.u8 v7  }
0x330: {  	v12 =	vsel vm2, v10, v59;
	v10 =	vld [tilespmem:$0x1FF10];
	_ =	sdelay $0x1  }
0x331: {  	vm11 =	vmmov vm12;
	vm1 =	vmmov vm6;
	v61 =	vld [tilespmem:s25+$0xFFFFFFA0];
	v16 =	vbroadcast v53, $0xF;
	(xrf0) =	vadd.scan.msk.s32 $0xffff, v22  }
0x332: {  	vm6 =	vmmov vm7;
	v9 =	vbroadcast v9, $0xF;
	vm12 =	vmmov vm8;
	v63 =	vld [tilespmem:s17+$0x70]  }
0x333: {  	v11 =	vbroadcast v11, $0xF;
	v22 =	vbroadcast v52, $0xF;
	v8 =	vsel vm10, v8, v16  }
0x334: {  	s14 =	spop (v2sf);
	(v2sf) =	vpush v13, $0xF;
	v7 =	vbroadcast v21, $0xF;
	v21, _, _ =	vpop (xrf0);
	vm8 =	vnez.u8 v10  }
0x335: {  	s6 =	simm.s32 $0x10;
	s15 =	spop (v2sf);
	(v2sf) =	vpush v60, $0xF;
	vm9 =	vmmov vm0;
	[tilespmem:s22+$0x0] =	vst v21;
	v16 =	vsel vm8, v17, v22;
	v22 =	vld [tilespmem:s19+$0x40]  }
0x336: {  	s4 =	simm.s32 $0x30;
	s28 =	simm.s32 $0x40;
	s29 =	simm.s32 $0x50;
	(xrf0) =	vadd.scan.msk.s32 $0xffff, v61;
	vm7 =	vmmov vm2;
	[tilespmem:s19+$0x30] =	vst v0;
	v13 =	vbroadcast v21, $0xF  }
0x337: {  	s5 =	simm.s32 $0x60;
	p1 =	por $0x1, $0x1;
	s11 =	simm.s32 $0x0;
	[tilespmem:s23+$0xFFFFFFC0] =	vst v0;
	v21, _, _ =	vpop (xrf0);
	(xrf0) =	vadd.scan.msk.s32 $0xffff, v63;
	v10 =	vbroadcast v15, $0xF;
	vm2 =	vmmov vm8  }
0x338: {  	s31 =	simm.s32 $0x0;
	s2 =	simm.s32 $0x1;
	p0 =	sgt.s32 s15, $0x0;
	[tilespmem:s24+$0xFFFFFFD0] =	vst v21;
	v17 =	vsel vm1, v8, v9;
	v8 =	vbroadcast v23, $0xF;
	v9 =	vbroadcast v18, $0xF  }
0x339: {  	s0 =	simm.s32 $0x20;
	s30 =	sadd.s32 $0x0, s14;
	s2 =	simm.s32 @!p0 $0x0;
	[tilespmem:s21+$0x0] =	vst v0;
	vm8 =	vmmov vm1;
	v18 =	vbroadcast v19, $0xF;
	v19 =	vbroadcast v20, $0xF;
	v20 =	vld [tilespmem:s21+$0x10]  }
0x33a: {  	p0 =	por !p1, !p0;
	s1 =	sor.u32 s2, s16;
	s2 =	simm.s32 $0x0;
	v23 =	vbroadcast v62, $0xF;
	v15 =	vsel vm0, v17, v13;
	v13 =	vbroadcast v21, $0xF;
	v21 =	vld [tilespmem:s23+$0xFFFFFFE0];
	(xrf0) =	vadd.scan.msk.s32 $0xffff, v22  }
.LBB2_11:
0x33b: {  	_ =	sdelay $0x1  }
0x33c: {  	[tilespmem:s25+$0xFFFFFF90] =	vst v0;
	v17, _, _ =	vpop (xrf0)  }
0x33d: {  	v12 =	vsel vm14, v12, v18;
	[tilespmem:s26+$0xFFFFFFA0] =	vst v17;
	v18, _, _ =	vpop (xrf0)  }
0x33e: {  	v12 =	vsel vm3, v12, v19;
	v19 =	vld [tilespmem:s25+$0xFFFFFFB0];
	[tilespmem:s18+$0x70] =	vst v18  }
0x33f: {  	[tilespmem:s17+$0x70] =	vst v0;
	s17 =	smov.u32 s19;
	s19 =	smov.u32 s21  }
0x340: {  	v18 =	vsel vm5, v12, v18;
	v12 =	vbroadcast v14, $0xF;
	s21 =	smov.u32 s23;
	s23 =	smov.u32 s25;
	s25 =	sadd.s32 $0x100, s25  }
0x341: {  	(xrf0) =	vadd.scan.msk.s32 $0xffff, v20;
	s18 =	smov.u32 s20;
	v14 =	vbroadcast v5, $0xF;
	v5 =	vmov v6;
	v20, _, _ =	vpop (xrf0);
	v6 =	vld [tilespmem:s25+$0xFFFFFF80]  }
0x342: {  	v12 =	vsel vm11, v16, v12;
	[tilespmem:s18+$0x40] =	vst v20;
	v16 =	vbroadcast v20, $0xF;
	v20 =	vld [tilespmem:$0x1FF20];
	_ =	sdelay $0x2  }
0x343: {  	(xrf0) =	vadd.scan.msk.s32 $0xffff, v21;
	_ =	sdelay $0x1  }
0x344: {  	(xrf0) =	vadd.scan.msk.s32 $0xffff, v18;
	vm0 =	vnez.u8 v20  }
0x345: {  	v14 =	vsel vm0, v14, v7  }
0x346: {  	[tilespmem:s17+$0x40] =	vst v0;
	v14 =	vsel vm15, v14, v8  }
0x347: {  	s20 =	smov.u32 s22;
	[tilespmem:s21+$0xFFFFFFD0] =	vst v0;
	(xrf0) =	vadd.scan.msk.s32 $0xffff, v19;
	v20 =	vld [tilespmem:s17+$0x50];
	v7 =	vmov v10;
	v10, _, _ =	vpop (xrf0);
	v9 =	vsel vm4, v14, v9  }
0x348: {  	s22 =	smov.u32 s24;
	[tilespmem:s20+$0x10] =	vst v10;
	v9 =	vsel vm12, v9, v11;
	v11, _, _ =	vpop (xrf0)  }
0x349: {  	[tilespmem:s22+$0xFFFFFFE0] =	vst v11  }
0x34a: {  	v12 =	vsel vm13, v12, v23;
	(xrf0) =	vadd.scan.msk.s32 $0xffff, v6;
	v6 =	vsel vm6, v9, v13;
	v9 =	vbroadcast v11, $0xF;
	v13, _, _ =	vpop (xrf0);
	v11 =	vld [tilespmem:s19+$0x20]  }
0x34b: {  	v12 =	vsel vm7, v12, v16;
	v10 =	vbroadcast v10, $0xF;
	v14 =	vld [tilespmem:s21+$0xFFFFFFF0];
	v16 =	vadd.s32 s30, v13  }
0x34c: {  	(xrf0) =	vadd.scan.msk.s32 $0xffff, v20;
	[tilespmem:s19+$0x10] =	vst v0;
	vm0 =	vge.s32 v16, v4  }
0x34d: {  	[tilespmem:s23+$0xFFFFFFA0] =	vst v0;
	v19 =	vsel vm10, v6, v9;
	v16 =	vsel vm2, v15, v10;
	v6, _, _ =	vpop (xrf0);
	v10 =	vsel vm0, $0x1, v0  }
0x34e: {  	[tilespmem:s26+$0xFFFFFFB0] =	vst v6;
	(xrf0) =	vadd.scan.msk.s32 $0xffff, v10  }
0x34f: {  	v10 =	vld [tilespmem:s23+$0xFFFFFFC0];
	(xrf0) =	vadd.scan.msk.s32 $0xffff, v11  }
0x350: {  	v9 =	vbroadcast v6, $0xF;
	v6, _, _ =	vpop (xrf0);
	(xrf0) =	vadd.scan.msk.s32 $0xffff, v14  }
0x351: {  	v17 =	vbroadcast v17, $0xF;
	s24 =	smov.u32 s26;
	s26 =	sadd.s32 $0x100, s26  }
0x352: {  	s8 =	spop (v2sf);
	[tilespmem:s26+$0xFFFFFF80] =	vst v6;
	v11, _, _ =	vpop (xrf0)  }
0x353: {  	s9 =	spop (v2sf);
	v8 =	vmov v17;
	v17 =	vsub.s32 v13, v18;
	(v2sf) =	vpush v13, $0xF;
	v13 =	vld [tilespmem:s25+$0xFFFFFF90];
	[tilespmem:s18+$0x50] =	vst v11  }
0x354: {  	[tilespmem:s17+$0x50] =	vst v0;
	(xrf0) =	vadd.scan.msk.s32 $0xffff, v10;
	v10, _, _ =	vpop (xrf0)  }
0x355: {  	v18 =	vbroadcast v11, $0xF;
	v11 =	vld [tilespmem:s17+$0x60];
	[tilespmem:s21+$0xFFFFFFE0] =	vst v0;
	v14, _, _ =	vpop (xrf0)  }
0x356: {  	vm1 =	veq.s32 v10, $0x1;
	(v2sf) =	vpush v10, $0xF;
	v10, _, _ =	vpop (xrf0);
	[tilespmem:s20+$0x20] =	vst v14  }
0x357: {  	[tilespmem:s22+$0xFFFFFFF0] =	vst v10  }
0x358: {  	(xrf0) =	vadd.scan.msk.s32 $0xffff, v13;
	v13 =	vld [tilespmem:s19+$0x30]  }
0x359: {  	vm0 =	vmand vm0, vm1;
	v20 =	vld [tilespmem:s21+$0x0]  }
0x35a: {  	v17 =	vnsel vm0, $0x0, v17;
	(xrf0) =	vadd.scan.msk.s32 $0xffff, v11;
	[tilespmem:s21+$0xFFFFFFF0] =	vst v0  }
0x35b: {  	v15 =	vnsel vm0, $0x0, v2;
	(xrf0) =	vadd.scan.msk.s32 $0xffff, v17;
	[tilespmem:s23+$0xFFFFFFB0] =	vst v0  }
0x35c: {  	[tilespmem:s19+$0x20] =	vst v0;
	v11, _, _ =	vpop (xrf0);
	(xrf0) =	vadd.scan.msk.s32 $0xffff, v15  }
0x35d: {  	[tilespmem:s24+$0xFFFFFFC0] =	vst v11;
	(xrf0) =	vadd.scan.msk.s32 $0xffff, v13  }
0x35e: {  	v15 =	vld [tilespmem:s23+$0xFFFFFFD0];
	v13, _, _ =	vpop (xrf0);
	(xrf0) =	vadd.scan.msk.s32 $0xffff, v20  }
0x35f: {  	v10 =	vbroadcast v10, $0xF  }
0x360: {  	[tilespmem:s25+$0xFFFFFF80] =	vst v0;
	v20, _, _ =	vpop (xrf0)  }
0x361: {  	v17 =	vsel vm8, v19, v10;
	v10 =	vbroadcast v13, $0xF;
	[tilespmem:s26+$0xFFFFFF90] =	vst v13;
	v13, _, _ =	vpop (xrf0)  }
0x362: {  	v19 =	vbroadcast v20, $0xF;
	v21 =	vld [tilespmem:s25+$0xFFFFFFA0];
	[tilespmem:s18+$0x60] =	vst v20;
	v20, _, _ =	vpop (xrf0)  }
0x363: {  	s14 =	spop (v2sf);
	(v2sf) =	vpush v13, $0xF;
	(xrf0) =	vadd.scan.msk.s32 $0xffff, v15;
	[tilespmem:s17+$0x60] =	vst v0;
	v15, _, _ =	vpop (xrf0)  }
0x364: {  	p1 =	sne.s32 s5, $0x70;
	s7 =	smov.u32 s5;
	s5 =	sadd.s32 $0x10, s5;
	v13 =	vld [tilespmem:s17+$0x70];
	(v2sf) =	vpush v20, $0xF;
	v20, _, _ =	vpop (xrf0);
	[tilespmem:s20+$0x30] =	vst v15  }
0x365: {  	p0 =	por !p0, !p0;
	p6 =	seq.s32 s1, $0x0;
	s8 =	sadd.s32 s11, s8;
	[tilespmem:s22+$0x0] =	vst v20  }
0x366: {  	s11 =	smov.u32 s30;
	s9 =	sadd.s32 s2, s9;
	s2 =	smov.u32 s6;
	v22 =	vld [tilespmem:s19+$0x40]  }
.Ltmp8:
0x367: {  	s6 =	smov.u32 s0;
	s0 =	smov.u32 s4;
	v23 =	vbroadcast v15, $0xF;
	v15 =	vbroadcast v20, $0xF;
	v20 =	vld [tilespmem:s21+$0x10];
	[tilespmem:s19+$0x30] =	vst v0;
	(pc) =	sbr.rel @p1 .LBB2_11-.Ltmp8, $4  }
0x368: {  	s4 =	smov.u32 s28;
	s28 =	smov.u32 s29;
	s15 =	spop (v2sf);
	(xrf0) =	vadd.scan.msk.s32 $0xffff, v21;
	[tilespmem:s23+$0xFFFFFFC0] =	vst v0  }
0x369: {  	s29 =	smov.u32 s7;
	s7 =	simm.s32 $0x1;
	p2 =	sgt.s32 s15, $0x0;
	(xrf0) =	vadd.scan.msk.s32 $0xffff, v13;
	v13, _, _ =	vpop (xrf0);
	[tilespmem:s21+$0x0] =	vst v0  }
0x36a: {  	s16 =	smov.u32 @p0 s8;
	s31 =	smov.u32 @p0 s9;
	s7 =	simm.s32 @!p2 $0x0;
	[tilespmem:s24+$0xFFFFFFD0] =	vst v13  }
0x36b: {  	v11 =	vbroadcast v11, $0xF;
	s30 =	sadd.s32 s30, s14;
	p0 =	por !p6, !p2;
	s1 =	sor.u32 s7, s1;
	v15 =	vsel vm9, v17, v15;
	v13 =	vbroadcast v13, $0xF;
	v21 =	vld [tilespmem:s23+$0xFFFFFFE0];
	(xrf0) =	vadd.scan.msk.s32 $0xffff, v22  }
0x36c: {  	v12 =	vsel vm14, v12, v18;
	_ =	sdelay $0x1  }
0x36d: {  	[tilespmem:s25+$0xFFFFFF90] =	vst v0;
	v17, _, _ =	vpop (xrf0)  }
0x36e: {  	v18 =	vsel vm3, v12, v19;
	(xrf0) =	vadd.scan.msk.s32 $0xffff, v20;
	[tilespmem:s26+$0xFFFFFFA0] =	vst v17;
	v12, _, _ =	vpop (xrf0)  }
0x36f: {  	v35 =	vld [tilespmem:s25+$0xFFFFFFB0];
	v22 =	vsel vm5, v18, v12;
	(xrf0) =	vadd.scan.msk.s32 $0xffff, v21  }
0x370: {  	v26, _, _ =	vpop (xrf0);
	(xrf0) =	vadd.scan.msk.s32 $0xffff, v22;
	_ =	sdelay $0x1  }
0x371: {  	[tilespmem:s20+$0x40] =	vst v26  }
0x372: {  	v36 =	vld [tilespmem:s19+$0x50]  }
0x373: {  	v25, _, _ =	vpop (xrf0);
	(xrf0) =	vadd.scan.msk.s32 $0xffff, v35  }
0x374: {  	[tilespmem:s22+$0x10] =	vst v25;
	v20, _, _ =	vpop (xrf0)  }
0x375: {  	v37 =	vld [tilespmem:s21+$0x20];
	v38, _, _ =	vpop (xrf0)  }
0x376: {  	v39 =	vadd.s32 s30, v38  }
0x377: {  	[tilespmem:s23+$0xFFFFFFD0] =	vst v0;
	(xrf0) =	vadd.scan.msk.s32 $0xffff, v36;
	vm0 =	vge.s32 v39, v4  }
0x378: {  	[tilespmem:s24+$0xFFFFFFE0] =	vst v20;
	v27 =	vsel vm0, $0x1, v0  }
0x379: {  	[tilespmem:s25+$0xFFFFFFA0] =	vst v0;
	v24 =	vld [tilespmem:s23+$0xFFFFFFF0];
	v18, _, _ =	vpop (xrf0);
	(xrf0) =	vadd.scan.msk.s32 $0xffff, v27  }
0x37a: {  	[tilespmem:s26+$0xFFFFFFB0] =	vst v18;
	(xrf0) =	vadd.scan.msk.s32 $0xffff, v37  }
0x37b: {  	v40 =	vld [tilespmem:s25+$0xFFFFFFC0];
	_ =	sdelay $0x1  }
0x37c: {  	[tilespmem:s19+$0x40] =	vst v0;
	v41, _, _ =	vpop (xrf0)  }
0x37d: {  	(xrf0) =	vadd.scan.msk.s32 $0xffff, v24;
	[tilespmem:s20+$0x50] =	vst v41  }
0x37e: {  	v42 =	vld [tilespmem:s19+$0x60];
	v28, _, _ =	vpop (xrf0)  }
0x37f: {  	[tilespmem:s21+$0x10] =	vst v0;
	(xrf0) =	vadd.scan.msk.s32 $0xffff, v40;
	v29, _, _ =	vpop (xrf0)  }
0x380: {  	vm1 =	veq.s32 v28, $0x1;
	[tilespmem:s22+$0x20] =	vst v29  }
0x381: {  	v43 =	vsub.s32 v38, v22;
	vm0 =	vmand vm0, vm1;
	v30 =	vld [tilespmem:s21+$0x30]  }
0x382: {  	v19 =	vnsel vm0, $0x0, v43  }
0x383: {  	[tilespmem:s23+$0xFFFFFFE0] =	vst v0;
	v22, _, _ =	vpop (xrf0);
	(xrf0) =	vadd.scan.msk.s32 $0xffff, v42  }
0x384: {  	[tilespmem:s25+$0xFFFFFFB0] =	vst v0;
	v44 =	vnsel vm0, $0x0, v2;
	(xrf0) =	vadd.scan.msk.s32 $0xffff, v19  }
0x385: {  	[tilespmem:s24+$0xFFFFFFF0] =	vst v22;
	(xrf0) =	vadd.scan.msk.s32 $0xffff, v44;
	v19, _, _ =	vpop (xrf0)  }
0x386: {  	v31 =	vld [tilespmem:s23+$0x0];
	[tilespmem:s26+$0xFFFFFFC0] =	vst v19;
	(xrf0) =	vadd.scan.msk.s32 $0xffff, v30  }
0x387: {  	v45 =	vld [tilespmem:s25+$0xFFFFFFD0];
	_ =	sdelay $0x1  }
0x388: {  	v46, _, _ =	vpop (xrf0)  }
0x389: {  	[tilespmem:s19+$0x50] =	vst v0;
	v47, _, _ =	vpop (xrf0)  }
0x38a: {  	[tilespmem:s21+$0x20] =	vst v0;
	(xrf0) =	vadd.scan.msk.s32 $0xffff, v31;
	v32, _, _ =	vpop (xrf0)  }
0x38b: {  	[tilespmem:s20+$0x60] =	vst v46;
	(xrf0) =	vadd.scan.msk.s32 $0xffff, v45;
	v33, _, _ =	vpop (xrf0)  }
0x38c: {  	v34 =	vld [tilespmem:s19+$0x70];
	[tilespmem:s22+$0x30] =	vst v33  }
0x38d: {  	v35 =	vld [tilespmem:s21+$0x40];
	_ =	sdelay $0x1  }
0x38e: {  	v14 =	vbroadcast v14, $0xF;
	(v2sf) =	vpush v38, $0xF;
	[tilespmem:s23+$0xFFFFFFF0] =	vst v0  }
0x38f: {  	[tilespmem:s25+$0xFFFFFFC0] =	vst v0;
	v24, _, _ =	vpop (xrf0)  }
0x390: {  	v14 =	vsel vm11, v16, v14;
	v49 =	vbroadcast v26, $0xF;
	[tilespmem:s24+$0x0] =	vst v24;
	(xrf0) =	vadd.scan.msk.s32 $0xffff, v34;
	v21, _, _ =	vpop (xrf0)  }
0x391: {  	v14 =	vsel vm13, v14, v23;
	v51 =	vbroadcast v41, $0xF;
	v48 =	vld [tilespmem:s23+$0x10];
	[tilespmem:s26+$0xFFFFFFD0] =	vst v21;
	(xrf0) =	vadd.scan.msk.s32 $0xffff, v35  }
0x392: {  	v14 =	vsel vm7, v14, v49;
	v50 =	vld [tilespmem:s25+$0xFFFFFFE0]  }
0x393: {  	v14 =	vsel vm14, v14, v51  }
0x394: {  	v52 =	vbroadcast v46, $0xF;
	_ =	sdelay $0x1  }
0x395: {  	[tilespmem:s19+$0x60] =	vst v0;
	v16 =	vsel vm3, v14, v52;
	v14, _, _ =	vpop (xrf0);
	(xrf0) =	vadd.scan.msk.s32 $0xffff, v48  }
0x396: {  	[tilespmem:s21+$0x30] =	vst v0;
	v53 =	vsel vm5, v16, v14;
	(xrf0) =	vadd.scan.msk.s32 $0xffff, v50;
	v54, _, _ =	vpop (xrf0)  }
0x397: {  	(xrf0) =	vadd.scan.msk.s32 $0xffff, v53;
	[tilespmem:s22+$0x40] =	vst v54  }
0x398: {  	s5 =	spop (v2sf);
	[tilespmem:s21+$0x40] =	vst v0  }
0x399: {  	s12 =	spop (v2sf);
	v55 =	vld [tilespmem:s21+$0x50];
	[dreg:$0xb] =	wrdreg s5  }
0x39a: {  	[dreg:$0xd] =	wrdreg s12  }
0x39b: {  	v26, _, _ =	vpop (xrf0);
	[tilespmem:s23+$0x0] =	vst v0  }
0x39c: {  	s13 =	spop (v2sf);
	[tilespmem:s24+$0x10] =	vst v26;
	v16, _, _ =	vpop (xrf0)  }
0x39d: {  	s7 =	sadd.s32 s30, s13;
	v56 =	vld [tilespmem:s23+$0x20];
	v57, _, _ =	vpop (xrf0)  }
0x39e: {  	v58 =	vadd.s32 s7, v57  }
0x39f: {  	[dreg:$0x11] =	wrdreg s7;
	(xrf0) =	vadd.scan.msk.s32 $0xffff, v55;
	vm0 =	vge.s32 v58, v4  }
0x3a0: {  	[tilespmem:s25+$0xFFFFFFD0] =	vst v0;
	v30 =	vsel vm0, $0x1, v0  }
0x3a1: {  	[tilespmem:s26+$0xFFFFFFE0] =	vst v16;
	(xrf0) =	vadd.scan.msk.s32 $0xffff, v30  }
0x3a2: {  	v36 =	vld [tilespmem:s25+$0xFFFFFFF0];
	(xrf0) =	vadd.scan.msk.s32 $0xffff, v56;
	_ =	sdelay $0x2  }
0x3a3: {  	v59, _, _ =	vpop (xrf0)  }
0x3a4: {  	[tilespmem:s22+$0x50] =	vst v59  }
0x3a5: {  	(xrf0) =	vadd.scan.msk.s32 $0xffff, v36;
	v60 =	vld [tilespmem:s21+$0x60];
	v36, _, _ =	vpop (xrf0)  }
0x3a6: {  	[tilespmem:s23+$0x10] =	vst v0;
	v37, _, _ =	vpop (xrf0)  }
0x3a7: {  	[tilespmem:s24+$0x20] =	vst v37  }
0x3a8: {  	vm1 =	veq.s32 v36, $0x1;
	v38 =	vld [tilespmem:s23+$0x30]  }
0x3a9: {  	v39 =	vsub.s32 v57, v53;
	vm0 =	vmand vm0, vm1  }
0x3aa: {  	v39 =	vnsel vm0, $0x0, v39;
	(xrf0) =	vadd.scan.msk.s32 $0xffff, v60  }
0x3ab: {  	v61 =	vnsel vm0, $0x0, v2;
	(xrf0) =	vadd.scan.msk.s32 $0xffff, v39  }
0x3ac: {  	[tilespmem:s25+$0xFFFFFFE0] =	vst v0;
	v23, _, _ =	vpop (xrf0);
	(xrf0) =	vadd.scan.msk.s32 $0xffff, v61  }
0x3ad: {  	[tilespmem:s26+$0xFFFFFFF0] =	vst v23;
	(xrf0) =	vadd.scan.msk.s32 $0xffff, v38  }
0x3ae: {  	v62 =	vld [tilespmem:s25+$0x0];
	_ =	sdelay $0x1  }
0x3af: {  	v63, _, _ =	vpop (xrf0)  }
0x3b0: {  	[tilespmem:s21+$0x50] =	vst v0;
	v39, _, _ =	vpop (xrf0)  }
0x3b1: {  	[tilespmem:s23+$0x20] =	vst v0;
	v34, _, _ =	vpop (xrf0)  }
0x3b2: {  	(v2sf) =	vpush v28, $0xF;
	(xrf0) =	vadd.scan.msk.s32 $0xffff, v62;
	[tilespmem:s22+$0x60] =	vst v63;
	v40, _, _ =	vpop (xrf0)  }
0x3b3: {  	(v2sf) =	vpush v47, $0xF;
	v43 =	vld [tilespmem:s21+$0x70];
	[tilespmem:s24+$0x30] =	vst v40  }
0x3b4: {  	v44 =	vld [tilespmem:s23+$0x40]  }
0x3b5: {  	(v2sf) =	vpush v32, $0xF;
	v45 =	vbroadcast v25, $0xF  }
0x3b6: {  	v29 =	vbroadcast v29, $0xF  }
0x3b7: {  	v46 =	vbroadcast v33, $0xF;
	v15 =	vsel vm2, v15, v45;
	(v2sf) =	vpush v57, $0xF  }
0x3b8: {  	v15 =	vsel vm11, v15, v29;
	v27 =	vbroadcast v54, $0xF;
	[tilespmem:s25+$0xFFFFFFF0] =	vst v0;
	v25, _, _ =	vpop (xrf0);
	(xrf0) =	vadd.scan.msk.s32 $0xffff, v43  }
0x3b9: {  	v15 =	vsel vm13, v15, v46;
	v48 =	vbroadcast v59, $0xF;
	[tilespmem:s26+$0x0] =	vst v25;
	(xrf0) =	vadd.scan.msk.s32 $0xffff, v44  }
0x3ba: {  	v15 =	vsel vm7, v15, v27;
	v47 =	vld [tilespmem:s25+$0x10]  }
0x3bb: {  	v15 =	vsel vm14, v15, v48  }
0x3bc: {  	v49 =	vbroadcast v63, $0xF;
	_ =	sdelay $0x1  }
0x3bd: {  	[tilespmem:s21+$0x60] =	vst v0;
	v27 =	vsel vm3, v15, v49;
	v15, _, _ =	vpop (xrf0)  }
0x3be: {  	[tilespmem:s23+$0x30] =	vst v0;
	(xrf0) =	vadd.scan.msk.s32 $0xffff, v47;
	v50, _, _ =	vpop (xrf0)  }
0x3bf: {  	v27 =	vsel vm5, v27, v15;
	[tilespmem:s24+$0x40] =	vst v50  }
0x3c0: {  	s14 =	spop (v2sf);
	(xrf0) =	vadd.scan.msk.s32 $0xffff, v27;
	[tilespmem:s23+$0x40] =	vst v0  }
0x3c1: {  	s15 =	spop (v2sf);
	[dreg:$0x15] =	wrdreg s14  }
0x3c2: {  	v51 =	vld [tilespmem:s23+$0x50];
	[dreg:$0xf] =	wrdreg s15  }
0x3c3: {  	s8 =	spop (v2sf);
	[tilespmem:s25+$0x0] =	vst v0  }
0x3c4: {  	v30, _, _ =	vpop (xrf0);
	[dreg:$0x13] =	wrdreg s8  }
0x3c5: {  	s9 =	spop (v2sf);
	[tilespmem:s26+$0x10] =	vst v30  }
0x3c6: {  	s7 =	sadd.s32 s7, s9;
	v53, _, _ =	vpop (xrf0);
	v52 =	vld [tilespmem:s25+$0x20]  }
0x3c7: {  	v54 =	vadd.s32 s7, v53  }
0x3c8: {  	vm0 =	vge.s32 v54, v4;
	(xrf0) =	vadd.scan.msk.s32 $0xffff, v51  }
0x3c9: {  	v29 =	vsel vm0, $0x1, v0  }
0x3ca: {  	(xrf0) =	vadd.scan.msk.s32 $0xffff, v29  }
0x3cb: {  	(xrf0) =	vadd.scan.msk.s32 $0xffff, v52;
	_ =	sdelay $0x2  }
0x3cc: {  	[dreg:$0x19] =	wrdreg s7;
	v55, _, _ =	vpop (xrf0)  }
0x3cd: {  	[tilespmem:s24+$0x50] =	vst v55  }
0x3ce: {  	v57, _, _ =	vpop (xrf0);
	v56 =	vld [tilespmem:s23+$0x60]  }
0x3cf: {  	[tilespmem:s25+$0x10] =	vst v0;
	v58, _, _ =	vpop (xrf0)  }
0x3d0: {  	[tilespmem:s26+$0x20] =	vst v58  }
0x3d1: {  	vm1 =	veq.s32 v57, $0x1;
	v59 =	vld [tilespmem:s25+$0x30]  }
0x3d2: {  	v27 =	vsub.s32 v53, v27;
	vm0 =	vmand vm0, vm1  }
0x3d3: {  	v27 =	vnsel vm0, $0x0, v27;
	(xrf0) =	vadd.scan.msk.s32 $0xffff, v56  }
0x3d4: {  	v60 =	vnsel vm0, $0x0, v2;
	(xrf0) =	vadd.scan.msk.s32 $0xffff, v27  }
0x3d5: {  	(xrf0) =	vadd.scan.msk.s32 $0xffff, v60  }
0x3d6: {  	(xrf0) =	vadd.scan.msk.s32 $0xffff, v59;
	_ =	sdelay $0x2  }
0x3d7: {  	[tilespmem:s23+$0x50] =	vst v0;
	v61, _, _ =	vpop (xrf0)  }
0x3d8: {  	[tilespmem:s25+$0x20] =	vst v0;
	v62, _, _ =	vpop (xrf0)  }
0x3d9: {  	[tilespmem:s24+$0x60] =	vst v61;
	v63, _, _ =	vpop (xrf0)  }
0x3da: {  	[tilespmem:s23+$0x60] =	vst v0;
	v41, _, _ =	vpop (xrf0)  }
0x3db: {  	[tilespmem:s26+$0x30] =	vst v41  }
0x3dc: {  	v44 =	vld [tilespmem:$0x1FF20];
	_ =	sdelay $0x3  }
0x3dd: {  	v5 =	vbroadcast v5, $0xF;
	v42 =	vld [tilespmem:s23+$0x70]  }
0x3de: {  	v43 =	vld [tilespmem:s25+$0x40];
	vm1 =	vnez.u8 v44  }
0x3df: {  	v5 =	vsel vm1, v5, v7  }
0x3e0: {  	v5 =	vsel vm15, v5, v8  }
0x3e1: {  	v5 =	vsel vm4, v5, v9  }
0x3e2: {  	(xrf0) =	vadd.scan.msk.s32 $0xffff, v42;
	v7 =	vbroadcast v20, $0xF;
	v5 =	vsel vm12, v5, v11  }
0x3e3: {  	(xrf0) =	vadd.scan.msk.s32 $0xffff, v43;
	v8 =	vbroadcast v22, $0xF;
	v5 =	vsel vm6, v5, v13  }
0x3e4: {  	v5 =	vsel vm10, v5, v7  }
0x3e5: {  	(v2sf) =	vpush v36, $0xF;
	v7 =	vbroadcast v24, $0xF;
	v5 =	vsel vm8, v5, v8  }
0x3e6: {  	(v2sf) =	vpush v39, $0xF;
	v8 =	vbroadcast v26, $0xF  }
0x3e7: {  	(v2sf) =	vpush v34, $0xF;
	v9 =	vbroadcast v37, $0xF;
	v7 =	vsel vm9, v5, v7  }
0x3e8: {  	(v2sf) =	vpush v53, $0xF;
	v7 =	vsel vm2, v7, v8;
	v8 =	vbroadcast v40, $0xF;
	v5, _, _ =	vpop (xrf0)  }
0x3e9: {  	[tilespmem:s25+$0x30] =	vst v0;
	v7 =	vsel vm11, v7, v9;
	v9 =	vbroadcast v50, $0xF;
	v11, _, _ =	vpop (xrf0)  }
0x3ea: {  	v7 =	vsel vm13, v7, v8;
	v8 =	vbroadcast v55, $0xF;
	[tilespmem:s26+$0x40] =	vst v11  }
0x3eb: {  	v7 =	vsel vm7, v7, v9;
	v9 =	vbroadcast v61, $0xF;
	v48 =	vld [tilespmem:s25+$0x50]  }
0x3ec: {  	v7 =	vsel vm14, v7, v8  }
0x3ed: {  	v7 =	vsel vm3, v7, v9  }
0x3ee: {  	v7 =	vsel vm5, v7, v5  }
0x3ef: {  	(xrf0) =	vadd.scan.msk.s32 $0xffff, v7  }
0x3f0: {  	(xrf0) =	vadd.scan.msk.s32 $0xffff, v48;
	_ =	sdelay $0x3  }
0x3f1: {  	s14 =	spop (v2sf)  }
0x3f2: {  	s12 =	spop (v2sf);
	[tilespmem:s25+$0x40] =	vst v0;
	v8, _, _ =	vpop (xrf0)  }
0x3f3: {  	s15 =	spop (v2sf);
	[dreg:$0x17] =	wrdreg s12;
	v9, _, _ =	vpop (xrf0)  }
0x3f4: {  	s13 =	spop (v2sf);
	[tilespmem:s26+$0x50] =	vst v9  }
0x3f5: {  	s12 =	sadd.s32 s7, s13;
	v49 =	vld [tilespmem:s25+$0x60]  }
0x3f6: {  	v50 =	vadd.s32 s12, v8  }
0x3f7: {  	vm0 =	vge.s32 v50, v4  }
0x3f8: {  	v20 =	vsel vm0, $0x1, v0  }
0x3f9: {  	(xrf0) =	vadd.scan.msk.s32 $0xffff, v20  }
0x3fa: {  	v6 =	vbroadcast v6, $0xF;
	(xrf0) =	vadd.scan.msk.s32 $0xffff, v49;
	_ =	sdelay $0x1  }
0x3fb: {  	v6 =	vsel vm1, v6, v10;
	v10 =	vbroadcast v18, $0xF  }
0x3fc: {  	v51 =	vbroadcast v17, $0xF;
	_ =	sdelay $0x1  }
0x3fd: {  	v16 =	vbroadcast v16, $0xF;
	v52 =	vbroadcast v19, $0xF;
	v6 =	vsel vm15, v6, v51;
	v53, _, _ =	vpop (xrf0)  }
0x3fe: {  	v54 =	vbroadcast v21, $0xF;
	(v2sf) =	vpush v57, $0xF;
	v6 =	vsel vm4, v6, v10;
	[tilespmem:s25+$0x50] =	vst v0;
	v10, _, _ =	vpop (xrf0)  }
0x3ff: {  	v57 =	vbroadcast v25, $0xF;
	v56 =	vbroadcast v23, $0xF;
	v6 =	vsel vm12, v6, v52;
	[tilespmem:s26+$0x60] =	vst v10  }
0x400: {  	(v2sf) =	vpush v62, $0xF;
	v6 =	vsel vm6, v6, v54;
	vm1 =	veq.s32 v53, $0x1;
	v55 =	vld [tilespmem:s25+$0x70]  }
0x401: {  	v6 =	vsel vm10, v6, v16;
	v7 =	vsub.s32 v8, v7;
	vm0 =	vmand vm0, vm1  }
0x402: {  	(v2sf) =	vpush v63, $0xF;
	v6 =	vsel vm8, v6, v56;
	v7 =	vnsel vm0, $0x0, v7  }
0x403: {  	(v2sf) =	vpush v8, $0xF;
	v8 =	vnsel vm0, $0x0, v2;
	(xrf0) =	vadd.scan.msk.s32 $0xffff, v7;
	v7 =	vbroadcast v30, $0xF  }
0x404: {  	v6 =	vsel vm9, v6, v57;
	(xrf0) =	vadd.scan.msk.s32 $0xffff, v8;
	v8 =	vbroadcast v58, $0xF  }
0x405: {  	v6 =	vsel vm2, v6, v7;
	v7 =	vbroadcast v41, $0xF;
	(xrf0) =	vadd.scan.msk.s32 $0xffff, v55  }
0x406: {  	v6 =	vsel vm11, v6, v8  }
0x407: {  	v8 =	vbroadcast v11, $0xF;
	v6 =	vsel vm13, v6, v7;
	v7 =	vbroadcast v9, $0xF;
	_ =	sdelay $0x1  }
0x408: {  	v6 =	vsel vm7, v6, v8;
	v8 =	vbroadcast v10, $0xF;
	v9, _, _ =	vpop (xrf0)  }
0x409: {  	v6 =	vsel vm14, v6, v7;
	v10, _, _ =	vpop (xrf0)  }
0x40a: {  	v6 =	vsel vm3, v6, v8;
	v7, _, _ =	vpop (xrf0)  }
0x40b: {  	v6 =	vsel vm5, v6, v7  }
0x40c: {  	(xrf0) =	vadd.scan.msk.s32 $0xffff, v6;
	_ =	sdelay $0x1  }
0x40d: {  	s7 =	spop (v2sf)  }
0x40e: {  	s13 =	spop (v2sf)  }
0x40f: {  	s9 =	spop (v2sf)  }
0x410: {  	s8 =	spop (v2sf)  }
0x411: {  	s8 =	sadd.s32 s12, s8;
	v8, _, _ =	vpop (xrf0)  }
0x412: {  	v11 =	vadd.s32 s8, v8  }
0x413: {  	vm0 =	vge.s32 v11, v4  }
0x414: {  	v11 =	vsel vm0, $0x1, v0  }
0x415: {  	(xrf0) =	vadd.scan.msk.s32 $0xffff, v11;
	_ =	sdelay $0x5  }
0x416: {  	v11, _, _ =	vpop (xrf0)  }
0x417: {  	vm1 =	veq.s32 v11, $0x1  }
0x418: {  	v6 =	vsub.s32 v8, v6;
	vm0 =	vmand vm0, vm1  }
0x419: {  	v6 =	vnsel vm0, $0x0, v6  }
0x41a: {  	(v2sf) =	vpush v53, $0xF;
	v58 =	vnsel vm0, $0x0, v2;
	(xrf0) =	vadd.scan.msk.s32 $0xffff, v6  }
0x41b: {  	(xrf0) =	vadd.scan.msk.s32 $0xffff, v58  }
0x41c: {  	[tilespmem:s25+$0x60] =	vst v0  }
0x41d: {  	s5 =	rddreg [dreg:$0xd];
	(v2sf) =	vpush v9, $0xF  }
0x41e: {  	p0 =	por !p0, !p0;
	s5 =	sadd.s32 s2, s5;
	s2 =	rddreg [dreg:$0x15];
	(v2sf) =	vpush v10, $0xF  }
0x41f: {  	s31 =	smov.u32 @p0 s5;
	s5 =	rddreg [dreg:$0x13];
	[tilespmem:s18+$0x70] =	vst v12;
	(v2sf) =	vpush v8, $0xF  }
0x420: {  	[tilespmem:s20+$0x70] =	vst v14;
	(v2sf) =	vpush v11, $0xF;
	v6, _, _ =	vpop (xrf0)  }
0x421: {  	[tilespmem:s22+$0x70] =	vst v15;
	v8, _, _ =	vpop (xrf0);
	(v2sf) =	vpush v6, $0xF  }
0x422: {  	p2 =	seq.s32 s1, $0x0;
	p1 =	sgt.s32 s2, $0x0;
	s2 =	simm.s32 $0x1;
	[tilespmem:s24+$0x70] =	vst v5;
	(v2sf) =	vpush v8, $0xF  }
0x423: {  	s2 =	simm.s32 @!p1 $0x0;
	p1 =	por !p2, !p1;
	p2 =	sgt.s32 s14, $0x0;
	[tilespmem:s17+$0x70] =	vst v0  }
0x424: {  	[tilespmem:s19+$0x70] =	vst v0;
	s1 =	sor.u32 s2, s1;
	s2 =	sadd.s32 s6, s5;
	p1 =	por !p1, !p1  }
0x425: {  	[tilespmem:s21+$0x70] =	vst v0;
	p3 =	seq.s32 s1, $0x0;
	s31 =	smov.u32 @p1 s2;
	s2 =	simm.s32 $0x1  }
0x426: {  	s0 =	sadd.s32 s0, s15;
	[tilespmem:s23+$0x70] =	vst v0;
	p3 =	por !p3, !p2;
	s2 =	simm.s32 @!p2 $0x0  }
0x427: {  	s23 =	rddreg [dreg:$0xb];
	p2 =	por !p3, !p3;
	s1 =	sor.u32 s2, s1  }
0x428: {  	p3 =	sgt.s32 s7, $0x0;
	s2 =	simm.s32 $0x1;
	s31 =	smov.u32 @p2 s0  }
0x429: {  	s7 =	spop (v2sf);
	p4 =	seq.s32 s1, $0x0;
	s2 =	simm.s32 @!p3 $0x0  }
0x42a: {  	s0 =	simm.s32 $0x1;
	s1 =	sor.u32 s2, s1;
	s2 =	sadd.s32 s4, s9  }
0x42b: {  	p5 =	sgt.s32 s7, $0x0;
	p3 =	por !p4, !p3;
	p6 =	seq.s32 s1, $0x0  }
0x42c: {  	s0 =	simm.s32 @!p5 $0x0;
	p3 =	por !p3, !p3;
	s14 =	spop (v2sf)  }
0x42d: {  	s0 =	sor.u32 s0, s1;
	p5 =	por !p6, !p5;
	s15 =	spop (v2sf)  }
0x42e: {  	s31 =	smov.u32 @p3 s2;
	s2 =	sadd.s32 s11, s23;
	[tilespmem:s26+$0x70] =	vst v7;
	s18 =	spop (v2sf)  }
0x42f: {  	p6 =	seq.s32 s0, $0x0;
	s24 =	rddreg [dreg:$0xf];
	s20 =	spop (v2sf)  }
0x430: {  	s1 =	sadd.s32 s28, s15;
	p4 =	sgt.s32 s20, $0x0;
	s21 =	spop (v2sf)  }
0x431: {  	p6 =	por !p6, !p4;
	p4 =	por !p5, !p5;
	s22 =	spop (v2sf)  }
0x432: {  	[tilespmem:s25+$0x70] =	vst v0;
	s31 =	smov.u32 @p4 s1;
	p5 =	por !p6, !p6;
	s1 =	sadd.s32 s29, s22  }
0x433: {  	s16 =	smov.u32 @p0 s2;
	s26 =	rddreg [dreg:$0x11];
	s31 =	smov.u32 @p5 s1  }
0x434: {  	s28 =	rddreg [dreg:$0x17];
	s1 =	sadd.s32 s30, s24;
	s25 =	sshll.u32 s31, $0x4  }
0x435: {  	s29 =	rddreg [dreg:$0x19];
	s16 =	smov.u32 @p1 s1;
	s1 =	sadd.s32 s26, s28;
	v5 =	vld [tilespmem:s25+$0x4800]  }
0x436: {  	s16 =	smov.u32 @p2 s1;
	s1 =	sadd.s32 s29, s13  }
0x437: {  	s16 =	smov.u32 @p3 s1;
	s1 =	sadd.s32 s12, s14  }
0x438: {  	s0 =	sadd.s32 s8, s21;
	s16 =	smov.u32 @p4 s1  }
0x439: {  	s16 =	smov.u32 @p5 s0  }
0x43a: {  	v6 =	vadd.s32 s16, v5  }
0x43b: {  	vm0 =	vge.s32 v6, v4  }
0x43c: {  	v4 =	vsel vm0, $0x1, v0  }
0x43d: {  	(xrf0) =	vadd.scan.msk.s32 $0xffff, v4;
	_ =	sdelay $0x5  }
0x43e: {  	v4, _, _ =	vpop (xrf0)  }
0x43f: {  	vm1 =	veq.s32 v4, $0x1  }
0x440: {  	vm0 =	vmand vm0, vm1  }
0x441: {  	v4 =	vnsel vm0, $0x0, v2  }
0x442: {  	(xrf0) =	vadd.scan.msk.s32 $0xffff, v4;
	_ =	sdelay $0x5  }
0x443: {  	v4, _, _ =	vpop (xrf0)  }
0x444: {  	(v2sf) =	vpush v4, $0xF;
	_ =	sdelay $0xb  }
0x445: {  	s30 =	simm.s32 $0x2040  }
0x446: {  	v6 =	vld [tilespmem:s30+$0x30]  }
0x447: {  	v7 =	vld [tilespmem:s30+$0xFFFFFFD0]  }
0x448: {  	v8 =	vld [tilespmem:s30+$0xFFFFFFE0];
	s31 =	rddreg [dreg:$0x8];
	s0 =	spop (v2sf)  }
0x449: {  	v9 =	vld [tilespmem:s30+$0xFFFFFFF0];
	s4 =	sshll.u32 s31, $0xB;
	s2 =	sadd.s32 s25, s0  }
0x44a: {  	s17 =	sor.u32 s4, s2  }
0x44b: {  	v10 =	vshrl.u32 v6, $0xA;
	v4 =	vmov s17  }
0x44c: {  	v11 =	vld [tilespmem:s30+$0x0];
	v59 =	vshrl.u32 v7, $0xA;
	vm0 =	veq.s32 v10, v4  }
0x44d: {  	v60 =	vshrl.u32 v8, $0xA;
	v6 =	vand.u32 $0x3FF, v6;
	v10 =	vld [tilespmem:s30+$0x10];
	vm1 =	veq.s32 v59, v4  }
0x44e: {  	v61 =	vld [tilespmem:s30+$0x20];
	v7 =	vand.u32 $0x3FF, v7;
	v62 =	vshrl.u32 v9, $0xA;
	vm2 =	veq.s32 v60, v4  }
0x44f: {  	v14 =	vld [tilespmem:s30+$0xFFFFFFC0];
	v8 =	vand.u32 $0x3FF, v8;
	vm3 =	veq.s32 v62, v4  }
0x450: {  	v63 =	vand.u32 $0x3FF, v9  }
0x451: {  	v9 =	vshrl.u32 v11, $0xA  }
0x452: {  	[tilespmem:v6+s10+$0x0] =	vst.idx.add.s32.msk vm0, v1;
	vm0 =	veq.s32 v9, v4;
	v9 =	vshrl.u32 v10, $0xA  }
0x453: {  	v6 =	vand.u32 $0x3FF, v11;
	[tilespmem:v7+s10+$0x0] =	vst.idx.add.s32.msk vm1, v1;
	v7 =	vand.u32 $0x3FF, v10;
	v10 =	vshrl.u32 v61, $0xA  }
0x454: {  	v11 =	vshrl.u32 v14, $0xA;
	[tilespmem:v8+s10+$0x0] =	vst.idx.add.s32.msk vm2, v1;
	v8 =	vand.u32 $0x3FF, v61;
	vm1 =	veq.s32 v9, v4  }
0x455: {  	s1 =	simm.s32 $0x0;
	s2 =	simm.s32 $0x20C0;
	[tilespmem:v63+s10+$0x0] =	vst.idx.add.s32.msk vm3, v1;
	v9 =	vand.u32 $0x3FF, v14;
	vm2 =	veq.s32 v10, v4;
	vm3 =	veq.s32 v11, v4  }
.LBB2_13:
0x456: {  	v10 =	vld [tilespmem:s2+$0x30];
	s1 =	sadd.s32 $0x8, s1  }
0x457: {  	v11 =	vld [tilespmem:s2+$0xFFFFFFD0];
	p0 =	slt.u32 s1, $0x1F8  }
0x458: {  	v12 =	vld [tilespmem:s2+$0xFFFFFFE0]  }
0x459: {  	v13 =	vld [tilespmem:s2+$0xFFFFFFF0]  }
0x45a: {  	v14 =	vld [tilespmem:s2+$0x0]  }
0x45b: {  	v15 =	vld [tilespmem:s2+$0x10];
	v16 =	vshrl.u32 v10, $0xA  }
0x45c: {  	v17 =	vshrl.u32 v11, $0xA;
	v11 =	vand.u32 $0x3FF, v11;
	v18 =	vld [tilespmem:s2+$0x20];
	vm4 =	veq.s32 v16, v4  }
0x45d: {  	v10 =	vand.u32 $0x3FF, v10;
	v16 =	vld [tilespmem:s2+$0xFFFFFFC0];
	vm5 =	veq.s32 v17, v4;
	v17 =	vshrl.u32 v12, $0xA  }
0x45e: {  	v12 =	vand.u32 $0x3FF, v12;
	vm6 =	veq.s32 v17, v4;
	v17 =	vshrl.u32 v13, $0xA;
	[tilespmem:v9+s10+$0x0] =	vst.idx.add.s32.msk vm3, v1  }
0x45f: {  	v13 =	vand.u32 $0x3FF, v13;
	vm15 =	veq.s32 v17, v4;
	v9 =	vshrl.u32 v14, $0xA;
	[tilespmem:v6+s10+$0x0] =	vst.idx.add.s32.msk vm0, v1  }
0x460: {  	v6 =	vand.u32 $0x3FF, v14;
	vm0 =	veq.s32 v9, v4;
	v9 =	vshrl.u32 v15, $0xA;
	[tilespmem:v7+s10+$0x0] =	vst.idx.add.s32.msk vm1, v1  }
.Ltmp9:
0x461: {  	v7 =	vand.u32 $0x3FF, v15;
	vm1 =	veq.s32 v9, v4;
	v14 =	vshrl.u32 v18, $0xA;
	[tilespmem:v8+s10+$0x0] =	vst.idx.add.s32.msk vm2, v1;
	(pc) =	sbr.rel @p0 .LBB2_13-.Ltmp9, $4  }
0x462: {  	v8 =	vshrl.u32 v16, $0xA;
	v9 =	vand.u32 $0x3FF, v16;
	vm2 =	veq.s32 v14, v4;
	[tilespmem:v10+s10+$0x0] =	vst.idx.add.s32.msk vm4, v1  }
0x463: {  	vm3 =	veq.s32 v8, v4;
	[tilespmem:v11+s10+$0x0] =	vst.idx.add.s32.msk vm5, v1;
	v8 =	vand.u32 $0x3FF, v18  }
0x464: {  	[tilespmem:v12+s10+$0x0] =	vst.idx.add.s32.msk vm6, v1  }
0x465: {  	s2 =	sadd.s32 $0x80, s2;
	[tilespmem:v13+s10+$0x0] =	vst.idx.add.s32.msk vm15, v1  }
0x466: {  	_ =	sdelay $0x4  }
0x467: {  	[tilespmem:v9+s10+$0x0] =	vst.idx.add.s32.msk vm3, v1  }
0x468: {  	[tilespmem:v6+s10+$0x0] =	vst.idx.add.s32.msk vm0, v1  }
0x469: {  	[tilespmem:v7+s10+$0x0] =	vst.idx.add.s32.msk vm1, v1  }
0x46a: {  	[tilespmem:v8+s10+$0x0] =	vst.idx.add.s32.msk vm2, v1;
	s5 =	simm.s32 $0x4080  }
0x46b: {  	s0 =	sadd.s32 $0xFFFFFFFF, s0;
	v4 =	vld [tilespmem:s5+$0xFFFFFF80]  }
0x46c: {  	v6 =	vmov s0  }
0x46d: {  	vm0 =	veq.s32 v6, v2  }
0x46e: {  	v5 =	vnsel vm0, $0x0, v5  }
0x46f: {  	(xrf0) =	vadd.scan.msk.s32 $0xffff, v5  }
0x470: {  	(xrf0) =	vadd.scan.msk.s32 $0xffff, v4;
	_ =	sdelay $0x4  }
0x471: {  	v5, _, _ =	vpop (xrf0)  }
0x472: {  	s7 =	simm.s32 $0x4880;
	v6, _, _ =	vpop (xrf0)  }
0x473: {  	[tilespmem:s7+$0xFFFFFF80] =	vst v6  }
0x474: {  	v4 =	vld [tilespmem:s5+$0xFFFFFF90];
	_ =	sdelay $0x4  }
0x475: {  	(xrf0) =	vadd.scan.msk.s32 $0xffff, v4;
	_ =	sdelay $0x5  }
0x476: {  	[tilespmem:s5+$0xFFFFFF80] =	vst v0;
	v7, _, _ =	vpop (xrf0)  }
0x477: {  	[tilespmem:s7+$0xFFFFFF90] =	vst v7  }
0x478: {  	v4 =	vld [tilespmem:s5+$0xFFFFFFA0];
	_ =	sdelay $0x4  }
0x479: {  	(xrf0) =	vadd.scan.msk.s32 $0xffff, v4;
	_ =	sdelay $0x5  }
0x47a: {  	[tilespmem:s5+$0xFFFFFF90] =	vst v0;
	v8, _, _ =	vpop (xrf0)  }
0x47b: {  	[tilespmem:s7+$0xFFFFFFA0] =	vst v8  }
0x47c: {  	v4 =	vld [tilespmem:s5+$0xFFFFFFB0];
	_ =	sdelay $0x4  }
0x47d: {  	(xrf0) =	vadd.scan.msk.s32 $0xffff, v4;
	_ =	sdelay $0x5  }
0x47e: {  	[tilespmem:s5+$0xFFFFFFA0] =	vst v0;
	v9, _, _ =	vpop (xrf0)  }
0x47f: {  	[tilespmem:s7+$0xFFFFFFB0] =	vst v9  }
0x480: {  	v4 =	vld [tilespmem:s5+$0xFFFFFFC0];
	_ =	sdelay $0x4  }
0x481: {  	(xrf0) =	vadd.scan.msk.s32 $0xffff, v4;
	_ =	sdelay $0x5  }
0x482: {  	[tilespmem:s5+$0xFFFFFFB0] =	vst v0;
	v10, _, _ =	vpop (xrf0)  }
0x483: {  	[tilespmem:s7+$0xFFFFFFC0] =	vst v10  }
0x484: {  	v4 =	vld [tilespmem:s5+$0xFFFFFFD0];
	_ =	sdelay $0x4  }
0x485: {  	(xrf0) =	vadd.scan.msk.s32 $0xffff, v4;
	_ =	sdelay $0x5  }
0x486: {  	[tilespmem:s5+$0xFFFFFFC0] =	vst v0;
	v11, _, _ =	vpop (xrf0)  }
0x487: {  	[tilespmem:s7+$0xFFFFFFD0] =	vst v11  }
0x488: {  	v4 =	vld [tilespmem:s5+$0xFFFFFFE0];
	_ =	sdelay $0x4  }
0x489: {  	(xrf0) =	vadd.scan.msk.s32 $0xffff, v4;
	_ =	sdelay $0x5  }
0x48a: {  	[tilespmem:s5+$0xFFFFFFD0] =	vst v0;
	v12, _, _ =	vpop (xrf0)  }
0x48b: {  	[tilespmem:s7+$0xFFFFFFE0] =	vst v12  }
0x48c: {  	v4 =	vld [tilespmem:s5+$0xFFFFFFF0];
	_ =	sdelay $0x4  }
0x48d: {  	(xrf0) =	vadd.scan.msk.s32 $0xffff, v4;
	_ =	sdelay $0x5  }
0x48e: {  	[tilespmem:s5+$0xFFFFFFE0] =	vst v0;
	v13, _, _ =	vpop (xrf0)  }
0x48f: {  	[tilespmem:s7+$0xFFFFFFF0] =	vst v13  }
0x490: {  	v4 =	vld [tilespmem:s5+$0x0];
	_ =	sdelay $0x4  }
0x491: {  	(xrf0) =	vadd.scan.msk.s32 $0xffff, v4;
	_ =	sdelay $0x5  }
0x492: {  	[tilespmem:s5+$0xFFFFFFF0] =	vst v0;
	v14, _, _ =	vpop (xrf0)  }
0x493: {  	[tilespmem:s7+$0x0] =	vst v14  }
0x494: {  	v4 =	vld [tilespmem:s5+$0x10];
	_ =	sdelay $0x3  }
0x495: {  	s0 =	simm.s32 $0x4180  }
0x496: {  	(xrf0) =	vadd.scan.msk.s32 $0xffff, v4;
	v4 =	vld [tilespmem:s0+$0xFFFFFF80];
	_ =	sdelay $0x4  }
0x497: {  	(xrf0) =	vadd.scan.msk.s32 $0xffff, v4  }
0x498: {  	[tilespmem:s5+$0x0] =	vst v0;
	v15, _, _ =	vpop (xrf0)  }
0x499: {  	[tilespmem:s7+$0x10] =	vst v15  }
0x49a: {  	v16 =	vld [tilespmem:s5+$0x20];
	_ =	sdelay $0x2  }
0x49b: {  	s1 =	simm.s32 $0x4980;
	v4, _, _ =	vpop (xrf0)  }
0x49c: {  	[tilespmem:s1+$0xFFFFFF80] =	vst v4  }
0x49d: {  	(xrf0) =	vadd.scan.msk.s32 $0xffff, v16;
	v17 =	vld [tilespmem:s0+$0xFFFFFF90];
	_ =	sdelay $0x4  }
0x49e: {  	(xrf0) =	vadd.scan.msk.s32 $0xffff, v17  }
0x49f: {  	[tilespmem:s5+$0x10] =	vst v0;
	v16, _, _ =	vpop (xrf0)  }
0x4a0: {  	[tilespmem:s7+$0x20] =	vst v16  }
0x4a1: {  	v18 =	vld [tilespmem:s5+$0x30];
	_ =	sdelay $0x2  }
0x4a2: {  	[tilespmem:s0+$0xFFFFFF80] =	vst v0;
	v17, _, _ =	vpop (xrf0)  }
0x4a3: {  	[tilespmem:s1+$0xFFFFFF90] =	vst v17  }
0x4a4: {  	(xrf0) =	vadd.scan.msk.s32 $0xffff, v18;
	v19 =	vld [tilespmem:s0+$0xFFFFFFA0];
	_ =	sdelay $0x4  }
0x4a5: {  	(xrf0) =	vadd.scan.msk.s32 $0xffff, v19  }
0x4a6: {  	[tilespmem:s5+$0x20] =	vst v0;
	v18, _, _ =	vpop (xrf0)  }
0x4a7: {  	[tilespmem:s7+$0x30] =	vst v18  }
0x4a8: {  	v20 =	vld [tilespmem:s5+$0x40];
	_ =	sdelay $0x2  }
0x4a9: {  	[tilespmem:s0+$0xFFFFFF90] =	vst v0;
	v19, _, _ =	vpop (xrf0)  }
0x4aa: {  	[tilespmem:s1+$0xFFFFFFA0] =	vst v19  }
0x4ab: {  	(xrf0) =	vadd.scan.msk.s32 $0xffff, v20;
	v21 =	vld [tilespmem:s0+$0xFFFFFFB0];
	_ =	sdelay $0x4  }
0x4ac: {  	(xrf0) =	vadd.scan.msk.s32 $0xffff, v21  }
0x4ad: {  	[tilespmem:s5+$0x30] =	vst v0;
	v20, _, _ =	vpop (xrf0)  }
0x4ae: {  	[tilespmem:s7+$0x40] =	vst v20  }
0x4af: {  	v22 =	vld [tilespmem:s5+$0x50];
	_ =	sdelay $0x2  }
0x4b0: {  	[tilespmem:s0+$0xFFFFFFA0] =	vst v0;
	v21, _, _ =	vpop (xrf0)  }
0x4b1: {  	[tilespmem:s1+$0xFFFFFFB0] =	vst v21  }
0x4b2: {  	(xrf0) =	vadd.scan.msk.s32 $0xffff, v22;
	v23 =	vld [tilespmem:s0+$0xFFFFFFC0];
	_ =	sdelay $0x4  }
0x4b3: {  	(xrf0) =	vadd.scan.msk.s32 $0xffff, v23  }
0x4b4: {  	[tilespmem:s5+$0x40] =	vst v0;
	v22, _, _ =	vpop (xrf0)  }
0x4b5: {  	[tilespmem:s7+$0x50] =	vst v22  }
0x4b6: {  	v24 =	vld [tilespmem:s5+$0x60];
	_ =	sdelay $0x1  }
0x4b7: {  	[tilespmem:s0+$0xFFFFFFB0] =	vst v0  }
0x4b8: {  	[tilespmem:s5+$0x50] =	vst v0;
	v23, _, _ =	vpop (xrf0)  }
0x4b9: {  	[tilespmem:s1+$0xFFFFFFC0] =	vst v23  }
0x4ba: {  	(xrf0) =	vadd.scan.msk.s32 $0xffff, v24;
	v62 =	vld [tilespmem:$0x1FF20];
	_ =	sdelay $0x1  }
0x4bb: {  	v7 =	vbroadcast v7, $0xF;
	v25 =	vld [tilespmem:$0x1FF30];
	_ =	sdelay $0x1  }
0x4bc: {  	v6 =	vbroadcast v6, $0xF  }
0x4bd: {  	vm0 =	vnez.u8 v62  }
0x4be: {  	v8 =	vbroadcast v8, $0xF;
	v6 =	vsel vm0, v6, v7;
	v7, _, _ =	vpop (xrf0)  }
0x4bf: {  	vm2 =	vnez.u8 v25;
	[tilespmem:s7+$0x60] =	vst v7  }
0x4c0: {  	v6 =	vsel vm2, v6, v8;
	v8 =	vbroadcast v11, $0xF;
	v11 =	vld [tilespmem:$0x1FF40];
	_ =	sdelay $0x4  }
0x4c1: {  	vm3 =	vnez.u8 v11;
	v11 =	vbroadcast v12, $0xF;
	v12 =	vld [tilespmem:$0x1FF50];
	_ =	sdelay $0x2  }
0x4c2: {  	v9 =	vbroadcast v9, $0xF  }
0x4c3: {  	v10 =	vbroadcast v10, $0xF  }
0x4c4: {  	v6 =	vsel vm3, v6, v9;
	vm4 =	vnez.u8 v12  }
0x4c5: {  	v6 =	vsel vm4, v6, v10;
	v10 =	vld [tilespmem:$0x1FF60];
	_ =	sdelay $0x4  }
0x4c6: {  	vm5 =	vnez.u8 v10;
	v10 =	vld [tilespmem:$0x1FF70];
	_ =	sdelay $0x4  }
0x4c7: {  	v63 =	vld [tilespmem:s0+$0xFFFFFFD0];
	v6 =	vsel vm5, v6, v8;
	vm6 =	vnez.u8 v10  }
0x4c8: {  	v6 =	vsel vm6, v6, v11;
	v11 =	vld [tilespmem:$0x1FF80]  }
0x4c9: {  	v9 =	vld [tilespmem:s5+$0x70];
	_ =	sdelay $0x3  }
0x4ca: {  	(xrf0) =	vadd.scan.msk.s32 $0xffff, v63;
	vm15 =	vnez.u8 v11;
	v11 =	vld [tilespmem:$0x1FF90]  }
0x4cb: {  	(xrf0) =	vadd.scan.msk.s32 $0xffff, v9;
	v9 =	vld [tilespmem:$0x1FF10];
	_ =	sdelay $0x1  }
0x4cc: {  	(v2sf) =	vpush v5, $0xF;
	v5 =	vbroadcast v13, $0xF  }
0x4cd: {  	v8 =	vbroadcast v14, $0xF  }
0x4ce: {  	v10 =	vbroadcast v15, $0xF;
	v5 =	vsel vm15, v6, v5;
	vm8 =	vnez.u8 v11  }
0x4cf: {  	vm9 =	vnez.u8 v9;
	v5 =	vsel vm8, v5, v8  }
0x4d0: {  	v5 =	vsel vm9, v5, v10;
	v10 =	vld [tilespmem:$0x1FFA0];
	_ =	sdelay $0x4  }
0x4d1: {  	vm0 =	vnez.u8 v10;
	v10 =	vld [tilespmem:$0x1FFB0];
	_ =	sdelay $0x2  }
0x4d2: {  	v6 =	vbroadcast v16, $0xF  }
0x4d3: {  	v8 =	vbroadcast v18, $0xF  }
0x4d4: {  	vm10 =	vmmov vm0;
	v5 =	vsel vm0, v5, v6;
	vm0 =	vnez.u8 v10  }
0x4d5: {  	v5 =	vsel vm0, v5, v8;
	v8 =	vld [tilespmem:$0x1FFC0];
	_ =	sdelay $0x3  }
0x4d6: {  	[tilespmem:s0+$0xFFFFFFC0] =	vst v0  }
0x4d7: {  	vm11 =	vmmov vm0;
	vm0 =	vnez.u8 v8;
	v8 =	vld [tilespmem:$0x1FFD0];
	_ =	sdelay $0x2  }
0x4d8: {  	v9 =	vbroadcast v20, $0xF  }
0x4d9: {  	v6 =	vbroadcast v22, $0xF;
	v10, _, _ =	vpop (xrf0)  }
0x4da: {  	[tilespmem:s1+$0xFFFFFFD0] =	vst v10;
	v5 =	vsel vm0, v5, v9;
	vm13 =	vnez.u8 v8  }
0x4db: {  	v5 =	vsel vm13, v5, v6;
	v6 =	vld [tilespmem:$0x1FFE0];
	_ =	sdelay $0x3  }
0x4dc: {  	v7 =	vbroadcast v7, $0xF  }
0x4dd: {  	vm14 =	vnez.u8 v6  }
0x4de: {  	v5 =	vsel vm14, v5, v7;
	v7 =	vld [tilespmem:$0x1FFF0];
	_ =	sdelay $0x4  }
0x4df: {  	v11, _, _ =	vpop (xrf0);
	vm7 =	vnez.u8 v7  }
0x4e0: {  	v6 =	vld [tilespmem:s0+$0xFFFFFFE0];
	v7 =	vsel vm7, v5, v11  }
0x4e1: {  	(xrf0) =	vadd.scan.msk.s32 $0xffff, v7;
	_ =	sdelay $0x3  }
0x4e2: {  	s2 =	spop (v2sf);
	(xrf0) =	vadd.scan.msk.s32 $0xffff, v6  }
0x4e3: {  	s2 =	sadd.s32 s2, s16;
	s4 =	rddreg [dreg:$0x9]  }
0x4e4: {  	s14 =	ssub.s32 s4, s2;
	s2 =	simm.s32 $0x0;
	v6, _, _ =	vpop (xrf0)  }
0x4e5: {  	v5 =	vmov s14;
	v8 =	vadd.s32 s2, v6  }
0x4e6: {  	vm12 =	vmmov vm0;
	vm0 =	vge.s32 v8, v5  }
0x4e7: {  	v8 =	vsel vm0, $0x1, v0  }
0x4e8: {  	[tilespmem:s0+$0xFFFFFFD0] =	vst v0;
	v12, _, _ =	vpop (xrf0);
	(xrf0) =	vadd.scan.msk.s32 $0xffff, v8  }
0x4e9: {  	[tilespmem:s1+$0xFFFFFFE0] =	vst v12  }
0x4ea: {  	v8 =	vld [tilespmem:s0+$0xFFFFFFF0];
	_ =	sdelay $0x3  }
0x4eb: {  	v9, _, _ =	vpop (xrf0)  }
0x4ec: {  	(xrf0) =	vadd.scan.msk.s32 $0xffff, v8;
	vm1 =	veq.s32 v9, $0x1  }
0x4ed: {  	vm0 =	vmand vm0, vm1  }
0x4ee: {  	v7 =	vsub.s32 v6, v7;
	v8 =	vnsel vm0, $0x0, v2  }
0x4ef: {  	v7 =	vnsel vm0, $0x0, v7;
	(xrf0) =	vadd.scan.msk.s32 $0xffff, v8  }
0x4f0: {  	(xrf0) =	vadd.scan.msk.s32 $0xffff, v7;
	_ =	sdelay $0x1  }
0x4f1: {  	(v2sf) =	vpush v6, $0xF;
	[tilespmem:s0+$0xFFFFFFE0] =	vst v0;
	v13, _, _ =	vpop (xrf0)  }
0x4f2: {  	(v2sf) =	vpush v9, $0xF;
	[tilespmem:s1+$0xFFFFFFF0] =	vst v13  }
0x4f3: {  	v6 =	vld [tilespmem:s0+$0x0]  }
0x4f4: {  	v7, _, _ =	vpop (xrf0)  }
0x4f5: {  	(v2sf) =	vpush v7, $0xF;
	v7, _, _ =	vpop (xrf0)  }
0x4f6: {  	(v2sf) =	vpush v7, $0xF;
	_ =	sdelay $0x1  }
0x4f7: {  	(xrf0) =	vadd.scan.msk.s32 $0xffff, v6;
	_ =	sdelay $0x5  }
0x4f8: {  	[tilespmem:s0+$0xFFFFFFF0] =	vst v0;
	v14, _, _ =	vpop (xrf0)  }
0x4f9: {  	s6 =	simm.s32 $0x10;
	[tilespmem:s1+$0x0] =	vst v14  }
0x4fa: {  	s20 =	simm.s32 $0x20;
	p1 =	por $0x1, $0x1;
	s31 =	spop (v2sf);
	v15 =	vld [tilespmem:s0+$0x10]  }
0x4fb: {  	s11 =	simm.s32 $0x0;
	s15 =	simm.s32 $0x0;
	[tilespmem:s5+$0x60] =	vst v0;
	s8 =	spop (v2sf)  }
0x4fc: {  	s18 =	simm.s32 $0x4180;
	v10 =	vbroadcast v10, $0xF;
	[tilespmem:s7+$0x70] =	vst v11;
	v11 =	vbroadcast v12, $0xF;
	p0 =	sgt.s32 s8, $0x0;
	s8 =	simm.s32 $0x1  }
0x4fd: {  	s19 =	simm.s32 $0x4980;
	v9 =	vbroadcast v21, $0xF;
	v8 =	vbroadcast v19, $0xF;
	s4 =	sadd.s32 $0x0, s31;
	s8 =	simm.s32 @!p0 $0x0  }
0x4fe: {  	[tilespmem:s5+$0x70] =	vst v0;
	v12 =	vbroadcast v13, $0xF;
	v7 =	vbroadcast v17, $0xF;
	p0 =	por !p1, !p0;
	s16 =	sor.u32 s8, s2;
	s9 =	spop (v2sf)  }
0x4ff: {  	v6 =	vbroadcast v23, $0xF;
	p1 =	por !p0, !p0;
	v13 =	vbroadcast v14, $0xF;
	[tilespmem:s0+$0x0] =	vst v0;
	(xrf0) =	vadd.scan.msk.s32 $0xffff, v15;
	s8 =	sadd.s32 $0x0, s9;
	s7 =	spop (v2sf)  }
.LBB2_15:
0x500: {  	_ =	sdelay $0x2  }
0x501: {  	s0 =	sadd.s32 $0x100, s0  }
0x502: {  	v15 =	vld [tilespmem:s0+$0xFFFFFF80]  }
0x503: {  	v14, _, _ =	vpop (xrf0)  }
0x504: {  	[tilespmem:s1+$0x10] =	vst v14  }
0x505: {  	v16 =	vld [tilespmem:s18+$0x20];
	_ =	sdelay $0x1  }
0x506: {  	(xrf0) =	vadd.scan.msk.s32 $0xffff, v15;
	_ =	sdelay $0x2  }
0x507: {  	(xrf0) =	vadd.scan.msk.s32 $0xffff, v16;
	_ =	sdelay $0x2  }
0x508: {  	s1 =	sadd.s32 $0x100, s1;
	[tilespmem:s18+$0x10] =	vst v0;
	v15, _, _ =	vpop (xrf0)  }
0x509: {  	[tilespmem:s1+$0xFFFFFF80] =	vst v15  }
0x50a: {  	v55 =	vld [tilespmem:s0+$0xFFFFFF90]  }
0x50b: {  	v17, _, _ =	vpop (xrf0)  }
0x50c: {  	[tilespmem:s19+$0x20] =	vst v17  }
0x50d: {  	v18 =	vld [tilespmem:s18+$0x30];
	_ =	sdelay $0x1  }
0x50e: {  	(xrf0) =	vadd.scan.msk.s32 $0xffff, v55;
	_ =	sdelay $0x2  }
0x50f: {  	(xrf0) =	vadd.scan.msk.s32 $0xffff, v18;
	_ =	sdelay $0x1  }
0x510: {  	[tilespmem:s18+$0x20] =	vst v0  }
0x511: {  	[tilespmem:s0+$0xFFFFFF80] =	vst v0;
	v16, _, _ =	vpop (xrf0)  }
0x512: {  	[tilespmem:s1+$0xFFFFFF90] =	vst v16  }
0x513: {  	v56 =	vld [tilespmem:s0+$0xFFFFFFA0]  }
0x514: {  	v19, _, _ =	vpop (xrf0)  }
0x515: {  	[tilespmem:s19+$0x30] =	vst v19  }
0x516: {  	v20 =	vld [tilespmem:s18+$0x40];
	_ =	sdelay $0x1  }
0x517: {  	(xrf0) =	vadd.scan.msk.s32 $0xffff, v56;
	_ =	sdelay $0x2  }
0x518: {  	(xrf0) =	vadd.scan.msk.s32 $0xffff, v20;
	_ =	sdelay $0x1  }
0x519: {  	[tilespmem:s18+$0x30] =	vst v0  }
0x51a: {  	[tilespmem:s0+$0xFFFFFF90] =	vst v0;
	v18, _, _ =	vpop (xrf0)  }
0x51b: {  	[tilespmem:s1+$0xFFFFFFA0] =	vst v18  }
0x51c: {  	v57 =	vld [tilespmem:s0+$0xFFFFFFB0]  }
0x51d: {  	v21, _, _ =	vpop (xrf0)  }
0x51e: {  	[tilespmem:s19+$0x40] =	vst v21  }
0x51f: {  	v22 =	vld [tilespmem:s18+$0x50];
	_ =	sdelay $0x1  }
0x520: {  	(xrf0) =	vadd.scan.msk.s32 $0xffff, v57;
	_ =	sdelay $0x2  }
0x521: {  	(xrf0) =	vadd.scan.msk.s32 $0xffff, v22;
	_ =	sdelay $0x1  }
0x522: {  	[tilespmem:s18+$0x40] =	vst v0  }
0x523: {  	[tilespmem:s0+$0xFFFFFFA0] =	vst v0;
	v20, _, _ =	vpop (xrf0)  }
0x524: {  	[tilespmem:s1+$0xFFFFFFB0] =	vst v20  }
0x525: {  	v58 =	vld [tilespmem:s0+$0xFFFFFFC0]  }
0x526: {  	v23, _, _ =	vpop (xrf0)  }
0x527: {  	[tilespmem:s19+$0x50] =	vst v23  }
0x528: {  	v24 =	vld [tilespmem:s18+$0x60];
	_ =	sdelay $0x1  }
0x529: {  	(xrf0) =	vadd.scan.msk.s32 $0xffff, v58;
	_ =	sdelay $0x2  }
0x52a: {  	v25 =	vld [tilespmem:$0x1FF20];
	(xrf0) =	vadd.scan.msk.s32 $0xffff, v24;
	_ =	sdelay $0x1  }
0x52b: {  	[tilespmem:s18+$0x50] =	vst v0  }
0x52c: {  	[tilespmem:s0+$0xFFFFFFB0] =	vst v0;
	v22, _, _ =	vpop (xrf0)  }
0x52d: {  	v59 =	vbroadcast v4, $0xF;
	[tilespmem:s1+$0xFFFFFFC0] =	vst v22  }
0x52e: {  	vm0 =	vnez.u8 v25;
	v4 =	vmov v15;
	v15 =	vld [tilespmem:s0+$0xFFFFFFD0]  }
0x52f: {  	v16 =	vbroadcast v16, $0xF;
	v24 =	vsel vm0, v59, v7;
	v60, _, _ =	vpop (xrf0)  }
0x530: {  	v61 =	vsel vm2, v24, v8;
	[tilespmem:s19+$0x60] =	vst v60  }
0x531: {  	v7 =	vmov v16;
	v16 =	vsel vm3, v61, v9;
	v63 =	vld [tilespmem:s18+$0x70]  }
0x532: {  	v16 =	vsel vm4, v16, v6  }
0x533: {  	v10 =	vsel vm5, v16, v10;
	(xrf0) =	vadd.scan.msk.s32 $0xffff, v15  }
0x534: {  	v10 =	vsel vm6, v10, v11  }
0x535: {  	v14 =	vbroadcast v14, $0xF;
	v10 =	vsel vm15, v10, v12  }
0x536: {  	v17 =	vbroadcast v17, $0xF;
	v10 =	vsel vm8, v10, v13;
	(xrf0) =	vadd.scan.msk.s32 $0xffff, v63  }
0x537: {  	v19 =	vbroadcast v19, $0xF;
	v10 =	vsel vm9, v10, v14  }
0x538: {  	v21 =	vbroadcast v21, $0xF;
	[tilespmem:s18+$0x60] =	vst v0;
	v10 =	vsel vm10, v10, v17  }
0x539: {  	v23 =	vbroadcast v23, $0xF;
	[tilespmem:s0+$0xFFFFFFC0] =	vst v0;
	v12 =	vsel vm11, v10, v19;
	v11, _, _ =	vpop (xrf0)  }
0x53a: {  	v62 =	vbroadcast v60, $0xF;
	[tilespmem:s1+$0xFFFFFFD0] =	vst v11;
	v10 =	vbroadcast v11, $0xF;
	v11 =	vsel vm12, v12, v21  }
0x53b: {  	v12 =	vld [tilespmem:s0+$0xFFFFFFE0];
	v11 =	vsel vm13, v11, v23  }
0x53c: {  	v11 =	vsel vm14, v11, v62;
	v13, _, _ =	vpop (xrf0)  }
0x53d: {  	v11 =	vsel vm7, v11, v13  }
0x53e: {  	(xrf0) =	vadd.scan.msk.s32 $0xffff, v11;
	_ =	sdelay $0x1  }
0x53f: {  	(xrf0) =	vadd.scan.msk.s32 $0xffff, v12;
	_ =	sdelay $0x3  }
0x540: {  	[tilespmem:s19+$0x70] =	vst v13;
	v12, _, _ =	vpop (xrf0)  }
0x541: {  	[tilespmem:s18+$0x70] =	vst v0;
	v13 =	vadd.s32 s4, v12  }
0x542: {  	[tilespmem:s0+$0xFFFFFFD0] =	vst v0;
	v14 =	vsub.s32 v12, v11;
	v11, _, _ =	vpop (xrf0);
	vm0 =	vge.s32 v13, v5  }
0x543: {  	(v2sf) =	vpush v12, $0xF;
	[tilespmem:s1+$0xFFFFFFE0] =	vst v11;
	v12 =	vsel vm0, $0x1, v0  }
0x544: {  	v13 =	vld [tilespmem:s0+$0xFFFFFFF0];
	(xrf0) =	vadd.scan.msk.s32 $0xffff, v12;
	_ =	sdelay $0x4  }
0x545: {  	(xrf0) =	vadd.scan.msk.s32 $0xffff, v13  }
0x546: {  	v12, _, _ =	vpop (xrf0)  }
0x547: {  	vm1 =	veq.s32 v12, $0x1  }
0x548: {  	vm0 =	vmand vm0, vm1  }
0x549: {  	v15 =	vnsel vm0, $0x0, v2  }
0x54a: {  	v13 =	vnsel vm0, $0x0, v14;
	(xrf0) =	vadd.scan.msk.s32 $0xffff, v15  }
0x54b: {  	(v2sf) =	vpush v12, $0xF;
	v12, _, _ =	vpop (xrf0);
	(xrf0) =	vadd.scan.msk.s32 $0xffff, v13;
	_ =	sdelay $0x1  }
0x54c: {  	[tilespmem:s0+$0xFFFFFFE0] =	vst v0  }
0x54d: {  	[tilespmem:s1+$0xFFFFFFF0] =	vst v12  }
0x54e: {  	v13 =	vld [tilespmem:s0+$0x0]  }
0x54f: {  	v14, _, _ =	vpop (xrf0)  }
0x550: {  	s29 =	spop (v2sf);
	(v2sf) =	vpush v14, $0xF;
	v14, _, _ =	vpop (xrf0)  }
0x551: {  	(v2sf) =	vpush v14, $0xF;
	_ =	sdelay $0x1  }
0x552: {  	(xrf0) =	vadd.scan.msk.s32 $0xffff, v13;
	_ =	sdelay $0x5  }
0x553: {  	p0 =	sne.s32 s20, $0x30;
	s7 =	sadd.s32 s11, s7;
	[tilespmem:s0+$0xFFFFFFF0] =	vst v0;
	v13, _, _ =	vpop (xrf0)  }
0x554: {  	s2 =	smov.u32 @p1 s8;
	s5 =	smov.u32 s6;
	s6 =	smov.u32 s20;
	[tilespmem:s1+$0x0] =	vst v13  }
0x555: {  	s11 =	smov.u32 s4;
	s20 =	sadd.s32 $0x10, s20;
	p6 =	seq.s32 s16, $0x0;
	v14 =	vld [tilespmem:s0+$0x10]  }
.Ltmp10:
0x556: {  	s15 =	smov.u32 @p1 s7;
	s30 =	spop (v2sf);
	(pc) =	sbr.rel @p0 .LBB2_15-.Ltmp10, $4  }
0x557: {  	s7 =	simm.s32 $0x1;
	v18 =	vbroadcast v18, $0xF;
	v20 =	vbroadcast v20, $0xF;
	s19 =	smov.u32 s1;
	p2 =	sgt.s32 s30, $0x0  }
0x558: {  	v22 =	vbroadcast v22, $0xF;
	s18 =	smov.u32 s0;
	s4 =	sadd.s32 s4, s29;
	s7 =	simm.s32 @!p2 $0x0  }
0x559: {  	v8 =	vmov v18;
	v9 =	vmov v20;
	v11 =	vbroadcast v11, $0xF;
	p1 =	por !p6, !p2;
	s16 =	sor.u32 s7, s16;
	s31 =	spop (v2sf)  }
0x55a: {  	v6 =	vmovc v22;
	v12 =	vbroadcast v12, $0xF;
	v13 =	vbroadcast v13, $0xF;
	[tilespmem:s0+$0x0] =	vst v0;
	p1 =	por !p1, !p1;
	(xrf0) =	vadd.scan.msk.s32 $0xffff, v14;
	s8 =	sadd.s32 s5, s31;
	s7 =	spop (v2sf)  }
0x55b: {  	_ =	sdelay $0x4  }
0x55c: {  	v14, _, _ =	vpop (xrf0)  }
0x55d: {  	[tilespmem:s1+$0x10] =	vst v14  }
0x55e: {  	v15 =	vld [tilespmem:s18+$0x20];
	_ =	sdelay $0x4  }
0x55f: {  	(xrf0) =	vadd.scan.msk.s32 $0xffff, v15;
	_ =	sdelay $0x5  }
0x560: {  	[tilespmem:s18+$0x10] =	vst v0;
	v15, _, _ =	vpop (xrf0)  }
0x561: {  	[tilespmem:s19+$0x20] =	vst v15  }
0x562: {  	v16 =	vld [tilespmem:s18+$0x30];
	_ =	sdelay $0x4  }
0x563: {  	(xrf0) =	vadd.scan.msk.s32 $0xffff, v16;
	_ =	sdelay $0x5  }
0x564: {  	[tilespmem:s18+$0x20] =	vst v0;
	v16, _, _ =	vpop (xrf0)  }
0x565: {  	[tilespmem:s19+$0x30] =	vst v16  }
0x566: {  	v17 =	vld [tilespmem:s18+$0x40];
	_ =	sdelay $0x4  }
0x567: {  	(xrf0) =	vadd.scan.msk.s32 $0xffff, v17;
	_ =	sdelay $0x5  }
0x568: {  	[tilespmem:s18+$0x30] =	vst v0;
	v17, _, _ =	vpop (xrf0)  }
0x569: {  	[tilespmem:s19+$0x40] =	vst v17  }
0x56a: {  	v18 =	vld [tilespmem:s18+$0x50];
	_ =	sdelay $0x4  }
0x56b: {  	(xrf0) =	vadd.scan.msk.s32 $0xffff, v18;
	_ =	sdelay $0x5  }
0x56c: {  	[tilespmem:s18+$0x40] =	vst v0;
	v18, _, _ =	vpop (xrf0)  }
0x56d: {  	[tilespmem:s19+$0x50] =	vst v18  }
0x56e: {  	v19 =	vld [tilespmem:s18+$0x60];
	_ =	sdelay $0x3  }
0x56f: {  	[tilespmem:s18+$0x50] =	vst v0  }
0x570: {  	v20 =	vld [tilespmem:$0x1FF20];
	(xrf0) =	vadd.scan.msk.s32 $0xffff, v19;
	_ =	sdelay $0x3  }
0x571: {  	v4 =	vbroadcast v4, $0xF  }
0x572: {  	vm0 =	vnez.u8 v20  }
0x573: {  	v4 =	vsel vm0, v4, v7;
	v19, _, _ =	vpop (xrf0)  }
0x574: {  	v4 =	vsel vm2, v4, v8;
	[tilespmem:s19+$0x60] =	vst v19  }
0x575: {  	v4 =	vsel vm3, v4, v9;
	v7 =	vld [tilespmem:s18+$0x70]  }
0x576: {  	v4 =	vsel vm4, v4, v6  }
0x577: {  	v4 =	vsel vm5, v4, v10  }
0x578: {  	v4 =	vsel vm6, v4, v11  }
0x579: {  	v6 =	vbroadcast v14, $0xF;
	v4 =	vsel vm15, v4, v12  }
0x57a: {  	v8 =	vbroadcast v15, $0xF;
	v4 =	vsel vm8, v4, v13;
	(xrf0) =	vadd.scan.msk.s32 $0xffff, v7  }
0x57b: {  	v4 =	vsel vm9, v4, v6;
	v7 =	vbroadcast v16, $0xF  }
0x57c: {  	v6 =	vbroadcast v17, $0xF;
	v4 =	vsel vm10, v4, v8  }
0x57d: {  	v8 =	vbroadcast v18, $0xF;
	v4 =	vsel vm11, v4, v7  }
0x57e: {  	v7 =	vbroadcast v19, $0xF;
	v4 =	vsel vm12, v4, v6  }
0x57f: {  	v4 =	vsel vm13, v4, v8  }
0x580: {  	v4 =	vsel vm14, v4, v7;
	v6, _, _ =	vpop (xrf0)  }
0x581: {  	v4 =	vsel vm7, v4, v6  }
0x582: {  	(xrf0) =	vadd.scan.msk.s32 $0xffff, v4;
	_ =	sdelay $0x5  }
0x583: {  	v7, _, _ =	vpop (xrf0)  }
0x584: {  	v8 =	vadd.s32 s4, v7  }
0x585: {  	vm6 =	vge.s32 v8, v5  }
0x586: {  	v8 =	vsel vm6, $0x1, v0  }
0x587: {  	(xrf0) =	vadd.scan.msk.s32 $0xffff, v8;
	_ =	sdelay $0x5  }
0x588: {  	v8, _, _ =	vpop (xrf0)  }
0x589: {  	vm1 =	veq.s32 v8, $0x1  }
0x58a: {  	vm0 =	vmand vm6, vm1  }
0x58b: {  	v9 =	vnsel vm0, $0x0, v2  }
0x58c: {  	(xrf0) =	vadd.scan.msk.s32 $0xffff, v9;
	_ =	sdelay $0x1  }
0x58d: {  	v4 =	vsub.s32 v7, v4  }
0x58e: {  	v4 =	vnsel vm0, $0x0, v4  }
0x58f: {  	(v2sf) =	vpush v7, $0xF  }
0x590: {  	(v2sf) =	vpush v8, $0xF  }
0x591: {  	(xrf0) =	vadd.scan.msk.s32 $0xffff, v4;
	v4, _, _ =	vpop (xrf0)  }
0x592: {  	(v2sf) =	vpush v4, $0xF;
	_ =	sdelay $0x4  }
0x593: {  	v4, _, _ =	vpop (xrf0)  }
0x594: {  	(v2sf) =	vpush v4, $0xF;
	_ =	sdelay $0x5  }
0x595: {  	s0 =	spop (v2sf)  }
0x596: {  	s0 =	spop (v2sf)  }
0x597: {  	p2 =	seq.s32 s16, $0x0;
	p0 =	sgt.s32 s0, $0x0  }
0x598: {  	p0 =	por !p2, !p0;
	s25 =	spop (v2sf)  }
0x599: {  	s2 =	smov.u32 @p1 s8;
	[tilespmem:s18+$0x60] =	vst v0;
	p0 =	por !p0, !p0;
	s0 =	sadd.s32 s6, s25  }
0x59a: {  	[tilespmem:s19+$0x70] =	vst v6;
	s2 =	smov.u32 @p0 s0  }
0x59b: {  	[tilespmem:s18+$0x70] =	vst v0;
	s26 =	sshll.u32 s2, $0x4  }
0x59c: {  	v6 =	vld [tilespmem:s26+$0x4800];
	_ =	sdelay $0x1  }
0x59d: {  	s28 =	spop (v2sf);
	s0 =	sadd.s32 s11, s7  }
0x59e: {  	s15 =	smov.u32 @p1 s0;
	s0 =	sadd.s32 s4, s28  }
0x59f: {  	s15 =	smov.u32 @p0 s0  }
0x5a0: {  	v4 =	vadd.s32 s15, v6  }
0x5a1: {  	vm7 =	vge.s32 v4, v5  }
0x5a2: {  	v4 =	vsel vm7, $0x1, v0  }
0x5a3: {  	(xrf0) =	vadd.scan.msk.s32 $0xffff, v4;
	_ =	sdelay $0x2  }
0x5a4: {  	s29 =	simm.s32 $0x2040  }
0x5a5: {  	v20 =	vld [tilespmem:s29+$0x30];
	_ =	sdelay $0x1  }
0x5a6: {  	v10 =	vld [tilespmem:s29+$0x0];
	v4, _, _ =	vpop (xrf0)  }
0x5a7: {  	v21 =	vld [tilespmem:s29+$0xFFFFFFD0];
	vm8 =	veq.s32 v4, $0x1  }
0x5a8: {  	v22 =	vld [tilespmem:s29+$0x20];
	vm0 =	vmand vm7, vm8  }
0x5a9: {  	v17 =	vld [tilespmem:s29+$0x10];
	vm9 =	vgt.s32 v20, $0xFFFFFFFF;
	v4 =	vnsel vm0, $0x0, v2  }
0x5aa: {  	v12 =	vld [tilespmem:s29+$0xFFFFFFE0];
	(xrf0) =	vadd.scan.msk.s32 $0xffff, v4;
	v4 =	vsel vm9, $0xFFFFFFFF, v3  }
0x5ab: {  	v5 =	vld [tilespmem:s29+$0xFFFFFFC0];
	v4 =	vxor.u32 v20, v4  }
0x5ac: {  	v15 =	vld [tilespmem:s29+$0xFFFFFFF0];
	vm10 =	vgt.s32 v10, $0xFFFFFFFF;
	vm11 =	vgt.s32 v21, $0xFFFFFFFF;
	v4 =	vmul.f32 $-1.200000050e+00, v4  }
0x5ad: {  	vm4 =	vgt.s32 v22, $0xFFFFFFFF;
	v7 =	vsel vm10, $0xFFFFFFFF, v3;
	v8 =	vsel vm11, $0xFFFFFFFF, v3  }
0x5ae: {  	v7 =	vxor.u32 v10, v7;
	v8 =	vxor.u32 v21, v8;
	v4 =	vmul.f32 $1.442695020e+00, v4  }
0x5af: {  	v7 =	vmul.f32 $-1.200000050e+00, v7;
	vm6 =	vgt.s32 v17, $0xFFFFFFFF;
	v9 =	vmul.f32 $-1.200000050e+00, v8  }
0x5b0: {  	vm5 =	vgt.s32 v5, $0xFFFFFFFF;
	vm7 =	vgt.s32 v12, $0xFFFFFFFF;
	(erf) = vpow2.f32 v4  }
0x5b1: {  	vm8 =	vgt.s32 v15, $0xFFFFFFFF;
	v11 =	vsel vm7, $0xFFFFFFFF, v3;
	v4 =	vmul.f32 $1.442695020e+00, v7  }
0x5b2: {  	v13 =	vsel vm8, $0xFFFFFFFF, v3;
	v8, _, _ =	vpop (xrf0);
	v7 =	vmul.f32 $1.442695020e+00, v9;
	v9 =	vsel vm4, $0xFFFFFFFF, v3  }
0x5b3: {  	(v2sf) =	vpush v8, $0xF;
	v9 =	vxor.u32 v22, v9;
	(erf) = vpow2.f32 v4  }
0x5b4: {  	v4 =	vsel vm5, $0xFFFFFFFF, v3;
	(erf) = vpow2.f32 v7;
	v7 =	vmul.f32 $-1.200000050e+00, v9  }
0x5b5: {  	s30 =	simm.s32 $0x20C0;
	v13 =	vxor.u32 v15, v13;
	v4 =	vxor.u32 v5, v4;
	v9 =	vsel vm6, $0xFFFFFFFF, v3  }
0x5b6: {  	v14 =	vld [tilespmem:s30+$0xFFFFFFC0];
	v4 =	vmul.f32 $-1.200000050e+00, v4;
	v9 =	vxor.u32 v17, v9;
	v7 =	vmul.f32 $1.442695020e+00, v7  }
0x5b7: {  	v16 =	vmul.f32 $-1.200000050e+00, v13;
	v9 =	vmul.f32 $-1.200000050e+00, v9  }
0x5b8: {  	v13 =	vld [tilespmem:s30+$0x30];
	v4 =	vmul.f32 $1.442695020e+00, v4;
	(erf) = vpow2.f32 v7;
	v7 =	vxor.u32 v12, v11  }
0x5b9: {  	v9 =	vmul.f32 $1.442695020e+00, v9;
	v18 =	vmul.f32 $-1.200000050e+00, v7;
	v7 =	vld [tilespmem:s30+$0xFFFFFFE0];
	v11 =	vpop (erf)  }
0x5ba: {  	(erf) = vpow2.f32 v4;
	v4 =	vadd.f32 $1.000000000e+00, v11;
	v11 =	vmul.f32 $1.442695020e+00, v16;
	v16 =	vld [tilespmem:s30+$0x0]  }
0x5bb: {  	vm9 =	vgt.s32 v14, $0xFFFFFFFF;
	(erf) = vpow2.f32 v9;
	v9 =	vmul.f32 $1.442695020e+00, v18;
	v18 =	vld [tilespmem:s30+$0xFFFFFFD0]  }
0x5bc: {  	v23 =	vsel vm9, $0xFFFFFFFF, v3  }
0x5bd: {  	v23 =	vxor.u32 v14, v23;
	v19 =	vpop (erf);
	(erf) = vrcp.f32 v4  }
0x5be: {  	vm11 =	vgt.s32 v13, $0xFFFFFFFF;
	(erf) = vpow2.f32 v11;
	v11 =	vadd.f32 $1.000000000e+00, v19;
	v4 =	vpop (erf)  }
0x5bf: {  	(erf) = vpow2.f32 v9;
	v9 =	vld [tilespmem:s30+$0x20];
	v4 =	vadd.f32 $1.000000000e+00, v4;
	vm4 =	vgt.s32 v16, $0xFFFFFFFF  }
0x5c0: {  	vm10 =	vgt.s32 v7, $0xFFFFFFFF;
	vm5 =	vgt.s32 v18, $0xFFFFFFFF;
	v24 =	vsel vm4, $0xFFFFFFFF, v3  }
0x5c1: {  	v19 =	vpop (erf);
	v27 =	vsel vm5, $0xFFFFFFFF, v3;
	(erf) = vrcp.f32 v4;
	v4 =	vsel vm11, $0xFFFFFFFF, v3  }
0x5c2: {  	s0 =	spop (v2sf);
	v30 =	vadd.f32 $1.000000000e+00, v19;
	v24 =	vxor.u32 v16, v24;
	v27 =	vxor.u32 v18, v27  }
0x5c3: {  	s31 =	sshll.u32 s17, $0xA;
	s1 =	sadd.s32 s26, s0;
	(erf) = vrcp.f32 v11;
	v11 =	vsel vm10, $0xFFFFFFFF, v3;
	v26 =	vxor.u32 v13, v4  }
0x5c4: {  	s1 =	sor.u32 s31, s1;
	v24 =	vmul.f32 $-1.200000050e+00, v24;
	v27 =	vmul.f32 $-1.200000050e+00, v27;
	vm6 =	vgt.s32 v9, $0xFFFFFFFF  }
0x5c5: {  	v25 =	vpop (erf);
	v4 =	vmov s1;
	v26 =	vmul.f32 $-1.200000050e+00, v26;
	v31 =	vxor.u32 v7, v11  }
0x5c6: {  	v11 =	vld [tilespmem:s30+$0x10];
	(erf) = vrcp.f32 v30;
	v25 =	vadd.f32 $1.000000000e+00, v25;
	v29 =	vsel vm6, $0xFFFFFFFF, v3  }
0x5c7: {  	v28 =	vpop (erf);
	vm7 =	vgt.u32 v10, v4;
	v31 =	vmul.f32 $-1.200000050e+00, v31;
	v26 =	vmul.f32 $1.442695020e+00, v26  }
0x5c8: {  	v24 =	vmul.f32 $1.442695020e+00, v24;
	vm10 =	vgt.u32 v21, v4;
	v21 =	vmul.f32 $-1.200000050e+00, v23;
	v19 =	vpop (erf)  }
0x5c9: {  	v10 =	vld [tilespmem:s30+$0xFFFFFFF0];
	v28 =	vadd.f32 $1.000000000e+00, v28;
	v27 =	vmul.f32 $1.442695020e+00, v27;
	v32 =	vpop (erf);
	(erf) = vpow2.f32 v26  }
0x5ca: {  	vm11 =	vgt.u32 v22, v4;
	vm15 =	vgt.u32 v20, v4;
	v29 =	vxor.u32 v9, v29  }
0x5cb: {  	v23 =	vmul.f32 $-1.200000050e+00, v29;
	v60 =	vmul.f32 $1.442695020e+00, v21;
	vm8 =	vgt.s32 v11, $0xFFFFFFFF  }
0x5cc: {  	v59 =	vadd.f32 $1.000000000e+00, v32;
	(erf) = vrcp.f32 v25;
	v57 =	vsel vm8, $0xFFFFFFFF, v3  }
0x5cd: {  	v54 =	vpop (erf);
	v22 =	vmul.f32 $1.442695020e+00, v23;
	(erf) = vpow2.f32 v24;
	v24 =	vxor.u32 v11, v57  }
0x5ce: {  	vm9 =	vgt.s32 v10, $0xFFFFFFFF;
	v55 =	vpop (erf);
	(erf) = vrcp.f32 v28;
	v23 =	vmul.f32 $-1.200000050e+00, v24  }
0x5cf: {  	v62 =	vadd.f32 $1.000000000e+00, v54;
	v58 =	vsel vm9, $0xFFFFFFFF, v3;
	v56 =	vpop (erf);
	(erf) = vpow2.f32 v27  }
0x5d0: {  	s1 =	simm.s32 $0x40;
	v26 =	vnsel vm10, $0x0, v55;
	v28 =	vxor.u32 v10, v58;
	v61 =	vpop (erf);
	(erf) = vpow2.f32 v22  }
0x5d1: {  	v25 =	vnsel vm7, $0x0, v56;
	[tilespmem:s1+$0xFFFFFFD0] =	vst v26;
	v22 =	vmul.f32 $-1.200000050e+00, v28;
	(erf) = vrcp.f32 v59  }
0x5d2: {  	v21 =	vmul.f32 $1.442695020e+00, v23;
	[tilespmem:s1+$0x0] =	vst v25;
	v63 =	vnsel vm11, $0x0, v61;
	(erf) = vpow2.f32 v60;
	v23 =	vpop (erf)  }
0x5d3: {  	s5 =	simm.s32 $0x2140;
	s4 =	simm.s32 $0x8;
	s2 =	simm.s32 $0x40;
	v20 =	vmul.f32 $1.442695020e+00, v31;
	[tilespmem:s1+$0x20] =	vst v63;
	(erf) = vrcp.f32 v62;
	v23 =	vadd.f32 $1.000000000e+00, v23  }
.LBB2_17:
0x5d4: {  	v24 =	vld [tilespmem:s5+$0xFFFFFFC0];
	s4 =	sadd.s32 $0x8, s4;
	v22 =	vmul.f32 $1.442695020e+00, v22;
	(erf) = vpow2.f32 v21;
	v25 =	vnsel vm15, $0x0, v19;
	s1 =	sadd.s32 $0x80, s1  }
0x5d5: {  	vm0 =	vgt.u32 v5, v4;
	v5 =	vmov v14;
	v21 =	vld [tilespmem:s5+$0x30];
	p0 =	slt.u32 s4, $0x1F8;
	(erf) = vrcp.f32 v23;
	[tilespmem:s2+$0x30] =	vst v25;
	v19 =	vpop (erf)  }
0x5d6: {  	vm4 =	vgt.u32 v12, v4;
	v23 =	vld [tilespmem:s5+$0xFFFFFFE0];
	(erf) = vpow2.f32 v22;
	v14 =	vpop (erf);
	v19 =	vnsel vm0, $0x0, v19  }
0x5d7: {  	vm3 =	vgt.u32 v15, v4;
	vm1 =	vgt.u32 v17, v4;
	v22 =	vld [tilespmem:s5+$0xFFFFFFD0];
	(erf) = vpow2.f32 v20;
	[tilespmem:s2+$0xFFFFFFC0] =	vst v19;
	v12 =	vpop (erf)  }
0x5d8: {  	vm15 =	vgt.u32 v13, v4;
	vm0 =	vgt.u32 v9, v4;
	v15 =	vld [tilespmem:s5+$0x0];
	v13 =	vpop (erf);
	v12 =	vnsel vm1, $0x0, v12  }
0x5d9: {  	vm1 =	vgt.u32 v18, v4;
	vm5 =	vgt.s32 v24, $0xFFFFFFFF;
	v9 =	vld [tilespmem:s5+$0x20];
	v13 =	vadd.f32 $1.000000000e+00, v13;
	v17 =	vpop (erf);
	[tilespmem:s2+$0x10] =	vst v12  }
0x5da: {  	vm2 =	vgt.u32 v16, v4;
	v18 =	vadd.f32 $1.000000000e+00, v14;
	v20 =	vld [tilespmem:s5+$0xFFFFFFF0];
	v14 =	vadd.f32 $1.000000000e+00, v17;
	v16 =	vpop (erf)  }
0x5db: {  	v17 =	vsel vm5, $0xFFFFFFFF, v3;
	vm5 =	vgt.s32 v21, $0xFFFFFFFF;
	v25 =	vpop (erf);
	(erf) = vrcp.f32 v13  }
0x5dc: {  	vm7 =	vgt.s32 v23, $0xFFFFFFFF;
	vm6 =	vgt.s32 v22, $0xFFFFFFFF;
	(erf) = vrcp.f32 v18;
	v12 =	vpop (erf)  }
0x5dd: {  	v13 =	vsel vm7, $0xFFFFFFFF, v3;
	v18 =	vsel vm5, $0xFFFFFFFF, v3;
	vm7 =	vgt.s32 v15, $0xFFFFFFFF;
	v26 =	vpop (erf)  }
0x5de: {  	v27 =	vxor.u32 v23, v13;
	v13 =	vxor.u32 v21, v18;
	v12 =	vnsel vm4, $0x0, v12;
	v19 =	vpop (erf)  }
0x5df: {  	v18 =	vsel vm7, $0xFFFFFFFF, v3;
	v30 =	vmul.f32 $-1.200000050e+00, v13;
	v28 =	vpop (erf);
	[tilespmem:s2+$0xFFFFFFE0] =	vst v12;
	v12 =	vnsel vm3, $0x0, v16  }
0x5e0: {  	v26 =	vadd.f32 $1.000000000e+00, v26;
	vm3 =	vgt.s32 v9, $0xFFFFFFFF;
	v29 =	vpop (erf);
	(erf) = vrcp.f32 v14;
	[tilespmem:s2+$0xFFFFFFF0] =	vst v12;
	s2 =	smov.u32 s1  }
0x5e1: {  	v33 =	vsel vm6, $0xFFFFFFFF, v3;
	v31 =	vxor.u32 v15, v18;
	v32 =	vmul.f32 $1.442695020e+00, v30;
	v14 =	vmovc v24;
	v13 =	vmovc v21  }
0x5e2: {  	v24 =	vmul.f32 $-1.200000050e+00, v27;
	v21 =	vmul.f32 $-1.200000050e+00, v31;
	v30 =	vsel vm3, $0xFFFFFFFF, v3;
	v27 =	vld [tilespmem:s5+$0x10];
	v12 =	vmovc v7;
	v7 =	vmovc v23  }
0x5e3: {  	v16 =	vmovc v15;
	v28 =	vadd.f32 $1.000000000e+00, v28;
	v18 =	vmovc v22;
	v23 =	vxor.u32 v22, v33;
	(erf) = vpow2.f32 v32  }
0x5e4: {  	v34 =	vxor.u32 v14, v17;
	v21 =	vmul.f32 $1.442695020e+00, v21;
	v35 =	vmul.f32 $-1.200000050e+00, v23;
	v22 =	vpop (erf)  }
0x5e5: {  	v25 =	vadd.f32 $1.000000000e+00, v25;
	v33 =	vxor.u32 v9, v30;
	v23 =	vmul.f32 $-1.200000050e+00, v34;
	v30 =	vpop (erf)  }
0x5e6: {  	v15 =	vmovc v10;
	v10 =	vmovc v20;
	v32 =	vmul.f32 $-1.200000050e+00, v33;
	v31 =	vmul.f32 $1.442695020e+00, v35;
	v30 =	vnsel vm2, $0x0, v30  }
0x5e7: {  	v17 =	vmovc v11;
	v20 =	vmul.f32 $1.442695020e+00, v23;
	vm2 =	vgt.s32 v27, $0xFFFFFFFF;
	[tilespmem:s1+$0x0] =	vst v30;
	(erf) = vrcp.f32 v25;
	v11 =	vmovc v27  }
0x5e8: {  	v25 =	vmul.f32 $1.442695020e+00, v32;
	v27 =	vsel vm2, $0xFFFFFFFF, v3;
	(erf) = vpow2.f32 v21  }
0x5e9: {  	vm2 =	vgt.s32 v10, $0xFFFFFFFF;
	v21 =	vxor.u32 v11, v27;
	(erf) = vrcp.f32 v26;
	v23 =	vpop (erf)  }
.Ltmp11:
0x5ea: {  	v26 =	vsel vm2, $0xFFFFFFFF, v3;
	v21 =	vmul.f32 $-1.200000050e+00, v21;
	(erf) = vpow2.f32 v31;
	(pc) =	sbr.rel @p0 .LBB2_17-.Ltmp11, $4  }
0x5eb: {  	v22 =	vnsel vm1, $0x0, v22;
	v26 =	vxor.u32 v10, v26;
	(erf) = vpow2.f32 v25  }
0x5ec: {  	v27 =	vadd.f32 $1.000000000e+00, v29;
	v21 =	vmul.f32 $1.442695020e+00, v21;
	v25 =	vpop (erf);
	[tilespmem:s1+$0xFFFFFFD0] =	vst v22;
	(erf) = vrcp.f32 v28  }
0x5ed: {  	v22 =	vmul.f32 $-1.200000050e+00, v26;
	v26 =	vnsel vm0, $0x0, v23;
	(erf) = vpow2.f32 v20  }
0x5ee: {  	s5 =	sadd.s32 $0x80, s5;
	v20 =	vmul.f32 $1.442695020e+00, v24;
	v23 =	vadd.f32 $1.000000000e+00, v25;
	[tilespmem:s1+$0x20] =	vst v26;
	(erf) = vrcp.f32 v27  }
0x5ef: {  	v22 =	vmul.f32 $1.442695020e+00, v22;
	(erf) = vpow2.f32 v21  }
0x5f0: {  	(erf) = vrcp.f32 v23;
	v40 =	vpop (erf)  }
0x5f1: {  	(erf) = vpow2.f32 v22;
	v41 =	vpop (erf)  }
0x5f2: {  	s0 =	sadd.s32 $0xFFFFFFFF, s0;
	(erf) = vpow2.f32 v20;
	v42 =	vpop (erf)  }
0x5f3: {  	v8 =	vbroadcast v8, $0xF;
	v44 =	vmov s0;
	v43 =	vpop (erf)  }
0x5f4: {  	vm0 =	veq.s32 v44, v2;
	v24 =	vpop (erf)  }
0x5f5: {  	vm1 =	veq.s32 v8, v2;
	v47 =	vnsel vm0, $0x0, v6;
	v25 =	vpop (erf)  }
0x5f6: {  	v6 =	vnsel vm1, $0x0, v6;
	(xrf0) =	vadd.scan.msk.s32 $0xffff, v47;
	v23 =	vadd.f32 $1.000000000e+00, v43;
	v26 =	vpop (erf)  }
0x5f7: {  	v22 =	vadd.f32 $1.000000000e+00, v41;
	(xrf0) =	vadd.scan.msk.s32 $0xffff, v6;
	v45 =	vpop (erf)  }
0x5f8: {  	vm11 =	vgt.s32 v4, $0xFFFFFFFF;
	v24 =	vadd.f32 $1.000000000e+00, v24;
	(erf) = vrcp.f32 v23;
	v46 =	vpop (erf)  }
0x5f9: {  	v48 =	vsel vm11, $0xFFFFFFFF, v3;
	(erf) = vrcp.f32 v22;
	v26 =	vadd.f32 $1.000000000e+00, v26;
	v27 =	vpop (erf)  }
0x5fa: {  	v8 =	vxor.u32 v4, v48;
	(erf) = vrcp.f32 v24;
	v23 =	vadd.f32 $1.000000000e+00, v46;
	v49 =	vpop (erf)  }
0x5fb: {  	v6 =	vmul.f32 $-1.200000050e+00, v8;
	(erf) = vrcp.f32 v26;
	v28 =	vpop (erf);
	v24 =	vadd.f32 $1.000000000e+00, v49  }
0x5fc: {  	v51, _, _ =	vpop (xrf0);
	(erf) = vrcp.f32 v23;
	v50 =	vadd.f32 $1.000000000e+00, v28  }
0x5fd: {  	v6 =	vmul.f32 $1.442695020e+00, v6;
	(v2sf) =	vpush v51, $0xF;
	v52, _, _ =	vpop (xrf0);
	(erf) = vrcp.f32 v24  }
0x5fe: {  	(v2sf) =	vpush v52, $0xF;
	(erf) = vrcp.f32 v50  }
0x5ff: {  	(erf) = vpow2.f32 v6;
	_ =	sdelay $0x1  }
0x600: {  	v19 =	vnsel vm15, $0x0, v19;
	vm12 =	vgt.u32 v5, v4;
	v6 =	vpop (erf)  }
0x601: {  	vm13 =	vgt.u32 v17, v4;
	[tilespmem:s2+$0x30] =	vst v19;
	v58 =	vnsel vm12, $0x0, v40;
	v53 =	vpop (erf)  }
0x602: {  	vm15 =	vgt.u32 v15, v4;
	[tilespmem:s2+$0xFFFFFFC0] =	vst v58;
	v60 =	vnsel vm13, $0x0, v42;
	v54 =	vpop (erf)  }
0x603: {  	vm14 =	vgt.u32 v12, v4;
	[tilespmem:s2+$0x10] =	vst v60;
	v62 =	vnsel vm15, $0x0, v25;
	v55 =	vpop (erf)  }
0x604: {  	vm9 =	vgt.u32 v18, v4;
	[tilespmem:s2+$0xFFFFFFF0] =	vst v62;
	v61 =	vnsel vm14, $0x0, v45;
	v56 =	vpop (erf)  }
0x605: {  	vm8 =	vgt.u32 v16, v4;
	s1 =	sadd.s32 $0x80, s1;
	[tilespmem:s2+$0xFFFFFFE0] =	vst v61;
	v6 =	vnsel vm9, $0x0, v6;
	v57 =	vpop (erf)  }
0x606: {  	vm10 =	vgt.u32 v9, v4;
	v63 =	vnsel vm8, $0x0, v53;
	[tilespmem:s1+$0xFFFFFFD0] =	vst v6;
	v5 =	vpop (erf)  }
0x607: {  	vm11 =	vgt.u32 v13, v4;
	[tilespmem:s1+$0x0] =	vst v63;
	v6 =	vnsel vm10, $0x0, v54;
	v59 =	vpop (erf)  }
0x608: {  	vm12 =	vgt.u32 v14, v4;
	[tilespmem:s1+$0x20] =	vst v6;
	v6 =	vnsel vm11, $0x0, v27;
	v17 =	vadd.f32 $1.000000000e+00, v59  }
0x609: {  	vm13 =	vgt.u32 v11, v4;
	[tilespmem:s1+$0x30] =	vst v6;
	v6 =	vnsel vm12, $0x0, v55  }
0x60a: {  	vm14 =	vgt.u32 v7, v4;
	[tilespmem:s1+$0xFFFFFFC0] =	vst v6;
	v6 =	vnsel vm13, $0x0, v56;
	(erf) = vrcp.f32 v17  }
0x60b: {  	vm15 =	vgt.u32 v10, v4;
	[tilespmem:s1+$0x10] =	vst v6;
	v5 =	vnsel vm14, $0x0, v5;
	s30 =	spop (v2sf)  }
0x60c: {  	[tilespmem:s1+$0xFFFFFFE0] =	vst v5;
	v5 =	vnsel vm15, $0x0, v57;
	s31 =	spop (v2sf);
	s4 =	sadd.s32 s30, s15  }
0x60d: {  	[tilespmem:s1+$0xFFFFFFF0] =	vst v5;
	s2 =	ssub.s32 s31, s30;
	s0 =	ssub.s32 s14, s4  }
0x60e: {  	v6 =	vld [tilespmem:$0x1FF80];
	p0 =	sge.s32 s0, s2  }
.Ltmp12:
0x60f: {  	_ = 	snop;
	(pc) =	sbr.rel @p0 .LBB2_22-.Ltmp12, $2  }
0x610: {  	_ =	sdelay $0x2  }
0x611: {  	s5 =	simm.s32 $0x1;
	s4 =	simm.s32 $0x400;
	vm5 =	vnez.u8 v6;
	v5 =	vpop (erf)  }
0x612: {  	s1 =	simm.s32 $0x2000  }
0x613: {  	v6 =	vmov s0;
	v7 =	vimm.s32 $0x0;
	s0 =	simm.s32 $0x0;
	s2 =	simm.s32 $0x10;
	v8 =	vimm.s32 $0x0;
	v9 =	vld [tilespmem:s1+$0x0]  }
.LBB2_20:
0x614: {  	p0 =	sne.s32 s2, $0x1FF0;
	_ =	sdelay $0x3  }
0x615: {  	vm0 =	veq.s32 v9, v4  }
0x616: {  	v9 =	vsel vm0, $0x1, v0;
	v10 =	vmpcnt.ones.xlane vm0  }
0x617: {  	(xrf0) =	vadd.scan.msk.s32 $0xffff, v9  }
0x618: {  	v7 =	vadd.s32 v7, v10;
	_ =	sdelay $0x3  }
0x619: {  	v9 =	vsel vm0, $0xFFFFFFFF, v0  }
0x61a: {  	v9 =	vadd.s32 v9, v8;
	v8 =	vmov v7;
	v10, _, _ =	vpop (xrf0)  }
0x61b: {  	v9 =	vadd.s32 v10, v9  }
0x61c: {  	vm1 =	vge.s32 v9, v6  }
0x61d: {  	vm0 =	vmand vm0, vm1  }
0x61e: {  	v9 =	vor.u32 s0, v2;
	s0 =	smov.u32 s2;
	_ =	sdelay $0x1  }
.Ltmp13:
0x61f: {  	(pc) =	sbr.rel @p0 .LBB2_20-.Ltmp13, $3  }
0x620: {  	_ =	sdelay $0x1  }
0x621: {  	s1 =	sadd.s32 $0x10, s1;
	[tilespmem:v9+s3+$0x0] =	vst.idx.msk vm0, v5  }
0x622: {  	s2 =	sadd.s32 $0x10, s2;
	v9 =	vld [tilespmem:s1+$0x0]  }
0x623: {  	_ =	sdelay $0x3  }
0x624: {  	vm0 =	veq.s32 v9, v4  }
0x625: {  	v4 =	vsel vm0, $0x1, v0  }
0x626: {  	(xrf0) =	vadd.scan.msk.s32 $0xffff, v4;
	_ =	sdelay $0x4  }
0x627: {  	v4 =	vsel vm0, $0xFFFFFFFF, v0  }
0x628: {  	v4 =	vadd.s32 v4, v8;
	v7, _, _ =	vpop (xrf0)  }
0x629: {  	v4 =	vadd.s32 v7, v4  }
0x62a: {  	vm1 =	vge.s32 v4, v6  }
0x62b: {  	vm0 =	vmand vm0, vm1  }
0x62c: {  	v4 =	vor.u32 s0, v2  }
.Ltmp14:
0x62d: {  	_ = 	snop;
	(pc) =	sbr.rel .LBB2_22-.Ltmp14, $2  }
0x62e: {  	_ =	sdelay $0x2  }
0x62f: {  	[tilespmem:v4+s3+$0x0] =	vst.idx.msk vm0, v5  }
.LBB2_24:
0x630: {  	_ =	sfence.sel $0x180000  }
0x631: {  	[bflag:$0x0] =	sbarrier.arrive $0xFFFF  }
0x632: {  	_ =	strace $0x90000047  }
0x633: {  	s0 =	stileid.u32;
	[bflag:$0x2] =	sbarrier.arrive $0xFFFF  }
0x634: {  	p0 =	sne.s32 s0, $0x0;
	s0 =	rddreg [dreg:$0x2]  }
0x635: {  	s0 =	sadd.s32 @!p0 $0x100000, s0  }
0x636: {  	[sflag:s0] =	ssyncadd.tile.s32 @!p0 $0x1;
	_ =	shalt  }
.Lfunc_end2:
_tile_overlayer_lowered:
.L_overlay_start_2:
0x637: {  	(tag) =	ssettag $0x2  }
0x638: {  	s0 =	rddreg [dreg:$0x0];
	s2 =	stileid.u32  }
0x639: {  	s1 =	rddreg [dreg:$0x1];
	p0 =	sne.s32 s2, $0x0  }
0x63a: {  	s3 =	rddreg [dreg:$0x2];
	[bflag:$0x3] =	sbarrier.arrive $0xFFFF;
	s2 =	simm.s32 @!p0 $0x1C01  }
0x63b: {  	[timem:s3], [sflag:s2] =	dma.local @!p0 [hbm:s0], s1  }
0x63c: {  	s0 =	simm.s32 @!p0 $0x1  }
0x63d: {  	_ =	swait.ge @!p0 [sflag:s0], s1  }
0x63e: {  	s1 =	ssub.s32 @!p0 $0x0, s1;
	[sflag:s0] =	ssyncset.done @!p0 $0x0  }
0x63f: {  	[sflag:s0] =	ssyncadd.s32 @!p0 s1  }
0x640: {  	[bflag:$0x3] =	sbarrier.arrive $0xFFFF  }
0x641: {  	_ =	shalt  }

</sc_bundles>
